<compile_context>
chip_gen: v7x
topology: tpu7x:2x2x1
jax: 0.10.2.dev20260603
libtpu: 0.0.44.dev20260713+nightly
codegen_flags: <defaults>
</compile_context>

<pallas_src>
import functools

import jax
import jax.numpy as jnp
from jax import lax
from jax.experimental import pallas as pl
from jax.experimental.pallas import tpu as pltpu
from jax.experimental.pallas import tpu_sc as plsc

E = 16
DIM = 1024
HID = 512
N = 4096
K = 2
NK = N * K
T = 256
NT = NK // T
G = NT + E - 1


NW = 32
TPW = N // NW
CTOK = 32
NCK = TPW // CTOK
CTC = 16
NCC = TPW // CTC


@functools.cache
def _sc_mesh():
    return plsc.VectorSubcoreMesh(core_axis_name="c", subcore_axis_name="s")


def _dispatch_body(x_hbm, inv0_hbm, inv1_hbm, rx_hbm,
                   idx0_v, idx1_v, bufs, seml, sems):
    wid = lax.axis_index("s") * 2 + lax.axis_index("c")
    t0 = wid * TPW
    for c in range(NCK):
        pltpu.sync_copy(inv0_hbm.at[pl.ds(t0 + c * CTOK, CTOK)], idx0_v.at[c])
        pltpu.sync_copy(inv1_hbm.at[pl.ds(t0 + c * CTOK, CTOK)], idx1_v.at[c])
    pltpu.sync_copy(x_hbm.at[pl.ds(t0, CTOK), :], bufs[0])
    prev = []
    for c in range(NCK):
        cur = c & 1
        for cp in prev:
            cp.wait()
        ld = None
        if c + 1 < NCK:
            ld = pltpu.async_copy(
                x_hbm.at[pl.ds(t0 + (c + 1) * CTOK, CTOK), :],
                bufs[1 - cur], seml)
        prev = [
            pltpu.async_copy(bufs[cur], rx_hbm.at[idx0_v.at[c]], sems),
            pltpu.async_copy(bufs[cur], rx_hbm.at[idx1_v.at[c]], sems),
        ]
        if ld is not None:
            ld.wait()
    for cp in prev:
        cp.wait()


@functools.cache
def _build_dispatch():
    return pl.kernel(
        _dispatch_body,
        out_type=jax.ShapeDtypeStruct((NK, DIM), jnp.float32),
        mesh=_sc_mesh(),
        scratch_types=[
            pltpu.VMEM((NCK, CTOK), jnp.int32),
            pltpu.VMEM((NCK, CTOK), jnp.int32),
            [pltpu.VMEM((CTOK, DIM), jnp.float32),
             pltpu.VMEM((CTOK, DIM), jnp.float32)],
            pltpu.SemaphoreType.DMA,
            pltpu.SemaphoreType.DMA,
        ],
    )


def _combine_body(ro_hbm, inv0_hbm, inv1_hbm, out_hbm,
                  idx0_v, idx1_v, bufa, bufb, outb, semg, semo):
    wid = lax.axis_index("s") * 2 + lax.axis_index("c")
    t0 = wid * TPW
    for c in range(NCC):
        pltpu.sync_copy(inv0_hbm.at[pl.ds(t0 + c * CTC, CTC)], idx0_v.at[c])
        pltpu.sync_copy(inv1_hbm.at[pl.ds(t0 + c * CTC, CTC)], idx1_v.at[c])
    gath = [pltpu.async_copy(ro_hbm.at[idx0_v.at[0]], bufa[0], semg),
            pltpu.async_copy(ro_hbm.at[idx1_v.at[0]], bufb[0], semg)]
    st = [None, None]
    for c in range(NCC):
        cur = c & 1
        nxt = 1 - cur
        ngath = None
        if c + 1 < NCC:
            ngath = [
                pltpu.async_copy(ro_hbm.at[idx0_v.at[c + 1]], bufa[nxt], semg),
                pltpu.async_copy(ro_hbm.at[idx1_v.at[c + 1]], bufb[nxt], semg),
            ]
        for cp in gath:
            cp.wait()
        if st[cur] is not None:
            st[cur].wait()
        ba, bb, ob = bufa[cur], bufb[cur], outb[cur]

        @plsc.parallel_loop(0, CTC * (DIM // 16), unroll=8)
        def add_slice(j):
            i = j // (DIM // 16)
            d = (j % (DIM // 16)) * 16
            ob[i, pl.ds(d, 16)] = ba[i, pl.ds(d, 16)] + bb[i, pl.ds(d, 16)]

        st[cur] = pltpu.async_copy(
            ob, out_hbm.at[pl.ds(t0 + c * CTC, CTC), :], semo)
        if ngath is not None:
            gath = ngath
    for s in st:
        if s is not None:
            s.wait()


@functools.cache
def _build_combine():
    return pl.kernel(
        _combine_body,
        out_type=jax.ShapeDtypeStruct((N, DIM), jnp.float32),
        mesh=_sc_mesh(),
        scratch_types=[
            pltpu.VMEM((NCC, CTC), jnp.int32),
            pltpu.VMEM((NCC, CTC), jnp.int32),
            [pltpu.VMEM((CTC, DIM), jnp.float32),
             pltpu.VMEM((CTC, DIM), jnp.float32)],
            [pltpu.VMEM((CTC, DIM), jnp.float32),
             pltpu.VMEM((CTC, DIM), jnp.float32)],
            [pltpu.VMEM((CTC, DIM), jnp.float32),
             pltpu.VMEM((CTC, DIM), jnp.float32)],
            pltpu.SemaphoreType.DMA,
            pltpu.SemaphoreType.DMA,
        ],
    )


def _swiglu_body(meta_ref, x_ref, sc_ref, w1_ref, w3_ref, w2_ref, out_ref):
    g = pl.program_id(0)
    xb = x_ref[...]
    w1e = w1_ref[0]
    w3e = w3_ref[0]
    w2e = w2_ref[0]
    a = jax.lax.dot_general(xb, w1e, (((1,), (1,)), ((), ())),
                            preferred_element_type=jnp.float32)
    b = jax.lax.dot_general(xb, w3e, (((1,), (1,)), ((), ())),
                            preferred_element_type=jnp.float32)
    h = (a * jax.nn.sigmoid(a)) * b
    o = jax.lax.dot_general(h, w2e, (((1,), (1,)), ((), ())),
                            preferred_element_type=jnp.float32)
    o = o * sc_ref[...]
    rows = jax.lax.broadcasted_iota(jnp.int32, (T, 1), 0)
    mask = (rows >= meta_ref[2, g]) & (rows < meta_ref[3, g])
    out_ref[...] = jnp.where(mask, o, out_ref[...])


def _grouped_swiglu(rx, ss, w1, w3, w2, meta):
    grid_spec = pltpu.PrefetchScalarGridSpec(
        num_scalar_prefetch=1,
        grid=(G,),
        in_specs=[
            pl.BlockSpec((T, DIM), lambda g, meta: (meta[0, g], 0)),
            pl.BlockSpec((T, 1), lambda g, meta: (meta[0, g], 0)),
            pl.BlockSpec((1, HID, DIM), lambda g, meta: (meta[1, g], 0, 0)),
            pl.BlockSpec((1, HID, DIM), lambda g, meta: (meta[1, g], 0, 0)),
            pl.BlockSpec((1, DIM, HID), lambda g, meta: (meta[1, g], 0, 0)),
        ],
        out_specs=pl.BlockSpec((T, DIM), lambda g, meta: (meta[0, g], 0)),
    )
    return pl.pallas_call(
        _swiglu_body,
        grid_spec=grid_spec,
        out_shape=jax.ShapeDtypeStruct((NK, DIM), jnp.float32),
    )(meta, rx, ss, w1, w3, w2)


CH = 128
NCH = N // CH


def _routing_body(sei_ref, ts_ref, inv0_ref, inv1_ref, sc0_ref, sc1_ref,
                  meta_ref):
    eids = jax.lax.broadcasted_iota(jnp.int32, (1, E), 1)

    def cnt_body(c, tot):
        blk = sei_ref[pl.ds(c * CH, CH), :]
        oh0 = (blk[:, 0:1] == eids).astype(jnp.int32)
        oh1 = (blk[:, 1:2] == eids).astype(jnp.int32)
        return tot + jnp.sum(oh0 + oh1, axis=0, keepdims=True)

    tot_row = jax.lax.fori_loop(0, NCH, cnt_body,
                                jnp.zeros((1, E), jnp.int32))
    tot_col = jnp.reshape(tot_row, (E, 1))

    er = jax.lax.broadcasted_iota(jnp.int32, (E, E), 0)
    ec = jax.lax.broadcasted_iota(jnp.int32, (E, E), 1)
    mask_lt = (er < ec).astype(jnp.float32)
    off_lo_row = jax.lax.dot_general(
        tot_col.astype(jnp.float32), mask_lt, (((0,), (0,)), ((), ())),
        preferred_element_type=jnp.float32,
        precision=jax.lax.Precision.HIGHEST)
    off_lo_col = jnp.reshape(off_lo_row, (E, 1)).astype(jnp.int32)
    off_hi_col = off_lo_col + tot_col

    r_i = jax.lax.broadcasted_iota(jnp.int32, (CH, CH), 0)
    c_i = jax.lax.broadcasted_iota(jnp.int32, (CH, CH), 1)
    tril_s = (c_i < r_i).astype(jnp.float32)
    base_row = off_lo_row

    def pb(c, carry):
        blk = sei_ref[pl.ds(c * CH, CH), :]
        oh0i = (blk[:, 0:1] == eids).astype(jnp.int32)
        oh1i = (blk[:, 1:2] == eids).astype(jnp.int32)
        oh0 = oh0i.astype(jnp.float32)
        oh1 = oh1i.astype(jnp.float32)
        A = jax.lax.dot_general(tril_s, oh0, (((1,), (0,)), ((), ())),
                                preferred_element_type=jnp.float32,
                                precision=jax.lax.Precision.HIGHEST)
        B = jax.lax.dot_general(tril_s, oh1, (((1,), (0,)), ((), ())),
                                preferred_element_type=jnp.float32,
                                precision=jax.lax.Precision.HIGHEST)
        base = base_row + carry.astype(jnp.float32)
        p0 = jnp.sum(oh0 * (base + A + B), axis=1, keepdims=True)
        p1 = jnp.sum(oh1 * (base + A + oh0 + B), axis=1, keepdims=True)
        inv0_ref[pl.ds(c * CH, CH), :] = p0.astype(jnp.int32)
        inv1_ref[pl.ds(c * CH, CH), :] = p1.astype(jnp.int32)
        return carry + jnp.sum(oh0i + oh1i, axis=0, keepdims=True)

    jax.lax.fori_loop(0, NCH, pb, jnp.zeros((1, E), jnp.int32))
    sc0_ref[...] = ts_ref[:, 0:1]
    sc1_ref[...] = ts_ref[:, 1:2]

    first_col = off_lo_col // T
    last_col = (off_hi_col - 1) // T
    tiles_col = jnp.where(tot_col > 0, last_col - first_col + 1, 0)
    mask_le_col = (ec <= er).astype(jnp.float32)
    cum_col = jax.lax.dot_general(
        mask_le_col, tiles_col.astype(jnp.float32),
        (((1,), (0,)), ((), ())),
        preferred_element_type=jnp.float32,
        precision=jax.lax.Precision.HIGHEST).astype(jnp.int32)
    total_b = cum_col[E - 1:E, :]

    grow = jax.lax.broadcasted_iota(jnp.int32, (1, 128), 1)
    ge_mask = (cum_col <= grow).astype(jnp.int32)
    e_of_g = jnp.sum(ge_mask, axis=0, keepdims=True)
    e_cl = jnp.minimum(e_of_g, E - 1)
    ecol = jax.lax.broadcasted_iota(jnp.int32, (E, 128), 0)
    ohg = (ecol == e_cl).astype(jnp.int32)

    def lk(v_col):
        return jnp.sum(ohg * v_col, axis=0, keepdims=True)

    first_g = lk(first_col)
    tiles_g = lk(tiles_col)
    cum_g = lk(cum_col)
    lo_g = lk(off_lo_col)
    hi_g = lk(off_hi_col)
    local = grow - (cum_g - tiles_g)
    t_g = first_g + local
    valid = grow < total_b
    tt = jnp.where(valid, t_g, NT - 1)
    eee = jnp.where(valid, e_cl, E - 1)
    st = jnp.where(valid, jnp.clip(lo_g - tt * T, 0, T), 0)
    en = jnp.where(valid, jnp.clip(hi_g - tt * T, 0, T), 0)
    meta_ref[0:1, :] = tt
    meta_ref[1:2, :] = eee
    meta_ref[2:3, :] = st
    meta_ref[3:4, :] = en
    meta_ref[4:5, :] = jnp.zeros((1, 128), jnp.int32)
    meta_ref[5:6, :] = jnp.zeros((1, 128), jnp.int32)
    meta_ref[6:7, :] = jnp.zeros((1, 128), jnp.int32)
    meta_ref[7:8, :] = jnp.zeros((1, 128), jnp.int32)


def _routing_tc(sei, ts):
    return pl.pallas_call(
        _routing_body,
        grid=(1,),
        in_specs=[
            pl.BlockSpec((N, K), lambda g: (0, 0)),
            pl.BlockSpec((N, K), lambda g: (0, 0)),
        ],
        out_specs=[
            pl.BlockSpec((N, 1), lambda g: (0, 0)),
            pl.BlockSpec((N, 1), lambda g: (0, 0)),
            pl.BlockSpec((N, 1), lambda g: (0, 0)),
            pl.BlockSpec((N, 1), lambda g: (0, 0)),
            pl.BlockSpec((8, 128), lambda g: (0, 0)),
        ],
        out_shape=[
            jax.ShapeDtypeStruct((N, 1), jnp.int32),
            jax.ShapeDtypeStruct((N, 1), jnp.int32),
            jax.ShapeDtypeStruct((N, 1), jnp.float32),
            jax.ShapeDtypeStruct((N, 1), jnp.float32),
            jax.ShapeDtypeStruct((8, 128), jnp.int32),
        ],
    )(sei, ts)


def kernel(x, top_scores, selected_experts_indices, w1, w2, w3):
    inv0, inv1, sc0, sc1, meta = _routing_tc(selected_experts_indices,
                                             top_scores)
    inv0 = inv0.reshape(N)
    inv1 = inv1.reshape(N)

    ss = (jnp.zeros((NK,), jnp.float32)
          .at[inv0].set(sc0.reshape(N))
          .at[inv1].set(sc1.reshape(N)).reshape(NK, 1))

    rx = _build_dispatch()(x, inv0, inv1)

    ro = _grouped_swiglu(rx, ss, w1, w3, w2, meta)

    out = _build_combine()(ro, inv0, inv1)
    return out

# --- scband reference (transcript-rebuilt; emitter-appended) ---
"""Pipeline reference for scband-grouped-experts-56066503082694 (READ-ONLY COPY).

The authoritative reference and input builder live on the scoring server;
editing this copy changes nothing except your own understanding.
"""

import jax, jax.numpy as jnp
import numpy as np

E = 16
DIM = 1024
HID = 512
N = 4096
K = 2

def setup_inputs(seed: int = 0) -> dict:
    key = jax.random.key(seed)
    ks = jax.random.split(key, 6)
    x = jax.random.normal(ks[0], (N, DIM), dtype=jnp.float32)
    top_scores = jax.random.uniform(ks[1], (N, K), dtype=jnp.float32)
    selected_experts_indices = jax.random.randint(ks[2], (N, K), 0, E, dtype=jnp.int32)
    w1 = jax.random.normal(ks[3], (E, HID, DIM), dtype=jnp.float32) * 0.02
    w2 = jax.random.normal(ks[4], (E, DIM, HID), dtype=jnp.float32) * 0.02
    w3 = jax.random.normal(ks[5], (E, HID, DIM), dtype=jnp.float32) * 0.02
    return {"x": x, "top_scores": top_scores, "selected_experts_indices": selected_experts_indices, "w1": w1, "w2": w2, "w3": w3}

def reference(x, top_scores, selected_experts_indices, w1, w2, w3):
    n_tok, k = top_scores.shape
    # ---- dispatch: sort routed token copies by expert id ----
    flat_exp = selected_experts_indices.reshape(-1)
    sort_idx = jnp.argsort(flat_exp, stable=True)
    tok_ids = jnp.arange(n_tok * k, dtype=jnp.int32) // k
    tok_sorted = tok_ids[sort_idx]
    routed_input = x[tok_sorted]
    exp_sorted = flat_exp[sort_idx]
    # ---- per-expert SwiGLU MLP (for-loop experts, matching _run_experts_for_loop) ----
    n_experts = w1.shape[0]
    routed_output = jnp.zeros_like(routed_input)
    for e in range(n_experts):
        h = jax.nn.silu(routed_input @ w1[e].T)
        h = h * (routed_input @ w3[e].T)
        oe = h @ w2[e].T
        routed_output = jnp.where((exp_sorted == e)[:, None], oe, routed_output)
    # ---- combine: scale by router scores, scatter-add back to token slots ----
    scores_sorted = top_scores.reshape(-1)[sort_idx]
    out = jnp.zeros_like(x).at[tok_sorted].add(routed_output * scores_sorted[:, None])
    return out

if __name__ == "__main__":
    import jax
    _d = setup_inputs()
    print(jax.jit(kernel)(*tuple(_d.values())))

</pallas_src>

<mosaic_0001>
#map = affine_map<(d0, d1) -> (0, 0)>
#map1 = affine_map<(d0, d1) -> (0)>
module attributes {stable_mosaic.version = 14 : i64} {
  func.func @_dispatch_body(%arg0: i32, %arg1: i32, %arg2: memref<4096x1024xf32, #tpu.memory_space<hbm>>, %arg3: memref<4096xi32, #tpu.memory_space<hbm>>, %arg4: memref<4096xi32, #tpu.memory_space<hbm>>, %arg5: memref<8192x1024xf32, #tpu.memory_space<hbm>>, %arg6: memref<4x32xi32, #tpu.memory_space<vmem>>, %arg7: memref<4x32xi32, #tpu.memory_space<vmem>>, %arg8: memref<32x1024xf32, #tpu.memory_space<vmem>>, %arg9: memref<32x1024xf32, #tpu.memory_space<vmem>>, %arg10: memref<!tpu.dma_semaphore, #tpu.memory_space<semaphore_mem>>, %arg11: memref<!tpu.dma_semaphore, #tpu.memory_space<semaphore_mem>>) attributes {dimension_semantics = [#tpu.dimension_semantics<core_parallel>, #tpu.dimension_semantics<subcore_parallel>], iteration_bounds = array<i64: 2, 16>, scalar_prefetch = 0 : i64, scratch_operands = 6 : i64, tpu.core_type = #tpu.core_type<sc_vector_subcore>, window_params = [{transform_indices = #map}, {transform_indices = #map1}, {transform_indices = #map1}, {transform_indices = #map}]} {
    %mul3A = arith.constant 2 : i32
    %mul3A_0 = arith.muli %arg1, %mul3A : i32
    %add3A = arith.addi %mul3A_0, %arg0 : i32
    %mul3A_1 = arith.constant 128 : i32
    %mul3A_2 = arith.muli %add3A, %mul3A_1 : i32
    %add3A_3 = arith.constant 0 : i32
    %add3A_4 = arith.addi %mul3A_2, %add3A_3 : i32
    %run_scoped3A = arith.constant 0 : i32
    "tpu.region"() ({
      %run_scoped3A_166 = tpu.sem_alloc : memref<!tpu.dma_semaphore, #tpu.memory_space<semaphore_mem>>
      %dma_start3A_167 = arith.constant 0 : i32
      %dma_start3A_168 = tpu.memref_slice %arg6[%run_scoped3A, %dma_start3A_167] : memref<4x32xi32, #tpu.memory_space<vmem>> -> memref<1x32xi32, #tpu.memory_space<vmem>>
      %dma_start3A_169 = tpu.memref_squeeze %dma_start3A_168 : memref<1x32xi32, #tpu.memory_space<vmem>> -> memref<32xi32, #tpu.memory_space<vmem>>
      %dma_start3A_170 = tpu.memref_slice %arg3[%add3A_4] : memref<4096xi32, #tpu.memory_space<hbm>> -> memref<32xi32, #tpu.memory_space<hbm>>
      %dma_start3A_171 = arith.constant 0 : i32
      %dma_start3A_172 = tpu.memref_slice %arg6[%run_scoped3A, %dma_start3A_171] : memref<4x32xi32, #tpu.memory_space<vmem>> -> memref<1x32xi32, #tpu.memory_space<vmem>>
      %dma_start3A_173 = tpu.memref_squeeze %dma_start3A_172 : memref<1x32xi32, #tpu.memory_space<vmem>> -> memref<32xi32, #tpu.memory_space<vmem>>
      %dma_start3A_174 = tpu.memref_slice %arg3[%add3A_4] : memref<4096xi32, #tpu.memory_space<hbm>> -> memref<32xi32, #tpu.memory_space<hbm>>
      tpu.enqueue_dma source(%dma_start3A_174 : memref<32xi32, #tpu.memory_space<hbm>>) target(%dma_start3A_173 : memref<32xi32, #tpu.memory_space<vmem>>) target_semaphore(%run_scoped3A_166 : memref<!tpu.dma_semaphore, #tpu.memory_space<semaphore_mem>>)
      %dma_wait3A_175 = arith.constant 0 : i32
      %dma_wait3A_176 = tpu.memref_slice %arg6[%run_scoped3A, %dma_wait3A_175] : memref<4x32xi32, #tpu.memory_space<vmem>> -> memref<1x32xi32, #tpu.memory_space<vmem>>
      %dma_wait3A_177 = tpu.memref_squeeze %dma_wait3A_176 : memref<1x32xi32, #tpu.memory_space<vmem>> -> memref<32xi32, #tpu.memory_space<vmem>>
      %dma_wait3A_178 = tpu.memref_slice %arg3[%add3A_4] : memref<4096xi32, #tpu.memory_space<hbm>> -> memref<32xi32, #tpu.memory_space<hbm>>
      %dma_wait3A_179 = arith.constant 0 : i32
      %dma_wait3A_180 = tpu.memref_slice %arg6[%run_scoped3A, %dma_wait3A_179] : memref<4x32xi32, #tpu.memory_space<vmem>> -> memref<1x32xi32, #tpu.memory_space<vmem>>
      %dma_wait3A_181 = tpu.memref_squeeze %dma_wait3A_180 : memref<1x32xi32, #tpu.memory_space<vmem>> -> memref<32xi32, #tpu.memory_space<vmem>>
      %dma_wait3A_182 = tpu.memref_slice %arg3[%add3A_4] : memref<4096xi32, #tpu.memory_space<hbm>> -> memref<32xi32, #tpu.memory_space<hbm>>
      tpu.wait_dma2 semaphore(%run_scoped3A_166 : memref<!tpu.dma_semaphore, #tpu.memory_space<semaphore_mem>>) src(%dma_wait3A_182 : memref<32xi32, #tpu.memory_space<hbm>>) dst(%dma_wait3A_181 : memref<32xi32, #tpu.memory_space<vmem>>)
      tpu.yield
    }) : () -> ()
    %add3A_5 = arith.constant 0 : i32
    %add3A_6 = arith.addi %mul3A_2, %add3A_5 : i32
    %run_scoped3A_7 = arith.constant 0 : i32
    "tpu.region"() ({
      %run_scoped3A_166 = tpu.sem_alloc : memref<!tpu.dma_semaphore, #tpu.memory_space<semaphore_mem>>
      %dma_start3A_167 = arith.constant 0 : i32
      %dma_start3A_168 = tpu.memref_slice %arg7[%run_scoped3A_7, %dma_start3A_167] : memref<4x32xi32, #tpu.memory_space<vmem>> -> memref<1x32xi32, #tpu.memory_space<vmem>>
      %dma_start3A_169 = tpu.memref_squeeze %dma_start3A_168 : memref<1x32xi32, #tpu.memory_space<vmem>> -> memref<32xi32, #tpu.memory_space<vmem>>
      %dma_start3A_170 = tpu.memref_slice %arg4[%add3A_6] : memref<4096xi32, #tpu.memory_space<hbm>> -> memref<32xi32, #tpu.memory_space<hbm>>
      %dma_start3A_171 = arith.constant 0 : i32
      %dma_start3A_172 = tpu.memref_slice %arg7[%run_scoped3A_7, %dma_start3A_171] : memref<4x32xi32, #tpu.memory_space<vmem>> -> memref<1x32xi32, #tpu.memory_space<vmem>>
      %dma_start3A_173 = tpu.memref_squeeze %dma_start3A_172 : memref<1x32xi32, #tpu.memory_space<vmem>> -> memref<32xi32, #tpu.memory_space<vmem>>
      %dma_start3A_174 = tpu.memref_slice %arg4[%add3A_6] : memref<4096xi32, #tpu.memory_space<hbm>> -> memref<32xi32, #tpu.memory_space<hbm>>
      tpu.enqueue_dma source(%dma_start3A_174 : memref<32xi32, #tpu.memory_space<hbm>>) target(%dma_start3A_173 : memref<32xi32, #tpu.memory_space<vmem>>) target_semaphore(%run_scoped3A_166 : memref<!tpu.dma_semaphore, #tpu.memory_space<semaphore_mem>>)
      %dma_wait3A_175 = arith.constant 0 : i32
      %dma_wait3A_176 = tpu.memref_slice %arg7[%run_scoped3A_7, %dma_wait3A_175] : memref<4x32xi32, #tpu.memory_space<vmem>> -> memref<1x32xi32, #tpu.memory_space<vmem>>
      %dma_wait3A_177 = tpu.memref_squeeze %dma_wait3A_176 : memref<1x32xi32, #tpu.memory_space<vmem>> -> memref<32xi32, #tpu.memory_space<vmem>>
      %dma_wait3A_178 = tpu.memref_slice %arg4[%add3A_6] : memref<4096xi32, #tpu.memory_space<hbm>> -> memref<32xi32, #tpu.memory_space<hbm>>
      %dma_wait3A_179 = arith.constant 0 : i32
      %dma_wait3A_180 = tpu.memref_slice %arg7[%run_scoped3A_7, %dma_wait3A_179] : memref<4x32xi32, #tpu.memory_space<vmem>> -> memref<1x32xi32, #tpu.memory_space<vmem>>
      %dma_wait3A_181 = tpu.memref_squeeze %dma_wait3A_180 : memref<1x32xi32, #tpu.memory_space<vmem>> -> memref<32xi32, #tpu.memory_space<vmem>>
      %dma_wait3A_182 = tpu.memref_slice %arg4[%add3A_6] : memref<4096xi32, #tpu.memory_space<hbm>> -> memref<32xi32, #tpu.memory_space<hbm>>
      tpu.wait_dma2 semaphore(%run_scoped3A_166 : memref<!tpu.dma_semaphore, #tpu.memory_space<semaphore_mem>>) src(%dma_wait3A_182 : memref<32xi32, #tpu.memory_space<hbm>>) dst(%dma_wait3A_181 : memref<32xi32, #tpu.memory_space<vmem>>)
      tpu.yield
    }) : () -> ()
    %add3A_8 = arith.constant 32 : i32
    %add3A_9 = arith.addi %mul3A_2, %add3A_8 : i32
    %run_scoped3A_10 = arith.constant 1 : i32
    "tpu.region"() ({
      %run_scoped3A_166 = tpu.sem_alloc : memref<!tpu.dma_semaphore, #tpu.memory_space<semaphore_mem>>
      %dma_start3A_167 = arith.constant 0 : i32
      %dma_start3A_168 = tpu.memref_slice %arg6[%run_scoped3A_10, %dma_start3A_167] : memref<4x32xi32, #tpu.memory_space<vmem>> -> memref<1x32xi32, #tpu.memory_space<vmem>>
      %dma_start3A_169 = tpu.memref_squeeze %dma_start3A_168 : memref<1x32xi32, #tpu.memory_space<vmem>> -> memref<32xi32, #tpu.memory_space<vmem>>
      %dma_start3A_170 = tpu.memref_slice %arg3[%add3A_9] : memref<4096xi32, #tpu.memory_space<hbm>> -> memref<32xi32, #tpu.memory_space<hbm>>
      %dma_start3A_171 = arith.constant 0 : i32
      %dma_start3A_172 = tpu.memref_slice %arg6[%run_scoped3A_10, %dma_start3A_171] : memref<4x32xi32, #tpu.memory_space<vmem>> -> memref<1x32xi32, #tpu.memory_space<vmem>>
      %dma_start3A_173 = tpu.memref_squeeze %dma_start3A_172 : memref<1x32xi32, #tpu.memory_space<vmem>> -> memref<32xi32, #tpu.memory_space<vmem>>
      %dma_start3A_174 = tpu.memref_slice %arg3[%add3A_9] : memref<4096xi32, #tpu.memory_space<hbm>> -> memref<32xi32, #tpu.memory_space<hbm>>
      tpu.enqueue_dma source(%dma_start3A_174 : memref<32xi32, #tpu.memory_space<hbm>>) target(%dma_start3A_173 : memref<32xi32, #tpu.memory_space<vmem>>) target_semaphore(%run_scoped3A_166 : memref<!tpu.dma_semaphore, #tpu.memory_space<semaphore_mem>>)
      %dma_wait3A_175 = arith.constant 0 : i32
      %dma_wait3A_176 = tpu.memref_slice %arg6[%run_scoped3A_10, %dma_wait3A_175] : memref<4x32xi32, #tpu.memory_space<vmem>> -> memref<1x32xi32, #tpu.memory_space<vmem>>
      %dma_wait3A_177 = tpu.memref_squeeze %dma_wait3A_176 : memref<1x32xi32, #tpu.memory_space<vmem>> -> memref<32xi32, #tpu.memory_space<vmem>>
      %dma_wait3A_178 = tpu.memref_slice %arg3[%add3A_9] : memref<4096xi32, #tpu.memory_space<hbm>> -> memref<32xi32, #tpu.memory_space<hbm>>
      %dma_wait3A_179 = arith.constant 0 : i32
      %dma_wait3A_180 = tpu.memref_slice %arg6[%run_scoped3A_10, %dma_wait3A_179] : memref<4x32xi32, #tpu.memory_space<vmem>> -> memref<1x32xi32, #tpu.memory_space<vmem>>
      %dma_wait3A_181 = tpu.memref_squeeze %dma_wait3A_180 : memref<1x32xi32, #tpu.memory_space<vmem>> -> memref<32xi32, #tpu.memory_space<vmem>>
      %dma_wait3A_182 = tpu.memref_slice %arg3[%add3A_9] : memref<4096xi32, #tpu.memory_space<hbm>> -> memref<32xi32, #tpu.memory_space<hbm>>
      tpu.wait_dma2 semaphore(%run_scoped3A_166 : memref<!tpu.dma_semaphore, #tpu.memory_space<semaphore_mem>>) src(%dma_wait3A_182 : memref<32xi32, #tpu.memory_space<hbm>>) dst(%dma_wait3A_181 : memref<32xi32, #tpu.memory_space<vmem>>)
      tpu.yield
    }) : () -> ()
    %add3A_11 = arith.constant 32 : i32
    %add3A_12 = arith.addi %mul3A_2, %add3A_11 : i32
    %run_scoped3A_13 = arith.constant 1 : i32
    "tpu.region"() ({
      %run_scoped3A_166 = tpu.sem_alloc : memref<!tpu.dma_semaphore, #tpu.memory_space<semaphore_mem>>
      %dma_start3A_167 = arith.constant 0 : i32
      %dma_start3A_168 = tpu.memref_slice %arg7[%run_scoped3A_13, %dma_start3A_167] : memref<4x32xi32, #tpu.memory_space<vmem>> -> memref<1x32xi32, #tpu.memory_space<vmem>>
      %dma_start3A_169 = tpu.memref_squeeze %dma_start3A_168 : memref<1x32xi32, #tpu.memory_space<vmem>> -> memref<32xi32, #tpu.memory_space<vmem>>
      %dma_start3A_170 = tpu.memref_slice %arg4[%add3A_12] : memref<4096xi32, #tpu.memory_space<hbm>> -> memref<32xi32, #tpu.memory_space<hbm>>
      %dma_start3A_171 = arith.constant 0 : i32
      %dma_start3A_172 = tpu.memref_slice %arg7[%run_scoped3A_13, %dma_start3A_171] : memref<4x32xi32, #tpu.memory_space<vmem>> -> memref<1x32xi32, #tpu.memory_space<vmem>>
      %dma_start3A_173 = tpu.memref_squeeze %dma_start3A_172 : memref<1x32xi32, #tpu.memory_space<vmem>> -> memref<32xi32, #tpu.memory_space<vmem>>
      %dma_start3A_174 = tpu.memref_slice %arg4[%add3A_12] : memref<4096xi32, #tpu.memory_space<hbm>> -> memref<32xi32, #tpu.memory_space<hbm>>
      tpu.enqueue_dma source(%dma_start3A_174 : memref<32xi32, #tpu.memory_space<hbm>>) target(%dma_start3A_173 : memref<32xi32, #tpu.memory_space<vmem>>) target_semaphore(%run_scoped3A_166 : memref<!tpu.dma_semaphore, #tpu.memory_space<semaphore_mem>>)
      %dma_wait3A_175 = arith.constant 0 : i32
      %dma_wait3A_176 = tpu.memref_slice %arg7[%run_scoped3A_13, %dma_wait3A_175] : memref<4x32xi32, #tpu.memory_space<vmem>> -> memref<1x32xi32, #tpu.memory_space<vmem>>
      %dma_wait3A_177 = tpu.memref_squeeze %dma_wait3A_176 : memref<1x32xi32, #tpu.memory_space<vmem>> -> memref<32xi32, #tpu.memory_space<vmem>>
      %dma_wait3A_178 = tpu.memref_slice %arg4[%add3A_12] : memref<4096xi32, #tpu.memory_space<hbm>> -> memref<32xi32, #tpu.memory_space<hbm>>
      %dma_wait3A_179 = arith.constant 0 : i32
      %dma_wait3A_180 = tpu.memref_slice %arg7[%run_scoped3A_13, %dma_wait3A_179] : memref<4x32xi32, #tpu.memory_space<vmem>> -> memref<1x32xi32, #tpu.memory_space<vmem>>
      %dma_wait3A_181 = tpu.memref_squeeze %dma_wait3A_180 : memref<1x32xi32, #tpu.memory_space<vmem>> -> memref<32xi32, #tpu.memory_space<vmem>>
      %dma_wait3A_182 = tpu.memref_slice %arg4[%add3A_12] : memref<4096xi32, #tpu.memory_space<hbm>> -> memref<32xi32, #tpu.memory_space<hbm>>
      tpu.wait_dma2 semaphore(%run_scoped3A_166 : memref<!tpu.dma_semaphore, #tpu.memory_space<semaphore_mem>>) src(%dma_wait3A_182 : memref<32xi32, #tpu.memory_space<hbm>>) dst(%dma_wait3A_181 : memref<32xi32, #tpu.memory_space<vmem>>)
      tpu.yield
    }) : () -> ()
    %add3A_14 = arith.constant 64 : i32
    %add3A_15 = arith.addi %mul3A_2, %add3A_14 : i32
    %run_scoped3A_16 = arith.constant 2 : i32
    "tpu.region"() ({
      %run_scoped3A_166 = tpu.sem_alloc : memref<!tpu.dma_semaphore, #tpu.memory_space<semaphore_mem>>
      %dma_start3A_167 = arith.constant 0 : i32
      %dma_start3A_168 = tpu.memref_slice %arg6[%run_scoped3A_16, %dma_start3A_167] : memref<4x32xi32, #tpu.memory_space<vmem>> -> memref<1x32xi32, #tpu.memory_space<vmem>>
      %dma_start3A_169 = tpu.memref_squeeze %dma_start3A_168 : memref<1x32xi32, #tpu.memory_space<vmem>> -> memref<32xi32, #tpu.memory_space<vmem>>
      %dma_start3A_170 = tpu.memref_slice %arg3[%add3A_15] : memref<4096xi32, #tpu.memory_space<hbm>> -> memref<32xi32, #tpu.memory_space<hbm>>
      %dma_start3A_171 = arith.constant 0 : i32
      %dma_start3A_172 = tpu.memref_slice %arg6[%run_scoped3A_16, %dma_start3A_171] : memref<4x32xi32, #tpu.memory_space<vmem>> -> memref<1x32xi32, #tpu.memory_space<vmem>>
      %dma_start3A_173 = tpu.memref_squeeze %dma_start3A_172 : memref<1x32xi32, #tpu.memory_space<vmem>> -> memref<32xi32, #tpu.memory_space<vmem>>
      %dma_start3A_174 = tpu.memref_slice %arg3[%add3A_15] : memref<4096xi32, #tpu.memory_space<hbm>> -> memref<32xi32, #tpu.memory_space<hbm>>
      tpu.enqueue_dma source(%dma_start3A_174 : memref<32xi32, #tpu.memory_space<hbm>>) target(%dma_start3A_173 : memref<32xi32, #tpu.memory_space<vmem>>) target_semaphore(%run_scoped3A_166 : memref<!tpu.dma_semaphore, #tpu.memory_space<semaphore_mem>>)
      %dma_wait3A_175 = arith.constant 0 : i32
      %dma_wait3A_176 = tpu.memref_slice %arg6[%run_scoped3A_16, %dma_wait3A_175] : memref<4x32xi32, #tpu.memory_space<vmem>> -> memref<1x32xi32, #tpu.memory_space<vmem>>
      %dma_wait3A_177 = tpu.memref_squeeze %dma_wait3A_176 : memref<1x32xi32, #tpu.memory_space<vmem>> -> memref<32xi32, #tpu.memory_space<vmem>>
      %dma_wait3A_178 = tpu.memref_slice %arg3[%add3A_15] : memref<4096xi32, #tpu.memory_space<hbm>> -> memref<32xi32, #tpu.memory_space<hbm>>
      %dma_wait3A_179 = arith.constant 0 : i32
      %dma_wait3A_180 = tpu.memref_slice %arg6[%run_scoped3A_16, %dma_wait3A_179] : memref<4x32xi32, #tpu.memory_space<vmem>> -> memref<1x32xi32, #tpu.memory_space<vmem>>
      %dma_wait3A_181 = tpu.memref_squeeze %dma_wait3A_180 : memref<1x32xi32, #tpu.memory_space<vmem>> -> memref<32xi32, #tpu.memory_space<vmem>>
      %dma_wait3A_182 = tpu.memref_slice %arg3[%add3A_15] : memref<4096xi32, #tpu.memory_space<hbm>> -> memref<32xi32, #tpu.memory_space<hbm>>
      tpu.wait_dma2 semaphore(%run_scoped3A_166 : memref<!tpu.dma_semaphore, #tpu.memory_space<semaphore_mem>>) src(%dma_wait3A_182 : memref<32xi32, #tpu.memory_space<hbm>>) dst(%dma_wait3A_181 : memref<32xi32, #tpu.memory_space<vmem>>)
      tpu.yield
    }) : () -> ()
    %add3A_17 = arith.constant 64 : i32
    %add3A_18 = arith.addi %mul3A_2, %add3A_17 : i32
    %run_scoped3A_19 = arith.constant 2 : i32
    "tpu.region"() ({
      %run_scoped3A_166 = tpu.sem_alloc : memref<!tpu.dma_semaphore, #tpu.memory_space<semaphore_mem>>
      %dma_start3A_167 = arith.constant 0 : i32
      %dma_start3A_168 = tpu.memref_slice %arg7[%run_scoped3A_19, %dma_start3A_167] : memref<4x32xi32, #tpu.memory_space<vmem>> -> memref<1x32xi32, #tpu.memory_space<vmem>>
      %dma_start3A_169 = tpu.memref_squeeze %dma_start3A_168 : memref<1x32xi32, #tpu.memory_space<vmem>> -> memref<32xi32, #tpu.memory_space<vmem>>
      %dma_start3A_170 = tpu.memref_slice %arg4[%add3A_18] : memref<4096xi32, #tpu.memory_space<hbm>> -> memref<32xi32, #tpu.memory_space<hbm>>
      %dma_start3A_171 = arith.constant 0 : i32
      %dma_start3A_172 = tpu.memref_slice %arg7[%run_scoped3A_19, %dma_start3A_171] : memref<4x32xi32, #tpu.memory_space<vmem>> -> memref<1x32xi32, #tpu.memory_space<vmem>>
      %dma_start3A_173 = tpu.memref_squeeze %dma_start3A_172 : memref<1x32xi32, #tpu.memory_space<vmem>> -> memref<32xi32, #tpu.memory_space<vmem>>
      %dma_start3A_174 = tpu.memref_slice %arg4[%add3A_18] : memref<4096xi32, #tpu.memory_space<hbm>> -> memref<32xi32, #tpu.memory_space<hbm>>
      tpu.enqueue_dma source(%dma_start3A_174 : memref<32xi32, #tpu.memory_space<hbm>>) target(%dma_start3A_173 : memref<32xi32, #tpu.memory_space<vmem>>) target_semaphore(%run_scoped3A_166 : memref<!tpu.dma_semaphore, #tpu.memory_space<semaphore_mem>>)
      %dma_wait3A_175 = arith.constant 0 : i32
      %dma_wait3A_176 = tpu.memref_slice %arg7[%run_scoped3A_19, %dma_wait3A_175] : memref<4x32xi32, #tpu.memory_space<vmem>> -> memref<1x32xi32, #tpu.memory_space<vmem>>
      %dma_wait3A_177 = tpu.memref_squeeze %dma_wait3A_176 : memref<1x32xi32, #tpu.memory_space<vmem>> -> memref<32xi32, #tpu.memory_space<vmem>>
      %dma_wait3A_178 = tpu.memref_slice %arg4[%add3A_18] : memref<4096xi32, #tpu.memory_space<hbm>> -> memref<32xi32, #tpu.memory_space<hbm>>
      %dma_wait3A_179 = arith.constant 0 : i32
      %dma_wait3A_180 = tpu.memref_slice %arg7[%run_scoped3A_19, %dma_wait3A_179] : memref<4x32xi32, #tpu.memory_space<vmem>> -> memref<1x32xi32, #tpu.memory_space<vmem>>
      %dma_wait3A_181 = tpu.memref_squeeze %dma_wait3A_180 : memref<1x32xi32, #tpu.memory_space<vmem>> -> memref<32xi32, #tpu.memory_space<vmem>>
      %dma_wait3A_182 = tpu.memref_slice %arg4[%add3A_18] : memref<4096xi32, #tpu.memory_space<hbm>> -> memref<32xi32, #tpu.memory_space<hbm>>
      tpu.wait_dma2 semaphore(%run_scoped3A_166 : memref<!tpu.dma_semaphore, #tpu.memory_space<semaphore_mem>>) src(%dma_wait3A_182 : memref<32xi32, #tpu.memory_space<hbm>>) dst(%dma_wait3A_181 : memref<32xi32, #tpu.memory_space<vmem>>)
      tpu.yield
    }) : () -> ()
    %add3A_20 = arith.constant 96 : i32
    %add3A_21 = arith.addi %mul3A_2, %add3A_20 : i32
    %run_scoped3A_22 = arith.constant 3 : i32
    "tpu.region"() ({
      %run_scoped3A_166 = tpu.sem_alloc : memref<!tpu.dma_semaphore, #tpu.memory_space<semaphore_mem>>
      %dma_start3A_167 = arith.constant 0 : i32
      %dma_start3A_168 = tpu.memref_slice %arg6[%run_scoped3A_22, %dma_start3A_167] : memref<4x32xi32, #tpu.memory_space<vmem>> -> memref<1x32xi32, #tpu.memory_space<vmem>>
      %dma_start3A_169 = tpu.memref_squeeze %dma_start3A_168 : memref<1x32xi32, #tpu.memory_space<vmem>> -> memref<32xi32, #tpu.memory_space<vmem>>
      %dma_start3A_170 = tpu.memref_slice %arg3[%add3A_21] : memref<4096xi32, #tpu.memory_space<hbm>> -> memref<32xi32, #tpu.memory_space<hbm>>
      %dma_start3A_171 = arith.constant 0 : i32
      %dma_start3A_172 = tpu.memref_slice %arg6[%run_scoped3A_22, %dma_start3A_171] : memref<4x32xi32, #tpu.memory_space<vmem>> -> memref<1x32xi32, #tpu.memory_space<vmem>>
      %dma_start3A_173 = tpu.memref_squeeze %dma_start3A_172 : memref<1x32xi32, #tpu.memory_space<vmem>> -> memref<32xi32, #tpu.memory_space<vmem>>
      %dma_start3A_174 = tpu.memref_slice %arg3[%add3A_21] : memref<4096xi32, #tpu.memory_space<hbm>> -> memref<32xi32, #tpu.memory_space<hbm>>
      tpu.enqueue_dma source(%dma_start3A_174 : memref<32xi32, #tpu.memory_space<hbm>>) target(%dma_start3A_173 : memref<32xi32, #tpu.memory_space<vmem>>) target_semaphore(%run_scoped3A_166 : memref<!tpu.dma_semaphore, #tpu.memory_space<semaphore_mem>>)
      %dma_wait3A_175 = arith.constant 0 : i32
      %dma_wait3A_176 = tpu.memref_slice %arg6[%run_scoped3A_22, %dma_wait3A_175] : memref<4x32xi32, #tpu.memory_space<vmem>> -> memref<1x32xi32, #tpu.memory_space<vmem>>
      %dma_wait3A_177 = tpu.memref_squeeze %dma_wait3A_176 : memref<1x32xi32, #tpu.memory_space<vmem>> -> memref<32xi32, #tpu.memory_space<vmem>>
      %dma_wait3A_178 = tpu.memref_slice %arg3[%add3A_21] : memref<4096xi32, #tpu.memory_space<hbm>> -> memref<32xi32, #tpu.memory_space<hbm>>
      %dma_wait3A_179 = arith.constant 0 : i32
      %dma_wait3A_180 = tpu.memref_slice %arg6[%run_scoped3A_22, %dma_wait3A_179] : memref<4x32xi32, #tpu.memory_space<vmem>> -> memref<1x32xi32, #tpu.memory_space<vmem>>
      %dma_wait3A_181 = tpu.memref_squeeze %dma_wait3A_180 : memref<1x32xi32, #tpu.memory_space<vmem>> -> memref<32xi32, #tpu.memory_space<vmem>>
      %dma_wait3A_182 = tpu.memref_slice %arg3[%add3A_21] : memref<4096xi32, #tpu.memory_space<hbm>> -> memref<32xi32, #tpu.memory_space<hbm>>
      tpu.wait_dma2 semaphore(%run_scoped3A_166 : memref<!tpu.dma_semaphore, #tpu.memory_space<semaphore_mem>>) src(%dma_wait3A_182 : memref<32xi32, #tpu.memory_space<hbm>>) dst(%dma_wait3A_181 : memref<32xi32, #tpu.memory_space<vmem>>)
      tpu.yield
    }) : () -> ()
    %add3A_23 = arith.constant 96 : i32
    %add3A_24 = arith.addi %mul3A_2, %add3A_23 : i32
    %run_scoped3A_25 = arith.constant 3 : i32
    "tpu.region"() ({
      %run_scoped3A_166 = tpu.sem_alloc : memref<!tpu.dma_semaphore, #tpu.memory_space<semaphore_mem>>
      %dma_start3A_167 = arith.constant 0 : i32
      %dma_start3A_168 = tpu.memref_slice %arg7[%run_scoped3A_25, %dma_start3A_167] : memref<4x32xi32, #tpu.memory_space<vmem>> -> memref<1x32xi32, #tpu.memory_space<vmem>>
      %dma_start3A_169 = tpu.memref_squeeze %dma_start3A_168 : memref<1x32xi32, #tpu.memory_space<vmem>> -> memref<32xi32, #tpu.memory_space<vmem>>
      %dma_start3A_170 = tpu.memref_slice %arg4[%add3A_24] : memref<4096xi32, #tpu.memory_space<hbm>> -> memref<32xi32, #tpu.memory_space<hbm>>
      %dma_start3A_171 = arith.constant 0 : i32
      %dma_start3A_172 = tpu.memref_slice %arg7[%run_scoped3A_25, %dma_start3A_171] : memref<4x32xi32, #tpu.memory_space<vmem>> -> memref<1x32xi32, #tpu.memory_space<vmem>>
      %dma_start3A_173 = tpu.memref_squeeze %dma_start3A_172 : memref<1x32xi32, #tpu.memory_space<vmem>> -> memref<32xi32, #tpu.memory_space<vmem>>
      %dma_start3A_174 = tpu.memref_slice %arg4[%add3A_24] : memref<4096xi32, #tpu.memory_space<hbm>> -> memref<32xi32, #tpu.memory_space<hbm>>
      tpu.enqueue_dma source(%dma_start3A_174 : memref<32xi32, #tpu.memory_space<hbm>>) target(%dma_start3A_173 : memref<32xi32, #tpu.memory_space<vmem>>) target_semaphore(%run_scoped3A_166 : memref<!tpu.dma_semaphore, #tpu.memory_space<semaphore_mem>>)
      %dma_wait3A_175 = arith.constant 0 : i32
      %dma_wait3A_176 = tpu.memref_slice %arg7[%run_scoped3A_25, %dma_wait3A_175] : memref<4x32xi32, #tpu.memory_space<vmem>> -> memref<1x32xi32, #tpu.memory_space<vmem>>
      %dma_wait3A_177 = tpu.memref_squeeze %dma_wait3A_176 : memref<1x32xi32, #tpu.memory_space<vmem>> -> memref<32xi32, #tpu.memory_space<vmem>>
      %dma_wait3A_178 = tpu.memref_slice %arg4[%add3A_24] : memref<4096xi32, #tpu.memory_space<hbm>> -> memref<32xi32, #tpu.memory_space<hbm>>
      %dma_wait3A_179 = arith.constant 0 : i32
      %dma_wait3A_180 = tpu.memref_slice %arg7[%run_scoped3A_25, %dma_wait3A_179] : memref<4x32xi32, #tpu.memory_space<vmem>> -> memref<1x32xi32, #tpu.memory_space<vmem>>
      %dma_wait3A_181 = tpu.memref_squeeze %dma_wait3A_180 : memref<1x32xi32, #tpu.memory_space<vmem>> -> memref<32xi32, #tpu.memory_space<vmem>>
      %dma_wait3A_182 = tpu.memref_slice %arg4[%add3A_24] : memref<4096xi32, #tpu.memory_space<hbm>> -> memref<32xi32, #tpu.memory_space<hbm>>
      tpu.wait_dma2 semaphore(%run_scoped3A_166 : memref<!tpu.dma_semaphore, #tpu.memory_space<semaphore_mem>>) src(%dma_wait3A_182 : memref<32xi32, #tpu.memory_space<hbm>>) dst(%dma_wait3A_181 : memref<32xi32, #tpu.memory_space<vmem>>)
      tpu.yield
    }) : () -> ()
    "tpu.region"() ({
      %run_scoped3A_166 = tpu.sem_alloc : memref<!tpu.dma_semaphore, #tpu.memory_space<semaphore_mem>>
      %dma_start3A_167 = arith.constant 0 : i32
      %dma_start3A_168 = tpu.memref_slice %arg2[%mul3A_2, %dma_start3A_167] : memref<4096x1024xf32, #tpu.memory_space<hbm>> -> memref<32x1024xf32, #tpu.memory_space<hbm>>
      %dma_start3A_169 = arith.constant 0 : i32
      %dma_start3A_170 = tpu.memref_slice %arg2[%mul3A_2, %dma_start3A_169] : memref<4096x1024xf32, #tpu.memory_space<hbm>> -> memref<32x1024xf32, #tpu.memory_space<hbm>>
      tpu.enqueue_dma source(%dma_start3A_170 : memref<32x1024xf32, #tpu.memory_space<hbm>>) target(%arg8 : memref<32x1024xf32, #tpu.memory_space<vmem>>) target_semaphore(%run_scoped3A_166 : memref<!tpu.dma_semaphore, #tpu.memory_space<semaphore_mem>>)
      %dma_wait3A_171 = arith.constant 0 : i32
      %dma_wait3A_172 = tpu.memref_slice %arg2[%mul3A_2, %dma_wait3A_171] : memref<4096x1024xf32, #tpu.memory_space<hbm>> -> memref<32x1024xf32, #tpu.memory_space<hbm>>
      %dma_wait3A_173 = arith.constant 0 : i32
      %dma_wait3A_174 = tpu.memref_slice %arg2[%mul3A_2, %dma_wait3A_173] : memref<4096x1024xf32, #tpu.memory_space<hbm>> -> memref<32x1024xf32, #tpu.memory_space<hbm>>
      tpu.wait_dma2 semaphore(%run_scoped3A_166 : memref<!tpu.dma_semaphore, #tpu.memory_space<semaphore_mem>>) src(%dma_wait3A_174 : memref<32x1024xf32, #tpu.memory_space<hbm>>) dst(%arg8 : memref<32x1024xf32, #tpu.memory_space<vmem>>)
      tpu.yield
    }) : () -> ()
    %add3A_26 = arith.constant 32 : i32
    %add3A_27 = arith.addi %mul3A_2, %add3A_26 : i32
    %dma_start3A = arith.constant 0 : i32
    %dma_start3A_28 = tpu.memref_slice %arg2[%add3A_27, %dma_start3A] : memref<4096x1024xf32, #tpu.memory_space<hbm>> -> memref<32x1024xf32, #tpu.memory_space<hbm>>
    %dma_start3A_29 = arith.constant 0 : i32
    %dma_start3A_30 = tpu.memref_slice %arg2[%add3A_27, %dma_start3A_29] : memref<4096x1024xf32, #tpu.memory_space<hbm>> -> memref<32x1024xf32, #tpu.memory_space<hbm>>
    tpu.enqueue_dma source(%dma_start3A_30 : memref<32x1024xf32, #tpu.memory_space<hbm>>) target(%arg9 : memref<32x1024xf32, #tpu.memory_space<vmem>>) target_semaphore(%arg10 : memref<!tpu.dma_semaphore, #tpu.memory_space<semaphore_mem>>)
    %dma_start3A_31 = arith.constant 0 : i32
    %dma_start3A_32 = arith.constant 0 : i32
    %dma_start3A_33 = tpu.memref_slice %arg6[%dma_start3A_31, %dma_start3A_32] : memref<4x32xi32, #tpu.memory_space<vmem>> -> memref<1x32xi32, #tpu.memory_space<vmem>>
    %dma_start3A_34 = tpu.memref_squeeze %dma_start3A_33 : memref<1x32xi32, #tpu.memory_space<vmem>> -> memref<32xi32, #tpu.memory_space<vmem>>
    %dma_start3A_35 = arith.constant 0 : i32
    %dma_start3A_36 = arith.constant 0 : i32
    %dma_start3A_37 = tpu.memref_slice %arg5[%dma_start3A_35, %dma_start3A_36] : memref<8192x1024xf32, #tpu.memory_space<hbm>> -> memref<8192x1024xf32, #tpu.memory_space<hbm>>
    tpu.enqueue_indirect_dma source(%arg8 : memref<32x1024xf32, #tpu.memory_space<vmem>>) target(%dma_start3A_37 : memref<8192x1024xf32, #tpu.memory_space<hbm>>) offsets(%dma_start3A_34 : memref<32xi32, #tpu.memory_space<vmem>>) semaphore(%arg11 : memref<!tpu.dma_semaphore, #tpu.memory_space<semaphore_mem>>)
    %dma_start3A_38 = arith.constant 0 : i32
    %dma_start3A_39 = arith.constant 0 : i32
    %dma_start3A_40 = tpu.memref_slice %arg7[%dma_start3A_38, %dma_start3A_39] : memref<4x32xi32, #tpu.memory_space<vmem>> -> memref<1x32xi32, #tpu.memory_space<vmem>>
    %dma_start3A_41 = tpu.memref_squeeze %dma_start3A_40 : memref<1x32xi32, #tpu.memory_space<vmem>> -> memref<32xi32, #tpu.memory_space<vmem>>
    %dma_start3A_42 = arith.constant 0 : i32
    %dma_start3A_43 = arith.constant 0 : i32
    %dma_start3A_44 = tpu.memref_slice %arg5[%dma_start3A_42, %dma_start3A_43] : memref<8192x1024xf32, #tpu.memory_space<hbm>> -> memref<8192x1024xf32, #tpu.memory_space<hbm>>
    tpu.enqueue_indirect_dma source(%arg8 : memref<32x1024xf32, #tpu.memory_space<vmem>>) target(%dma_start3A_44 : memref<8192x1024xf32, #tpu.memory_space<hbm>>) offsets(%dma_start3A_41 : memref<32xi32, #tpu.memory_space<vmem>>) semaphore(%arg11 : memref<!tpu.dma_semaphore, #tpu.memory_space<semaphore_mem>>)
    %dma_wait3A = arith.constant 0 : i32
    %dma_wait3A_45 = tpu.memref_slice %arg2[%add3A_27, %dma_wait3A] : memref<4096x1024xf32, #tpu.memory_space<hbm>> -> memref<32x1024xf32, #tpu.memory_space<hbm>>
    %dma_wait3A_46 = arith.constant 0 : i32
    %dma_wait3A_47 = tpu.memref_slice %arg2[%add3A_27, %dma_wait3A_46] : memref<4096x1024xf32, #tpu.memory_space<hbm>> -> memref<32x1024xf32, #tpu.memory_space<hbm>>
    tpu.wait_dma2 semaphore(%arg10 : memref<!tpu.dma_semaphore, #tpu.memory_space<semaphore_mem>>) src(%dma_wait3A_47 : memref<32x1024xf32, #tpu.memory_space<hbm>>) dst(%arg9 : memref<32x1024xf32, #tpu.memory_space<vmem>>)
    %dma_wait3A_48 = arith.constant 0 : i32
    %dma_wait3A_49 = arith.constant 0 : i32
    %dma_wait3A_50 = tpu.memref_slice %arg6[%dma_wait3A_48, %dma_wait3A_49] : memref<4x32xi32, #tpu.memory_space<vmem>> -> memref<1x32xi32, #tpu.memory_space<vmem>>
    %dma_wait3A_51 = tpu.memref_squeeze %dma_wait3A_50 : memref<1x32xi32, #tpu.memory_space<vmem>> -> memref<32xi32, #tpu.memory_space<vmem>>
    %dma_wait3A_52 = arith.constant 0 : i32
    %dma_wait3A_53 = arith.constant 0 : i32
    %dma_wait3A_54 = tpu.memref_slice %arg5[%dma_wait3A_52, %dma_wait3A_53] : memref<8192x1024xf32, #tpu.memory_space<hbm>> -> memref<8192x1024xf32, #tpu.memory_space<hbm>>
    tpu.wait_indirect_dma semaphore(%arg11 : memref<!tpu.dma_semaphore, #tpu.memory_space<semaphore_mem>>) src(%arg8 : memref<32x1024xf32, #tpu.memory_space<vmem>>) dst(%dma_wait3A_54 : memref<8192x1024xf32, #tpu.memory_space<hbm>>)
    %dma_wait3A_55 = arith.constant 0 : i32
    %dma_wait3A_56 = arith.constant 0 : i32
    %dma_wait3A_57 = tpu.memref_slice %arg7[%dma_wait3A_55, %dma_wait3A_56] : memref<4x32xi32, #tpu.memory_space<vmem>> -> memref<1x32xi32, #tpu.memory_space<vmem>>
    %dma_wait3A_58 = tpu.memref_squeeze %dma_wait3A_57 : memref<1x32xi32, #tpu.memory_space<vmem>> -> memref<32xi32, #tpu.memory_space<vmem>>
    %dma_wait3A_59 = arith.constant 0 : i32
    %dma_wait3A_60 = arith.constant 0 : i32
    %dma_wait3A_61 = tpu.memref_slice %arg5[%dma_wait3A_59, %dma_wait3A_60] : memref<8192x1024xf32, #tpu.memory_space<hbm>> -> memref<8192x1024xf32, #tpu.memory_space<hbm>>
    tpu.wait_indirect_dma semaphore(%arg11 : memref<!tpu.dma_semaphore, #tpu.memory_space<semaphore_mem>>) src(%arg8 : memref<32x1024xf32, #tpu.memory_space<vmem>>) dst(%dma_wait3A_61 : memref<8192x1024xf32, #tpu.memory_space<hbm>>)
    %add3A_62 = arith.constant 64 : i32
    %add3A_63 = arith.addi %mul3A_2, %add3A_62 : i32
    %dma_start3A_64 = arith.constant 0 : i32
    %dma_start3A_65 = tpu.memref_slice %arg2[%add3A_63, %dma_start3A_64] : memref<4096x1024xf32, #tpu.memory_space<hbm>> -> memref<32x1024xf32, #tpu.memory_space<hbm>>
    %dma_start3A_66 = arith.constant 0 : i32
    %dma_start3A_67 = tpu.memref_slice %arg2[%add3A_63, %dma_start3A_66] : memref<4096x1024xf32, #tpu.memory_space<hbm>> -> memref<32x1024xf32, #tpu.memory_space<hbm>>
    tpu.enqueue_dma source(%dma_start3A_67 : memref<32x1024xf32, #tpu.memory_space<hbm>>) target(%arg8 : memref<32x1024xf32, #tpu.memory_space<vmem>>) target_semaphore(%arg10 : memref<!tpu.dma_semaphore, #tpu.memory_space<semaphore_mem>>)
    %dma_start3A_68 = arith.constant 1 : i32
    %dma_start3A_69 = arith.constant 0 : i32
    %dma_start3A_70 = tpu.memref_slice %arg6[%dma_start3A_68, %dma_start3A_69] : memref<4x32xi32, #tpu.memory_space<vmem>> -> memref<1x32xi32, #tpu.memory_space<vmem>>
    %dma_start3A_71 = tpu.memref_squeeze %dma_start3A_70 : memref<1x32xi32, #tpu.memory_space<vmem>> -> memref<32xi32, #tpu.memory_space<vmem>>
    %dma_start3A_72 = arith.constant 0 : i32
    %dma_start3A_73 = arith.constant 0 : i32
    %dma_start3A_74 = tpu.memref_slice %arg5[%dma_start3A_72, %dma_start3A_73] : memref<8192x1024xf32, #tpu.memory_space<hbm>> -> memref<8192x1024xf32, #tpu.memory_space<hbm>>
    tpu.enqueue_indirect_dma source(%arg9 : memref<32x1024xf32, #tpu.memory_space<vmem>>) target(%dma_start3A_74 : memref<8192x1024xf32, #tpu.memory_space<hbm>>) offsets(%dma_start3A_71 : memref<32xi32, #tpu.memory_space<vmem>>) semaphore(%arg11 : memref<!tpu.dma_semaphore, #tpu.memory_space<semaphore_mem>>)
    %dma_start3A_75 = arith.constant 1 : i32
    %dma_start3A_76 = arith.constant 0 : i32
    %dma_start3A_77 = tpu.memref_slice %arg7[%dma_start3A_75, %dma_start3A_76] : memref<4x32xi32, #tpu.memory_space<vmem>> -> memref<1x32xi32, #tpu.memory_space<vmem>>
    %dma_start3A_78 = tpu.memref_squeeze %dma_start3A_77 : memref<1x32xi32, #tpu.memory_space<vmem>> -> memref<32xi32, #tpu.memory_space<vmem>>
    %dma_start3A_79 = arith.constant 0 : i32
    %dma_start3A_80 = arith.constant 0 : i32
    %dma_start3A_81 = tpu.memref_slice %arg5[%dma_start3A_79, %dma_start3A_80] : memref<8192x1024xf32, #tpu.memory_space<hbm>> -> memref<8192x1024xf32, #tpu.memory_space<hbm>>
    tpu.enqueue_indirect_dma source(%arg9 : memref<32x1024xf32, #tpu.memory_space<vmem>>) target(%dma_start3A_81 : memref<8192x1024xf32, #tpu.memory_space<hbm>>) offsets(%dma_start3A_78 : memref<32xi32, #tpu.memory_space<vmem>>) semaphore(%arg11 : memref<!tpu.dma_semaphore, #tpu.memory_space<semaphore_mem>>)
    %dma_wait3A_82 = arith.constant 0 : i32
    %dma_wait3A_83 = tpu.memref_slice %arg2[%add3A_63, %dma_wait3A_82] : memref<4096x1024xf32, #tpu.memory_space<hbm>> -> memref<32x1024xf32, #tpu.memory_space<hbm>>
    %dma_wait3A_84 = arith.constant 0 : i32
    %dma_wait3A_85 = tpu.memref_slice %arg2[%add3A_63, %dma_wait3A_84] : memref<4096x1024xf32, #tpu.memory_space<hbm>> -> memref<32x1024xf32, #tpu.memory_space<hbm>>
    tpu.wait_dma2 semaphore(%arg10 : memref<!tpu.dma_semaphore, #tpu.memory_space<semaphore_mem>>) src(%dma_wait3A_85 : memref<32x1024xf32, #tpu.memory_space<hbm>>) dst(%arg8 : memref<32x1024xf32, #tpu.memory_space<vmem>>)
    %dma_wait3A_86 = arith.constant 1 : i32
    %dma_wait3A_87 = arith.constant 0 : i32
    %dma_wait3A_88 = tpu.memref_slice %arg6[%dma_wait3A_86, %dma_wait3A_87] : memref<4x32xi32, #tpu.memory_space<vmem>> -> memref<1x32xi32, #tpu.memory_space<vmem>>
    %dma_wait3A_89 = tpu.memref_squeeze %dma_wait3A_88 : memref<1x32xi32, #tpu.memory_space<vmem>> -> memref<32xi32, #tpu.memory_space<vmem>>
    %dma_wait3A_90 = arith.constant 0 : i32
    %dma_wait3A_91 = arith.constant 0 : i32
    %dma_wait3A_92 = tpu.memref_slice %arg5[%dma_wait3A_90, %dma_wait3A_91] : memref<8192x1024xf32, #tpu.memory_space<hbm>> -> memref<8192x1024xf32, #tpu.memory_space<hbm>>
    tpu.wait_indirect_dma semaphore(%arg11 : memref<!tpu.dma_semaphore, #tpu.memory_space<semaphore_mem>>) src(%arg9 : memref<32x1024xf32, #tpu.memory_space<vmem>>) dst(%dma_wait3A_92 : memref<8192x1024xf32, #tpu.memory_space<hbm>>)
    %dma_wait3A_93 = arith.constant 1 : i32
    %dma_wait3A_94 = arith.constant 0 : i32
    %dma_wait3A_95 = tpu.memref_slice %arg7[%dma_wait3A_93, %dma_wait3A_94] : memref<4x32xi32, #tpu.memory_space<vmem>> -> memref<1x32xi32, #tpu.memory_space<vmem>>
    %dma_wait3A_96 = tpu.memref_squeeze %dma_wait3A_95 : memref<1x32xi32, #tpu.memory_space<vmem>> -> memref<32xi32, #tpu.memory_space<vmem>>
    %dma_wait3A_97 = arith.constant 0 : i32
    %dma_wait3A_98 = arith.constant 0 : i32
    %dma_wait3A_99 = tpu.memref_slice %arg5[%dma_wait3A_97, %dma_wait3A_98] : memref<8192x1024xf32, #tpu.memory_space<hbm>> -> memref<8192x1024xf32, #tpu.memory_space<hbm>>
    tpu.wait_indirect_dma semaphore(%arg11 : memref<!tpu.dma_semaphore, #tpu.memory_space<semaphore_mem>>) src(%arg9 : memref<32x1024xf32, #tpu.memory_space<vmem>>) dst(%dma_wait3A_99 : memref<8192x1024xf32, #tpu.memory_space<hbm>>)
    %add3A_100 = arith.constant 96 : i32
    %add3A_101 = arith.addi %mul3A_2, %add3A_100 : i32
    %dma_start3A_102 = arith.constant 0 : i32
    %dma_start3A_103 = tpu.memref_slice %arg2[%add3A_101, %dma_start3A_102] : memref<4096x1024xf32, #tpu.memory_space<hbm>> -> memref<32x1024xf32, #tpu.memory_space<hbm>>
    %dma_start3A_104 = arith.constant 0 : i32
    %dma_start3A_105 = tpu.memref_slice %arg2[%add3A_101, %dma_start3A_104] : memref<4096x1024xf32, #tpu.memory_space<hbm>> -> memref<32x1024xf32, #tpu.memory_space<hbm>>
    tpu.enqueue_dma source(%dma_start3A_105 : memref<32x1024xf32, #tpu.memory_space<hbm>>) target(%arg9 : memref<32x1024xf32, #tpu.memory_space<vmem>>) target_semaphore(%arg10 : memref<!tpu.dma_semaphore, #tpu.memory_space<semaphore_mem>>)
    %dma_start3A_106 = arith.constant 2 : i32
    %dma_start3A_107 = arith.constant 0 : i32
    %dma_start3A_108 = tpu.memref_slice %arg6[%dma_start3A_106, %dma_start3A_107] : memref<4x32xi32, #tpu.memory_space<vmem>> -> memref<1x32xi32, #tpu.memory_space<vmem>>
    %dma_start3A_109 = tpu.memref_squeeze %dma_start3A_108 : memref<1x32xi32, #tpu.memory_space<vmem>> -> memref<32xi32, #tpu.memory_space<vmem>>
    %dma_start3A_110 = arith.constant 0 : i32
    %dma_start3A_111 = arith.constant 0 : i32
    %dma_start3A_112 = tpu.memref_slice %arg5[%dma_start3A_110, %dma_start3A_111] : memref<8192x1024xf32, #tpu.memory_space<hbm>> -> memref<8192x1024xf32, #tpu.memory_space<hbm>>
    tpu.enqueue_indirect_dma source(%arg8 : memref<32x1024xf32, #tpu.memory_space<vmem>>) target(%dma_start3A_112 : memref<8192x1024xf32, #tpu.memory_space<hbm>>) offsets(%dma_start3A_109 : memref<32xi32, #tpu.memory_space<vmem>>) semaphore(%arg11 : memref<!tpu.dma_semaphore, #tpu.memory_space<semaphore_mem>>)
    %dma_start3A_113 = arith.constant 2 : i32
    %dma_start3A_114 = arith.constant 0 : i32
    %dma_start3A_115 = tpu.memref_slice %arg7[%dma_start3A_113, %dma_start3A_114] : memref<4x32xi32, #tpu.memory_space<vmem>> -> memref<1x32xi32, #tpu.memory_space<vmem>>
    %dma_start3A_116 = tpu.memref_squeeze %dma_start3A_115 : memref<1x32xi32, #tpu.memory_space<vmem>> -> memref<32xi32, #tpu.memory_space<vmem>>
    %dma_start3A_117 = arith.constant 0 : i32
    %dma_start3A_118 = arith.constant 0 : i32
    %dma_start3A_119 = tpu.memref_slice %arg5[%dma_start3A_117, %dma_start3A_118] : memref<8192x1024xf32, #tpu.memory_space<hbm>> -> memref<8192x1024xf32, #tpu.memory_space<hbm>>
    tpu.enqueue_indirect_dma source(%arg8 : memref<32x1024xf32, #tpu.memory_space<vmem>>) target(%dma_start3A_119 : memref<8192x1024xf32, #tpu.memory_space<hbm>>) offsets(%dma_start3A_116 : memref<32xi32, #tpu.memory_space<vmem>>) semaphore(%arg11 : memref<!tpu.dma_semaphore, #tpu.memory_space<semaphore_mem>>)
    %dma_wait3A_120 = arith.constant 0 : i32
    %dma_wait3A_121 = tpu.memref_slice %arg2[%add3A_101, %dma_wait3A_120] : memref<4096x1024xf32, #tpu.memory_space<hbm>> -> memref<32x1024xf32, #tpu.memory_space<hbm>>
    %dma_wait3A_122 = arith.constant 0 : i32
    %dma_wait3A_123 = tpu.memref_slice %arg2[%add3A_101, %dma_wait3A_122] : memref<4096x1024xf32, #tpu.memory_space<hbm>> -> memref<32x1024xf32, #tpu.memory_space<hbm>>
    tpu.wait_dma2 semaphore(%arg10 : memref<!tpu.dma_semaphore, #tpu.memory_space<semaphore_mem>>) src(%dma_wait3A_123 : memref<32x1024xf32, #tpu.memory_space<hbm>>) dst(%arg9 : memref<32x1024xf32, #tpu.memory_space<vmem>>)
    %dma_wait3A_124 = arith.constant 2 : i32
    %dma_wait3A_125 = arith.constant 0 : i32
    %dma_wait3A_126 = tpu.memref_slice %arg6[%dma_wait3A_124, %dma_wait3A_125] : memref<4x32xi32, #tpu.memory_space<vmem>> -> memref<1x32xi32, #tpu.memory_space<vmem>>
    %dma_wait3A_127 = tpu.memref_squeeze %dma_wait3A_126 : memref<1x32xi32, #tpu.memory_space<vmem>> -> memref<32xi32, #tpu.memory_space<vmem>>
    %dma_wait3A_128 = arith.constant 0 : i32
    %dma_wait3A_129 = arith.constant 0 : i32
    %dma_wait3A_130 = tpu.memref_slice %arg5[%dma_wait3A_128, %dma_wait3A_129] : memref<8192x1024xf32, #tpu.memory_space<hbm>> -> memref<8192x1024xf32, #tpu.memory_space<hbm>>
    tpu.wait_indirect_dma semaphore(%arg11 : memref<!tpu.dma_semaphore, #tpu.memory_space<semaphore_mem>>) src(%arg8 : memref<32x1024xf32, #tpu.memory_space<vmem>>) dst(%dma_wait3A_130 : memref<8192x1024xf32, #tpu.memory_space<hbm>>)
    %dma_wait3A_131 = arith.constant 2 : i32
    %dma_wait3A_132 = arith.constant 0 : i32
    %dma_wait3A_133 = tpu.memref_slice %arg7[%dma_wait3A_131, %dma_wait3A_132] : memref<4x32xi32, #tpu.memory_space<vmem>> -> memref<1x32xi32, #tpu.memory_space<vmem>>
    %dma_wait3A_134 = tpu.memref_squeeze %dma_wait3A_133 : memref<1x32xi32, #tpu.memory_space<vmem>> -> memref<32xi32, #tpu.memory_space<vmem>>
    %dma_wait3A_135 = arith.constant 0 : i32
    %dma_wait3A_136 = arith.constant 0 : i32
    %dma_wait3A_137 = tpu.memref_slice %arg5[%dma_wait3A_135, %dma_wait3A_136] : memref<8192x1024xf32, #tpu.memory_space<hbm>> -> memref<8192x1024xf32, #tpu.memory_space<hbm>>
    tpu.wait_indirect_dma semaphore(%arg11 : memref<!tpu.dma_semaphore, #tpu.memory_space<semaphore_mem>>) src(%arg8 : memref<32x1024xf32, #tpu.memory_space<vmem>>) dst(%dma_wait3A_137 : memref<8192x1024xf32, #tpu.memory_space<hbm>>)
    %dma_start3A_138 = arith.constant 3 : i32
    %dma_start3A_139 = arith.constant 0 : i32
    %dma_start3A_140 = tpu.memref_slice %arg6[%dma_start3A_138, %dma_start3A_139] : memref<4x32xi32, #tpu.memory_space<vmem>> -> memref<1x32xi32, #tpu.memory_space<vmem>>
    %dma_start3A_141 = tpu.memref_squeeze %dma_start3A_140 : memref<1x32xi32, #tpu.memory_space<vmem>> -> memref<32xi32, #tpu.memory_space<vmem>>
    %dma_start3A_142 = arith.constant 0 : i32
    %dma_start3A_143 = arith.constant 0 : i32
    %dma_start3A_144 = tpu.memref_slice %arg5[%dma_start3A_142, %dma_start3A_143] : memref<8192x1024xf32, #tpu.memory_space<hbm>> -> memref<8192x1024xf32, #tpu.memory_space<hbm>>
    tpu.enqueue_indirect_dma source(%arg9 : memref<32x1024xf32, #tpu.memory_space<vmem>>) target(%dma_start3A_144 : memref<8192x1024xf32, #tpu.memory_space<hbm>>) offsets(%dma_start3A_141 : memref<32xi32, #tpu.memory_space<vmem>>) semaphore(%arg11 : memref<!tpu.dma_semaphore, #tpu.memory_space<semaphore_mem>>)
    %dma_start3A_145 = arith.constant 3 : i32
    %dma_start3A_146 = arith.constant 0 : i32
    %dma_start3A_147 = tpu.memref_slice %arg7[%dma_start3A_145, %dma_start3A_146] : memref<4x32xi32, #tpu.memory_space<vmem>> -> memref<1x32xi32, #tpu.memory_space<vmem>>
    %dma_start3A_148 = tpu.memref_squeeze %dma_start3A_147 : memref<1x32xi32, #tpu.memory_space<vmem>> -> memref<32xi32, #tpu.memory_space<vmem>>
    %dma_start3A_149 = arith.constant 0 : i32
    %dma_start3A_150 = arith.constant 0 : i32
    %dma_start3A_151 = tpu.memref_slice %arg5[%dma_start3A_149, %dma_start3A_150] : memref<8192x1024xf32, #tpu.memory_space<hbm>> -> memref<8192x1024xf32, #tpu.memory_space<hbm>>
    tpu.enqueue_indirect_dma source(%arg9 : memref<32x1024xf32, #tpu.memory_space<vmem>>) target(%dma_start3A_151 : memref<8192x1024xf32, #tpu.memory_space<hbm>>) offsets(%dma_start3A_148 : memref<32xi32, #tpu.memory_space<vmem>>) semaphore(%arg11 : memref<!tpu.dma_semaphore, #tpu.memory_space<semaphore_mem>>)
    %dma_wait3A_152 = arith.constant 3 : i32
    %dma_wait3A_153 = arith.constant 0 : i32
    %dma_wait3A_154 = tpu.memref_slice %arg6[%dma_wait3A_152, %dma_wait3A_153] : memref<4x32xi32, #tpu.memory_space<vmem>> -> memref<1x32xi32, #tpu.memory_space<vmem>>
    %dma_wait3A_155 = tpu.memref_squeeze %dma_wait3A_154 : memref<1x32xi32, #tpu.memory_space<vmem>> -> memref<32xi32, #tpu.memory_space<vmem>>
    %dma_wait3A_156 = arith.constant 0 : i32
    %dma_wait3A_157 = arith.constant 0 : i32
    %dma_wait3A_158 = tpu.memref_slice %arg5[%dma_wait3A_156, %dma_wait3A_157] : memref<8192x1024xf32, #tpu.memory_space<hbm>> -> memref<8192x1024xf32, #tpu.memory_space<hbm>>
    tpu.wait_indirect_dma semaphore(%arg11 : memref<!tpu.dma_semaphore, #tpu.memory_space<semaphore_mem>>) src(%arg9 : memref<32x1024xf32, #tpu.memory_space<vmem>>) dst(%dma_wait3A_158 : memref<8192x1024xf32, #tpu.memory_space<hbm>>)
    %dma_wait3A_159 = arith.constant 3 : i32
    %dma_wait3A_160 = arith.constant 0 : i32
    %dma_wait3A_161 = tpu.memref_slice %arg7[%dma_wait3A_159, %dma_wait3A_160] : memref<4x32xi32, #tpu.memory_space<vmem>> -> memref<1x32xi32, #tpu.memory_space<vmem>>
    %dma_wait3A_162 = tpu.memref_squeeze %dma_wait3A_161 : memref<1x32xi32, #tpu.memory_space<vmem>> -> memref<32xi32, #tpu.memory_space<vmem>>
    %dma_wait3A_163 = arith.constant 0 : i32
    %dma_wait3A_164 = arith.constant 0 : i32
    %dma_wait3A_165 = tpu.memref_slice %arg5[%dma_wait3A_163, %dma_wait3A_164] : memref<8192x1024xf32, #tpu.memory_space<hbm>> -> memref<8192x1024xf32, #tpu.memory_space<hbm>>
    tpu.wait_indirect_dma semaphore(%arg11 : memref<!tpu.dma_semaphore, #tpu.memory_space<semaphore_mem>>) src(%arg9 : memref<32x1024xf32, #tpu.memory_space<vmem>>) dst(%dma_wait3A_165 : memref<8192x1024xf32, #tpu.memory_space<hbm>>)
    return
  }
}

#map = affine_map<(d0, d1) -> (0, 0)>
#map1 = affine_map<(d0, d1) -> (0)>
module attributes {stable_mosaic.version = 14 : i64} {
  func.func @_combine_body(%arg0: i32, %arg1: i32, %arg2: memref<8192x1024xf32, #tpu.memory_space<hbm>>, %arg3: memref<4096xi32, #tpu.memory_space<hbm>>, %arg4: memref<4096xi32, #tpu.memory_space<hbm>>, %arg5: memref<4096x1024xf32, #tpu.memory_space<hbm>>, %arg6: memref<8x16xi32, #tpu.memory_space<vmem>>, %arg7: memref<8x16xi32, #tpu.memory_space<vmem>>, %arg8: memref<16x1024xf32, #tpu.memory_space<vmem>>, %arg9: memref<16x1024xf32, #tpu.memory_space<vmem>>, %arg10: memref<16x1024xf32, #tpu.memory_space<vmem>>, %arg11: memref<16x1024xf32, #tpu.memory_space<vmem>>, %arg12: memref<16x1024xf32, #tpu.memory_space<vmem>>, %arg13: memref<16x1024xf32, #tpu.memory_space<vmem>>, %arg14: memref<!tpu.dma_semaphore, #tpu.memory_space<semaphore_mem>>, %arg15: memref<!tpu.dma_semaphore, #tpu.memory_space<semaphore_mem>>) attributes {dimension_semantics = [#tpu.dimension_semantics<core_parallel>, #tpu.dimension_semantics<subcore_parallel>], iteration_bounds = array<i64: 2, 16>, scalar_prefetch = 0 : i64, scratch_operands = 10 : i64, tpu.core_type = #tpu.core_type<sc_vector_subcore>, window_params = [{transform_indices = #map}, {transform_indices = #map1}, {transform_indices = #map1}, {transform_indices = #map}]} {
    %mul3A = arith.constant 2 : i32
    %mul3A_0 = arith.muli %arg1, %mul3A : i32
    %add3A = arith.addi %mul3A_0, %arg0 : i32
    %mul3A_1 = arith.constant 128 : i32
    %mul3A_2 = arith.muli %add3A, %mul3A_1 : i32
    %add3A_3 = arith.constant 0 : i32
    %add3A_4 = arith.addi %mul3A_2, %add3A_3 : i32
    %run_scoped3A = arith.constant 0 : i32
    "tpu.region"() ({
      %run_scoped3A_375 = tpu.sem_alloc : memref<!tpu.dma_semaphore, #tpu.memory_space<semaphore_mem>>
      %dma_start3A_376 = arith.constant 0 : i32
      %dma_start3A_377 = tpu.memref_slice %arg6[%run_scoped3A, %dma_start3A_376] : memref<8x16xi32, #tpu.memory_space<vmem>> -> memref<1x16xi32, #tpu.memory_space<vmem>>
      %dma_start3A_378 = tpu.memref_squeeze %dma_start3A_377 : memref<1x16xi32, #tpu.memory_space<vmem>> -> memref<16xi32, #tpu.memory_space<vmem>>
      %dma_start3A_379 = tpu.memref_slice %arg3[%add3A_4] : memref<4096xi32, #tpu.memory_space<hbm>> -> memref<16xi32, #tpu.memory_space<hbm>>
      %dma_start3A_380 = arith.constant 0 : i32
      %dma_start3A_381 = tpu.memref_slice %arg6[%run_scoped3A, %dma_start3A_380] : memref<8x16xi32, #tpu.memory_space<vmem>> -> memref<1x16xi32, #tpu.memory_space<vmem>>
      %dma_start3A_382 = tpu.memref_squeeze %dma_start3A_381 : memref<1x16xi32, #tpu.memory_space<vmem>> -> memref<16xi32, #tpu.memory_space<vmem>>
      %dma_start3A_383 = tpu.memref_slice %arg3[%add3A_4] : memref<4096xi32, #tpu.memory_space<hbm>> -> memref<16xi32, #tpu.memory_space<hbm>>
      tpu.enqueue_dma source(%dma_start3A_383 : memref<16xi32, #tpu.memory_space<hbm>>) target(%dma_start3A_382 : memref<16xi32, #tpu.memory_space<vmem>>) target_semaphore(%run_scoped3A_375 : memref<!tpu.dma_semaphore, #tpu.memory_space<semaphore_mem>>)
      %dma_wait3A_384 = arith.constant 0 : i32
      %dma_wait3A_385 = tpu.memref_slice %arg6[%run_scoped3A, %dma_wait3A_384] : memref<8x16xi32, #tpu.memory_space<vmem>> -> memref<1x16xi32, #tpu.memory_space<vmem>>
      %dma_wait3A_386 = tpu.memref_squeeze %dma_wait3A_385 : memref<1x16xi32, #tpu.memory_space<vmem>> -> memref<16xi32, #tpu.memory_space<vmem>>
      %dma_wait3A_387 = tpu.memref_slice %arg3[%add3A_4] : memref<4096xi32, #tpu.memory_space<hbm>> -> memref<16xi32, #tpu.memory_space<hbm>>
      %dma_wait3A_388 = arith.constant 0 : i32
      %dma_wait3A_389 = tpu.memref_slice %arg6[%run_scoped3A, %dma_wait3A_388] : memref<8x16xi32, #tpu.memory_space<vmem>> -> memref<1x16xi32, #tpu.memory_space<vmem>>
      %dma_wait3A_390 = tpu.memref_squeeze %dma_wait3A_389 : memref<1x16xi32, #tpu.memory_space<vmem>> -> memref<16xi32, #tpu.memory_space<vmem>>
      %dma_wait3A_391 = tpu.memref_slice %arg3[%add3A_4] : memref<4096xi32, #tpu.memory_space<hbm>> -> memref<16xi32, #tpu.memory_space<hbm>>
      tpu.wait_dma2 semaphore(%run_scoped3A_375 : memref<!tpu.dma_semaphore, #tpu.memory_space<semaphore_mem>>) src(%dma_wait3A_391 : memref<16xi32, #tpu.memory_space<hbm>>) dst(%dma_wait3A_390 : memref<16xi32, #tpu.memory_space<vmem>>)
      tpu.yield
    }) : () -> ()
    %add3A_5 = arith.constant 0 : i32
    %add3A_6 = arith.addi %mul3A_2, %add3A_5 : i32
    %run_scoped3A_7 = arith.constant 0 : i32
    "tpu.region"() ({
      %run_scoped3A_375 = tpu.sem_alloc : memref<!tpu.dma_semaphore, #tpu.memory_space<semaphore_mem>>
      %dma_start3A_376 = arith.constant 0 : i32
      %dma_start3A_377 = tpu.memref_slice %arg7[%run_scoped3A_7, %dma_start3A_376] : memref<8x16xi32, #tpu.memory_space<vmem>> -> memref<1x16xi32, #tpu.memory_space<vmem>>
      %dma_start3A_378 = tpu.memref_squeeze %dma_start3A_377 : memref<1x16xi32, #tpu.memory_space<vmem>> -> memref<16xi32, #tpu.memory_space<vmem>>
      %dma_start3A_379 = tpu.memref_slice %arg4[%add3A_6] : memref<4096xi32, #tpu.memory_space<hbm>> -> memref<16xi32, #tpu.memory_space<hbm>>
      %dma_start3A_380 = arith.constant 0 : i32
      %dma_start3A_381 = tpu.memref_slice %arg7[%run_scoped3A_7, %dma_start3A_380] : memref<8x16xi32, #tpu.memory_space<vmem>> -> memref<1x16xi32, #tpu.memory_space<vmem>>
      %dma_start3A_382 = tpu.memref_squeeze %dma_start3A_381 : memref<1x16xi32, #tpu.memory_space<vmem>> -> memref<16xi32, #tpu.memory_space<vmem>>
      %dma_start3A_383 = tpu.memref_slice %arg4[%add3A_6] : memref<4096xi32, #tpu.memory_space<hbm>> -> memref<16xi32, #tpu.memory_space<hbm>>
      tpu.enqueue_dma source(%dma_start3A_383 : memref<16xi32, #tpu.memory_space<hbm>>) target(%dma_start3A_382 : memref<16xi32, #tpu.memory_space<vmem>>) target_semaphore(%run_scoped3A_375 : memref<!tpu.dma_semaphore, #tpu.memory_space<semaphore_mem>>)
      %dma_wait3A_384 = arith.constant 0 : i32
      %dma_wait3A_385 = tpu.memref_slice %arg7[%run_scoped3A_7, %dma_wait3A_384] : memref<8x16xi32, #tpu.memory_space<vmem>> -> memref<1x16xi32, #tpu.memory_space<vmem>>
      %dma_wait3A_386 = tpu.memref_squeeze %dma_wait3A_385 : memref<1x16xi32, #tpu.memory_space<vmem>> -> memref<16xi32, #tpu.memory_space<vmem>>
      %dma_wait3A_387 = tpu.memref_slice %arg4[%add3A_6] : memref<4096xi32, #tpu.memory_space<hbm>> -> memref<16xi32, #tpu.memory_space<hbm>>
      %dma_wait3A_388 = arith.constant 0 : i32
      %dma_wait3A_389 = tpu.memref_slice %arg7[%run_scoped3A_7, %dma_wait3A_388] : memref<8x16xi32, #tpu.memory_space<vmem>> -> memref<1x16xi32, #tpu.memory_space<vmem>>
      %dma_wait3A_390 = tpu.memref_squeeze %dma_wait3A_389 : memref<1x16xi32, #tpu.memory_space<vmem>> -> memref<16xi32, #tpu.memory_space<vmem>>
      %dma_wait3A_391 = tpu.memref_slice %arg4[%add3A_6] : memref<4096xi32, #tpu.memory_space<hbm>> -> memref<16xi32, #tpu.memory_space<hbm>>
      tpu.wait_dma2 semaphore(%run_scoped3A_375 : memref<!tpu.dma_semaphore, #tpu.memory_space<semaphore_mem>>) src(%dma_wait3A_391 : memref<16xi32, #tpu.memory_space<hbm>>) dst(%dma_wait3A_390 : memref<16xi32, #tpu.memory_space<vmem>>)
      tpu.yield
    }) : () -> ()
    %add3A_8 = arith.constant 16 : i32
    %add3A_9 = arith.addi %mul3A_2, %add3A_8 : i32
    %run_scoped3A_10 = arith.constant 1 : i32
    "tpu.region"() ({
      %run_scoped3A_375 = tpu.sem_alloc : memref<!tpu.dma_semaphore, #tpu.memory_space<semaphore_mem>>
      %dma_start3A_376 = arith.constant 0 : i32
      %dma_start3A_377 = tpu.memref_slice %arg6[%run_scoped3A_10, %dma_start3A_376] : memref<8x16xi32, #tpu.memory_space<vmem>> -> memref<1x16xi32, #tpu.memory_space<vmem>>
      %dma_start3A_378 = tpu.memref_squeeze %dma_start3A_377 : memref<1x16xi32, #tpu.memory_space<vmem>> -> memref<16xi32, #tpu.memory_space<vmem>>
      %dma_start3A_379 = tpu.memref_slice %arg3[%add3A_9] : memref<4096xi32, #tpu.memory_space<hbm>> -> memref<16xi32, #tpu.memory_space<hbm>>
      %dma_start3A_380 = arith.constant 0 : i32
      %dma_start3A_381 = tpu.memref_slice %arg6[%run_scoped3A_10, %dma_start3A_380] : memref<8x16xi32, #tpu.memory_space<vmem>> -> memref<1x16xi32, #tpu.memory_space<vmem>>
      %dma_start3A_382 = tpu.memref_squeeze %dma_start3A_381 : memref<1x16xi32, #tpu.memory_space<vmem>> -> memref<16xi32, #tpu.memory_space<vmem>>
      %dma_start3A_383 = tpu.memref_slice %arg3[%add3A_9] : memref<4096xi32, #tpu.memory_space<hbm>> -> memref<16xi32, #tpu.memory_space<hbm>>
      tpu.enqueue_dma source(%dma_start3A_383 : memref<16xi32, #tpu.memory_space<hbm>>) target(%dma_start3A_382 : memref<16xi32, #tpu.memory_space<vmem>>) target_semaphore(%run_scoped3A_375 : memref<!tpu.dma_semaphore, #tpu.memory_space<semaphore_mem>>)
      %dma_wait3A_384 = arith.constant 0 : i32
      %dma_wait3A_385 = tpu.memref_slice %arg6[%run_scoped3A_10, %dma_wait3A_384] : memref<8x16xi32, #tpu.memory_space<vmem>> -> memref<1x16xi32, #tpu.memory_space<vmem>>
      %dma_wait3A_386 = tpu.memref_squeeze %dma_wait3A_385 : memref<1x16xi32, #tpu.memory_space<vmem>> -> memref<16xi32, #tpu.memory_space<vmem>>
      %dma_wait3A_387 = tpu.memref_slice %arg3[%add3A_9] : memref<4096xi32, #tpu.memory_space<hbm>> -> memref<16xi32, #tpu.memory_space<hbm>>
      %dma_wait3A_388 = arith.constant 0 : i32
      %dma_wait3A_389 = tpu.memref_slice %arg6[%run_scoped3A_10, %dma_wait3A_388] : memref<8x16xi32, #tpu.memory_space<vmem>> -> memref<1x16xi32, #tpu.memory_space<vmem>>
      %dma_wait3A_390 = tpu.memref_squeeze %dma_wait3A_389 : memref<1x16xi32, #tpu.memory_space<vmem>> -> memref<16xi32, #tpu.memory_space<vmem>>
      %dma_wait3A_391 = tpu.memref_slice %arg3[%add3A_9] : memref<4096xi32, #tpu.memory_space<hbm>> -> memref<16xi32, #tpu.memory_space<hbm>>
      tpu.wait_dma2 semaphore(%run_scoped3A_375 : memref<!tpu.dma_semaphore, #tpu.memory_space<semaphore_mem>>) src(%dma_wait3A_391 : memref<16xi32, #tpu.memory_space<hbm>>) dst(%dma_wait3A_390 : memref<16xi32, #tpu.memory_space<vmem>>)
      tpu.yield
    }) : () -> ()
    %add3A_11 = arith.constant 16 : i32
    %add3A_12 = arith.addi %mul3A_2, %add3A_11 : i32
    %run_scoped3A_13 = arith.constant 1 : i32
    "tpu.region"() ({
      %run_scoped3A_375 = tpu.sem_alloc : memref<!tpu.dma_semaphore, #tpu.memory_space<semaphore_mem>>
      %dma_start3A_376 = arith.constant 0 : i32
      %dma_start3A_377 = tpu.memref_slice %arg7[%run_scoped3A_13, %dma_start3A_376] : memref<8x16xi32, #tpu.memory_space<vmem>> -> memref<1x16xi32, #tpu.memory_space<vmem>>
      %dma_start3A_378 = tpu.memref_squeeze %dma_start3A_377 : memref<1x16xi32, #tpu.memory_space<vmem>> -> memref<16xi32, #tpu.memory_space<vmem>>
      %dma_start3A_379 = tpu.memref_slice %arg4[%add3A_12] : memref<4096xi32, #tpu.memory_space<hbm>> -> memref<16xi32, #tpu.memory_space<hbm>>
      %dma_start3A_380 = arith.constant 0 : i32
      %dma_start3A_381 = tpu.memref_slice %arg7[%run_scoped3A_13, %dma_start3A_380] : memref<8x16xi32, #tpu.memory_space<vmem>> -> memref<1x16xi32, #tpu.memory_space<vmem>>
      %dma_start3A_382 = tpu.memref_squeeze %dma_start3A_381 : memref<1x16xi32, #tpu.memory_space<vmem>> -> memref<16xi32, #tpu.memory_space<vmem>>
      %dma_start3A_383 = tpu.memref_slice %arg4[%add3A_12] : memref<4096xi32, #tpu.memory_space<hbm>> -> memref<16xi32, #tpu.memory_space<hbm>>
      tpu.enqueue_dma source(%dma_start3A_383 : memref<16xi32, #tpu.memory_space<hbm>>) target(%dma_start3A_382 : memref<16xi32, #tpu.memory_space<vmem>>) target_semaphore(%run_scoped3A_375 : memref<!tpu.dma_semaphore, #tpu.memory_space<semaphore_mem>>)
      %dma_wait3A_384 = arith.constant 0 : i32
      %dma_wait3A_385 = tpu.memref_slice %arg7[%run_scoped3A_13, %dma_wait3A_384] : memref<8x16xi32, #tpu.memory_space<vmem>> -> memref<1x16xi32, #tpu.memory_space<vmem>>
      %dma_wait3A_386 = tpu.memref_squeeze %dma_wait3A_385 : memref<1x16xi32, #tpu.memory_space<vmem>> -> memref<16xi32, #tpu.memory_space<vmem>>
      %dma_wait3A_387 = tpu.memref_slice %arg4[%add3A_12] : memref<4096xi32, #tpu.memory_space<hbm>> -> memref<16xi32, #tpu.memory_space<hbm>>
      %dma_wait3A_388 = arith.constant 0 : i32
      %dma_wait3A_389 = tpu.memref_slice %arg7[%run_scoped3A_13, %dma_wait3A_388] : memref<8x16xi32, #tpu.memory_space<vmem>> -> memref<1x16xi32, #tpu.memory_space<vmem>>
      %dma_wait3A_390 = tpu.memref_squeeze %dma_wait3A_389 : memref<1x16xi32, #tpu.memory_space<vmem>> -> memref<16xi32, #tpu.memory_space<vmem>>
      %dma_wait3A_391 = tpu.memref_slice %arg4[%add3A_12] : memref<4096xi32, #tpu.memory_space<hbm>> -> memref<16xi32, #tpu.memory_space<hbm>>
      tpu.wait_dma2 semaphore(%run_scoped3A_375 : memref<!tpu.dma_semaphore, #tpu.memory_space<semaphore_mem>>) src(%dma_wait3A_391 : memref<16xi32, #tpu.memory_space<hbm>>) dst(%dma_wait3A_390 : memref<16xi32, #tpu.memory_space<vmem>>)
      tpu.yield
    }) : () -> ()
    %add3A_14 = arith.constant 32 : i32
    %add3A_15 = arith.addi %mul3A_2, %add3A_14 : i32
    %run_scoped3A_16 = arith.constant 2 : i32
    "tpu.region"() ({
      %run_scoped3A_375 = tpu.sem_alloc : memref<!tpu.dma_semaphore, #tpu.memory_space<semaphore_mem>>
      %dma_start3A_376 = arith.constant 0 : i32
      %dma_start3A_377 = tpu.memref_slice %arg6[%run_scoped3A_16, %dma_start3A_376] : memref<8x16xi32, #tpu.memory_space<vmem>> -> memref<1x16xi32, #tpu.memory_space<vmem>>
      %dma_start3A_378 = tpu.memref_squeeze %dma_start3A_377 : memref<1x16xi32, #tpu.memory_space<vmem>> -> memref<16xi32, #tpu.memory_space<vmem>>
      %dma_start3A_379 = tpu.memref_slice %arg3[%add3A_15] : memref<4096xi32, #tpu.memory_space<hbm>> -> memref<16xi32, #tpu.memory_space<hbm>>
      %dma_start3A_380 = arith.constant 0 : i32
      %dma_start3A_381 = tpu.memref_slice %arg6[%run_scoped3A_16, %dma_start3A_380] : memref<8x16xi32, #tpu.memory_space<vmem>> -> memref<1x16xi32, #tpu.memory_space<vmem>>
      %dma_start3A_382 = tpu.memref_squeeze %dma_start3A_381 : memref<1x16xi32, #tpu.memory_space<vmem>> -> memref<16xi32, #tpu.memory_space<vmem>>
      %dma_start3A_383 = tpu.memref_slice %arg3[%add3A_15] : memref<4096xi32, #tpu.memory_space<hbm>> -> memref<16xi32, #tpu.memory_space<hbm>>
      tpu.enqueue_dma source(%dma_start3A_383 : memref<16xi32, #tpu.memory_space<hbm>>) target(%dma_start3A_382 : memref<16xi32, #tpu.memory_space<vmem>>) target_semaphore(%run_scoped3A_375 : memref<!tpu.dma_semaphore, #tpu.memory_space<semaphore_mem>>)
      %dma_wait3A_384 = arith.constant 0 : i32
      %dma_wait3A_385 = tpu.memref_slice %arg6[%run_scoped3A_16, %dma_wait3A_384] : memref<8x16xi32, #tpu.memory_space<vmem>> -> memref<1x16xi32, #tpu.memory_space<vmem>>
      %dma_wait3A_386 = tpu.memref_squeeze %dma_wait3A_385 : memref<1x16xi32, #tpu.memory_space<vmem>> -> memref<16xi32, #tpu.memory_space<vmem>>
      %dma_wait3A_387 = tpu.memref_slice %arg3[%add3A_15] : memref<4096xi32, #tpu.memory_space<hbm>> -> memref<16xi32, #tpu.memory_space<hbm>>
      %dma_wait3A_388 = arith.constant 0 : i32
      %dma_wait3A_389 = tpu.memref_slice %arg6[%run_scoped3A_16, %dma_wait3A_388] : memref<8x16xi32, #tpu.memory_space<vmem>> -> memref<1x16xi32, #tpu.memory_space<vmem>>
      %dma_wait3A_390 = tpu.memref_squeeze %dma_wait3A_389 : memref<1x16xi32, #tpu.memory_space<vmem>> -> memref<16xi32, #tpu.memory_space<vmem>>
      %dma_wait3A_391 = tpu.memref_slice %arg3[%add3A_15] : memref<4096xi32, #tpu.memory_space<hbm>> -> memref<16xi32, #tpu.memory_space<hbm>>
      tpu.wait_dma2 semaphore(%run_scoped3A_375 : memref<!tpu.dma_semaphore, #tpu.memory_space<semaphore_mem>>) src(%dma_wait3A_391 : memref<16xi32, #tpu.memory_space<hbm>>) dst(%dma_wait3A_390 : memref<16xi32, #tpu.memory_space<vmem>>)
      tpu.yield
    }) : () -> ()
    %add3A_17 = arith.constant 32 : i32
    %add3A_18 = arith.addi %mul3A_2, %add3A_17 : i32
    %run_scoped3A_19 = arith.constant 2 : i32
    "tpu.region"() ({
      %run_scoped3A_375 = tpu.sem_alloc : memref<!tpu.dma_semaphore, #tpu.memory_space<semaphore_mem>>
      %dma_start3A_376 = arith.constant 0 : i32
      %dma_start3A_377 = tpu.memref_slice %arg7[%run_scoped3A_19, %dma_start3A_376] : memref<8x16xi32, #tpu.memory_space<vmem>> -> memref<1x16xi32, #tpu.memory_space<vmem>>
      %dma_start3A_378 = tpu.memref_squeeze %dma_start3A_377 : memref<1x16xi32, #tpu.memory_space<vmem>> -> memref<16xi32, #tpu.memory_space<vmem>>
      %dma_start3A_379 = tpu.memref_slice %arg4[%add3A_18] : memref<4096xi32, #tpu.memory_space<hbm>> -> memref<16xi32, #tpu.memory_space<hbm>>
      %dma_start3A_380 = arith.constant 0 : i32
      %dma_start3A_381 = tpu.memref_slice %arg7[%run_scoped3A_19, %dma_start3A_380] : memref<8x16xi32, #tpu.memory_space<vmem>> -> memref<1x16xi32, #tpu.memory_space<vmem>>
      %dma_start3A_382 = tpu.memref_squeeze %dma_start3A_381 : memref<1x16xi32, #tpu.memory_space<vmem>> -> memref<16xi32, #tpu.memory_space<vmem>>
      %dma_start3A_383 = tpu.memref_slice %arg4[%add3A_18] : memref<4096xi32, #tpu.memory_space<hbm>> -> memref<16xi32, #tpu.memory_space<hbm>>
      tpu.enqueue_dma source(%dma_start3A_383 : memref<16xi32, #tpu.memory_space<hbm>>) target(%dma_start3A_382 : memref<16xi32, #tpu.memory_space<vmem>>) target_semaphore(%run_scoped3A_375 : memref<!tpu.dma_semaphore, #tpu.memory_space<semaphore_mem>>)
      %dma_wait3A_384 = arith.constant 0 : i32
      %dma_wait3A_385 = tpu.memref_slice %arg7[%run_scoped3A_19, %dma_wait3A_384] : memref<8x16xi32, #tpu.memory_space<vmem>> -> memref<1x16xi32, #tpu.memory_space<vmem>>
      %dma_wait3A_386 = tpu.memref_squeeze %dma_wait3A_385 : memref<1x16xi32, #tpu.memory_space<vmem>> -> memref<16xi32, #tpu.memory_space<vmem>>
      %dma_wait3A_387 = tpu.memref_slice %arg4[%add3A_18] : memref<4096xi32, #tpu.memory_space<hbm>> -> memref<16xi32, #tpu.memory_space<hbm>>
      %dma_wait3A_388 = arith.constant 0 : i32
      %dma_wait3A_389 = tpu.memref_slice %arg7[%run_scoped3A_19, %dma_wait3A_388] : memref<8x16xi32, #tpu.memory_space<vmem>> -> memref<1x16xi32, #tpu.memory_space<vmem>>
      %dma_wait3A_390 = tpu.memref_squeeze %dma_wait3A_389 : memref<1x16xi32, #tpu.memory_space<vmem>> -> memref<16xi32, #tpu.memory_space<vmem>>
      %dma_wait3A_391 = tpu.memref_slice %arg4[%add3A_18] : memref<4096xi32, #tpu.memory_space<hbm>> -> memref<16xi32, #tpu.memory_space<hbm>>
      tpu.wait_dma2 semaphore(%run_scoped3A_375 : memref<!tpu.dma_semaphore, #tpu.memory_space<semaphore_mem>>) src(%dma_wait3A_391 : memref<16xi32, #tpu.memory_space<hbm>>) dst(%dma_wait3A_390 : memref<16xi32, #tpu.memory_space<vmem>>)
      tpu.yield
    }) : () -> ()
    %add3A_20 = arith.constant 48 : i32
    %add3A_21 = arith.addi %mul3A_2, %add3A_20 : i32
    %run_scoped3A_22 = arith.constant 3 : i32
    "tpu.region"() ({
      %run_scoped3A_375 = tpu.sem_alloc : memref<!tpu.dma_semaphore, #tpu.memory_space<semaphore_mem>>
      %dma_start3A_376 = arith.constant 0 : i32
      %dma_start3A_377 = tpu.memref_slice %arg6[%run_scoped3A_22, %dma_start3A_376] : memref<8x16xi32, #tpu.memory_space<vmem>> -> memref<1x16xi32, #tpu.memory_space<vmem>>
      %dma_start3A_378 = tpu.memref_squeeze %dma_start3A_377 : memref<1x16xi32, #tpu.memory_space<vmem>> -> memref<16xi32, #tpu.memory_space<vmem>>
      %dma_start3A_379 = tpu.memref_slice %arg3[%add3A_21] : memref<4096xi32, #tpu.memory_space<hbm>> -> memref<16xi32, #tpu.memory_space<hbm>>
      %dma_start3A_380 = arith.constant 0 : i32
      %dma_start3A_381 = tpu.memref_slice %arg6[%run_scoped3A_22, %dma_start3A_380] : memref<8x16xi32, #tpu.memory_space<vmem>> -> memref<1x16xi32, #tpu.memory_space<vmem>>
      %dma_start3A_382 = tpu.memref_squeeze %dma_start3A_381 : memref<1x16xi32, #tpu.memory_space<vmem>> -> memref<16xi32, #tpu.memory_space<vmem>>
      %dma_start3A_383 = tpu.memref_slice %arg3[%add3A_21] : memref<4096xi32, #tpu.memory_space<hbm>> -> memref<16xi32, #tpu.memory_space<hbm>>
      tpu.enqueue_dma source(%dma_start3A_383 : memref<16xi32, #tpu.memory_space<hbm>>) target(%dma_start3A_382 : memref<16xi32, #tpu.memory_space<vmem>>) target_semaphore(%run_scoped3A_375 : memref<!tpu.dma_semaphore, #tpu.memory_space<semaphore_mem>>)
      %dma_wait3A_384 = arith.constant 0 : i32
      %dma_wait3A_385 = tpu.memref_slice %arg6[%run_scoped3A_22, %dma_wait3A_384] : memref<8x16xi32, #tpu.memory_space<vmem>> -> memref<1x16xi32, #tpu.memory_space<vmem>>
      %dma_wait3A_386 = tpu.memref_squeeze %dma_wait3A_385 : memref<1x16xi32, #tpu.memory_space<vmem>> -> memref<16xi32, #tpu.memory_space<vmem>>
      %dma_wait3A_387 = tpu.memref_slice %arg3[%add3A_21] : memref<4096xi32, #tpu.memory_space<hbm>> -> memref<16xi32, #tpu.memory_space<hbm>>
      %dma_wait3A_388 = arith.constant 0 : i32
      %dma_wait3A_389 = tpu.memref_slice %arg6[%run_scoped3A_22, %dma_wait3A_388] : memref<8x16xi32, #tpu.memory_space<vmem>> -> memref<1x16xi32, #tpu.memory_space<vmem>>
      %dma_wait3A_390 = tpu.memref_squeeze %dma_wait3A_389 : memref<1x16xi32, #tpu.memory_space<vmem>> -> memref<16xi32, #tpu.memory_space<vmem>>
      %dma_wait3A_391 = tpu.memref_slice %arg3[%add3A_21] : memref<4096xi32, #tpu.memory_space<hbm>> -> memref<16xi32, #tpu.memory_space<hbm>>
      tpu.wait_dma2 semaphore(%run_scoped3A_375 : memref<!tpu.dma_semaphore, #tpu.memory_space<semaphore_mem>>) src(%dma_wait3A_391 : memref<16xi32, #tpu.memory_space<hbm>>) dst(%dma_wait3A_390 : memref<16xi32, #tpu.memory_space<vmem>>)
      tpu.yield
    }) : () -> ()
    %add3A_23 = arith.constant 48 : i32
    %add3A_24 = arith.addi %mul3A_2, %add3A_23 : i32
    %run_scoped3A_25 = arith.constant 3 : i32
    "tpu.region"() ({
      %run_scoped3A_375 = tpu.sem_alloc : memref<!tpu.dma_semaphore, #tpu.memory_space<semaphore_mem>>
      %dma_start3A_376 = arith.constant 0 : i32
      %dma_start3A_377 = tpu.memref_slice %arg7[%run_scoped3A_25, %dma_start3A_376] : memref<8x16xi32, #tpu.memory_space<vmem>> -> memref<1x16xi32, #tpu.memory_space<vmem>>
      %dma_start3A_378 = tpu.memref_squeeze %dma_start3A_377 : memref<1x16xi32, #tpu.memory_space<vmem>> -> memref<16xi32, #tpu.memory_space<vmem>>
      %dma_start3A_379 = tpu.memref_slice %arg4[%add3A_24] : memref<4096xi32, #tpu.memory_space<hbm>> -> memref<16xi32, #tpu.memory_space<hbm>>
      %dma_start3A_380 = arith.constant 0 : i32
      %dma_start3A_381 = tpu.memref_slice %arg7[%run_scoped3A_25, %dma_start3A_380] : memref<8x16xi32, #tpu.memory_space<vmem>> -> memref<1x16xi32, #tpu.memory_space<vmem>>
      %dma_start3A_382 = tpu.memref_squeeze %dma_start3A_381 : memref<1x16xi32, #tpu.memory_space<vmem>> -> memref<16xi32, #tpu.memory_space<vmem>>
      %dma_start3A_383 = tpu.memref_slice %arg4[%add3A_24] : memref<4096xi32, #tpu.memory_space<hbm>> -> memref<16xi32, #tpu.memory_space<hbm>>
      tpu.enqueue_dma source(%dma_start3A_383 : memref<16xi32, #tpu.memory_space<hbm>>) target(%dma_start3A_382 : memref<16xi32, #tpu.memory_space<vmem>>) target_semaphore(%run_scoped3A_375 : memref<!tpu.dma_semaphore, #tpu.memory_space<semaphore_mem>>)
      %dma_wait3A_384 = arith.constant 0 : i32
      %dma_wait3A_385 = tpu.memref_slice %arg7[%run_scoped3A_25, %dma_wait3A_384] : memref<8x16xi32, #tpu.memory_space<vmem>> -> memref<1x16xi32, #tpu.memory_space<vmem>>
      %dma_wait3A_386 = tpu.memref_squeeze %dma_wait3A_385 : memref<1x16xi32, #tpu.memory_space<vmem>> -> memref<16xi32, #tpu.memory_space<vmem>>
      %dma_wait3A_387 = tpu.memref_slice %arg4[%add3A_24] : memref<4096xi32, #tpu.memory_space<hbm>> -> memref<16xi32, #tpu.memory_space<hbm>>
      %dma_wait3A_388 = arith.constant 0 : i32
      %dma_wait3A_389 = tpu.memref_slice %arg7[%run_scoped3A_25, %dma_wait3A_388] : memref<8x16xi32, #tpu.memory_space<vmem>> -> memref<1x16xi32, #tpu.memory_space<vmem>>
      %dma_wait3A_390 = tpu.memref_squeeze %dma_wait3A_389 : memref<1x16xi32, #tpu.memory_space<vmem>> -> memref<16xi32, #tpu.memory_space<vmem>>
      %dma_wait3A_391 = tpu.memref_slice %arg4[%add3A_24] : memref<4096xi32, #tpu.memory_space<hbm>> -> memref<16xi32, #tpu.memory_space<hbm>>
      tpu.wait_dma2 semaphore(%run_scoped3A_375 : memref<!tpu.dma_semaphore, #tpu.memory_space<semaphore_mem>>) src(%dma_wait3A_391 : memref<16xi32, #tpu.memory_space<hbm>>) dst(%dma_wait3A_390 : memref<16xi32, #tpu.memory_space<vmem>>)
      tpu.yield
    }) : () -> ()
    %add3A_26 = arith.constant 64 : i32
    %add3A_27 = arith.addi %mul3A_2, %add3A_26 : i32
    %run_scoped3A_28 = arith.constant 4 : i32
    "tpu.region"() ({
      %run_scoped3A_375 = tpu.sem_alloc : memref<!tpu.dma_semaphore, #tpu.memory_space<semaphore_mem>>
      %dma_start3A_376 = arith.constant 0 : i32
      %dma_start3A_377 = tpu.memref_slice %arg6[%run_scoped3A_28, %dma_start3A_376] : memref<8x16xi32, #tpu.memory_space<vmem>> -> memref<1x16xi32, #tpu.memory_space<vmem>>
      %dma_start3A_378 = tpu.memref_squeeze %dma_start3A_377 : memref<1x16xi32, #tpu.memory_space<vmem>> -> memref<16xi32, #tpu.memory_space<vmem>>
      %dma_start3A_379 = tpu.memref_slice %arg3[%add3A_27] : memref<4096xi32, #tpu.memory_space<hbm>> -> memref<16xi32, #tpu.memory_space<hbm>>
      %dma_start3A_380 = arith.constant 0 : i32
      %dma_start3A_381 = tpu.memref_slice %arg6[%run_scoped3A_28, %dma_start3A_380] : memref<8x16xi32, #tpu.memory_space<vmem>> -> memref<1x16xi32, #tpu.memory_space<vmem>>
      %dma_start3A_382 = tpu.memref_squeeze %dma_start3A_381 : memref<1x16xi32, #tpu.memory_space<vmem>> -> memref<16xi32, #tpu.memory_space<vmem>>
      %dma_start3A_383 = tpu.memref_slice %arg3[%add3A_27] : memref<4096xi32, #tpu.memory_space<hbm>> -> memref<16xi32, #tpu.memory_space<hbm>>
      tpu.enqueue_dma source(%dma_start3A_383 : memref<16xi32, #tpu.memory_space<hbm>>) target(%dma_start3A_382 : memref<16xi32, #tpu.memory_space<vmem>>) target_semaphore(%run_scoped3A_375 : memref<!tpu.dma_semaphore, #tpu.memory_space<semaphore_mem>>)
      %dma_wait3A_384 = arith.constant 0 : i32
      %dma_wait3A_385 = tpu.memref_slice %arg6[%run_scoped3A_28, %dma_wait3A_384] : memref<8x16xi32, #tpu.memory_space<vmem>> -> memref<1x16xi32, #tpu.memory_space<vmem>>
      %dma_wait3A_386 = tpu.memref_squeeze %dma_wait3A_385 : memref<1x16xi32, #tpu.memory_space<vmem>> -> memref<16xi32, #tpu.memory_space<vmem>>
      %dma_wait3A_387 = tpu.memref_slice %arg3[%add3A_27] : memref<4096xi32, #tpu.memory_space<hbm>> -> memref<16xi32, #tpu.memory_space<hbm>>
      %dma_wait3A_388 = arith.constant 0 : i32
      %dma_wait3A_389 = tpu.memref_slice %arg6[%run_scoped3A_28, %dma_wait3A_388] : memref<8x16xi32, #tpu.memory_space<vmem>> -> memref<1x16xi32, #tpu.memory_space<vmem>>
      %dma_wait3A_390 = tpu.memref_squeeze %dma_wait3A_389 : memref<1x16xi32, #tpu.memory_space<vmem>> -> memref<16xi32, #tpu.memory_space<vmem>>
      %dma_wait3A_391 = tpu.memref_slice %arg3[%add3A_27] : memref<4096xi32, #tpu.memory_space<hbm>> -> memref<16xi32, #tpu.memory_space<hbm>>
      tpu.wait_dma2 semaphore(%run_scoped3A_375 : memref<!tpu.dma_semaphore, #tpu.memory_space<semaphore_mem>>) src(%dma_wait3A_391 : memref<16xi32, #tpu.memory_space<hbm>>) dst(%dma_wait3A_390 : memref<16xi32, #tpu.memory_space<vmem>>)
      tpu.yield
    }) : () -> ()
    %add3A_29 = arith.constant 64 : i32
    %add3A_30 = arith.addi %mul3A_2, %add3A_29 : i32
    %run_scoped3A_31 = arith.constant 4 : i32
    "tpu.region"() ({
      %run_scoped3A_375 = tpu.sem_alloc : memref<!tpu.dma_semaphore, #tpu.memory_space<semaphore_mem>>
      %dma_start3A_376 = arith.constant 0 : i32
      %dma_start3A_377 = tpu.memref_slice %arg7[%run_scoped3A_31, %dma_start3A_376] : memref<8x16xi32, #tpu.memory_space<vmem>> -> memref<1x16xi32, #tpu.memory_space<vmem>>
      %dma_start3A_378 = tpu.memref_squeeze %dma_start3A_377 : memref<1x16xi32, #tpu.memory_space<vmem>> -> memref<16xi32, #tpu.memory_space<vmem>>
      %dma_start3A_379 = tpu.memref_slice %arg4[%add3A_30] : memref<4096xi32, #tpu.memory_space<hbm>> -> memref<16xi32, #tpu.memory_space<hbm>>
      %dma_start3A_380 = arith.constant 0 : i32
      %dma_start3A_381 = tpu.memref_slice %arg7[%run_scoped3A_31, %dma_start3A_380] : memref<8x16xi32, #tpu.memory_space<vmem>> -> memref<1x16xi32, #tpu.memory_space<vmem>>
      %dma_start3A_382 = tpu.memref_squeeze %dma_start3A_381 : memref<1x16xi32, #tpu.memory_space<vmem>> -> memref<16xi32, #tpu.memory_space<vmem>>
      %dma_start3A_383 = tpu.memref_slice %arg4[%add3A_30] : memref<4096xi32, #tpu.memory_space<hbm>> -> memref<16xi32, #tpu.memory_space<hbm>>
      tpu.enqueue_dma source(%dma_start3A_383 : memref<16xi32, #tpu.memory_space<hbm>>) target(%dma_start3A_382 : memref<16xi32, #tpu.memory_space<vmem>>) target_semaphore(%run_scoped3A_375 : memref<!tpu.dma_semaphore, #tpu.memory_space<semaphore_mem>>)
      %dma_wait3A_384 = arith.constant 0 : i32
      %dma_wait3A_385 = tpu.memref_slice %arg7[%run_scoped3A_31, %dma_wait3A_384] : memref<8x16xi32, #tpu.memory_space<vmem>> -> memref<1x16xi32, #tpu.memory_space<vmem>>
      %dma_wait3A_386 = tpu.memref_squeeze %dma_wait3A_385 : memref<1x16xi32, #tpu.memory_space<vmem>> -> memref<16xi32, #tpu.memory_space<vmem>>
      %dma_wait3A_387 = tpu.memref_slice %arg4[%add3A_30] : memref<4096xi32, #tpu.memory_space<hbm>> -> memref<16xi32, #tpu.memory_space<hbm>>
      %dma_wait3A_388 = arith.constant 0 : i32
      %dma_wait3A_389 = tpu.memref_slice %arg7[%run_scoped3A_31, %dma_wait3A_388] : memref<8x16xi32, #tpu.memory_space<vmem>> -> memref<1x16xi32, #tpu.memory_space<vmem>>
      %dma_wait3A_390 = tpu.memref_squeeze %dma_wait3A_389 : memref<1x16xi32, #tpu.memory_space<vmem>> -> memref<16xi32, #tpu.memory_space<vmem>>
      %dma_wait3A_391 = tpu.memref_slice %arg4[%add3A_30] : memref<4096xi32, #tpu.memory_space<hbm>> -> memref<16xi32, #tpu.memory_space<hbm>>
      tpu.wait_dma2 semaphore(%run_scoped3A_375 : memref<!tpu.dma_semaphore, #tpu.memory_space<semaphore_mem>>) src(%dma_wait3A_391 : memref<16xi32, #tpu.memory_space<hbm>>) dst(%dma_wait3A_390 : memref<16xi32, #tpu.memory_space<vmem>>)
      tpu.yield
    }) : () -> ()
    %add3A_32 = arith.constant 80 : i32
    %add3A_33 = arith.addi %mul3A_2, %add3A_32 : i32
    %run_scoped3A_34 = arith.constant 5 : i32
    "tpu.region"() ({
      %run_scoped3A_375 = tpu.sem_alloc : memref<!tpu.dma_semaphore, #tpu.memory_space<semaphore_mem>>
      %dma_start3A_376 = arith.constant 0 : i32
      %dma_start3A_377 = tpu.memref_slice %arg6[%run_scoped3A_34, %dma_start3A_376] : memref<8x16xi32, #tpu.memory_space<vmem>> -> memref<1x16xi32, #tpu.memory_space<vmem>>
      %dma_start3A_378 = tpu.memref_squeeze %dma_start3A_377 : memref<1x16xi32, #tpu.memory_space<vmem>> -> memref<16xi32, #tpu.memory_space<vmem>>
      %dma_start3A_379 = tpu.memref_slice %arg3[%add3A_33] : memref<4096xi32, #tpu.memory_space<hbm>> -> memref<16xi32, #tpu.memory_space<hbm>>
      %dma_start3A_380 = arith.constant 0 : i32
      %dma_start3A_381 = tpu.memref_slice %arg6[%run_scoped3A_34, %dma_start3A_380] : memref<8x16xi32, #tpu.memory_space<vmem>> -> memref<1x16xi32, #tpu.memory_space<vmem>>
      %dma_start3A_382 = tpu.memref_squeeze %dma_start3A_381 : memref<1x16xi32, #tpu.memory_space<vmem>> -> memref<16xi32, #tpu.memory_space<vmem>>
      %dma_start3A_383 = tpu.memref_slice %arg3[%add3A_33] : memref<4096xi32, #tpu.memory_space<hbm>> -> memref<16xi32, #tpu.memory_space<hbm>>
      tpu.enqueue_dma source(%dma_start3A_383 : memref<16xi32, #tpu.memory_space<hbm>>) target(%dma_start3A_382 : memref<16xi32, #tpu.memory_space<vmem>>) target_semaphore(%run_scoped3A_375 : memref<!tpu.dma_semaphore, #tpu.memory_space<semaphore_mem>>)
      %dma_wait3A_384 = arith.constant 0 : i32
      %dma_wait3A_385 = tpu.memref_slice %arg6[%run_scoped3A_34, %dma_wait3A_384] : memref<8x16xi32, #tpu.memory_space<vmem>> -> memref<1x16xi32, #tpu.memory_space<vmem>>
      %dma_wait3A_386 = tpu.memref_squeeze %dma_wait3A_385 : memref<1x16xi32, #tpu.memory_space<vmem>> -> memref<16xi32, #tpu.memory_space<vmem>>
      %dma_wait3A_387 = tpu.memref_slice %arg3[%add3A_33] : memref<4096xi32, #tpu.memory_space<hbm>> -> memref<16xi32, #tpu.memory_space<hbm>>
      %dma_wait3A_388 = arith.constant 0 : i32
      %dma_wait3A_389 = tpu.memref_slice %arg6[%run_scoped3A_34, %dma_wait3A_388] : memref<8x16xi32, #tpu.memory_space<vmem>> -> memref<1x16xi32, #tpu.memory_space<vmem>>
      %dma_wait3A_390 = tpu.memref_squeeze %dma_wait3A_389 : memref<1x16xi32, #tpu.memory_space<vmem>> -> memref<16xi32, #tpu.memory_space<vmem>>
      %dma_wait3A_391 = tpu.memref_slice %arg3[%add3A_33] : memref<4096xi32, #tpu.memory_space<hbm>> -> memref<16xi32, #tpu.memory_space<hbm>>
      tpu.wait_dma2 semaphore(%run_scoped3A_375 : memref<!tpu.dma_semaphore, #tpu.memory_space<semaphore_mem>>) src(%dma_wait3A_391 : memref<16xi32, #tpu.memory_space<hbm>>) dst(%dma_wait3A_390 : memref<16xi32, #tpu.memory_space<vmem>>)
      tpu.yield
    }) : () -> ()
    %add3A_35 = arith.constant 80 : i32
    %add3A_36 = arith.addi %mul3A_2, %add3A_35 : i32
    %run_scoped3A_37 = arith.constant 5 : i32
    "tpu.region"() ({
      %run_scoped3A_375 = tpu.sem_alloc : memref<!tpu.dma_semaphore, #tpu.memory_space<semaphore_mem>>
      %dma_start3A_376 = arith.constant 0 : i32
      %dma_start3A_377 = tpu.memref_slice %arg7[%run_scoped3A_37, %dma_start3A_376] : memref<8x16xi32, #tpu.memory_space<vmem>> -> memref<1x16xi32, #tpu.memory_space<vmem>>
      %dma_start3A_378 = tpu.memref_squeeze %dma_start3A_377 : memref<1x16xi32, #tpu.memory_space<vmem>> -> memref<16xi32, #tpu.memory_space<vmem>>
      %dma_start3A_379 = tpu.memref_slice %arg4[%add3A_36] : memref<4096xi32, #tpu.memory_space<hbm>> -> memref<16xi32, #tpu.memory_space<hbm>>
      %dma_start3A_380 = arith.constant 0 : i32
      %dma_start3A_381 = tpu.memref_slice %arg7[%run_scoped3A_37, %dma_start3A_380] : memref<8x16xi32, #tpu.memory_space<vmem>> -> memref<1x16xi32, #tpu.memory_space<vmem>>
      %dma_start3A_382 = tpu.memref_squeeze %dma_start3A_381 : memref<1x16xi32, #tpu.memory_space<vmem>> -> memref<16xi32, #tpu.memory_space<vmem>>
      %dma_start3A_383 = tpu.memref_slice %arg4[%add3A_36] : memref<4096xi32, #tpu.memory_space<hbm>> -> memref<16xi32, #tpu.memory_space<hbm>>
      tpu.enqueue_dma source(%dma_start3A_383 : memref<16xi32, #tpu.memory_space<hbm>>) target(%dma_start3A_382 : memref<16xi32, #tpu.memory_space<vmem>>) target_semaphore(%run_scoped3A_375 : memref<!tpu.dma_semaphore, #tpu.memory_space<semaphore_mem>>)
      %dma_wait3A_384 = arith.constant 0 : i32
      %dma_wait3A_385 = tpu.memref_slice %arg7[%run_scoped3A_37, %dma_wait3A_384] : memref<8x16xi32, #tpu.memory_space<vmem>> -> memref<1x16xi32, #tpu.memory_space<vmem>>
      %dma_wait3A_386 = tpu.memref_squeeze %dma_wait3A_385 : memref<1x16xi32, #tpu.memory_space<vmem>> -> memref<16xi32, #tpu.memory_space<vmem>>
      %dma_wait3A_387 = tpu.memref_slice %arg4[%add3A_36] : memref<4096xi32, #tpu.memory_space<hbm>> -> memref<16xi32, #tpu.memory_space<hbm>>
      %dma_wait3A_388 = arith.constant 0 : i32
      %dma_wait3A_389 = tpu.memref_slice %arg7[%run_scoped3A_37, %dma_wait3A_388] : memref<8x16xi32, #tpu.memory_space<vmem>> -> memref<1x16xi32, #tpu.memory_space<vmem>>
      %dma_wait3A_390 = tpu.memref_squeeze %dma_wait3A_389 : memref<1x16xi32, #tpu.memory_space<vmem>> -> memref<16xi32, #tpu.memory_space<vmem>>
      %dma_wait3A_391 = tpu.memref_slice %arg4[%add3A_36] : memref<4096xi32, #tpu.memory_space<hbm>> -> memref<16xi32, #tpu.memory_space<hbm>>
      tpu.wait_dma2 semaphore(%run_scoped3A_375 : memref<!tpu.dma_semaphore, #tpu.memory_space<semaphore_mem>>) src(%dma_wait3A_391 : memref<16xi32, #tpu.memory_space<hbm>>) dst(%dma_wait3A_390 : memref<16xi32, #tpu.memory_space<vmem>>)
      tpu.yield
    }) : () -> ()
    %add3A_38 = arith.constant 96 : i32
    %add3A_39 = arith.addi %mul3A_2, %add3A_38 : i32
    %run_scoped3A_40 = arith.constant 6 : i32
    "tpu.region"() ({
      %run_scoped3A_375 = tpu.sem_alloc : memref<!tpu.dma_semaphore, #tpu.memory_space<semaphore_mem>>
      %dma_start3A_376 = arith.constant 0 : i32
      %dma_start3A_377 = tpu.memref_slice %arg6[%run_scoped3A_40, %dma_start3A_376] : memref<8x16xi32, #tpu.memory_space<vmem>> -> memref<1x16xi32, #tpu.memory_space<vmem>>
      %dma_start3A_378 = tpu.memref_squeeze %dma_start3A_377 : memref<1x16xi32, #tpu.memory_space<vmem>> -> memref<16xi32, #tpu.memory_space<vmem>>
      %dma_start3A_379 = tpu.memref_slice %arg3[%add3A_39] : memref<4096xi32, #tpu.memory_space<hbm>> -> memref<16xi32, #tpu.memory_space<hbm>>
      %dma_start3A_380 = arith.constant 0 : i32
      %dma_start3A_381 = tpu.memref_slice %arg6[%run_scoped3A_40, %dma_start3A_380] : memref<8x16xi32, #tpu.memory_space<vmem>> -> memref<1x16xi32, #tpu.memory_space<vmem>>
      %dma_start3A_382 = tpu.memref_squeeze %dma_start3A_381 : memref<1x16xi32, #tpu.memory_space<vmem>> -> memref<16xi32, #tpu.memory_space<vmem>>
      %dma_start3A_383 = tpu.memref_slice %arg3[%add3A_39] : memref<4096xi32, #tpu.memory_space<hbm>> -> memref<16xi32, #tpu.memory_space<hbm>>
      tpu.enqueue_dma source(%dma_start3A_383 : memref<16xi32, #tpu.memory_space<hbm>>) target(%dma_start3A_382 : memref<16xi32, #tpu.memory_space<vmem>>) target_semaphore(%run_scoped3A_375 : memref<!tpu.dma_semaphore, #tpu.memory_space<semaphore_mem>>)
      %dma_wait3A_384 = arith.constant 0 : i32
      %dma_wait3A_385 = tpu.memref_slice %arg6[%run_scoped3A_40, %dma_wait3A_384] : memref<8x16xi32, #tpu.memory_space<vmem>> -> memref<1x16xi32, #tpu.memory_space<vmem>>
      %dma_wait3A_386 = tpu.memref_squeeze %dma_wait3A_385 : memref<1x16xi32, #tpu.memory_space<vmem>> -> memref<16xi32, #tpu.memory_space<vmem>>
      %dma_wait3A_387 = tpu.memref_slice %arg3[%add3A_39] : memref<4096xi32, #tpu.memory_space<hbm>> -> memref<16xi32, #tpu.memory_space<hbm>>
      %dma_wait3A_388 = arith.constant 0 : i32
      %dma_wait3A_389 = tpu.memref_slice %arg6[%run_scoped3A_40, %dma_wait3A_388] : memref<8x16xi32, #tpu.memory_space<vmem>> -> memref<1x16xi32, #tpu.memory_space<vmem>>
      %dma_wait3A_390 = tpu.memref_squeeze %dma_wait3A_389 : memref<1x16xi32, #tpu.memory_space<vmem>> -> memref<16xi32, #tpu.memory_space<vmem>>
      %dma_wait3A_391 = tpu.memref_slice %arg3[%add3A_39] : memref<4096xi32, #tpu.memory_space<hbm>> -> memref<16xi32, #tpu.memory_space<hbm>>
      tpu.wait_dma2 semaphore(%run_scoped3A_375 : memref<!tpu.dma_semaphore, #tpu.memory_space<semaphore_mem>>) src(%dma_wait3A_391 : memref<16xi32, #tpu.memory_space<hbm>>) dst(%dma_wait3A_390 : memref<16xi32, #tpu.memory_space<vmem>>)
      tpu.yield
    }) : () -> ()
    %add3A_41 = arith.constant 96 : i32
    %add3A_42 = arith.addi %mul3A_2, %add3A_41 : i32
    %run_scoped3A_43 = arith.constant 6 : i32
    "tpu.region"() ({
      %run_scoped3A_375 = tpu.sem_alloc : memref<!tpu.dma_semaphore, #tpu.memory_space<semaphore_mem>>
      %dma_start3A_376 = arith.constant 0 : i32
      %dma_start3A_377 = tpu.memref_slice %arg7[%run_scoped3A_43, %dma_start3A_376] : memref<8x16xi32, #tpu.memory_space<vmem>> -> memref<1x16xi32, #tpu.memory_space<vmem>>
      %dma_start3A_378 = tpu.memref_squeeze %dma_start3A_377 : memref<1x16xi32, #tpu.memory_space<vmem>> -> memref<16xi32, #tpu.memory_space<vmem>>
      %dma_start3A_379 = tpu.memref_slice %arg4[%add3A_42] : memref<4096xi32, #tpu.memory_space<hbm>> -> memref<16xi32, #tpu.memory_space<hbm>>
      %dma_start3A_380 = arith.constant 0 : i32
      %dma_start3A_381 = tpu.memref_slice %arg7[%run_scoped3A_43, %dma_start3A_380] : memref<8x16xi32, #tpu.memory_space<vmem>> -> memref<1x16xi32, #tpu.memory_space<vmem>>
      %dma_start3A_382 = tpu.memref_squeeze %dma_start3A_381 : memref<1x16xi32, #tpu.memory_space<vmem>> -> memref<16xi32, #tpu.memory_space<vmem>>
      %dma_start3A_383 = tpu.memref_slice %arg4[%add3A_42] : memref<4096xi32, #tpu.memory_space<hbm>> -> memref<16xi32, #tpu.memory_space<hbm>>
      tpu.enqueue_dma source(%dma_start3A_383 : memref<16xi32, #tpu.memory_space<hbm>>) target(%dma_start3A_382 : memref<16xi32, #tpu.memory_space<vmem>>) target_semaphore(%run_scoped3A_375 : memref<!tpu.dma_semaphore, #tpu.memory_space<semaphore_mem>>)
      %dma_wait3A_384 = arith.constant 0 : i32
      %dma_wait3A_385 = tpu.memref_slice %arg7[%run_scoped3A_43, %dma_wait3A_384] : memref<8x16xi32, #tpu.memory_space<vmem>> -> memref<1x16xi32, #tpu.memory_space<vmem>>
      %dma_wait3A_386 = tpu.memref_squeeze %dma_wait3A_385 : memref<1x16xi32, #tpu.memory_space<vmem>> -> memref<16xi32, #tpu.memory_space<vmem>>
      %dma_wait3A_387 = tpu.memref_slice %arg4[%add3A_42] : memref<4096xi32, #tpu.memory_space<hbm>> -> memref<16xi32, #tpu.memory_space<hbm>>
      %dma_wait3A_388 = arith.constant 0 : i32
      %dma_wait3A_389 = tpu.memref_slice %arg7[%run_scoped3A_43, %dma_wait3A_388] : memref<8x16xi32, #tpu.memory_space<vmem>> -> memref<1x16xi32, #tpu.memory_space<vmem>>
      %dma_wait3A_390 = tpu.memref_squeeze %dma_wait3A_389 : memref<1x16xi32, #tpu.memory_space<vmem>> -> memref<16xi32, #tpu.memory_space<vmem>>
      %dma_wait3A_391 = tpu.memref_slice %arg4[%add3A_42] : memref<4096xi32, #tpu.memory_space<hbm>> -> memref<16xi32, #tpu.memory_space<hbm>>
      tpu.wait_dma2 semaphore(%run_scoped3A_375 : memref<!tpu.dma_semaphore, #tpu.memory_space<semaphore_mem>>) src(%dma_wait3A_391 : memref<16xi32, #tpu.memory_space<hbm>>) dst(%dma_wait3A_390 : memref<16xi32, #tpu.memory_space<vmem>>)
      tpu.yield
    }) : () -> ()
    %add3A_44 = arith.constant 112 : i32
    %add3A_45 = arith.addi %mul3A_2, %add3A_44 : i32
    %run_scoped3A_46 = arith.constant 7 : i32
    "tpu.region"() ({
      %run_scoped3A_375 = tpu.sem_alloc : memref<!tpu.dma_semaphore, #tpu.memory_space<semaphore_mem>>
      %dma_start3A_376 = arith.constant 0 : i32
      %dma_start3A_377 = tpu.memref_slice %arg6[%run_scoped3A_46, %dma_start3A_376] : memref<8x16xi32, #tpu.memory_space<vmem>> -> memref<1x16xi32, #tpu.memory_space<vmem>>
      %dma_start3A_378 = tpu.memref_squeeze %dma_start3A_377 : memref<1x16xi32, #tpu.memory_space<vmem>> -> memref<16xi32, #tpu.memory_space<vmem>>
      %dma_start3A_379 = tpu.memref_slice %arg3[%add3A_45] : memref<4096xi32, #tpu.memory_space<hbm>> -> memref<16xi32, #tpu.memory_space<hbm>>
      %dma_start3A_380 = arith.constant 0 : i32
      %dma_start3A_381 = tpu.memref_slice %arg6[%run_scoped3A_46, %dma_start3A_380] : memref<8x16xi32, #tpu.memory_space<vmem>> -> memref<1x16xi32, #tpu.memory_space<vmem>>
      %dma_start3A_382 = tpu.memref_squeeze %dma_start3A_381 : memref<1x16xi32, #tpu.memory_space<vmem>> -> memref<16xi32, #tpu.memory_space<vmem>>
      %dma_start3A_383 = tpu.memref_slice %arg3[%add3A_45] : memref<4096xi32, #tpu.memory_space<hbm>> -> memref<16xi32, #tpu.memory_space<hbm>>
      tpu.enqueue_dma source(%dma_start3A_383 : memref<16xi32, #tpu.memory_space<hbm>>) target(%dma_start3A_382 : memref<16xi32, #tpu.memory_space<vmem>>) target_semaphore(%run_scoped3A_375 : memref<!tpu.dma_semaphore, #tpu.memory_space<semaphore_mem>>)
      %dma_wait3A_384 = arith.constant 0 : i32
      %dma_wait3A_385 = tpu.memref_slice %arg6[%run_scoped3A_46, %dma_wait3A_384] : memref<8x16xi32, #tpu.memory_space<vmem>> -> memref<1x16xi32, #tpu.memory_space<vmem>>
      %dma_wait3A_386 = tpu.memref_squeeze %dma_wait3A_385 : memref<1x16xi32, #tpu.memory_space<vmem>> -> memref<16xi32, #tpu.memory_space<vmem>>
      %dma_wait3A_387 = tpu.memref_slice %arg3[%add3A_45] : memref<4096xi32, #tpu.memory_space<hbm>> -> memref<16xi32, #tpu.memory_space<hbm>>
      %dma_wait3A_388 = arith.constant 0 : i32
      %dma_wait3A_389 = tpu.memref_slice %arg6[%run_scoped3A_46, %dma_wait3A_388] : memref<8x16xi32, #tpu.memory_space<vmem>> -> memref<1x16xi32, #tpu.memory_space<vmem>>
      %dma_wait3A_390 = tpu.memref_squeeze %dma_wait3A_389 : memref<1x16xi32, #tpu.memory_space<vmem>> -> memref<16xi32, #tpu.memory_space<vmem>>
      %dma_wait3A_391 = tpu.memref_slice %arg3[%add3A_45] : memref<4096xi32, #tpu.memory_space<hbm>> -> memref<16xi32, #tpu.memory_space<hbm>>
      tpu.wait_dma2 semaphore(%run_scoped3A_375 : memref<!tpu.dma_semaphore, #tpu.memory_space<semaphore_mem>>) src(%dma_wait3A_391 : memref<16xi32, #tpu.memory_space<hbm>>) dst(%dma_wait3A_390 : memref<16xi32, #tpu.memory_space<vmem>>)
      tpu.yield
    }) : () -> ()
    %add3A_47 = arith.constant 112 : i32
    %add3A_48 = arith.addi %mul3A_2, %add3A_47 : i32
    %run_scoped3A_49 = arith.constant 7 : i32
    "tpu.region"() ({
      %run_scoped3A_375 = tpu.sem_alloc : memref<!tpu.dma_semaphore, #tpu.memory_space<semaphore_mem>>
      %dma_start3A_376 = arith.constant 0 : i32
      %dma_start3A_377 = tpu.memref_slice %arg7[%run_scoped3A_49, %dma_start3A_376] : memref<8x16xi32, #tpu.memory_space<vmem>> -> memref<1x16xi32, #tpu.memory_space<vmem>>
      %dma_start3A_378 = tpu.memref_squeeze %dma_start3A_377 : memref<1x16xi32, #tpu.memory_space<vmem>> -> memref<16xi32, #tpu.memory_space<vmem>>
      %dma_start3A_379 = tpu.memref_slice %arg4[%add3A_48] : memref<4096xi32, #tpu.memory_space<hbm>> -> memref<16xi32, #tpu.memory_space<hbm>>
      %dma_start3A_380 = arith.constant 0 : i32
      %dma_start3A_381 = tpu.memref_slice %arg7[%run_scoped3A_49, %dma_start3A_380] : memref<8x16xi32, #tpu.memory_space<vmem>> -> memref<1x16xi32, #tpu.memory_space<vmem>>
      %dma_start3A_382 = tpu.memref_squeeze %dma_start3A_381 : memref<1x16xi32, #tpu.memory_space<vmem>> -> memref<16xi32, #tpu.memory_space<vmem>>
      %dma_start3A_383 = tpu.memref_slice %arg4[%add3A_48] : memref<4096xi32, #tpu.memory_space<hbm>> -> memref<16xi32, #tpu.memory_space<hbm>>
      tpu.enqueue_dma source(%dma_start3A_383 : memref<16xi32, #tpu.memory_space<hbm>>) target(%dma_start3A_382 : memref<16xi32, #tpu.memory_space<vmem>>) target_semaphore(%run_scoped3A_375 : memref<!tpu.dma_semaphore, #tpu.memory_space<semaphore_mem>>)
      %dma_wait3A_384 = arith.constant 0 : i32
      %dma_wait3A_385 = tpu.memref_slice %arg7[%run_scoped3A_49, %dma_wait3A_384] : memref<8x16xi32, #tpu.memory_space<vmem>> -> memref<1x16xi32, #tpu.memory_space<vmem>>
      %dma_wait3A_386 = tpu.memref_squeeze %dma_wait3A_385 : memref<1x16xi32, #tpu.memory_space<vmem>> -> memref<16xi32, #tpu.memory_space<vmem>>
      %dma_wait3A_387 = tpu.memref_slice %arg4[%add3A_48] : memref<4096xi32, #tpu.memory_space<hbm>> -> memref<16xi32, #tpu.memory_space<hbm>>
      %dma_wait3A_388 = arith.constant 0 : i32
      %dma_wait3A_389 = tpu.memref_slice %arg7[%run_scoped3A_49, %dma_wait3A_388] : memref<8x16xi32, #tpu.memory_space<vmem>> -> memref<1x16xi32, #tpu.memory_space<vmem>>
      %dma_wait3A_390 = tpu.memref_squeeze %dma_wait3A_389 : memref<1x16xi32, #tpu.memory_space<vmem>> -> memref<16xi32, #tpu.memory_space<vmem>>
      %dma_wait3A_391 = tpu.memref_slice %arg4[%add3A_48] : memref<4096xi32, #tpu.memory_space<hbm>> -> memref<16xi32, #tpu.memory_space<hbm>>
      tpu.wait_dma2 semaphore(%run_scoped3A_375 : memref<!tpu.dma_semaphore, #tpu.memory_space<semaphore_mem>>) src(%dma_wait3A_391 : memref<16xi32, #tpu.memory_space<hbm>>) dst(%dma_wait3A_390 : memref<16xi32, #tpu.memory_space<vmem>>)
      tpu.yield
    }) : () -> ()
    %dma_start3A = arith.constant 0 : i32
    %dma_start3A_50 = arith.constant 0 : i32
    %dma_start3A_51 = tpu.memref_slice %arg6[%dma_start3A, %dma_start3A_50] : memref<8x16xi32, #tpu.memory_space<vmem>> -> memref<1x16xi32, #tpu.memory_space<vmem>>
    %dma_start3A_52 = tpu.memref_squeeze %dma_start3A_51 : memref<1x16xi32, #tpu.memory_space<vmem>> -> memref<16xi32, #tpu.memory_space<vmem>>
    %dma_start3A_53 = arith.constant 0 : i32
    %dma_start3A_54 = arith.constant 0 : i32
    %dma_start3A_55 = tpu.memref_slice %arg2[%dma_start3A_53, %dma_start3A_54] : memref<8192x1024xf32, #tpu.memory_space<hbm>> -> memref<8192x1024xf32, #tpu.memory_space<hbm>>
    tpu.enqueue_indirect_dma source(%dma_start3A_55 : memref<8192x1024xf32, #tpu.memory_space<hbm>>) target(%arg8 : memref<16x1024xf32, #tpu.memory_space<vmem>>) offsets(%dma_start3A_52 : memref<16xi32, #tpu.memory_space<vmem>>) semaphore(%arg14 : memref<!tpu.dma_semaphore, #tpu.memory_space<semaphore_mem>>)
    %dma_start3A_56 = arith.constant 0 : i32
    %dma_start3A_57 = arith.constant 0 : i32
    %dma_start3A_58 = tpu.memref_slice %arg7[%dma_start3A_56, %dma_start3A_57] : memref<8x16xi32, #tpu.memory_space<vmem>> -> memref<1x16xi32, #tpu.memory_space<vmem>>
    %dma_start3A_59 = tpu.memref_squeeze %dma_start3A_58 : memref<1x16xi32, #tpu.memory_space<vmem>> -> memref<16xi32, #tpu.memory_space<vmem>>
    %dma_start3A_60 = arith.constant 0 : i32
    %dma_start3A_61 = arith.constant 0 : i32
    %dma_start3A_62 = tpu.memref_slice %arg2[%dma_start3A_60, %dma_start3A_61] : memref<8192x1024xf32, #tpu.memory_space<hbm>> -> memref<8192x1024xf32, #tpu.memory_space<hbm>>
    tpu.enqueue_indirect_dma source(%dma_start3A_62 : memref<8192x1024xf32, #tpu.memory_space<hbm>>) target(%arg10 : memref<16x1024xf32, #tpu.memory_space<vmem>>) offsets(%dma_start3A_59 : memref<16xi32, #tpu.memory_space<vmem>>) semaphore(%arg14 : memref<!tpu.dma_semaphore, #tpu.memory_space<semaphore_mem>>)
    %dma_start3A_63 = arith.constant 1 : i32
    %dma_start3A_64 = arith.constant 0 : i32
    %dma_start3A_65 = tpu.memref_slice %arg6[%dma_start3A_63, %dma_start3A_64] : memref<8x16xi32, #tpu.memory_space<vmem>> -> memref<1x16xi32, #tpu.memory_space<vmem>>
    %dma_start3A_66 = tpu.memref_squeeze %dma_start3A_65 : memref<1x16xi32, #tpu.memory_space<vmem>> -> memref<16xi32, #tpu.memory_space<vmem>>
    %dma_start3A_67 = arith.constant 0 : i32
    %dma_start3A_68 = arith.constant 0 : i32
    %dma_start3A_69 = tpu.memref_slice %arg2[%dma_start3A_67, %dma_start3A_68] : memref<8192x1024xf32, #tpu.memory_space<hbm>> -> memref<8192x1024xf32, #tpu.memory_space<hbm>>
    tpu.enqueue_indirect_dma source(%dma_start3A_69 : memref<8192x1024xf32, #tpu.memory_space<hbm>>) target(%arg9 : memref<16x1024xf32, #tpu.memory_space<vmem>>) offsets(%dma_start3A_66 : memref<16xi32, #tpu.memory_space<vmem>>) semaphore(%arg14 : memref<!tpu.dma_semaphore, #tpu.memory_space<semaphore_mem>>)
    %dma_start3A_70 = arith.constant 1 : i32
    %dma_start3A_71 = arith.constant 0 : i32
    %dma_start3A_72 = tpu.memref_slice %arg7[%dma_start3A_70, %dma_start3A_71] : memref<8x16xi32, #tpu.memory_space<vmem>> -> memref<1x16xi32, #tpu.memory_space<vmem>>
    %dma_start3A_73 = tpu.memref_squeeze %dma_start3A_72 : memref<1x16xi32, #tpu.memory_space<vmem>> -> memref<16xi32, #tpu.memory_space<vmem>>
    %dma_start3A_74 = arith.constant 0 : i32
    %dma_start3A_75 = arith.constant 0 : i32
    %dma_start3A_76 = tpu.memref_slice %arg2[%dma_start3A_74, %dma_start3A_75] : memref<8192x1024xf32, #tpu.memory_space<hbm>> -> memref<8192x1024xf32, #tpu.memory_space<hbm>>
    tpu.enqueue_indirect_dma source(%dma_start3A_76 : memref<8192x1024xf32, #tpu.memory_space<hbm>>) target(%arg11 : memref<16x1024xf32, #tpu.memory_space<vmem>>) offsets(%dma_start3A_73 : memref<16xi32, #tpu.memory_space<vmem>>) semaphore(%arg14 : memref<!tpu.dma_semaphore, #tpu.memory_space<semaphore_mem>>)
    %dma_wait3A = arith.constant 0 : i32
    %dma_wait3A_77 = arith.constant 0 : i32
    %dma_wait3A_78 = tpu.memref_slice %arg6[%dma_wait3A, %dma_wait3A_77] : memref<8x16xi32, #tpu.memory_space<vmem>> -> memref<1x16xi32, #tpu.memory_space<vmem>>
    %dma_wait3A_79 = tpu.memref_squeeze %dma_wait3A_78 : memref<1x16xi32, #tpu.memory_space<vmem>> -> memref<16xi32, #tpu.memory_space<vmem>>
    %dma_wait3A_80 = arith.constant 0 : i32
    %dma_wait3A_81 = arith.constant 0 : i32
    %dma_wait3A_82 = tpu.memref_slice %arg2[%dma_wait3A_80, %dma_wait3A_81] : memref<8192x1024xf32, #tpu.memory_space<hbm>> -> memref<8192x1024xf32, #tpu.memory_space<hbm>>
    tpu.wait_indirect_dma semaphore(%arg14 : memref<!tpu.dma_semaphore, #tpu.memory_space<semaphore_mem>>) src(%dma_wait3A_82 : memref<8192x1024xf32, #tpu.memory_space<hbm>>) dst(%arg8 : memref<16x1024xf32, #tpu.memory_space<vmem>>)
    %dma_wait3A_83 = arith.constant 0 : i32
    %dma_wait3A_84 = arith.constant 0 : i32
    %dma_wait3A_85 = tpu.memref_slice %arg7[%dma_wait3A_83, %dma_wait3A_84] : memref<8x16xi32, #tpu.memory_space<vmem>> -> memref<1x16xi32, #tpu.memory_space<vmem>>
    %dma_wait3A_86 = tpu.memref_squeeze %dma_wait3A_85 : memref<1x16xi32, #tpu.memory_space<vmem>> -> memref<16xi32, #tpu.memory_space<vmem>>
    %dma_wait3A_87 = arith.constant 0 : i32
    %dma_wait3A_88 = arith.constant 0 : i32
    %dma_wait3A_89 = tpu.memref_slice %arg2[%dma_wait3A_87, %dma_wait3A_88] : memref<8192x1024xf32, #tpu.memory_space<hbm>> -> memref<8192x1024xf32, #tpu.memory_space<hbm>>
    tpu.wait_indirect_dma semaphore(%arg14 : memref<!tpu.dma_semaphore, #tpu.memory_space<semaphore_mem>>) src(%dma_wait3A_89 : memref<8192x1024xf32, #tpu.memory_space<hbm>>) dst(%arg10 : memref<16x1024xf32, #tpu.memory_space<vmem>>)
    %parallel_loop3A = arith.constant 0 : i32
    %parallel_loop3A_90 = arith.constant 1024 : i32
    %parallel_loop3A_91 = arith.constant 1 : i32
    scf.for %parallel_loop3A_375 = %parallel_loop3A to %parallel_loop3A_90 step %parallel_loop3A_91  : i32 {
      %parallel_loop3A_376 = arith.constant 64 : i32
      %parallel_loop3A_377 = arith.divsi %parallel_loop3A_375, %parallel_loop3A_376 : i32
      %parallel_loop3A_378 = arith.constant 0 : i32
      %parallel_loop3A_379 = arith.cmpi sgt, %parallel_loop3A_375, %parallel_loop3A_378 : i32
      %parallel_loop3A_380 = arith.extui %parallel_loop3A_379 : i1 to i32
      %parallel_loop3A_381 = arith.constant 0 : i32
      %parallel_loop3A_382 = arith.cmpi slt, %parallel_loop3A_375, %parallel_loop3A_381 : i32
      %parallel_loop3A_383 = arith.extui %parallel_loop3A_382 : i1 to i32
      %parallel_loop3A_384 = arith.subi %parallel_loop3A_380, %parallel_loop3A_383 : i32
      %parallel_loop3A_385 = arith.constant 0 : i32
      %parallel_loop3A_386 = arith.cmpi sgt, %parallel_loop3A_376, %parallel_loop3A_385 : i32
      %parallel_loop3A_387 = arith.extui %parallel_loop3A_386 : i1 to i32
      %parallel_loop3A_388 = arith.constant 0 : i32
      %parallel_loop3A_389 = arith.cmpi slt, %parallel_loop3A_376, %parallel_loop3A_388 : i32
      %parallel_loop3A_390 = arith.extui %parallel_loop3A_389 : i1 to i32
      %parallel_loop3A_391 = arith.subi %parallel_loop3A_387, %parallel_loop3A_390 : i32
      %parallel_loop3A_392 = arith.cmpi ne, %parallel_loop3A_384, %parallel_loop3A_391 : i32
      %parallel_loop3A_393 = arith.remsi %parallel_loop3A_375, %parallel_loop3A_376 : i32
      %parallel_loop3A_394 = arith.constant 0 : i32
      %parallel_loop3A_395 = arith.cmpi ne, %parallel_loop3A_393, %parallel_loop3A_394 : i32
      %parallel_loop3A_396 = arith.andi %parallel_loop3A_392, %parallel_loop3A_395 : i1
      %parallel_loop3A_397 = arith.constant 1 : i32
      %parallel_loop3A_398 = arith.subi %parallel_loop3A_377, %parallel_loop3A_397 : i32
      %parallel_loop3A_399 = arith.select %parallel_loop3A_396, %parallel_loop3A_398, %parallel_loop3A_377 : i32
      %parallel_loop3A_400 = arith.constant 64 : i32
      %parallel_loop3A_401 = arith.constant 0 : i32
      %parallel_loop3A_402 = arith.cmpi eq, %parallel_loop3A_400, %parallel_loop3A_401 : i32
      %parallel_loop3A_403 = arith.constant 1 : i32
      %parallel_loop3A_404 = arith.select %parallel_loop3A_402, %parallel_loop3A_403, %parallel_loop3A_400 : i32
      %parallel_loop3A_405 = arith.remsi %parallel_loop3A_375, %parallel_loop3A_404 : i32
      %parallel_loop3A_406 = arith.constant 0 : i32
      %parallel_loop3A_407 = arith.cmpi ne, %parallel_loop3A_405, %parallel_loop3A_406 : i32
      %parallel_loop3A_408 = arith.constant 0 : i32
      %parallel_loop3A_409 = arith.cmpi slt, %parallel_loop3A_405, %parallel_loop3A_408 : i32
      %parallel_loop3A_410 = arith.constant 0 : i32
      %parallel_loop3A_411 = arith.cmpi slt, %parallel_loop3A_404, %parallel_loop3A_410 : i32
      %parallel_loop3A_412 = arith.xori %parallel_loop3A_409, %parallel_loop3A_411 : i1
      %parallel_loop3A_413 = arith.andi %parallel_loop3A_412, %parallel_loop3A_407 : i1
      %parallel_loop3A_414 = arith.addi %parallel_loop3A_405, %parallel_loop3A_404 : i32
      %parallel_loop3A_415 = arith.select %parallel_loop3A_413, %parallel_loop3A_414, %parallel_loop3A_405 : i32
      %parallel_loop3A_416 = arith.constant 16 : i32
      %parallel_loop3A_417 = arith.muli %parallel_loop3A_415, %parallel_loop3A_416 : i32
      %parallel_loop3A_418 = arith.index_cast %parallel_loop3A_399 : i32 to index
      %parallel_loop3A_419 = arith.index_cast %parallel_loop3A_417 : i32 to index
      %parallel_loop3A_420 = tpu.vector_load %arg8[%parallel_loop3A_418, %parallel_loop3A_419] {strides = array<i32>} : memref<16x1024xf32, #tpu.memory_space<vmem>>, vector<1x16xf32>,
      %parallel_loop3A_421 = vector.shape_cast %parallel_loop3A_420 : vector<1x16xf32> to vector<16xf32>
      %parallel_loop3A_422 = arith.index_cast %parallel_loop3A_399 : i32 to index
      %parallel_loop3A_423 = arith.index_cast %parallel_loop3A_417 : i32 to index
      %parallel_loop3A_424 = tpu.vector_load %arg10[%parallel_loop3A_422, %parallel_loop3A_423] {strides = array<i32>} : memref<16x1024xf32, #tpu.memory_space<vmem>>, vector<1x16xf32>,
      %parallel_loop3A_425 = vector.shape_cast %parallel_loop3A_424 : vector<1x16xf32> to vector<16xf32>
      %parallel_loop3A_426 = arith.addf %parallel_loop3A_421, %parallel_loop3A_425 : vector<16xf32>
      %parallel_loop3A_427 = arith.index_cast %parallel_loop3A_399 : i32 to index
      %parallel_loop3A_428 = arith.index_cast %parallel_loop3A_417 : i32 to index
      %parallel_loop3A_429 = tpu.vector_load %arg12[%parallel_loop3A_427, %parallel_loop3A_428] {strides = array<i32>} : memref<16x1024xf32, #tpu.memory_space<vmem>>, vector<1x16xf32>,
      %parallel_loop3A_430 = vector.shape_cast %parallel_loop3A_429 : vector<1x16xf32> to vector<16xf32>
      %parallel_loop3A_431 = vector.shape_cast %parallel_loop3A_426 : vector<16xf32> to vector<1x16xf32>
      tpu.vector_store %arg12[%parallel_loop3A_427, %parallel_loop3A_428], %parallel_loop3A_431 {strides = array<i32>} : memref<16x1024xf32, #tpu.memory_space<vmem>>, vector<1x16xf32>,
    } {sc.loop_unroll_factor = 8 : i64, sc.parallel_access}
    %add3A_92 = arith.constant 0 : i32
    %add3A_93 = arith.addi %mul3A_2, %add3A_92 : i32
    %dma_start3A_94 = arith.constant 0 : i32
    %dma_start3A_95 = tpu.memref_slice %arg5[%add3A_93, %dma_start3A_94] : memref<4096x1024xf32, #tpu.memory_space<hbm>> -> memref<16x1024xf32, #tpu.memory_space<hbm>>
    %dma_start3A_96 = arith.constant 0 : i32
    %dma_start3A_97 = tpu.memref_slice %arg5[%add3A_93, %dma_start3A_96] : memref<4096x1024xf32, #tpu.memory_space<hbm>> -> memref<16x1024xf32, #tpu.memory_space<hbm>>
    tpu.enqueue_dma source(%arg12 : memref<16x1024xf32, #tpu.memory_space<vmem>>) target(%dma_start3A_97 : memref<16x1024xf32, #tpu.memory_space<hbm>>) target_semaphore(%arg15 : memref<!tpu.dma_semaphore, #tpu.memory_space<semaphore_mem>>)
    %dma_start3A_98 = arith.constant 2 : i32
    %dma_start3A_99 = arith.constant 0 : i32
    %dma_start3A_100 = tpu.memref_slice %arg6[%dma_start3A_98, %dma_start3A_99] : memref<8x16xi32, #tpu.memory_space<vmem>> -> memref<1x16xi32, #tpu.memory_space<vmem>>
    %dma_start3A_101 = tpu.memref_squeeze %dma_start3A_100 : memref<1x16xi32, #tpu.memory_space<vmem>> -> memref<16xi32, #tpu.memory_space<vmem>>
    %dma_start3A_102 = arith.constant 0 : i32
    %dma_start3A_103 = arith.constant 0 : i32
    %dma_start3A_104 = tpu.memref_slice %arg2[%dma_start3A_102, %dma_start3A_103] : memref<8192x1024xf32, #tpu.memory_space<hbm>> -> memref<8192x1024xf32, #tpu.memory_space<hbm>>
    tpu.enqueue_indirect_dma source(%dma_start3A_104 : memref<8192x1024xf32, #tpu.memory_space<hbm>>) target(%arg8 : memref<16x1024xf32, #tpu.memory_space<vmem>>) offsets(%dma_start3A_101 : memref<16xi32, #tpu.memory_space<vmem>>) semaphore(%arg14 : memref<!tpu.dma_semaphore, #tpu.memory_space<semaphore_mem>>)
    %dma_start3A_105 = arith.constant 2 : i32
    %dma_start3A_106 = arith.constant 0 : i32
    %dma_start3A_107 = tpu.memref_slice %arg7[%dma_start3A_105, %dma_start3A_106] : memref<8x16xi32, #tpu.memory_space<vmem>> -> memref<1x16xi32, #tpu.memory_space<vmem>>
    %dma_start3A_108 = tpu.memref_squeeze %dma_start3A_107 : memref<1x16xi32, #tpu.memory_space<vmem>> -> memref<16xi32, #tpu.memory_space<vmem>>
    %dma_start3A_109 = arith.constant 0 : i32
    %dma_start3A_110 = arith.constant 0 : i32
    %dma_start3A_111 = tpu.memref_slice %arg2[%dma_start3A_109, %dma_start3A_110] : memref<8192x1024xf32, #tpu.memory_space<hbm>> -> memref<8192x1024xf32, #tpu.memory_space<hbm>>
    tpu.enqueue_indirect_dma source(%dma_start3A_111 : memref<8192x1024xf32, #tpu.memory_space<hbm>>) target(%arg10 : memref<16x1024xf32, #tpu.memory_space<vmem>>) offsets(%dma_start3A_108 : memref<16xi32, #tpu.memory_space<vmem>>) semaphore(%arg14 : memref<!tpu.dma_semaphore, #tpu.memory_space<semaphore_mem>>)
    %dma_wait3A_112 = arith.constant 1 : i32
    %dma_wait3A_113 = arith.constant 0 : i32
    %dma_wait3A_114 = tpu.memref_slice %arg6[%dma_wait3A_112, %dma_wait3A_113] : memref<8x16xi32, #tpu.memory_space<vmem>> -> memref<1x16xi32, #tpu.memory_space<vmem>>
    %dma_wait3A_115 = tpu.memref_squeeze %dma_wait3A_114 : memref<1x16xi32, #tpu.memory_space<vmem>> -> memref<16xi32, #tpu.memory_space<vmem>>
    %dma_wait3A_116 = arith.constant 0 : i32
    %dma_wait3A_117 = arith.constant 0 : i32
    %dma_wait3A_118 = tpu.memref_slice %arg2[%dma_wait3A_116, %dma_wait3A_117] : memref<8192x1024xf32, #tpu.memory_space<hbm>> -> memref<8192x1024xf32, #tpu.memory_space<hbm>>
    tpu.wait_indirect_dma semaphore(%arg14 : memref<!tpu.dma_semaphore, #tpu.memory_space<semaphore_mem>>) src(%dma_wait3A_118 : memref<8192x1024xf32, #tpu.memory_space<hbm>>) dst(%arg9 : memref<16x1024xf32, #tpu.memory_space<vmem>>)
    %dma_wait3A_119 = arith.constant 1 : i32
    %dma_wait3A_120 = arith.constant 0 : i32
    %dma_wait3A_121 = tpu.memref_slice %arg7[%dma_wait3A_119, %dma_wait3A_120] : memref<8x16xi32, #tpu.memory_space<vmem>> -> memref<1x16xi32, #tpu.memory_space<vmem>>
    %dma_wait3A_122 = tpu.memref_squeeze %dma_wait3A_121 : memref<1x16xi32, #tpu.memory_space<vmem>> -> memref<16xi32, #tpu.memory_space<vmem>>
    %dma_wait3A_123 = arith.constant 0 : i32
    %dma_wait3A_124 = arith.constant 0 : i32
    %dma_wait3A_125 = tpu.memref_slice %arg2[%dma_wait3A_123, %dma_wait3A_124] : memref<8192x1024xf32, #tpu.memory_space<hbm>> -> memref<8192x1024xf32, #tpu.memory_space<hbm>>
    tpu.wait_indirect_dma semaphore(%arg14 : memref<!tpu.dma_semaphore, #tpu.memory_space<semaphore_mem>>) src(%dma_wait3A_125 : memref<8192x1024xf32, #tpu.memory_space<hbm>>) dst(%arg11 : memref<16x1024xf32, #tpu.memory_space<vmem>>)
    %parallel_loop3A_126 = arith.constant 0 : i32
    %parallel_loop3A_127 = arith.constant 1024 : i32
    %parallel_loop3A_128 = arith.constant 1 : i32
    scf.for %parallel_loop3A_375 = %parallel_loop3A_126 to %parallel_loop3A_127 step %parallel_loop3A_128  : i32 {
      %parallel_loop3A_376 = arith.constant 64 : i32
      %parallel_loop3A_377 = arith.divsi %parallel_loop3A_375, %parallel_loop3A_376 : i32
      %parallel_loop3A_378 = arith.constant 0 : i32
      %parallel_loop3A_379 = arith.cmpi sgt, %parallel_loop3A_375, %parallel_loop3A_378 : i32
      %parallel_loop3A_380 = arith.extui %parallel_loop3A_379 : i1 to i32
      %parallel_loop3A_381 = arith.constant 0 : i32
      %parallel_loop3A_382 = arith.cmpi slt, %parallel_loop3A_375, %parallel_loop3A_381 : i32
      %parallel_loop3A_383 = arith.extui %parallel_loop3A_382 : i1 to i32
      %parallel_loop3A_384 = arith.subi %parallel_loop3A_380, %parallel_loop3A_383 : i32
      %parallel_loop3A_385 = arith.constant 0 : i32
      %parallel_loop3A_386 = arith.cmpi sgt, %parallel_loop3A_376, %parallel_loop3A_385 : i32
      %parallel_loop3A_387 = arith.extui %parallel_loop3A_386 : i1 to i32
      %parallel_loop3A_388 = arith.constant 0 : i32
      %parallel_loop3A_389 = arith.cmpi slt, %parallel_loop3A_376, %parallel_loop3A_388 : i32
      %parallel_loop3A_390 = arith.extui %parallel_loop3A_389 : i1 to i32
      %parallel_loop3A_391 = arith.subi %parallel_loop3A_387, %parallel_loop3A_390 : i32
      %parallel_loop3A_392 = arith.cmpi ne, %parallel_loop3A_384, %parallel_loop3A_391 : i32
      %parallel_loop3A_393 = arith.remsi %parallel_loop3A_375, %parallel_loop3A_376 : i32
      %parallel_loop3A_394 = arith.constant 0 : i32
      %parallel_loop3A_395 = arith.cmpi ne, %parallel_loop3A_393, %parallel_loop3A_394 : i32
      %parallel_loop3A_396 = arith.andi %parallel_loop3A_392, %parallel_loop3A_395 : i1
      %parallel_loop3A_397 = arith.constant 1 : i32
      %parallel_loop3A_398 = arith.subi %parallel_loop3A_377, %parallel_loop3A_397 : i32
      %parallel_loop3A_399 = arith.select %parallel_loop3A_396, %parallel_loop3A_398, %parallel_loop3A_377 : i32
      %parallel_loop3A_400 = arith.constant 64 : i32
      %parallel_loop3A_401 = arith.constant 0 : i32
      %parallel_loop3A_402 = arith.cmpi eq, %parallel_loop3A_400, %parallel_loop3A_401 : i32
      %parallel_loop3A_403 = arith.constant 1 : i32
      %parallel_loop3A_404 = arith.select %parallel_loop3A_402, %parallel_loop3A_403, %parallel_loop3A_400 : i32
      %parallel_loop3A_405 = arith.remsi %parallel_loop3A_375, %parallel_loop3A_404 : i32
      %parallel_loop3A_406 = arith.constant 0 : i32
      %parallel_loop3A_407 = arith.cmpi ne, %parallel_loop3A_405, %parallel_loop3A_406 : i32
      %parallel_loop3A_408 = arith.constant 0 : i32
      %parallel_loop3A_409 = arith.cmpi slt, %parallel_loop3A_405, %parallel_loop3A_408 : i32
      %parallel_loop3A_410 = arith.constant 0 : i32
      %parallel_loop3A_411 = arith.cmpi slt, %parallel_loop3A_404, %parallel_loop3A_410 : i32
      %parallel_loop3A_412 = arith.xori %parallel_loop3A_409, %parallel_loop3A_411 : i1
      %parallel_loop3A_413 = arith.andi %parallel_loop3A_412, %parallel_loop3A_407 : i1
      %parallel_loop3A_414 = arith.addi %parallel_loop3A_405, %parallel_loop3A_404 : i32
      %parallel_loop3A_415 = arith.select %parallel_loop3A_413, %parallel_loop3A_414, %parallel_loop3A_405 : i32
      %parallel_loop3A_416 = arith.constant 16 : i32
      %parallel_loop3A_417 = arith.muli %parallel_loop3A_415, %parallel_loop3A_416 : i32
      %parallel_loop3A_418 = arith.index_cast %parallel_loop3A_399 : i32 to index
      %parallel_loop3A_419 = arith.index_cast %parallel_loop3A_417 : i32 to index
      %parallel_loop3A_420 = tpu.vector_load %arg9[%parallel_loop3A_418, %parallel_loop3A_419] {strides = array<i32>} : memref<16x1024xf32, #tpu.memory_space<vmem>>, vector<1x16xf32>,
      %parallel_loop3A_421 = vector.shape_cast %parallel_loop3A_420 : vector<1x16xf32> to vector<16xf32>
      %parallel_loop3A_422 = arith.index_cast %parallel_loop3A_399 : i32 to index
      %parallel_loop3A_423 = arith.index_cast %parallel_loop3A_417 : i32 to index
      %parallel_loop3A_424 = tpu.vector_load %arg11[%parallel_loop3A_422, %parallel_loop3A_423] {strides = array<i32>} : memref<16x1024xf32, #tpu.memory_space<vmem>>, vector<1x16xf32>,
      %parallel_loop3A_425 = vector.shape_cast %parallel_loop3A_424 : vector<1x16xf32> to vector<16xf32>
      %parallel_loop3A_426 = arith.addf %parallel_loop3A_421, %parallel_loop3A_425 : vector<16xf32>
      %parallel_loop3A_427 = arith.index_cast %parallel_loop3A_399 : i32 to index
      %parallel_loop3A_428 = arith.index_cast %parallel_loop3A_417 : i32 to index
      %parallel_loop3A_429 = tpu.vector_load %arg13[%parallel_loop3A_427, %parallel_loop3A_428] {strides = array<i32>} : memref<16x1024xf32, #tpu.memory_space<vmem>>, vector<1x16xf32>,
      %parallel_loop3A_430 = vector.shape_cast %parallel_loop3A_429 : vector<1x16xf32> to vector<16xf32>
      %parallel_loop3A_431 = vector.shape_cast %parallel_loop3A_426 : vector<16xf32> to vector<1x16xf32>
      tpu.vector_store %arg13[%parallel_loop3A_427, %parallel_loop3A_428], %parallel_loop3A_431 {strides = array<i32>} : memref<16x1024xf32, #tpu.memory_space<vmem>>, vector<1x16xf32>,
    } {sc.loop_unroll_factor = 8 : i64, sc.parallel_access}
    %add3A_129 = arith.constant 16 : i32
    %add3A_130 = arith.addi %mul3A_2, %add3A_129 : i32
    %dma_start3A_131 = arith.constant 0 : i32
    %dma_start3A_132 = tpu.memref_slice %arg5[%add3A_130, %dma_start3A_131] : memref<4096x1024xf32, #tpu.memory_space<hbm>> -> memref<16x1024xf32, #tpu.memory_space<hbm>>
    %dma_start3A_133 = arith.constant 0 : i32
    %dma_start3A_134 = tpu.memref_slice %arg5[%add3A_130, %dma_start3A_133] : memref<4096x1024xf32, #tpu.memory_space<hbm>> -> memref<16x1024xf32, #tpu.memory_space<hbm>>
    tpu.enqueue_dma source(%arg13 : memref<16x1024xf32, #tpu.memory_space<vmem>>) target(%dma_start3A_134 : memref<16x1024xf32, #tpu.memory_space<hbm>>) target_semaphore(%arg15 : memref<!tpu.dma_semaphore, #tpu.memory_space<semaphore_mem>>)
    %dma_start3A_135 = arith.constant 3 : i32
    %dma_start3A_136 = arith.constant 0 : i32
    %dma_start3A_137 = tpu.memref_slice %arg6[%dma_start3A_135, %dma_start3A_136] : memref<8x16xi32, #tpu.memory_space<vmem>> -> memref<1x16xi32, #tpu.memory_space<vmem>>
    %dma_start3A_138 = tpu.memref_squeeze %dma_start3A_137 : memref<1x16xi32, #tpu.memory_space<vmem>> -> memref<16xi32, #tpu.memory_space<vmem>>
    %dma_start3A_139 = arith.constant 0 : i32
    %dma_start3A_140 = arith.constant 0 : i32
    %dma_start3A_141 = tpu.memref_slice %arg2[%dma_start3A_139, %dma_start3A_140] : memref<8192x1024xf32, #tpu.memory_space<hbm>> -> memref<8192x1024xf32, #tpu.memory_space<hbm>>
    tpu.enqueue_indirect_dma source(%dma_start3A_141 : memref<8192x1024xf32, #tpu.memory_space<hbm>>) target(%arg9 : memref<16x1024xf32, #tpu.memory_space<vmem>>) offsets(%dma_start3A_138 : memref<16xi32, #tpu.memory_space<vmem>>) semaphore(%arg14 : memref<!tpu.dma_semaphore, #tpu.memory_space<semaphore_mem>>)
    %dma_start3A_142 = arith.constant 3 : i32
    %dma_start3A_143 = arith.constant 0 : i32
    %dma_start3A_144 = tpu.memref_slice %arg7[%dma_start3A_142, %dma_start3A_143] : memref<8x16xi32, #tpu.memory_space<vmem>> -> memref<1x16xi32, #tpu.memory_space<vmem>>
    %dma_start3A_145 = tpu.memref_squeeze %dma_start3A_144 : memref<1x16xi32, #tpu.memory_space<vmem>> -> memref<16xi32, #tpu.memory_space<vmem>>
    %dma_start3A_146 = arith.constant 0 : i32
    %dma_start3A_147 = arith.constant 0 : i32
    %dma_start3A_148 = tpu.memref_slice %arg2[%dma_start3A_146, %dma_start3A_147] : memref<8192x1024xf32, #tpu.memory_space<hbm>> -> memref<8192x1024xf32, #tpu.memory_space<hbm>>
    tpu.enqueue_indirect_dma source(%dma_start3A_148 : memref<8192x1024xf32, #tpu.memory_space<hbm>>) target(%arg11 : memref<16x1024xf32, #tpu.memory_space<vmem>>) offsets(%dma_start3A_145 : memref<16xi32, #tpu.memory_space<vmem>>) semaphore(%arg14 : memref<!tpu.dma_semaphore, #tpu.memory_space<semaphore_mem>>)
    %dma_wait3A_149 = arith.constant 2 : i32
    %dma_wait3A_150 = arith.constant 0 : i32
    %dma_wait3A_151 = tpu.memref_slice %arg6[%dma_wait3A_149, %dma_wait3A_150] : memref<8x16xi32, #tpu.memory_space<vmem>> -> memref<1x16xi32, #tpu.memory_space<vmem>>
    %dma_wait3A_152 = tpu.memref_squeeze %dma_wait3A_151 : memref<1x16xi32, #tpu.memory_space<vmem>> -> memref<16xi32, #tpu.memory_space<vmem>>
    %dma_wait3A_153 = arith.constant 0 : i32
    %dma_wait3A_154 = arith.constant 0 : i32
    %dma_wait3A_155 = tpu.memref_slice %arg2[%dma_wait3A_153, %dma_wait3A_154] : memref<8192x1024xf32, #tpu.memory_space<hbm>> -> memref<8192x1024xf32, #tpu.memory_space<hbm>>
    tpu.wait_indirect_dma semaphore(%arg14 : memref<!tpu.dma_semaphore, #tpu.memory_space<semaphore_mem>>) src(%dma_wait3A_155 : memref<8192x1024xf32, #tpu.memory_space<hbm>>) dst(%arg8 : memref<16x1024xf32, #tpu.memory_space<vmem>>)
    %dma_wait3A_156 = arith.constant 2 : i32
    %dma_wait3A_157 = arith.constant 0 : i32
    %dma_wait3A_158 = tpu.memref_slice %arg7[%dma_wait3A_156, %dma_wait3A_157] : memref<8x16xi32, #tpu.memory_space<vmem>> -> memref<1x16xi32, #tpu.memory_space<vmem>>
    %dma_wait3A_159 = tpu.memref_squeeze %dma_wait3A_158 : memref<1x16xi32, #tpu.memory_space<vmem>> -> memref<16xi32, #tpu.memory_space<vmem>>
    %dma_wait3A_160 = arith.constant 0 : i32
    %dma_wait3A_161 = arith.constant 0 : i32
    %dma_wait3A_162 = tpu.memref_slice %arg2[%dma_wait3A_160, %dma_wait3A_161] : memref<8192x1024xf32, #tpu.memory_space<hbm>> -> memref<8192x1024xf32, #tpu.memory_space<hbm>>
    tpu.wait_indirect_dma semaphore(%arg14 : memref<!tpu.dma_semaphore, #tpu.memory_space<semaphore_mem>>) src(%dma_wait3A_162 : memref<8192x1024xf32, #tpu.memory_space<hbm>>) dst(%arg10 : memref<16x1024xf32, #tpu.memory_space<vmem>>)
    %dma_wait3A_163 = arith.constant 0 : i32
    %dma_wait3A_164 = tpu.memref_slice %arg5[%add3A_93, %dma_wait3A_163] : memref<4096x1024xf32, #tpu.memory_space<hbm>> -> memref<16x1024xf32, #tpu.memory_space<hbm>>
    %dma_wait3A_165 = arith.constant 0 : i32
    %dma_wait3A_166 = tpu.memref_slice %arg5[%add3A_93, %dma_wait3A_165] : memref<4096x1024xf32, #tpu.memory_space<hbm>> -> memref<16x1024xf32, #tpu.memory_space<hbm>>
    tpu.wait_dma2 semaphore(%arg15 : memref<!tpu.dma_semaphore, #tpu.memory_space<semaphore_mem>>) src(%arg12 : memref<16x1024xf32, #tpu.memory_space<vmem>>) dst(%dma_wait3A_166 : memref<16x1024xf32, #tpu.memory_space<hbm>>)
    %parallel_loop3A_167 = arith.constant 0 : i32
    %parallel_loop3A_168 = arith.constant 1024 : i32
    %parallel_loop3A_169 = arith.constant 1 : i32
    scf.for %parallel_loop3A_375 = %parallel_loop3A_167 to %parallel_loop3A_168 step %parallel_loop3A_169  : i32 {
      %parallel_loop3A_376 = arith.constant 64 : i32
      %parallel_loop3A_377 = arith.divsi %parallel_loop3A_375, %parallel_loop3A_376 : i32
      %parallel_loop3A_378 = arith.constant 0 : i32
      %parallel_loop3A_379 = arith.cmpi sgt, %parallel_loop3A_375, %parallel_loop3A_378 : i32
      %parallel_loop3A_380 = arith.extui %parallel_loop3A_379 : i1 to i32
      %parallel_loop3A_381 = arith.constant 0 : i32
      %parallel_loop3A_382 = arith.cmpi slt, %parallel_loop3A_375, %parallel_loop3A_381 : i32
      %parallel_loop3A_383 = arith.extui %parallel_loop3A_382 : i1 to i32
      %parallel_loop3A_384 = arith.subi %parallel_loop3A_380, %parallel_loop3A_383 : i32
      %parallel_loop3A_385 = arith.constant 0 : i32
      %parallel_loop3A_386 = arith.cmpi sgt, %parallel_loop3A_376, %parallel_loop3A_385 : i32
      %parallel_loop3A_387 = arith.extui %parallel_loop3A_386 : i1 to i32
      %parallel_loop3A_388 = arith.constant 0 : i32
      %parallel_loop3A_389 = arith.cmpi slt, %parallel_loop3A_376, %parallel_loop3A_388 : i32
      %parallel_loop3A_390 = arith.extui %parallel_loop3A_389 : i1 to i32
      %parallel_loop3A_391 = arith.subi %parallel_loop3A_387, %parallel_loop3A_390 : i32
      %parallel_loop3A_392 = arith.cmpi ne, %parallel_loop3A_384, %parallel_loop3A_391 : i32
      %parallel_loop3A_393 = arith.remsi %parallel_loop3A_375, %parallel_loop3A_376 : i32
      %parallel_loop3A_394 = arith.constant 0 : i32
      %parallel_loop3A_395 = arith.cmpi ne, %parallel_loop3A_393, %parallel_loop3A_394 : i32
      %parallel_loop3A_396 = arith.andi %parallel_loop3A_392, %parallel_loop3A_395 : i1
      %parallel_loop3A_397 = arith.constant 1 : i32
      %parallel_loop3A_398 = arith.subi %parallel_loop3A_377, %parallel_loop3A_397 : i32
      %parallel_loop3A_399 = arith.select %parallel_loop3A_396, %parallel_loop3A_398, %parallel_loop3A_377 : i32
      %parallel_loop3A_400 = arith.constant 64 : i32
      %parallel_loop3A_401 = arith.constant 0 : i32
      %parallel_loop3A_402 = arith.cmpi eq, %parallel_loop3A_400, %parallel_loop3A_401 : i32
      %parallel_loop3A_403 = arith.constant 1 : i32
      %parallel_loop3A_404 = arith.select %parallel_loop3A_402, %parallel_loop3A_403, %parallel_loop3A_400 : i32
      %parallel_loop3A_405 = arith.remsi %parallel_loop3A_375, %parallel_loop3A_404 : i32
      %parallel_loop3A_406 = arith.constant 0 : i32
      %parallel_loop3A_407 = arith.cmpi ne, %parallel_loop3A_405, %parallel_loop3A_406 : i32
      %parallel_loop3A_408 = arith.constant 0 : i32
      %parallel_loop3A_409 = arith.cmpi slt, %parallel_loop3A_405, %parallel_loop3A_408 : i32
      %parallel_loop3A_410 = arith.constant 0 : i32
      %parallel_loop3A_411 = arith.cmpi slt, %parallel_loop3A_404, %parallel_loop3A_410 : i32
      %parallel_loop3A_412 = arith.xori %parallel_loop3A_409, %parallel_loop3A_411 : i1
      %parallel_loop3A_413 = arith.andi %parallel_loop3A_412, %parallel_loop3A_407 : i1
      %parallel_loop3A_414 = arith.addi %parallel_loop3A_405, %parallel_loop3A_404 : i32
      %parallel_loop3A_415 = arith.select %parallel_loop3A_413, %parallel_loop3A_414, %parallel_loop3A_405 : i32
      %parallel_loop3A_416 = arith.constant 16 : i32
      %parallel_loop3A_417 = arith.muli %parallel_loop3A_415, %parallel_loop3A_416 : i32
      %parallel_loop3A_418 = arith.index_cast %parallel_loop3A_399 : i32 to index
      %parallel_loop3A_419 = arith.index_cast %parallel_loop3A_417 : i32 to index
      %parallel_loop3A_420 = tpu.vector_load %arg8[%parallel_loop3A_418, %parallel_loop3A_419] {strides = array<i32>} : memref<16x1024xf32, #tpu.memory_space<vmem>>, vector<1x16xf32>,
      %parallel_loop3A_421 = vector.shape_cast %parallel_loop3A_420 : vector<1x16xf32> to vector<16xf32>
      %parallel_loop3A_422 = arith.index_cast %parallel_loop3A_399 : i32 to index
      %parallel_loop3A_423 = arith.index_cast %parallel_loop3A_417 : i32 to index
      %parallel_loop3A_424 = tpu.vector_load %arg10[%parallel_loop3A_422, %parallel_loop3A_423] {strides = array<i32>} : memref<16x1024xf32, #tpu.memory_space<vmem>>, vector<1x16xf32>,
      %parallel_loop3A_425 = vector.shape_cast %parallel_loop3A_424 : vector<1x16xf32> to vector<16xf32>
      %parallel_loop3A_426 = arith.addf %parallel_loop3A_421, %parallel_loop3A_425 : vector<16xf32>
      %parallel_loop3A_427 = arith.index_cast %parallel_loop3A_399 : i32 to index
      %parallel_loop3A_428 = arith.index_cast %parallel_loop3A_417 : i32 to index
      %parallel_loop3A_429 = tpu.vector_load %arg12[%parallel_loop3A_427, %parallel_loop3A_428] {strides = array<i32>} : memref<16x1024xf32, #tpu.memory_space<vmem>>, vector<1x16xf32>,
      %parallel_loop3A_430 = vector.shape_cast %parallel_loop3A_429 : vector<1x16xf32> to vector<16xf32>
      %parallel_loop3A_431 = vector.shape_cast %parallel_loop3A_426 : vector<16xf32> to vector<1x16xf32>
      tpu.vector_store %arg12[%parallel_loop3A_427, %parallel_loop3A_428], %parallel_loop3A_431 {strides = array<i32>} : memref<16x1024xf32, #tpu.memory_space<vmem>>, vector<1x16xf32>,
    } {sc.loop_unroll_factor = 8 : i64, sc.parallel_access}
    %add3A_170 = arith.constant 32 : i32
    %add3A_171 = arith.addi %mul3A_2, %add3A_170 : i32
    %dma_start3A_172 = arith.constant 0 : i32
    %dma_start3A_173 = tpu.memref_slice %arg5[%add3A_171, %dma_start3A_172] : memref<4096x1024xf32, #tpu.memory_space<hbm>> -> memref<16x1024xf32, #tpu.memory_space<hbm>>
    %dma_start3A_174 = arith.constant 0 : i32
    %dma_start3A_175 = tpu.memref_slice %arg5[%add3A_171, %dma_start3A_174] : memref<4096x1024xf32, #tpu.memory_space<hbm>> -> memref<16x1024xf32, #tpu.memory_space<hbm>>
    tpu.enqueue_dma source(%arg12 : memref<16x1024xf32, #tpu.memory_space<vmem>>) target(%dma_start3A_175 : memref<16x1024xf32, #tpu.memory_space<hbm>>) target_semaphore(%arg15 : memref<!tpu.dma_semaphore, #tpu.memory_space<semaphore_mem>>)
    %dma_start3A_176 = arith.constant 4 : i32
    %dma_start3A_177 = arith.constant 0 : i32
    %dma_start3A_178 = tpu.memref_slice %arg6[%dma_start3A_176, %dma_start3A_177] : memref<8x16xi32, #tpu.memory_space<vmem>> -> memref<1x16xi32, #tpu.memory_space<vmem>>
    %dma_start3A_179 = tpu.memref_squeeze %dma_start3A_178 : memref<1x16xi32, #tpu.memory_space<vmem>> -> memref<16xi32, #tpu.memory_space<vmem>>
    %dma_start3A_180 = arith.constant 0 : i32
    %dma_start3A_181 = arith.constant 0 : i32
    %dma_start3A_182 = tpu.memref_slice %arg2[%dma_start3A_180, %dma_start3A_181] : memref<8192x1024xf32, #tpu.memory_space<hbm>> -> memref<8192x1024xf32, #tpu.memory_space<hbm>>
    tpu.enqueue_indirect_dma source(%dma_start3A_182 : memref<8192x1024xf32, #tpu.memory_space<hbm>>) target(%arg8 : memref<16x1024xf32, #tpu.memory_space<vmem>>) offsets(%dma_start3A_179 : memref<16xi32, #tpu.memory_space<vmem>>) semaphore(%arg14 : memref<!tpu.dma_semaphore, #tpu.memory_space<semaphore_mem>>)
    %dma_start3A_183 = arith.constant 4 : i32
    %dma_start3A_184 = arith.constant 0 : i32
    %dma_start3A_185 = tpu.memref_slice %arg7[%dma_start3A_183, %dma_start3A_184] : memref<8x16xi32, #tpu.memory_space<vmem>> -> memref<1x16xi32, #tpu.memory_space<vmem>>
    %dma_start3A_186 = tpu.memref_squeeze %dma_start3A_185 : memref<1x16xi32, #tpu.memory_space<vmem>> -> memref<16xi32, #tpu.memory_space<vmem>>
    %dma_start3A_187 = arith.constant 0 : i32
    %dma_start3A_188 = arith.constant 0 : i32
    %dma_start3A_189 = tpu.memref_slice %arg2[%dma_start3A_187, %dma_start3A_188] : memref<8192x1024xf32, #tpu.memory_space<hbm>> -> memref<8192x1024xf32, #tpu.memory_space<hbm>>
    tpu.enqueue_indirect_dma source(%dma_start3A_189 : memref<8192x1024xf32, #tpu.memory_space<hbm>>) target(%arg10 : memref<16x1024xf32, #tpu.memory_space<vmem>>) offsets(%dma_start3A_186 : memref<16xi32, #tpu.memory_space<vmem>>) semaphore(%arg14 : memref<!tpu.dma_semaphore, #tpu.memory_space<semaphore_mem>>)
    %dma_wait3A_190 = arith.constant 3 : i32
    %dma_wait3A_191 = arith.constant 0 : i32
    %dma_wait3A_192 = tpu.memref_slice %arg6[%dma_wait3A_190, %dma_wait3A_191] : memref<8x16xi32, #tpu.memory_space<vmem>> -> memref<1x16xi32, #tpu.memory_space<vmem>>
    %dma_wait3A_193 = tpu.memref_squeeze %dma_wait3A_192 : memref<1x16xi32, #tpu.memory_space<vmem>> -> memref<16xi32, #tpu.memory_space<vmem>>
    %dma_wait3A_194 = arith.constant 0 : i32
    %dma_wait3A_195 = arith.constant 0 : i32
    %dma_wait3A_196 = tpu.memref_slice %arg2[%dma_wait3A_194, %dma_wait3A_195] : memref<8192x1024xf32, #tpu.memory_space<hbm>> -> memref<8192x1024xf32, #tpu.memory_space<hbm>>
    tpu.wait_indirect_dma semaphore(%arg14 : memref<!tpu.dma_semaphore, #tpu.memory_space<semaphore_mem>>) src(%dma_wait3A_196 : memref<8192x1024xf32, #tpu.memory_space<hbm>>) dst(%arg9 : memref<16x1024xf32, #tpu.memory_space<vmem>>)
    %dma_wait3A_197 = arith.constant 3 : i32
    %dma_wait3A_198 = arith.constant 0 : i32
    %dma_wait3A_199 = tpu.memref_slice %arg7[%dma_wait3A_197, %dma_wait3A_198] : memref<8x16xi32, #tpu.memory_space<vmem>> -> memref<1x16xi32, #tpu.memory_space<vmem>>
    %dma_wait3A_200 = tpu.memref_squeeze %dma_wait3A_199 : memref<1x16xi32, #tpu.memory_space<vmem>> -> memref<16xi32, #tpu.memory_space<vmem>>
    %dma_wait3A_201 = arith.constant 0 : i32
    %dma_wait3A_202 = arith.constant 0 : i32
    %dma_wait3A_203 = tpu.memref_slice %arg2[%dma_wait3A_201, %dma_wait3A_202] : memref<8192x1024xf32, #tpu.memory_space<hbm>> -> memref<8192x1024xf32, #tpu.memory_space<hbm>>
    tpu.wait_indirect_dma semaphore(%arg14 : memref<!tpu.dma_semaphore, #tpu.memory_space<semaphore_mem>>) src(%dma_wait3A_203 : memref<8192x1024xf32, #tpu.memory_space<hbm>>) dst(%arg11 : memref<16x1024xf32, #tpu.memory_space<vmem>>)
    %dma_wait3A_204 = arith.constant 0 : i32
    %dma_wait3A_205 = tpu.memref_slice %arg5[%add3A_130, %dma_wait3A_204] : memref<4096x1024xf32, #tpu.memory_space<hbm>> -> memref<16x1024xf32, #tpu.memory_space<hbm>>
    %dma_wait3A_206 = arith.constant 0 : i32
    %dma_wait3A_207 = tpu.memref_slice %arg5[%add3A_130, %dma_wait3A_206] : memref<4096x1024xf32, #tpu.memory_space<hbm>> -> memref<16x1024xf32, #tpu.memory_space<hbm>>
    tpu.wait_dma2 semaphore(%arg15 : memref<!tpu.dma_semaphore, #tpu.memory_space<semaphore_mem>>) src(%arg13 : memref<16x1024xf32, #tpu.memory_space<vmem>>) dst(%dma_wait3A_207 : memref<16x1024xf32, #tpu.memory_space<hbm>>)
    %parallel_loop3A_208 = arith.constant 0 : i32
    %parallel_loop3A_209 = arith.constant 1024 : i32
    %parallel_loop3A_210 = arith.constant 1 : i32
    scf.for %parallel_loop3A_375 = %parallel_loop3A_208 to %parallel_loop3A_209 step %parallel_loop3A_210  : i32 {
      %parallel_loop3A_376 = arith.constant 64 : i32
      %parallel_loop3A_377 = arith.divsi %parallel_loop3A_375, %parallel_loop3A_376 : i32
      %parallel_loop3A_378 = arith.constant 0 : i32
      %parallel_loop3A_379 = arith.cmpi sgt, %parallel_loop3A_375, %parallel_loop3A_378 : i32
      %parallel_loop3A_380 = arith.extui %parallel_loop3A_379 : i1 to i32
      %parallel_loop3A_381 = arith.constant 0 : i32
      %parallel_loop3A_382 = arith.cmpi slt, %parallel_loop3A_375, %parallel_loop3A_381 : i32
      %parallel_loop3A_383 = arith.extui %parallel_loop3A_382 : i1 to i32
      %parallel_loop3A_384 = arith.subi %parallel_loop3A_380, %parallel_loop3A_383 : i32
      %parallel_loop3A_385 = arith.constant 0 : i32
      %parallel_loop3A_386 = arith.cmpi sgt, %parallel_loop3A_376, %parallel_loop3A_385 : i32
      %parallel_loop3A_387 = arith.extui %parallel_loop3A_386 : i1 to i32
      %parallel_loop3A_388 = arith.constant 0 : i32
      %parallel_loop3A_389 = arith.cmpi slt, %parallel_loop3A_376, %parallel_loop3A_388 : i32
      %parallel_loop3A_390 = arith.extui %parallel_loop3A_389 : i1 to i32
      %parallel_loop3A_391 = arith.subi %parallel_loop3A_387, %parallel_loop3A_390 : i32
      %parallel_loop3A_392 = arith.cmpi ne, %parallel_loop3A_384, %parallel_loop3A_391 : i32
      %parallel_loop3A_393 = arith.remsi %parallel_loop3A_375, %parallel_loop3A_376 : i32
      %parallel_loop3A_394 = arith.constant 0 : i32
      %parallel_loop3A_395 = arith.cmpi ne, %parallel_loop3A_393, %parallel_loop3A_394 : i32
      %parallel_loop3A_396 = arith.andi %parallel_loop3A_392, %parallel_loop3A_395 : i1
      %parallel_loop3A_397 = arith.constant 1 : i32
      %parallel_loop3A_398 = arith.subi %parallel_loop3A_377, %parallel_loop3A_397 : i32
      %parallel_loop3A_399 = arith.select %parallel_loop3A_396, %parallel_loop3A_398, %parallel_loop3A_377 : i32
      %parallel_loop3A_400 = arith.constant 64 : i32
      %parallel_loop3A_401 = arith.constant 0 : i32
      %parallel_loop3A_402 = arith.cmpi eq, %parallel_loop3A_400, %parallel_loop3A_401 : i32
      %parallel_loop3A_403 = arith.constant 1 : i32
      %parallel_loop3A_404 = arith.select %parallel_loop3A_402, %parallel_loop3A_403, %parallel_loop3A_400 : i32
      %parallel_loop3A_405 = arith.remsi %parallel_loop3A_375, %parallel_loop3A_404 : i32
      %parallel_loop3A_406 = arith.constant 0 : i32
      %parallel_loop3A_407 = arith.cmpi ne, %parallel_loop3A_405, %parallel_loop3A_406 : i32
      %parallel_loop3A_408 = arith.constant 0 : i32
      %parallel_loop3A_409 = arith.cmpi slt, %parallel_loop3A_405, %parallel_loop3A_408 : i32
      %parallel_loop3A_410 = arith.constant 0 : i32
      %parallel_loop3A_411 = arith.cmpi slt, %parallel_loop3A_404, %parallel_loop3A_410 : i32
      %parallel_loop3A_412 = arith.xori %parallel_loop3A_409, %parallel_loop3A_411 : i1
      %parallel_loop3A_413 = arith.andi %parallel_loop3A_412, %parallel_loop3A_407 : i1
      %parallel_loop3A_414 = arith.addi %parallel_loop3A_405, %parallel_loop3A_404 : i32
      %parallel_loop3A_415 = arith.select %parallel_loop3A_413, %parallel_loop3A_414, %parallel_loop3A_405 : i32
      %parallel_loop3A_416 = arith.constant 16 : i32
      %parallel_loop3A_417 = arith.muli %parallel_loop3A_415, %parallel_loop3A_416 : i32
      %parallel_loop3A_418 = arith.index_cast %parallel_loop3A_399 : i32 to index
      %parallel_loop3A_419 = arith.index_cast %parallel_loop3A_417 : i32 to index
      %parallel_loop3A_420 = tpu.vector_load %arg9[%parallel_loop3A_418, %parallel_loop3A_419] {strides = array<i32>} : memref<16x1024xf32, #tpu.memory_space<vmem>>, vector<1x16xf32>,
      %parallel_loop3A_421 = vector.shape_cast %parallel_loop3A_420 : vector<1x16xf32> to vector<16xf32>
      %parallel_loop3A_422 = arith.index_cast %parallel_loop3A_399 : i32 to index
      %parallel_loop3A_423 = arith.index_cast %parallel_loop3A_417 : i32 to index
      %parallel_loop3A_424 = tpu.vector_load %arg11[%parallel_loop3A_422, %parallel_loop3A_423] {strides = array<i32>} : memref<16x1024xf32, #tpu.memory_space<vmem>>, vector<1x16xf32>,
      %parallel_loop3A_425 = vector.shape_cast %parallel_loop3A_424 : vector<1x16xf32> to vector<16xf32>
      %parallel_loop3A_426 = arith.addf %parallel_loop3A_421, %parallel_loop3A_425 : vector<16xf32>
      %parallel_loop3A_427 = arith.index_cast %parallel_loop3A_399 : i32 to index
      %parallel_loop3A_428 = arith.index_cast %parallel_loop3A_417 : i32 to index
      %parallel_loop3A_429 = tpu.vector_load %arg13[%parallel_loop3A_427, %parallel_loop3A_428] {strides = array<i32>} : memref<16x1024xf32, #tpu.memory_space<vmem>>, vector<1x16xf32>,
      %parallel_loop3A_430 = vector.shape_cast %parallel_loop3A_429 : vector<1x16xf32> to vector<16xf32>
      %parallel_loop3A_431 = vector.shape_cast %parallel_loop3A_426 : vector<16xf32> to vector<1x16xf32>
      tpu.vector_store %arg13[%parallel_loop3A_427, %parallel_loop3A_428], %parallel_loop3A_431 {strides = array<i32>} : memref<16x1024xf32, #tpu.memory_space<vmem>>, vector<1x16xf32>,
    } {sc.loop_unroll_factor = 8 : i64, sc.parallel_access}
    %add3A_211 = arith.constant 48 : i32
    %add3A_212 = arith.addi %mul3A_2, %add3A_211 : i32
    %dma_start3A_213 = arith.constant 0 : i32
    %dma_start3A_214 = tpu.memref_slice %arg5[%add3A_212, %dma_start3A_213] : memref<4096x1024xf32, #tpu.memory_space<hbm>> -> memref<16x1024xf32, #tpu.memory_space<hbm>>
    %dma_start3A_215 = arith.constant 0 : i32
    %dma_start3A_216 = tpu.memref_slice %arg5[%add3A_212, %dma_start3A_215] : memref<4096x1024xf32, #tpu.memory_space<hbm>> -> memref<16x1024xf32, #tpu.memory_space<hbm>>
    tpu.enqueue_dma source(%arg13 : memref<16x1024xf32, #tpu.memory_space<vmem>>) target(%dma_start3A_216 : memref<16x1024xf32, #tpu.memory_space<hbm>>) target_semaphore(%arg15 : memref<!tpu.dma_semaphore, #tpu.memory_space<semaphore_mem>>)
    %dma_start3A_217 = arith.constant 5 : i32
    %dma_start3A_218 = arith.constant 0 : i32
    %dma_start3A_219 = tpu.memref_slice %arg6[%dma_start3A_217, %dma_start3A_218] : memref<8x16xi32, #tpu.memory_space<vmem>> -> memref<1x16xi32, #tpu.memory_space<vmem>>
    %dma_start3A_220 = tpu.memref_squeeze %dma_start3A_219 : memref<1x16xi32, #tpu.memory_space<vmem>> -> memref<16xi32, #tpu.memory_space<vmem>>
    %dma_start3A_221 = arith.constant 0 : i32
    %dma_start3A_222 = arith.constant 0 : i32
    %dma_start3A_223 = tpu.memref_slice %arg2[%dma_start3A_221, %dma_start3A_222] : memref<8192x1024xf32, #tpu.memory_space<hbm>> -> memref<8192x1024xf32, #tpu.memory_space<hbm>>
    tpu.enqueue_indirect_dma source(%dma_start3A_223 : memref<8192x1024xf32, #tpu.memory_space<hbm>>) target(%arg9 : memref<16x1024xf32, #tpu.memory_space<vmem>>) offsets(%dma_start3A_220 : memref<16xi32, #tpu.memory_space<vmem>>) semaphore(%arg14 : memref<!tpu.dma_semaphore, #tpu.memory_space<semaphore_mem>>)
    %dma_start3A_224 = arith.constant 5 : i32
    %dma_start3A_225 = arith.constant 0 : i32
    %dma_start3A_226 = tpu.memref_slice %arg7[%dma_start3A_224, %dma_start3A_225] : memref<8x16xi32, #tpu.memory_space<vmem>> -> memref<1x16xi32, #tpu.memory_space<vmem>>
    %dma_start3A_227 = tpu.memref_squeeze %dma_start3A_226 : memref<1x16xi32, #tpu.memory_space<vmem>> -> memref<16xi32, #tpu.memory_space<vmem>>
    %dma_start3A_228 = arith.constant 0 : i32
    %dma_start3A_229 = arith.constant 0 : i32
    %dma_start3A_230 = tpu.memref_slice %arg2[%dma_start3A_228, %dma_start3A_229] : memref<8192x1024xf32, #tpu.memory_space<hbm>> -> memref<8192x1024xf32, #tpu.memory_space<hbm>>
    tpu.enqueue_indirect_dma source(%dma_start3A_230 : memref<8192x1024xf32, #tpu.memory_space<hbm>>) target(%arg11 : memref<16x1024xf32, #tpu.memory_space<vmem>>) offsets(%dma_start3A_227 : memref<16xi32, #tpu.memory_space<vmem>>) semaphore(%arg14 : memref<!tpu.dma_semaphore, #tpu.memory_space<semaphore_mem>>)
    %dma_wait3A_231 = arith.constant 4 : i32
    %dma_wait3A_232 = arith.constant 0 : i32
    %dma_wait3A_233 = tpu.memref_slice %arg6[%dma_wait3A_231, %dma_wait3A_232] : memref<8x16xi32, #tpu.memory_space<vmem>> -> memref<1x16xi32, #tpu.memory_space<vmem>>
    %dma_wait3A_234 = tpu.memref_squeeze %dma_wait3A_233 : memref<1x16xi32, #tpu.memory_space<vmem>> -> memref<16xi32, #tpu.memory_space<vmem>>
    %dma_wait3A_235 = arith.constant 0 : i32
    %dma_wait3A_236 = arith.constant 0 : i32
    %dma_wait3A_237 = tpu.memref_slice %arg2[%dma_wait3A_235, %dma_wait3A_236] : memref<8192x1024xf32, #tpu.memory_space<hbm>> -> memref<8192x1024xf32, #tpu.memory_space<hbm>>
    tpu.wait_indirect_dma semaphore(%arg14 : memref<!tpu.dma_semaphore, #tpu.memory_space<semaphore_mem>>) src(%dma_wait3A_237 : memref<8192x1024xf32, #tpu.memory_space<hbm>>) dst(%arg8 : memref<16x1024xf32, #tpu.memory_space<vmem>>)
    %dma_wait3A_238 = arith.constant 4 : i32
    %dma_wait3A_239 = arith.constant 0 : i32
    %dma_wait3A_240 = tpu.memref_slice %arg7[%dma_wait3A_238, %dma_wait3A_239] : memref<8x16xi32, #tpu.memory_space<vmem>> -> memref<1x16xi32, #tpu.memory_space<vmem>>
    %dma_wait3A_241 = tpu.memref_squeeze %dma_wait3A_240 : memref<1x16xi32, #tpu.memory_space<vmem>> -> memref<16xi32, #tpu.memory_space<vmem>>
    %dma_wait3A_242 = arith.constant 0 : i32
    %dma_wait3A_243 = arith.constant 0 : i32
    %dma_wait3A_244 = tpu.memref_slice %arg2[%dma_wait3A_242, %dma_wait3A_243] : memref<8192x1024xf32, #tpu.memory_space<hbm>> -> memref<8192x1024xf32, #tpu.memory_space<hbm>>
    tpu.wait_indirect_dma semaphore(%arg14 : memref<!tpu.dma_semaphore, #tpu.memory_space<semaphore_mem>>) src(%dma_wait3A_244 : memref<8192x1024xf32, #tpu.memory_space<hbm>>) dst(%arg10 : memref<16x1024xf32, #tpu.memory_space<vmem>>)
    %dma_wait3A_245 = arith.constant 0 : i32
    %dma_wait3A_246 = tpu.memref_slice %arg5[%add3A_171, %dma_wait3A_245] : memref<4096x1024xf32, #tpu.memory_space<hbm>> -> memref<16x1024xf32, #tpu.memory_space<hbm>>
    %dma_wait3A_247 = arith.constant 0 : i32
    %dma_wait3A_248 = tpu.memref_slice %arg5[%add3A_171, %dma_wait3A_247] : memref<4096x1024xf32, #tpu.memory_space<hbm>> -> memref<16x1024xf32, #tpu.memory_space<hbm>>
    tpu.wait_dma2 semaphore(%arg15 : memref<!tpu.dma_semaphore, #tpu.memory_space<semaphore_mem>>) src(%arg12 : memref<16x1024xf32, #tpu.memory_space<vmem>>) dst(%dma_wait3A_248 : memref<16x1024xf32, #tpu.memory_space<hbm>>)
    %parallel_loop3A_249 = arith.constant 0 : i32
    %parallel_loop3A_250 = arith.constant 1024 : i32
    %parallel_loop3A_251 = arith.constant 1 : i32
    scf.for %parallel_loop3A_375 = %parallel_loop3A_249 to %parallel_loop3A_250 step %parallel_loop3A_251  : i32 {
      %parallel_loop3A_376 = arith.constant 64 : i32
      %parallel_loop3A_377 = arith.divsi %parallel_loop3A_375, %parallel_loop3A_376 : i32
      %parallel_loop3A_378 = arith.constant 0 : i32
      %parallel_loop3A_379 = arith.cmpi sgt, %parallel_loop3A_375, %parallel_loop3A_378 : i32
      %parallel_loop3A_380 = arith.extui %parallel_loop3A_379 : i1 to i32
      %parallel_loop3A_381 = arith.constant 0 : i32
      %parallel_loop3A_382 = arith.cmpi slt, %parallel_loop3A_375, %parallel_loop3A_381 : i32
      %parallel_loop3A_383 = arith.extui %parallel_loop3A_382 : i1 to i32
      %parallel_loop3A_384 = arith.subi %parallel_loop3A_380, %parallel_loop3A_383 : i32
      %parallel_loop3A_385 = arith.constant 0 : i32
      %parallel_loop3A_386 = arith.cmpi sgt, %parallel_loop3A_376, %parallel_loop3A_385 : i32
      %parallel_loop3A_387 = arith.extui %parallel_loop3A_386 : i1 to i32
      %parallel_loop3A_388 = arith.constant 0 : i32
      %parallel_loop3A_389 = arith.cmpi slt, %parallel_loop3A_376, %parallel_loop3A_388 : i32
      %parallel_loop3A_390 = arith.extui %parallel_loop3A_389 : i1 to i32
      %parallel_loop3A_391 = arith.subi %parallel_loop3A_387, %parallel_loop3A_390 : i32
      %parallel_loop3A_392 = arith.cmpi ne, %parallel_loop3A_384, %parallel_loop3A_391 : i32
      %parallel_loop3A_393 = arith.remsi %parallel_loop3A_375, %parallel_loop3A_376 : i32
      %parallel_loop3A_394 = arith.constant 0 : i32
      %parallel_loop3A_395 = arith.cmpi ne, %parallel_loop3A_393, %parallel_loop3A_394 : i32
      %parallel_loop3A_396 = arith.andi %parallel_loop3A_392, %parallel_loop3A_395 : i1
      %parallel_loop3A_397 = arith.constant 1 : i32
      %parallel_loop3A_398 = arith.subi %parallel_loop3A_377, %parallel_loop3A_397 : i32
      %parallel_loop3A_399 = arith.select %parallel_loop3A_396, %parallel_loop3A_398, %parallel_loop3A_377 : i32
      %parallel_loop3A_400 = arith.constant 64 : i32
      %parallel_loop3A_401 = arith.constant 0 : i32
      %parallel_loop3A_402 = arith.cmpi eq, %parallel_loop3A_400, %parallel_loop3A_401 : i32
      %parallel_loop3A_403 = arith.constant 1 : i32
      %parallel_loop3A_404 = arith.select %parallel_loop3A_402, %parallel_loop3A_403, %parallel_loop3A_400 : i32
      %parallel_loop3A_405 = arith.remsi %parallel_loop3A_375, %parallel_loop3A_404 : i32
      %parallel_loop3A_406 = arith.constant 0 : i32
      %parallel_loop3A_407 = arith.cmpi ne, %parallel_loop3A_405, %parallel_loop3A_406 : i32
      %parallel_loop3A_408 = arith.constant 0 : i32
      %parallel_loop3A_409 = arith.cmpi slt, %parallel_loop3A_405, %parallel_loop3A_408 : i32
      %parallel_loop3A_410 = arith.constant 0 : i32
      %parallel_loop3A_411 = arith.cmpi slt, %parallel_loop3A_404, %parallel_loop3A_410 : i32
      %parallel_loop3A_412 = arith.xori %parallel_loop3A_409, %parallel_loop3A_411 : i1
      %parallel_loop3A_413 = arith.andi %parallel_loop3A_412, %parallel_loop3A_407 : i1
      %parallel_loop3A_414 = arith.addi %parallel_loop3A_405, %parallel_loop3A_404 : i32
      %parallel_loop3A_415 = arith.select %parallel_loop3A_413, %parallel_loop3A_414, %parallel_loop3A_405 : i32
      %parallel_loop3A_416 = arith.constant 16 : i32
      %parallel_loop3A_417 = arith.muli %parallel_loop3A_415, %parallel_loop3A_416 : i32
      %parallel_loop3A_418 = arith.index_cast %parallel_loop3A_399 : i32 to index
      %parallel_loop3A_419 = arith.index_cast %parallel_loop3A_417 : i32 to index
      %parallel_loop3A_420 = tpu.vector_load %arg8[%parallel_loop3A_418, %parallel_loop3A_419] {strides = array<i32>} : memref<16x1024xf32, #tpu.memory_space<vmem>>, vector<1x16xf32>,
      %parallel_loop3A_421 = vector.shape_cast %parallel_loop3A_420 : vector<1x16xf32> to vector<16xf32>
      %parallel_loop3A_422 = arith.index_cast %parallel_loop3A_399 : i32 to index
      %parallel_loop3A_423 = arith.index_cast %parallel_loop3A_417 : i32 to index
      %parallel_loop3A_424 = tpu.vector_load %arg10[%parallel_loop3A_422, %parallel_loop3A_423] {strides = array<i32>} : memref<16x1024xf32, #tpu.memory_space<vmem>>, vector<1x16xf32>,
      %parallel_loop3A_425 = vector.shape_cast %parallel_loop3A_424 : vector<1x16xf32> to vector<16xf32>
      %parallel_loop3A_426 = arith.addf %parallel_loop3A_421, %parallel_loop3A_425 : vector<16xf32>
      %parallel_loop3A_427 = arith.index_cast %parallel_loop3A_399 : i32 to index
      %parallel_loop3A_428 = arith.index_cast %parallel_loop3A_417 : i32 to index
      %parallel_loop3A_429 = tpu.vector_load %arg12[%parallel_loop3A_427, %parallel_loop3A_428] {strides = array<i32>} : memref<16x1024xf32, #tpu.memory_space<vmem>>, vector<1x16xf32>,
      %parallel_loop3A_430 = vector.shape_cast %parallel_loop3A_429 : vector<1x16xf32> to vector<16xf32>
      %parallel_loop3A_431 = vector.shape_cast %parallel_loop3A_426 : vector<16xf32> to vector<1x16xf32>
      tpu.vector_store %arg12[%parallel_loop3A_427, %parallel_loop3A_428], %parallel_loop3A_431 {strides = array<i32>} : memref<16x1024xf32, #tpu.memory_space<vmem>>, vector<1x16xf32>,
    } {sc.loop_unroll_factor = 8 : i64, sc.parallel_access}
    %add3A_252 = arith.constant 64 : i32
    %add3A_253 = arith.addi %mul3A_2, %add3A_252 : i32
    %dma_start3A_254 = arith.constant 0 : i32
    %dma_start3A_255 = tpu.memref_slice %arg5[%add3A_253, %dma_start3A_254] : memref<4096x1024xf32, #tpu.memory_space<hbm>> -> memref<16x1024xf32, #tpu.memory_space<hbm>>
    %dma_start3A_256 = arith.constant 0 : i32
    %dma_start3A_257 = tpu.memref_slice %arg5[%add3A_253, %dma_start3A_256] : memref<4096x1024xf32, #tpu.memory_space<hbm>> -> memref<16x1024xf32, #tpu.memory_space<hbm>>
    tpu.enqueue_dma source(%arg12 : memref<16x1024xf32, #tpu.memory_space<vmem>>) target(%dma_start3A_257 : memref<16x1024xf32, #tpu.memory_space<hbm>>) target_semaphore(%arg15 : memref<!tpu.dma_semaphore, #tpu.memory_space<semaphore_mem>>)
    %dma_start3A_258 = arith.constant 6 : i32
    %dma_start3A_259 = arith.constant 0 : i32
    %dma_start3A_260 = tpu.memref_slice %arg6[%dma_start3A_258, %dma_start3A_259] : memref<8x16xi32, #tpu.memory_space<vmem>> -> memref<1x16xi32, #tpu.memory_space<vmem>>
    %dma_start3A_261 = tpu.memref_squeeze %dma_start3A_260 : memref<1x16xi32, #tpu.memory_space<vmem>> -> memref<16xi32, #tpu.memory_space<vmem>>
    %dma_start3A_262 = arith.constant 0 : i32
    %dma_start3A_263 = arith.constant 0 : i32
    %dma_start3A_264 = tpu.memref_slice %arg2[%dma_start3A_262, %dma_start3A_263] : memref<8192x1024xf32, #tpu.memory_space<hbm>> -> memref<8192x1024xf32, #tpu.memory_space<hbm>>
    tpu.enqueue_indirect_dma source(%dma_start3A_264 : memref<8192x1024xf32, #tpu.memory_space<hbm>>) target(%arg8 : memref<16x1024xf32, #tpu.memory_space<vmem>>) offsets(%dma_start3A_261 : memref<16xi32, #tpu.memory_space<vmem>>) semaphore(%arg14 : memref<!tpu.dma_semaphore, #tpu.memory_space<semaphore_mem>>)
    %dma_start3A_265 = arith.constant 6 : i32
    %dma_start3A_266 = arith.constant 0 : i32
    %dma_start3A_267 = tpu.memref_slice %arg7[%dma_start3A_265, %dma_start3A_266] : memref<8x16xi32, #tpu.memory_space<vmem>> -> memref<1x16xi32, #tpu.memory_space<vmem>>
    %dma_start3A_268 = tpu.memref_squeeze %dma_start3A_267 : memref<1x16xi32, #tpu.memory_space<vmem>> -> memref<16xi32, #tpu.memory_space<vmem>>
    %dma_start3A_269 = arith.constant 0 : i32
    %dma_start3A_270 = arith.constant 0 : i32
    %dma_start3A_271 = tpu.memref_slice %arg2[%dma_start3A_269, %dma_start3A_270] : memref<8192x1024xf32, #tpu.memory_space<hbm>> -> memref<8192x1024xf32, #tpu.memory_space<hbm>>
    tpu.enqueue_indirect_dma source(%dma_start3A_271 : memref<8192x1024xf32, #tpu.memory_space<hbm>>) target(%arg10 : memref<16x1024xf32, #tpu.memory_space<vmem>>) offsets(%dma_start3A_268 : memref<16xi32, #tpu.memory_space<vmem>>) semaphore(%arg14 : memref<!tpu.dma_semaphore, #tpu.memory_space<semaphore_mem>>)
    %dma_wait3A_272 = arith.constant 5 : i32
    %dma_wait3A_273 = arith.constant 0 : i32
    %dma_wait3A_274 = tpu.memref_slice %arg6[%dma_wait3A_272, %dma_wait3A_273] : memref<8x16xi32, #tpu.memory_space<vmem>> -> memref<1x16xi32, #tpu.memory_space<vmem>>
    %dma_wait3A_275 = tpu.memref_squeeze %dma_wait3A_274 : memref<1x16xi32, #tpu.memory_space<vmem>> -> memref<16xi32, #tpu.memory_space<vmem>>
    %dma_wait3A_276 = arith.constant 0 : i32
    %dma_wait3A_277 = arith.constant 0 : i32
    %dma_wait3A_278 = tpu.memref_slice %arg2[%dma_wait3A_276, %dma_wait3A_277] : memref<8192x1024xf32, #tpu.memory_space<hbm>> -> memref<8192x1024xf32, #tpu.memory_space<hbm>>
    tpu.wait_indirect_dma semaphore(%arg14 : memref<!tpu.dma_semaphore, #tpu.memory_space<semaphore_mem>>) src(%dma_wait3A_278 : memref<8192x1024xf32, #tpu.memory_space<hbm>>) dst(%arg9 : memref<16x1024xf32, #tpu.memory_space<vmem>>)
    %dma_wait3A_279 = arith.constant 5 : i32
    %dma_wait3A_280 = arith.constant 0 : i32
    %dma_wait3A_281 = tpu.memref_slice %arg7[%dma_wait3A_279, %dma_wait3A_280] : memref<8x16xi32, #tpu.memory_space<vmem>> -> memref<1x16xi32, #tpu.memory_space<vmem>>
    %dma_wait3A_282 = tpu.memref_squeeze %dma_wait3A_281 : memref<1x16xi32, #tpu.memory_space<vmem>> -> memref<16xi32, #tpu.memory_space<vmem>>
    %dma_wait3A_283 = arith.constant 0 : i32
    %dma_wait3A_284 = arith.constant 0 : i32
    %dma_wait3A_285 = tpu.memref_slice %arg2[%dma_wait3A_283, %dma_wait3A_284] : memref<8192x1024xf32, #tpu.memory_space<hbm>> -> memref<8192x1024xf32, #tpu.memory_space<hbm>>
    tpu.wait_indirect_dma semaphore(%arg14 : memref<!tpu.dma_semaphore, #tpu.memory_space<semaphore_mem>>) src(%dma_wait3A_285 : memref<8192x1024xf32, #tpu.memory_space<hbm>>) dst(%arg11 : memref<16x1024xf32, #tpu.memory_space<vmem>>)
    %dma_wait3A_286 = arith.constant 0 : i32
    %dma_wait3A_287 = tpu.memref_slice %arg5[%add3A_212, %dma_wait3A_286] : memref<4096x1024xf32, #tpu.memory_space<hbm>> -> memref<16x1024xf32, #tpu.memory_space<hbm>>
    %dma_wait3A_288 = arith.constant 0 : i32
    %dma_wait3A_289 = tpu.memref_slice %arg5[%add3A_212, %dma_wait3A_288] : memref<4096x1024xf32, #tpu.memory_space<hbm>> -> memref<16x1024xf32, #tpu.memory_space<hbm>>
    tpu.wait_dma2 semaphore(%arg15 : memref<!tpu.dma_semaphore, #tpu.memory_space<semaphore_mem>>) src(%arg13 : memref<16x1024xf32, #tpu.memory_space<vmem>>) dst(%dma_wait3A_289 : memref<16x1024xf32, #tpu.memory_space<hbm>>)
    %parallel_loop3A_290 = arith.constant 0 : i32
    %parallel_loop3A_291 = arith.constant 1024 : i32
    %parallel_loop3A_292 = arith.constant 1 : i32
    scf.for %parallel_loop3A_375 = %parallel_loop3A_290 to %parallel_loop3A_291 step %parallel_loop3A_292  : i32 {
      %parallel_loop3A_376 = arith.constant 64 : i32
      %parallel_loop3A_377 = arith.divsi %parallel_loop3A_375, %parallel_loop3A_376 : i32
      %parallel_loop3A_378 = arith.constant 0 : i32
      %parallel_loop3A_379 = arith.cmpi sgt, %parallel_loop3A_375, %parallel_loop3A_378 : i32
      %parallel_loop3A_380 = arith.extui %parallel_loop3A_379 : i1 to i32
      %parallel_loop3A_381 = arith.constant 0 : i32
      %parallel_loop3A_382 = arith.cmpi slt, %parallel_loop3A_375, %parallel_loop3A_381 : i32
      %parallel_loop3A_383 = arith.extui %parallel_loop3A_382 : i1 to i32
      %parallel_loop3A_384 = arith.subi %parallel_loop3A_380, %parallel_loop3A_383 : i32
      %parallel_loop3A_385 = arith.constant 0 : i32
      %parallel_loop3A_386 = arith.cmpi sgt, %parallel_loop3A_376, %parallel_loop3A_385 : i32
      %parallel_loop3A_387 = arith.extui %parallel_loop3A_386 : i1 to i32
      %parallel_loop3A_388 = arith.constant 0 : i32
      %parallel_loop3A_389 = arith.cmpi slt, %parallel_loop3A_376, %parallel_loop3A_388 : i32
      %parallel_loop3A_390 = arith.extui %parallel_loop3A_389 : i1 to i32
      %parallel_loop3A_391 = arith.subi %parallel_loop3A_387, %parallel_loop3A_390 : i32
      %parallel_loop3A_392 = arith.cmpi ne, %parallel_loop3A_384, %parallel_loop3A_391 : i32
      %parallel_loop3A_393 = arith.remsi %parallel_loop3A_375, %parallel_loop3A_376 : i32
      %parallel_loop3A_394 = arith.constant 0 : i32
      %parallel_loop3A_395 = arith.cmpi ne, %parallel_loop3A_393, %parallel_loop3A_394 : i32
      %parallel_loop3A_396 = arith.andi %parallel_loop3A_392, %parallel_loop3A_395 : i1
      %parallel_loop3A_397 = arith.constant 1 : i32
      %parallel_loop3A_398 = arith.subi %parallel_loop3A_377, %parallel_loop3A_397 : i32
      %parallel_loop3A_399 = arith.select %parallel_loop3A_396, %parallel_loop3A_398, %parallel_loop3A_377 : i32
      %parallel_loop3A_400 = arith.constant 64 : i32
      %parallel_loop3A_401 = arith.constant 0 : i32
      %parallel_loop3A_402 = arith.cmpi eq, %parallel_loop3A_400, %parallel_loop3A_401 : i32
      %parallel_loop3A_403 = arith.constant 1 : i32
      %parallel_loop3A_404 = arith.select %parallel_loop3A_402, %parallel_loop3A_403, %parallel_loop3A_400 : i32
      %parallel_loop3A_405 = arith.remsi %parallel_loop3A_375, %parallel_loop3A_404 : i32
      %parallel_loop3A_406 = arith.constant 0 : i32
      %parallel_loop3A_407 = arith.cmpi ne, %parallel_loop3A_405, %parallel_loop3A_406 : i32
      %parallel_loop3A_408 = arith.constant 0 : i32
      %parallel_loop3A_409 = arith.cmpi slt, %parallel_loop3A_405, %parallel_loop3A_408 : i32
      %parallel_loop3A_410 = arith.constant 0 : i32
      %parallel_loop3A_411 = arith.cmpi slt, %parallel_loop3A_404, %parallel_loop3A_410 : i32
      %parallel_loop3A_412 = arith.xori %parallel_loop3A_409, %parallel_loop3A_411 : i1
      %parallel_loop3A_413 = arith.andi %parallel_loop3A_412, %parallel_loop3A_407 : i1
      %parallel_loop3A_414 = arith.addi %parallel_loop3A_405, %parallel_loop3A_404 : i32
      %parallel_loop3A_415 = arith.select %parallel_loop3A_413, %parallel_loop3A_414, %parallel_loop3A_405 : i32
      %parallel_loop3A_416 = arith.constant 16 : i32
      %parallel_loop3A_417 = arith.muli %parallel_loop3A_415, %parallel_loop3A_416 : i32
      %parallel_loop3A_418 = arith.index_cast %parallel_loop3A_399 : i32 to index
      %parallel_loop3A_419 = arith.index_cast %parallel_loop3A_417 : i32 to index
      %parallel_loop3A_420 = tpu.vector_load %arg9[%parallel_loop3A_418, %parallel_loop3A_419] {strides = array<i32>} : memref<16x1024xf32, #tpu.memory_space<vmem>>, vector<1x16xf32>,
      %parallel_loop3A_421 = vector.shape_cast %parallel_loop3A_420 : vector<1x16xf32> to vector<16xf32>
      %parallel_loop3A_422 = arith.index_cast %parallel_loop3A_399 : i32 to index
      %parallel_loop3A_423 = arith.index_cast %parallel_loop3A_417 : i32 to index
      %parallel_loop3A_424 = tpu.vector_load %arg11[%parallel_loop3A_422, %parallel_loop3A_423] {strides = array<i32>} : memref<16x1024xf32, #tpu.memory_space<vmem>>, vector<1x16xf32>,
      %parallel_loop3A_425 = vector.shape_cast %parallel_loop3A_424 : vector<1x16xf32> to vector<16xf32>
      %parallel_loop3A_426 = arith.addf %parallel_loop3A_421, %parallel_loop3A_425 : vector<16xf32>
      %parallel_loop3A_427 = arith.index_cast %parallel_loop3A_399 : i32 to index
      %parallel_loop3A_428 = arith.index_cast %parallel_loop3A_417 : i32 to index
      %parallel_loop3A_429 = tpu.vector_load %arg13[%parallel_loop3A_427, %parallel_loop3A_428] {strides = array<i32>} : memref<16x1024xf32, #tpu.memory_space<vmem>>, vector<1x16xf32>,
      %parallel_loop3A_430 = vector.shape_cast %parallel_loop3A_429 : vector<1x16xf32> to vector<16xf32>
      %parallel_loop3A_431 = vector.shape_cast %parallel_loop3A_426 : vector<16xf32> to vector<1x16xf32>
      tpu.vector_store %arg13[%parallel_loop3A_427, %parallel_loop3A_428], %parallel_loop3A_431 {strides = array<i32>} : memref<16x1024xf32, #tpu.memory_space<vmem>>, vector<1x16xf32>,
    } {sc.loop_unroll_factor = 8 : i64, sc.parallel_access}
    %add3A_293 = arith.constant 80 : i32
    %add3A_294 = arith.addi %mul3A_2, %add3A_293 : i32
    %dma_start3A_295 = arith.constant 0 : i32
    %dma_start3A_296 = tpu.memref_slice %arg5[%add3A_294, %dma_start3A_295] : memref<4096x1024xf32, #tpu.memory_space<hbm>> -> memref<16x1024xf32, #tpu.memory_space<hbm>>
    %dma_start3A_297 = arith.constant 0 : i32
    %dma_start3A_298 = tpu.memref_slice %arg5[%add3A_294, %dma_start3A_297] : memref<4096x1024xf32, #tpu.memory_space<hbm>> -> memref<16x1024xf32, #tpu.memory_space<hbm>>
    tpu.enqueue_dma source(%arg13 : memref<16x1024xf32, #tpu.memory_space<vmem>>) target(%dma_start3A_298 : memref<16x1024xf32, #tpu.memory_space<hbm>>) target_semaphore(%arg15 : memref<!tpu.dma_semaphore, #tpu.memory_space<semaphore_mem>>)
    %dma_start3A_299 = arith.constant 7 : i32
    %dma_start3A_300 = arith.constant 0 : i32
    %dma_start3A_301 = tpu.memref_slice %arg6[%dma_start3A_299, %dma_start3A_300] : memref<8x16xi32, #tpu.memory_space<vmem>> -> memref<1x16xi32, #tpu.memory_space<vmem>>
    %dma_start3A_302 = tpu.memref_squeeze %dma_start3A_301 : memref<1x16xi32, #tpu.memory_space<vmem>> -> memref<16xi32, #tpu.memory_space<vmem>>
    %dma_start3A_303 = arith.constant 0 : i32
    %dma_start3A_304 = arith.constant 0 : i32
    %dma_start3A_305 = tpu.memref_slice %arg2[%dma_start3A_303, %dma_start3A_304] : memref<8192x1024xf32, #tpu.memory_space<hbm>> -> memref<8192x1024xf32, #tpu.memory_space<hbm>>
    tpu.enqueue_indirect_dma source(%dma_start3A_305 : memref<8192x1024xf32, #tpu.memory_space<hbm>>) target(%arg9 : memref<16x1024xf32, #tpu.memory_space<vmem>>) offsets(%dma_start3A_302 : memref<16xi32, #tpu.memory_space<vmem>>) semaphore(%arg14 : memref<!tpu.dma_semaphore, #tpu.memory_space<semaphore_mem>>)
    %dma_start3A_306 = arith.constant 7 : i32
    %dma_start3A_307 = arith.constant 0 : i32
    %dma_start3A_308 = tpu.memref_slice %arg7[%dma_start3A_306, %dma_start3A_307] : memref<8x16xi32, #tpu.memory_space<vmem>> -> memref<1x16xi32, #tpu.memory_space<vmem>>
    %dma_start3A_309 = tpu.memref_squeeze %dma_start3A_308 : memref<1x16xi32, #tpu.memory_space<vmem>> -> memref<16xi32, #tpu.memory_space<vmem>>
    %dma_start3A_310 = arith.constant 0 : i32
    %dma_start3A_311 = arith.constant 0 : i32
    %dma_start3A_312 = tpu.memref_slice %arg2[%dma_start3A_310, %dma_start3A_311] : memref<8192x1024xf32, #tpu.memory_space<hbm>> -> memref<8192x1024xf32, #tpu.memory_space<hbm>>
    tpu.enqueue_indirect_dma source(%dma_start3A_312 : memref<8192x1024xf32, #tpu.memory_space<hbm>>) target(%arg11 : memref<16x1024xf32, #tpu.memory_space<vmem>>) offsets(%dma_start3A_309 : memref<16xi32, #tpu.memory_space<vmem>>) semaphore(%arg14 : memref<!tpu.dma_semaphore, #tpu.memory_space<semaphore_mem>>)
    %dma_wait3A_313 = arith.constant 6 : i32
    %dma_wait3A_314 = arith.constant 0 : i32
    %dma_wait3A_315 = tpu.memref_slice %arg6[%dma_wait3A_313, %dma_wait3A_314] : memref<8x16xi32, #tpu.memory_space<vmem>> -> memref<1x16xi32, #tpu.memory_space<vmem>>
    %dma_wait3A_316 = tpu.memref_squeeze %dma_wait3A_315 : memref<1x16xi32, #tpu.memory_space<vmem>> -> memref<16xi32, #tpu.memory_space<vmem>>
    %dma_wait3A_317 = arith.constant 0 : i32
    %dma_wait3A_318 = arith.constant 0 : i32
    %dma_wait3A_319 = tpu.memref_slice %arg2[%dma_wait3A_317, %dma_wait3A_318] : memref<8192x1024xf32, #tpu.memory_space<hbm>> -> memref<8192x1024xf32, #tpu.memory_space<hbm>>
    tpu.wait_indirect_dma semaphore(%arg14 : memref<!tpu.dma_semaphore, #tpu.memory_space<semaphore_mem>>) src(%dma_wait3A_319 : memref<8192x1024xf32, #tpu.memory_space<hbm>>) dst(%arg8 : memref<16x1024xf32, #tpu.memory_space<vmem>>)
    %dma_wait3A_320 = arith.constant 6 : i32
    %dma_wait3A_321 = arith.constant 0 : i32
    %dma_wait3A_322 = tpu.memref_slice %arg7[%dma_wait3A_320, %dma_wait3A_321] : memref<8x16xi32, #tpu.memory_space<vmem>> -> memref<1x16xi32, #tpu.memory_space<vmem>>
    %dma_wait3A_323 = tpu.memref_squeeze %dma_wait3A_322 : memref<1x16xi32, #tpu.memory_space<vmem>> -> memref<16xi32, #tpu.memory_space<vmem>>
    %dma_wait3A_324 = arith.constant 0 : i32
    %dma_wait3A_325 = arith.constant 0 : i32
    %dma_wait3A_326 = tpu.memref_slice %arg2[%dma_wait3A_324, %dma_wait3A_325] : memref<8192x1024xf32, #tpu.memory_space<hbm>> -> memref<8192x1024xf32, #tpu.memory_space<hbm>>
    tpu.wait_indirect_dma semaphore(%arg14 : memref<!tpu.dma_semaphore, #tpu.memory_space<semaphore_mem>>) src(%dma_wait3A_326 : memref<8192x1024xf32, #tpu.memory_space<hbm>>) dst(%arg10 : memref<16x1024xf32, #tpu.memory_space<vmem>>)
    %dma_wait3A_327 = arith.constant 0 : i32
    %dma_wait3A_328 = tpu.memref_slice %arg5[%add3A_253, %dma_wait3A_327] : memref<4096x1024xf32, #tpu.memory_space<hbm>> -> memref<16x1024xf32, #tpu.memory_space<hbm>>
    %dma_wait3A_329 = arith.constant 0 : i32
    %dma_wait3A_330 = tpu.memref_slice %arg5[%add3A_253, %dma_wait3A_329] : memref<4096x1024xf32, #tpu.memory_space<hbm>> -> memref<16x1024xf32, #tpu.memory_space<hbm>>
    tpu.wait_dma2 semaphore(%arg15 : memref<!tpu.dma_semaphore, #tpu.memory_space<semaphore_mem>>) src(%arg12 : memref<16x1024xf32, #tpu.memory_space<vmem>>) dst(%dma_wait3A_330 : memref<16x1024xf32, #tpu.memory_space<hbm>>)
    %parallel_loop3A_331 = arith.constant 0 : i32
    %parallel_loop3A_332 = arith.constant 1024 : i32
    %parallel_loop3A_333 = arith.constant 1 : i32
    scf.for %parallel_loop3A_375 = %parallel_loop3A_331 to %parallel_loop3A_332 step %parallel_loop3A_333  : i32 {
      %parallel_loop3A_376 = arith.constant 64 : i32
      %parallel_loop3A_377 = arith.divsi %parallel_loop3A_375, %parallel_loop3A_376 : i32
      %parallel_loop3A_378 = arith.constant 0 : i32
      %parallel_loop3A_379 = arith.cmpi sgt, %parallel_loop3A_375, %parallel_loop3A_378 : i32
      %parallel_loop3A_380 = arith.extui %parallel_loop3A_379 : i1 to i32
      %parallel_loop3A_381 = arith.constant 0 : i32
      %parallel_loop3A_382 = arith.cmpi slt, %parallel_loop3A_375, %parallel_loop3A_381 : i32
      %parallel_loop3A_383 = arith.extui %parallel_loop3A_382 : i1 to i32
      %parallel_loop3A_384 = arith.subi %parallel_loop3A_380, %parallel_loop3A_383 : i32
      %parallel_loop3A_385 = arith.constant 0 : i32
      %parallel_loop3A_386 = arith.cmpi sgt, %parallel_loop3A_376, %parallel_loop3A_385 : i32
      %parallel_loop3A_387 = arith.extui %parallel_loop3A_386 : i1 to i32
      %parallel_loop3A_388 = arith.constant 0 : i32
      %parallel_loop3A_389 = arith.cmpi slt, %parallel_loop3A_376, %parallel_loop3A_388 : i32
      %parallel_loop3A_390 = arith.extui %parallel_loop3A_389 : i1 to i32
      %parallel_loop3A_391 = arith.subi %parallel_loop3A_387, %parallel_loop3A_390 : i32
      %parallel_loop3A_392 = arith.cmpi ne, %parallel_loop3A_384, %parallel_loop3A_391 : i32
      %parallel_loop3A_393 = arith.remsi %parallel_loop3A_375, %parallel_loop3A_376 : i32
      %parallel_loop3A_394 = arith.constant 0 : i32
      %parallel_loop3A_395 = arith.cmpi ne, %parallel_loop3A_393, %parallel_loop3A_394 : i32
      %parallel_loop3A_396 = arith.andi %parallel_loop3A_392, %parallel_loop3A_395 : i1
      %parallel_loop3A_397 = arith.constant 1 : i32
      %parallel_loop3A_398 = arith.subi %parallel_loop3A_377, %parallel_loop3A_397 : i32
      %parallel_loop3A_399 = arith.select %parallel_loop3A_396, %parallel_loop3A_398, %parallel_loop3A_377 : i32
      %parallel_loop3A_400 = arith.constant 64 : i32
      %parallel_loop3A_401 = arith.constant 0 : i32
      %parallel_loop3A_402 = arith.cmpi eq, %parallel_loop3A_400, %parallel_loop3A_401 : i32
      %parallel_loop3A_403 = arith.constant 1 : i32
      %parallel_loop3A_404 = arith.select %parallel_loop3A_402, %parallel_loop3A_403, %parallel_loop3A_400 : i32
      %parallel_loop3A_405 = arith.remsi %parallel_loop3A_375, %parallel_loop3A_404 : i32
      %parallel_loop3A_406 = arith.constant 0 : i32
      %parallel_loop3A_407 = arith.cmpi ne, %parallel_loop3A_405, %parallel_loop3A_406 : i32
      %parallel_loop3A_408 = arith.constant 0 : i32
      %parallel_loop3A_409 = arith.cmpi slt, %parallel_loop3A_405, %parallel_loop3A_408 : i32
      %parallel_loop3A_410 = arith.constant 0 : i32
      %parallel_loop3A_411 = arith.cmpi slt, %parallel_loop3A_404, %parallel_loop3A_410 : i32
      %parallel_loop3A_412 = arith.xori %parallel_loop3A_409, %parallel_loop3A_411 : i1
      %parallel_loop3A_413 = arith.andi %parallel_loop3A_412, %parallel_loop3A_407 : i1
      %parallel_loop3A_414 = arith.addi %parallel_loop3A_405, %parallel_loop3A_404 : i32
      %parallel_loop3A_415 = arith.select %parallel_loop3A_413, %parallel_loop3A_414, %parallel_loop3A_405 : i32
      %parallel_loop3A_416 = arith.constant 16 : i32
      %parallel_loop3A_417 = arith.muli %parallel_loop3A_415, %parallel_loop3A_416 : i32
      %parallel_loop3A_418 = arith.index_cast %parallel_loop3A_399 : i32 to index
      %parallel_loop3A_419 = arith.index_cast %parallel_loop3A_417 : i32 to index
      %parallel_loop3A_420 = tpu.vector_load %arg8[%parallel_loop3A_418, %parallel_loop3A_419] {strides = array<i32>} : memref<16x1024xf32, #tpu.memory_space<vmem>>, vector<1x16xf32>,
      %parallel_loop3A_421 = vector.shape_cast %parallel_loop3A_420 : vector<1x16xf32> to vector<16xf32>
      %parallel_loop3A_422 = arith.index_cast %parallel_loop3A_399 : i32 to index
      %parallel_loop3A_423 = arith.index_cast %parallel_loop3A_417 : i32 to index
      %parallel_loop3A_424 = tpu.vector_load %arg10[%parallel_loop3A_422, %parallel_loop3A_423] {strides = array<i32>} : memref<16x1024xf32, #tpu.memory_space<vmem>>, vector<1x16xf32>,
      %parallel_loop3A_425 = vector.shape_cast %parallel_loop3A_424 : vector<1x16xf32> to vector<16xf32>
      %parallel_loop3A_426 = arith.addf %parallel_loop3A_421, %parallel_loop3A_425 : vector<16xf32>
      %parallel_loop3A_427 = arith.index_cast %parallel_loop3A_399 : i32 to index
      %parallel_loop3A_428 = arith.index_cast %parallel_loop3A_417 : i32 to index
      %parallel_loop3A_429 = tpu.vector_load %arg12[%parallel_loop3A_427, %parallel_loop3A_428] {strides = array<i32>} : memref<16x1024xf32, #tpu.memory_space<vmem>>, vector<1x16xf32>,
      %parallel_loop3A_430 = vector.shape_cast %parallel_loop3A_429 : vector<1x16xf32> to vector<16xf32>
      %parallel_loop3A_431 = vector.shape_cast %parallel_loop3A_426 : vector<16xf32> to vector<1x16xf32>
      tpu.vector_store %arg12[%parallel_loop3A_427, %parallel_loop3A_428], %parallel_loop3A_431 {strides = array<i32>} : memref<16x1024xf32, #tpu.memory_space<vmem>>, vector<1x16xf32>,
    } {sc.loop_unroll_factor = 8 : i64, sc.parallel_access}
    %add3A_334 = arith.constant 96 : i32
    %add3A_335 = arith.addi %mul3A_2, %add3A_334 : i32
    %dma_start3A_336 = arith.constant 0 : i32
    %dma_start3A_337 = tpu.memref_slice %arg5[%add3A_335, %dma_start3A_336] : memref<4096x1024xf32, #tpu.memory_space<hbm>> -> memref<16x1024xf32, #tpu.memory_space<hbm>>
    %dma_start3A_338 = arith.constant 0 : i32
    %dma_start3A_339 = tpu.memref_slice %arg5[%add3A_335, %dma_start3A_338] : memref<4096x1024xf32, #tpu.memory_space<hbm>> -> memref<16x1024xf32, #tpu.memory_space<hbm>>
    tpu.enqueue_dma source(%arg12 : memref<16x1024xf32, #tpu.memory_space<vmem>>) target(%dma_start3A_339 : memref<16x1024xf32, #tpu.memory_space<hbm>>) target_semaphore(%arg15 : memref<!tpu.dma_semaphore, #tpu.memory_space<semaphore_mem>>)
    %dma_wait3A_340 = arith.constant 7 : i32
    %dma_wait3A_341 = arith.constant 0 : i32
    %dma_wait3A_342 = tpu.memref_slice %arg6[%dma_wait3A_340, %dma_wait3A_341] : memref<8x16xi32, #tpu.memory_space<vmem>> -> memref<1x16xi32, #tpu.memory_space<vmem>>
    %dma_wait3A_343 = tpu.memref_squeeze %dma_wait3A_342 : memref<1x16xi32, #tpu.memory_space<vmem>> -> memref<16xi32, #tpu.memory_space<vmem>>
    %dma_wait3A_344 = arith.constant 0 : i32
    %dma_wait3A_345 = arith.constant 0 : i32
    %dma_wait3A_346 = tpu.memref_slice %arg2[%dma_wait3A_344, %dma_wait3A_345] : memref<8192x1024xf32, #tpu.memory_space<hbm>> -> memref<8192x1024xf32, #tpu.memory_space<hbm>>
    tpu.wait_indirect_dma semaphore(%arg14 : memref<!tpu.dma_semaphore, #tpu.memory_space<semaphore_mem>>) src(%dma_wait3A_346 : memref<8192x1024xf32, #tpu.memory_space<hbm>>) dst(%arg9 : memref<16x1024xf32, #tpu.memory_space<vmem>>)
    %dma_wait3A_347 = arith.constant 7 : i32
    %dma_wait3A_348 = arith.constant 0 : i32
    %dma_wait3A_349 = tpu.memref_slice %arg7[%dma_wait3A_347, %dma_wait3A_348] : memref<8x16xi32, #tpu.memory_space<vmem>> -> memref<1x16xi32, #tpu.memory_space<vmem>>
    %dma_wait3A_350 = tpu.memref_squeeze %dma_wait3A_349 : memref<1x16xi32, #tpu.memory_space<vmem>> -> memref<16xi32, #tpu.memory_space<vmem>>
    %dma_wait3A_351 = arith.constant 0 : i32
    %dma_wait3A_352 = arith.constant 0 : i32
    %dma_wait3A_353 = tpu.memref_slice %arg2[%dma_wait3A_351, %dma_wait3A_352] : memref<8192x1024xf32, #tpu.memory_space<hbm>> -> memref<8192x1024xf32, #tpu.memory_space<hbm>>
    tpu.wait_indirect_dma semaphore(%arg14 : memref<!tpu.dma_semaphore, #tpu.memory_space<semaphore_mem>>) src(%dma_wait3A_353 : memref<8192x1024xf32, #tpu.memory_space<hbm>>) dst(%arg11 : memref<16x1024xf32, #tpu.memory_space<vmem>>)
    %dma_wait3A_354 = arith.constant 0 : i32
    %dma_wait3A_355 = tpu.memref_slice %arg5[%add3A_294, %dma_wait3A_354] : memref<4096x1024xf32, #tpu.memory_space<hbm>> -> memref<16x1024xf32, #tpu.memory_space<hbm>>
    %dma_wait3A_356 = arith.constant 0 : i32
    %dma_wait3A_357 = tpu.memref_slice %arg5[%add3A_294, %dma_wait3A_356] : memref<4096x1024xf32, #tpu.memory_space<hbm>> -> memref<16x1024xf32, #tpu.memory_space<hbm>>
    tpu.wait_dma2 semaphore(%arg15 : memref<!tpu.dma_semaphore, #tpu.memory_space<semaphore_mem>>) src(%arg13 : memref<16x1024xf32, #tpu.memory_space<vmem>>) dst(%dma_wait3A_357 : memref<16x1024xf32, #tpu.memory_space<hbm>>)
    %parallel_loop3A_358 = arith.constant 0 : i32
    %parallel_loop3A_359 = arith.constant 1024 : i32
    %parallel_loop3A_360 = arith.constant 1 : i32
    scf.for %parallel_loop3A_375 = %parallel_loop3A_358 to %parallel_loop3A_359 step %parallel_loop3A_360  : i32 {
      %parallel_loop3A_376 = arith.constant 64 : i32
      %parallel_loop3A_377 = arith.divsi %parallel_loop3A_375, %parallel_loop3A_376 : i32
      %parallel_loop3A_378 = arith.constant 0 : i32
      %parallel_loop3A_379 = arith.cmpi sgt, %parallel_loop3A_375, %parallel_loop3A_378 : i32
      %parallel_loop3A_380 = arith.extui %parallel_loop3A_379 : i1 to i32
      %parallel_loop3A_381 = arith.constant 0 : i32
      %parallel_loop3A_382 = arith.cmpi slt, %parallel_loop3A_375, %parallel_loop3A_381 : i32
      %parallel_loop3A_383 = arith.extui %parallel_loop3A_382 : i1 to i32
      %parallel_loop3A_384 = arith.subi %parallel_loop3A_380, %parallel_loop3A_383 : i32
      %parallel_loop3A_385 = arith.constant 0 : i32
      %parallel_loop3A_386 = arith.cmpi sgt, %parallel_loop3A_376, %parallel_loop3A_385 : i32
      %parallel_loop3A_387 = arith.extui %parallel_loop3A_386 : i1 to i32
      %parallel_loop3A_388 = arith.constant 0 : i32
      %parallel_loop3A_389 = arith.cmpi slt, %parallel_loop3A_376, %parallel_loop3A_388 : i32
      %parallel_loop3A_390 = arith.extui %parallel_loop3A_389 : i1 to i32
      %parallel_loop3A_391 = arith.subi %parallel_loop3A_387, %parallel_loop3A_390 : i32
      %parallel_loop3A_392 = arith.cmpi ne, %parallel_loop3A_384, %parallel_loop3A_391 : i32
      %parallel_loop3A_393 = arith.remsi %parallel_loop3A_375, %parallel_loop3A_376 : i32
      %parallel_loop3A_394 = arith.constant 0 : i32
      %parallel_loop3A_395 = arith.cmpi ne, %parallel_loop3A_393, %parallel_loop3A_394 : i32
      %parallel_loop3A_396 = arith.andi %parallel_loop3A_392, %parallel_loop3A_395 : i1
      %parallel_loop3A_397 = arith.constant 1 : i32
      %parallel_loop3A_398 = arith.subi %parallel_loop3A_377, %parallel_loop3A_397 : i32
      %parallel_loop3A_399 = arith.select %parallel_loop3A_396, %parallel_loop3A_398, %parallel_loop3A_377 : i32
      %parallel_loop3A_400 = arith.constant 64 : i32
      %parallel_loop3A_401 = arith.constant 0 : i32
      %parallel_loop3A_402 = arith.cmpi eq, %parallel_loop3A_400, %parallel_loop3A_401 : i32
      %parallel_loop3A_403 = arith.constant 1 : i32
      %parallel_loop3A_404 = arith.select %parallel_loop3A_402, %parallel_loop3A_403, %parallel_loop3A_400 : i32
      %parallel_loop3A_405 = arith.remsi %parallel_loop3A_375, %parallel_loop3A_404 : i32
      %parallel_loop3A_406 = arith.constant 0 : i32
      %parallel_loop3A_407 = arith.cmpi ne, %parallel_loop3A_405, %parallel_loop3A_406 : i32
      %parallel_loop3A_408 = arith.constant 0 : i32
      %parallel_loop3A_409 = arith.cmpi slt, %parallel_loop3A_405, %parallel_loop3A_408 : i32
      %parallel_loop3A_410 = arith.constant 0 : i32
      %parallel_loop3A_411 = arith.cmpi slt, %parallel_loop3A_404, %parallel_loop3A_410 : i32
      %parallel_loop3A_412 = arith.xori %parallel_loop3A_409, %parallel_loop3A_411 : i1
      %parallel_loop3A_413 = arith.andi %parallel_loop3A_412, %parallel_loop3A_407 : i1
      %parallel_loop3A_414 = arith.addi %parallel_loop3A_405, %parallel_loop3A_404 : i32
      %parallel_loop3A_415 = arith.select %parallel_loop3A_413, %parallel_loop3A_414, %parallel_loop3A_405 : i32
      %parallel_loop3A_416 = arith.constant 16 : i32
      %parallel_loop3A_417 = arith.muli %parallel_loop3A_415, %parallel_loop3A_416 : i32
      %parallel_loop3A_418 = arith.index_cast %parallel_loop3A_399 : i32 to index
      %parallel_loop3A_419 = arith.index_cast %parallel_loop3A_417 : i32 to index
      %parallel_loop3A_420 = tpu.vector_load %arg9[%parallel_loop3A_418, %parallel_loop3A_419] {strides = array<i32>} : memref<16x1024xf32, #tpu.memory_space<vmem>>, vector<1x16xf32>,
      %parallel_loop3A_421 = vector.shape_cast %parallel_loop3A_420 : vector<1x16xf32> to vector<16xf32>
      %parallel_loop3A_422 = arith.index_cast %parallel_loop3A_399 : i32 to index
      %parallel_loop3A_423 = arith.index_cast %parallel_loop3A_417 : i32 to index
      %parallel_loop3A_424 = tpu.vector_load %arg11[%parallel_loop3A_422, %parallel_loop3A_423] {strides = array<i32>} : memref<16x1024xf32, #tpu.memory_space<vmem>>, vector<1x16xf32>,
      %parallel_loop3A_425 = vector.shape_cast %parallel_loop3A_424 : vector<1x16xf32> to vector<16xf32>
      %parallel_loop3A_426 = arith.addf %parallel_loop3A_421, %parallel_loop3A_425 : vector<16xf32>
      %parallel_loop3A_427 = arith.index_cast %parallel_loop3A_399 : i32 to index
      %parallel_loop3A_428 = arith.index_cast %parallel_loop3A_417 : i32 to index
      %parallel_loop3A_429 = tpu.vector_load %arg13[%parallel_loop3A_427, %parallel_loop3A_428] {strides = array<i32>} : memref<16x1024xf32, #tpu.memory_space<vmem>>, vector<1x16xf32>,
      %parallel_loop3A_430 = vector.shape_cast %parallel_loop3A_429 : vector<1x16xf32> to vector<16xf32>
      %parallel_loop3A_431 = vector.shape_cast %parallel_loop3A_426 : vector<16xf32> to vector<1x16xf32>
      tpu.vector_store %arg13[%parallel_loop3A_427, %parallel_loop3A_428], %parallel_loop3A_431 {strides = array<i32>} : memref<16x1024xf32, #tpu.memory_space<vmem>>, vector<1x16xf32>,
    } {sc.loop_unroll_factor = 8 : i64, sc.parallel_access}
    %add3A_361 = arith.constant 112 : i32
    %add3A_362 = arith.addi %mul3A_2, %add3A_361 : i32
    %dma_start3A_363 = arith.constant 0 : i32
    %dma_start3A_364 = tpu.memref_slice %arg5[%add3A_362, %dma_start3A_363] : memref<4096x1024xf32, #tpu.memory_space<hbm>> -> memref<16x1024xf32, #tpu.memory_space<hbm>>
    %dma_start3A_365 = arith.constant 0 : i32
    %dma_start3A_366 = tpu.memref_slice %arg5[%add3A_362, %dma_start3A_365] : memref<4096x1024xf32, #tpu.memory_space<hbm>> -> memref<16x1024xf32, #tpu.memory_space<hbm>>
    tpu.enqueue_dma source(%arg13 : memref<16x1024xf32, #tpu.memory_space<vmem>>) target(%dma_start3A_366 : memref<16x1024xf32, #tpu.memory_space<hbm>>) target_semaphore(%arg15 : memref<!tpu.dma_semaphore, #tpu.memory_space<semaphore_mem>>)
    %dma_wait3A_367 = arith.constant 0 : i32
    %dma_wait3A_368 = tpu.memref_slice %arg5[%add3A_335, %dma_wait3A_367] : memref<4096x1024xf32, #tpu.memory_space<hbm>> -> memref<16x1024xf32, #tpu.memory_space<hbm>>
    %dma_wait3A_369 = arith.constant 0 : i32
    %dma_wait3A_370 = tpu.memref_slice %arg5[%add3A_335, %dma_wait3A_369] : memref<4096x1024xf32, #tpu.memory_space<hbm>> -> memref<16x1024xf32, #tpu.memory_space<hbm>>
    tpu.wait_dma2 semaphore(%arg15 : memref<!tpu.dma_semaphore, #tpu.memory_space<semaphore_mem>>) src(%arg12 : memref<16x1024xf32, #tpu.memory_space<vmem>>) dst(%dma_wait3A_370 : memref<16x1024xf32, #tpu.memory_space<hbm>>)
    %dma_wait3A_371 = arith.constant 0 : i32
    %dma_wait3A_372 = tpu.memref_slice %arg5[%add3A_362, %dma_wait3A_371] : memref<4096x1024xf32, #tpu.memory_space<hbm>> -> memref<16x1024xf32, #tpu.memory_space<hbm>>
    %dma_wait3A_373 = arith.constant 0 : i32
    %dma_wait3A_374 = tpu.memref_slice %arg5[%add3A_362, %dma_wait3A_373] : memref<4096x1024xf32, #tpu.memory_space<hbm>> -> memref<16x1024xf32, #tpu.memory_space<hbm>>
    tpu.wait_dma2 semaphore(%arg15 : memref<!tpu.dma_semaphore, #tpu.memory_space<semaphore_mem>>) src(%arg13 : memref<16x1024xf32, #tpu.memory_space<vmem>>) dst(%dma_wait3A_374 : memref<16x1024xf32, #tpu.memory_space<hbm>>)
    return
  }
}

module attributes {stable_mosaic.version = 14 : i64} {
  func.func @_routing_body(%arg0: i32, %arg1: memref<4096x2xi32, #tpu.memory_space<vmem>>, %arg2: memref<4096x2xf32, #tpu.memory_space<vmem>>, %arg3: memref<4096x1xi32, #tpu.memory_space<vmem>>, %arg4: memref<4096x1xi32, #tpu.memory_space<vmem>>, %arg5: memref<4096x1xf32, #tpu.memory_space<vmem>>, %arg6: memref<4096x1xf32, #tpu.memory_space<vmem>>, %arg7: memref<8x128xi32, #tpu.memory_space<vmem>>) attributes {dimension_semantics = [#tpu.dimension_semantics<arbitrary>], iteration_bounds = array<i64: 1>, scalar_prefetch = 0 : i64, scratch_operands = 0 : i64, tpu.core_type = #tpu.core_type<tc>, window_params = [{pipeline_mode = #tpu.pipeline_mode<synchronous>, transform_indices = @transform_0, window_bounds = array<i64: 4096, 2>}, {pipeline_mode = #tpu.pipeline_mode<synchronous>, transform_indices = @transform_1, window_bounds = array<i64: 4096, 2>}, {pipeline_mode = #tpu.pipeline_mode<synchronous>, transform_indices = @transform_2, window_bounds = array<i64: 4096, 1>}, {pipeline_mode = #tpu.pipeline_mode<synchronous>, transform_indices = @transform_3, window_bounds = array<i64: 4096, 1>}, {pipeline_mode = #tpu.pipeline_mode<synchronous>, transform_indices = @transform_4, window_bounds = array<i64: 4096, 1>}, {pipeline_mode = #tpu.pipeline_mode<synchronous>, transform_indices = @transform_5, window_bounds = array<i64: 4096, 1>}, {pipeline_mode = #tpu.pipeline_mode<synchronous>, transform_indices = @transform_6, window_bounds = array<i64: 8, 128>}]} {
    %iota3A = tpu.iota {dimensions = array<i32: 1>} : vector<1x16xi32>
    %broadcast_in_dim3A = arith.constant 0 : i32
    %broadcast_in_dim3A_0 = vector.broadcast %broadcast_in_dim3A : i32 to vector<1x16xi32>
    %scan3A = arith.constant 0 : i32
    %scan3A_1 = arith.constant 32 : i32
    %scan3A_2 = arith.addi %scan3A, %scan3A_1 : i32
    %scan3A_3 = arith.constant 1 : i32
    %scan3A_4 = scf.for %scan3A_212 = %scan3A to %scan3A_2 step %scan3A_3 iter_args(%scan3A_213 = %broadcast_in_dim3A_0) -> (vector<1x16xi32>)  : i32 {
      %mul3A_214 = arith.constant 128 : i32
      %mul3A_215 = arith.muli %scan3A_212, %mul3A_214 : i32
      %get3A_216 = arith.index_cast %mul3A_215 : i32 to index
      %get3A_217 = arith.constant 0 : index
      %get3A_218 = vector.load %arg1[%get3A_216, %get3A_217] : memref<4096x2xi32, #tpu.memory_space<vmem>>, vector<128x2xi32>
      %slice3A_219 = vector.extract_strided_slice %get3A_218 {offsets = [0, 0], sizes = [128, 1], strides = [1, 1]} : vector<128x2xi32> to vector<128x1xi32>
      %eq3A_220 = vector.broadcast %slice3A_219 : vector<128x1xi32> to vector<128x16xi32>
      %eq3A_221 = vector.broadcast %iota3A : vector<1x16xi32> to vector<128x16xi32>
      %eq3A_222 = arith.cmpi eq, %eq3A_220, %eq3A_221 : vector<128x16xi32>
      %convert_element_type3A_223 = arith.extui %eq3A_222 : vector<128x16xi1> to vector<128x16xi32>
      %slice3A_224 = vector.extract_strided_slice %get3A_218 {offsets = [0, 1], sizes = [128, 1], strides = [1, 1]} : vector<128x2xi32> to vector<128x1xi32>
      %eq3A_225 = vector.broadcast %slice3A_224 : vector<128x1xi32> to vector<128x16xi32>
      %eq3A_226 = vector.broadcast %iota3A : vector<1x16xi32> to vector<128x16xi32>
      %eq3A_227 = arith.cmpi eq, %eq3A_225, %eq3A_226 : vector<128x16xi32>
      %convert_element_type3A_228 = arith.extui %eq3A_227 : vector<128x16xi1> to vector<128x16xi32>
      %add3A_229 = arith.addi %convert_element_type3A_223, %convert_element_type3A_228 : vector<128x16xi32>
      %reduce_sum3A_230 = arith.constant dense<0> : vector<16xi32>
      %reduce_sum3A_231 = vector.multi_reduction <add>, %add3A_229, %reduce_sum3A_230 [0] : vector<128x16xi32> to vector<16xi32>
      %broadcast_in_dim3A_232 = vector.shape_cast %reduce_sum3A_231 : vector<16xi32> to vector<1x16xi32>
      %add3A_233 = arith.addi %scan3A_213, %broadcast_in_dim3A_232 : vector<1x16xi32>
      scf.yield %add3A_233 : vector<1x16xi32>
    }
    %scan3A_5 = arith.constant 32 : i32
    %reshape3A = vector.shape_cast %scan3A_4 : vector<1x16xi32> to vector<16x1xi32>
    %iota3A_6 = tpu.iota {dimensions = array<i32: 0>} : vector<16x16xi32>
    %iota3A_7 = tpu.iota {dimensions = array<i32: 1>} : vector<16x16xi32>
    %lt3A = arith.cmpi slt, %iota3A_6, %iota3A_7 : vector<16x16xi32>
    %convert_element_type3A = arith.extui %lt3A : vector<16x16xi1> to vector<16x16xi32>
    %convert_element_type3A_8 = arith.sitofp %convert_element_type3A : vector<16x16xi32> to vector<16x16xf32>
    %convert_element_type3A_9 = arith.sitofp %reshape3A : vector<16x1xi32> to vector<16x1xf32>
    %dot_general3A = arith.constant dense<0.000000e+00> : vector<1x16xf32>
    %dot_general3A_10 = tpu.matmul %convert_element_type3A_9, %convert_element_type3A_8, %dot_general3A {dimension_numbers = #tpu.dot_dimension_numbers<[0], [0], [1], [1], [0, 1, 1, 1], [], []>, precision = #tpu.contract_precision<fp32>, transpose_lhs_hint = false} : vector<16x1xf32>, vector<16x16xf32>, vector<1x16xf32> -> vector<1x16xf32>
    %reshape3A_11 = vector.shape_cast %dot_general3A_10 : vector<1x16xf32> to vector<16x1xf32>
    %convert_element_type3A_12 = arith.fptosi %reshape3A_11 : vector<16x1xf32> to vector<16x1xi32>
    %add3A = arith.addi %convert_element_type3A_12, %reshape3A : vector<16x1xi32>
    %iota3A_13 = tpu.iota {dimensions = array<i32: 0>} : vector<128x128xi32>
    %iota3A_14 = tpu.iota {dimensions = array<i32: 1>} : vector<128x128xi32>
    %lt3A_15 = arith.cmpi slt, %iota3A_14, %iota3A_13 : vector<128x128xi32>
    %convert_element_type3A_16 = arith.extui %lt3A_15 : vector<128x128xi1> to vector<128x128xi32>
    %convert_element_type3A_17 = arith.sitofp %convert_element_type3A_16 : vector<128x128xi32> to vector<128x128xf32>
    %broadcast_in_dim3A_18 = arith.constant 0 : i32
    %broadcast_in_dim3A_19 = vector.broadcast %broadcast_in_dim3A_18 : i32 to vector<1x16xi32>
    %scan3A_20 = arith.constant 0 : i32
    %scan3A_21 = arith.constant 32 : i32
    %scan3A_22 = arith.addi %scan3A_20, %scan3A_21 : i32
    %scan3A_23 = arith.constant 1 : i32
    %scan3A_24 = scf.for %scan3A_212 = %scan3A_20 to %scan3A_22 step %scan3A_23 iter_args(%scan3A_213 = %broadcast_in_dim3A_19) -> (vector<1x16xi32>)  : i32 {
      %mul3A_214 = arith.constant 128 : i32
      %mul3A_215 = arith.muli %scan3A_212, %mul3A_214 : i32
      %get3A_216 = arith.index_cast %mul3A_215 : i32 to index
      %get3A_217 = arith.constant 0 : index
      %get3A_218 = vector.load %arg1[%get3A_216, %get3A_217] : memref<4096x2xi32, #tpu.memory_space<vmem>>, vector<128x2xi32>
      %slice3A_219 = vector.extract_strided_slice %get3A_218 {offsets = [0, 0], sizes = [128, 1], strides = [1, 1]} : vector<128x2xi32> to vector<128x1xi32>
      %eq3A_220 = vector.broadcast %slice3A_219 : vector<128x1xi32> to vector<128x16xi32>
      %eq3A_221 = vector.broadcast %iota3A : vector<1x16xi32> to vector<128x16xi32>
      %eq3A_222 = arith.cmpi eq, %eq3A_220, %eq3A_221 : vector<128x16xi32>
      %convert_element_type3A_223 = arith.extui %eq3A_222 : vector<128x16xi1> to vector<128x16xi32>
      %slice3A_224 = vector.extract_strided_slice %get3A_218 {offsets = [0, 1], sizes = [128, 1], strides = [1, 1]} : vector<128x2xi32> to vector<128x1xi32>
      %eq3A_225 = vector.broadcast %slice3A_224 : vector<128x1xi32> to vector<128x16xi32>
      %eq3A_226 = vector.broadcast %iota3A : vector<1x16xi32> to vector<128x16xi32>
      %eq3A_227 = arith.cmpi eq, %eq3A_225, %eq3A_226 : vector<128x16xi32>
      %convert_element_type3A_228 = arith.extui %eq3A_227 : vector<128x16xi1> to vector<128x16xi32>
      %convert_element_type3A_229 = arith.sitofp %convert_element_type3A_223 : vector<128x16xi32> to vector<128x16xf32>
      %convert_element_type3A_230 = arith.sitofp %convert_element_type3A_228 : vector<128x16xi32> to vector<128x16xf32>
      %dot_general3A_231 = arith.constant dense<0.000000e+00> : vector<128x16xf32>
      %dot_general3A_232 = tpu.matmul %convert_element_type3A_17, %convert_element_type3A_229, %dot_general3A_231 {dimension_numbers = #tpu.dot_dimension_numbers<[1], [0], [0], [1], [0, 0, 1, 1], [], []>, precision = #tpu.contract_precision<fp32>, transpose_lhs_hint = false} : vector<128x128xf32>, vector<128x16xf32>, vector<128x16xf32> -> vector<128x16xf32>
      %dot_general3A_233 = arith.constant dense<0.000000e+00> : vector<128x16xf32>
      %dot_general3A_234 = tpu.matmul %convert_element_type3A_17, %convert_element_type3A_230, %dot_general3A_233 {dimension_numbers = #tpu.dot_dimension_numbers<[1], [0], [0], [1], [0, 0, 1, 1], [], []>, precision = #tpu.contract_precision<fp32>, transpose_lhs_hint = false} : vector<128x128xf32>, vector<128x16xf32>, vector<128x16xf32> -> vector<128x16xf32>
      %convert_element_type3A_235 = arith.sitofp %scan3A_213 : vector<1x16xi32> to vector<1x16xf32>
      %add3A_236 = arith.addf %dot_general3A_10, %convert_element_type3A_235 : vector<1x16xf32>
      %add3A_237 = vector.broadcast %add3A_236 : vector<1x16xf32> to vector<128x16xf32>
      %add3A_238 = arith.addf %add3A_237, %dot_general3A_232 : vector<128x16xf32>
      %add3A_239 = arith.addf %add3A_238, %dot_general3A_234 : vector<128x16xf32>
      %mul3A_240 = arith.mulf %convert_element_type3A_229, %add3A_239 : vector<128x16xf32>
      %reduce_sum3A_241 = arith.constant dense<0.000000e+00> : vector<128xf32>
      %reduce_sum3A_242 = vector.multi_reduction <add>, %mul3A_240, %reduce_sum3A_241 [1] : vector<128x16xf32> to vector<128xf32>
      %broadcast_in_dim3A_243 = vector.shape_cast %reduce_sum3A_242 : vector<128xf32> to vector<128x1xf32>
      %add3A_244 = vector.broadcast %add3A_236 : vector<1x16xf32> to vector<128x16xf32>
      %add3A_245 = arith.addf %add3A_244, %dot_general3A_232 : vector<128x16xf32>
      %add3A_246 = arith.addf %add3A_245, %convert_element_type3A_229 : vector<128x16xf32>
      %add3A_247 = arith.addf %add3A_246, %dot_general3A_234 : vector<128x16xf32>
      %mul3A_248 = arith.mulf %convert_element_type3A_230, %add3A_247 : vector<128x16xf32>
      %reduce_sum3A_249 = arith.constant dense<0.000000e+00> : vector<128xf32>
      %reduce_sum3A_250 = vector.multi_reduction <add>, %mul3A_248, %reduce_sum3A_249 [1] : vector<128x16xf32> to vector<128xf32>
      %broadcast_in_dim3A_251 = vector.shape_cast %reduce_sum3A_250 : vector<128xf32> to vector<128x1xf32>
      %convert_element_type3A_252 = arith.fptosi %broadcast_in_dim3A_243 : vector<128x1xf32> to vector<128x1xi32>
      %mul3A_253 = arith.constant 128 : i32
      %mul3A_254 = arith.muli %scan3A_212, %mul3A_253 : i32
      %swap3A_255 = arith.index_cast %mul3A_254 : i32 to index
      %swap3A_256 = arith.constant 0 : index
      %swap3A_257 = vector.load %arg3[%swap3A_255, %swap3A_256] : memref<4096x1xi32, #tpu.memory_space<vmem>>, vector<128x1xi32>
      tpu.vector_store %arg3[%swap3A_255, %swap3A_256], %convert_element_type3A_252 {strides = array<i32>} : memref<4096x1xi32, #tpu.memory_space<vmem>>, vector<128x1xi32>,
      %convert_element_type3A_258 = arith.fptosi %broadcast_in_dim3A_251 : vector<128x1xf32> to vector<128x1xi32>
      %mul3A_259 = arith.constant 128 : i32
      %mul3A_260 = arith.muli %scan3A_212, %mul3A_259 : i32
      %swap3A_261 = arith.index_cast %mul3A_260 : i32 to index
      %swap3A_262 = arith.constant 0 : index
      %swap3A_263 = vector.load %arg4[%swap3A_261, %swap3A_262] : memref<4096x1xi32, #tpu.memory_space<vmem>>, vector<128x1xi32>
      tpu.vector_store %arg4[%swap3A_261, %swap3A_262], %convert_element_type3A_258 {strides = array<i32>} : memref<4096x1xi32, #tpu.memory_space<vmem>>, vector<128x1xi32>,
      %add3A_264 = arith.addi %convert_element_type3A_223, %convert_element_type3A_228 : vector<128x16xi32>
      %reduce_sum3A_265 = arith.constant dense<0> : vector<16xi32>
      %reduce_sum3A_266 = vector.multi_reduction <add>, %add3A_264, %reduce_sum3A_265 [0] : vector<128x16xi32> to vector<16xi32>
      %broadcast_in_dim3A_267 = vector.shape_cast %reduce_sum3A_266 : vector<16xi32> to vector<1x16xi32>
      %add3A_268 = arith.addi %scan3A_213, %broadcast_in_dim3A_267 : vector<1x16xi32>
      scf.yield %add3A_268 : vector<1x16xi32>
    }
    %scan3A_25 = arith.constant 32 : i32
    %get3A = arith.constant 0 : index
    %get3A_26 = arith.constant 0 : index
    %get3A_27 = vector.load %arg2[%get3A, %get3A_26] : memref<4096x2xf32, #tpu.memory_space<vmem>>, vector<4096x1xf32>
    %swap3A = arith.constant 0 : index
    %swap3A_28 = arith.constant 0 : index
    %swap3A_29 = vector.load %arg5[%swap3A, %swap3A_28] : memref<4096x1xf32, #tpu.memory_space<vmem>>, vector<4096x1xf32>
    tpu.vector_store %arg5[%swap3A, %swap3A_28], %get3A_27 {strides = array<i32>} : memref<4096x1xf32, #tpu.memory_space<vmem>>, vector<4096x1xf32>,
    %get3A_30 = arith.constant 0 : index
    %get3A_31 = arith.constant 1 : index
    %get3A_32 = vector.load %arg2[%get3A_30, %get3A_31] : memref<4096x2xf32, #tpu.memory_space<vmem>>, vector<4096x1xf32>
    %swap3A_33 = arith.constant 0 : index
    %swap3A_34 = arith.constant 0 : index
    %swap3A_35 = vector.load %arg6[%swap3A_33, %swap3A_34] : memref<4096x1xf32, #tpu.memory_space<vmem>>, vector<4096x1xf32>
    tpu.vector_store %arg6[%swap3A_33, %swap3A_34], %get3A_32 {strides = array<i32>} : memref<4096x1xf32, #tpu.memory_space<vmem>>, vector<4096x1xf32>,
    %jit3A = arith.constant 256 : i32
    %div3A = vector.broadcast %jit3A : i32 to vector<16x1xi32>
    %div3A_36 = arith.divsi %convert_element_type3A_12, %div3A : vector<16x1xi32>
    %sign3A = arith.constant 0 : i32
    %sign3A_37 = vector.broadcast %sign3A : i32 to vector<16x1xi32>
    %sign3A_38 = arith.cmpi sgt, %convert_element_type3A_12, %sign3A_37 : vector<16x1xi32>
    %sign3A_39 = arith.extui %sign3A_38 : vector<16x1xi1> to vector<16x1xi32>
    %sign3A_40 = arith.constant 0 : i32
    %sign3A_41 = vector.broadcast %sign3A_40 : i32 to vector<16x1xi32>
    %sign3A_42 = arith.cmpi slt, %convert_element_type3A_12, %sign3A_41 : vector<16x1xi32>
    %sign3A_43 = arith.extui %sign3A_42 : vector<16x1xi1> to vector<16x1xi32>
    %sign3A_44 = arith.subi %sign3A_39, %sign3A_43 : vector<16x1xi32>
    %sign3A_45 = arith.constant 0 : i32
    %sign3A_46 = arith.cmpi sgt, %jit3A, %sign3A_45 : i32
    %sign3A_47 = arith.extui %sign3A_46 : i1 to i32
    %sign3A_48 = arith.constant 0 : i32
    %sign3A_49 = arith.cmpi slt, %jit3A, %sign3A_48 : i32
    %sign3A_50 = arith.extui %sign3A_49 : i1 to i32
    %sign3A_51 = arith.subi %sign3A_47, %sign3A_50 : i32
    %ne3A = vector.broadcast %sign3A_51 : i32 to vector<16x1xi32>
    %ne3A_52 = arith.cmpi ne, %sign3A_44, %ne3A : vector<16x1xi32>
    %rem3A = vector.broadcast %jit3A : i32 to vector<16x1xi32>
    %rem3A_53 = arith.remsi %convert_element_type3A_12, %rem3A : vector<16x1xi32>
    %ne3A_54 = arith.constant 0 : i32
    %ne3A_55 = vector.broadcast %ne3A_54 : i32 to vector<16x1xi32>
    %ne3A_56 = arith.cmpi ne, %rem3A_53, %ne3A_55 : vector<16x1xi32>
    %and3A = arith.andi %ne3A_52, %ne3A_56 : vector<16x1xi1>
    %sub3A = arith.constant 1 : i32
    %sub3A_57 = vector.broadcast %sub3A : i32 to vector<16x1xi32>
    %sub3A_58 = arith.subi %div3A_36, %sub3A_57 : vector<16x1xi32>
    %select_n3A = arith.select %and3A, %sub3A_58, %div3A_36 : vector<16x1xi1>, vector<16x1xi32>
    %sub3A_59 = arith.constant 1 : i32
    %sub3A_60 = vector.broadcast %sub3A_59 : i32 to vector<16x1xi32>
    %sub3A_61 = arith.subi %add3A, %sub3A_60 : vector<16x1xi32>
    %jit3A_62 = arith.constant 256 : i32
    %div3A_63 = vector.broadcast %jit3A_62 : i32 to vector<16x1xi32>
    %div3A_64 = arith.divsi %sub3A_61, %div3A_63 : vector<16x1xi32>
    %sign3A_65 = arith.constant 0 : i32
    %sign3A_66 = vector.broadcast %sign3A_65 : i32 to vector<16x1xi32>
    %sign3A_67 = arith.cmpi sgt, %sub3A_61, %sign3A_66 : vector<16x1xi32>
    %sign3A_68 = arith.extui %sign3A_67 : vector<16x1xi1> to vector<16x1xi32>
    %sign3A_69 = arith.constant 0 : i32
    %sign3A_70 = vector.broadcast %sign3A_69 : i32 to vector<16x1xi32>
    %sign3A_71 = arith.cmpi slt, %sub3A_61, %sign3A_70 : vector<16x1xi32>
    %sign3A_72 = arith.extui %sign3A_71 : vector<16x1xi1> to vector<16x1xi32>
    %sign3A_73 = arith.subi %sign3A_68, %sign3A_72 : vector<16x1xi32>
    %sign3A_74 = arith.constant 0 : i32
    %sign3A_75 = arith.cmpi sgt, %jit3A_62, %sign3A_74 : i32
    %sign3A_76 = arith.extui %sign3A_75 : i1 to i32
    %sign3A_77 = arith.constant 0 : i32
    %sign3A_78 = arith.cmpi slt, %jit3A_62, %sign3A_77 : i32
    %sign3A_79 = arith.extui %sign3A_78 : i1 to i32
    %sign3A_80 = arith.subi %sign3A_76, %sign3A_79 : i32
    %ne3A_81 = vector.broadcast %sign3A_80 : i32 to vector<16x1xi32>
    %ne3A_82 = arith.cmpi ne, %sign3A_73, %ne3A_81 : vector<16x1xi32>
    %rem3A_83 = vector.broadcast %jit3A_62 : i32 to vector<16x1xi32>
    %rem3A_84 = arith.remsi %sub3A_61, %rem3A_83 : vector<16x1xi32>
    %ne3A_85 = arith.constant 0 : i32
    %ne3A_86 = vector.broadcast %ne3A_85 : i32 to vector<16x1xi32>
    %ne3A_87 = arith.cmpi ne, %rem3A_84, %ne3A_86 : vector<16x1xi32>
    %and3A_88 = arith.andi %ne3A_82, %ne3A_87 : vector<16x1xi1>
    %sub3A_89 = arith.constant 1 : i32
    %sub3A_90 = vector.broadcast %sub3A_89 : i32 to vector<16x1xi32>
    %sub3A_91 = arith.subi %div3A_64, %sub3A_90 : vector<16x1xi32>
    %select_n3A_92 = arith.select %and3A_88, %sub3A_91, %div3A_64 : vector<16x1xi1>, vector<16x1xi32>
    %gt3A = arith.constant 0 : i32
    %gt3A_93 = vector.broadcast %gt3A : i32 to vector<16x1xi32>
    %gt3A_94 = arith.cmpi sgt, %reshape3A, %gt3A_93 : vector<16x1xi32>
    %sub3A_95 = arith.subi %select_n3A_92, %select_n3A : vector<16x1xi32>
    %add3A_96 = arith.constant 1 : i32
    %add3A_97 = vector.broadcast %add3A_96 : i32 to vector<16x1xi32>
    %add3A_98 = arith.addi %sub3A_95, %add3A_97 : vector<16x1xi32>
    %jit3A_99 = arith.constant 0 : i32
    %broadcast_in_dim3A_100 = vector.broadcast %jit3A_99 : i32 to vector<16x1xi32>
    %select_n3A_101 = arith.select %gt3A_94, %add3A_98, %broadcast_in_dim3A_100 : vector<16x1xi1>, vector<16x1xi32>
    %le3A = arith.cmpi sle, %iota3A_7, %iota3A_6 : vector<16x16xi32>
    %convert_element_type3A_102 = arith.extui %le3A : vector<16x16xi1> to vector<16x16xi32>
    %convert_element_type3A_103 = arith.sitofp %convert_element_type3A_102 : vector<16x16xi32> to vector<16x16xf32>
    %convert_element_type3A_104 = arith.sitofp %select_n3A_101 : vector<16x1xi32> to vector<16x1xf32>
    %dot_general3A_105 = arith.constant dense<0.000000e+00> : vector<16x1xf32>
    %dot_general3A_106 = tpu.matmul %convert_element_type3A_103, %convert_element_type3A_104, %dot_general3A_105 {dimension_numbers = #tpu.dot_dimension_numbers<[1], [0], [0], [1], [0, 0, 1, 1], [], []>, precision = #tpu.contract_precision<fp32>, transpose_lhs_hint = false} : vector<16x16xf32>, vector<16x1xf32>, vector<16x1xf32> -> vector<16x1xf32>
    %convert_element_type3A_107 = arith.fptosi %dot_general3A_106 : vector<16x1xf32> to vector<16x1xi32>
    %slice3A = vector.extract_strided_slice %convert_element_type3A_107 {offsets = [15, 0], sizes = [1, 1], strides = [1, 1]} : vector<16x1xi32> to vector<1x1xi32>
    %iota3A_108 = tpu.iota {dimensions = array<i32: 1>} : vector<1x128xi32>
    %le3A_109 = vector.broadcast %convert_element_type3A_107 : vector<16x1xi32> to vector<16x128xi32>
    %le3A_110 = vector.broadcast %iota3A_108 : vector<1x128xi32> to vector<16x128xi32>
    %le3A_111 = arith.cmpi sle, %le3A_109, %le3A_110 : vector<16x128xi32>
    %convert_element_type3A_112 = arith.extui %le3A_111 : vector<16x128xi1> to vector<16x128xi32>
    %reduce_sum3A = arith.constant dense<0> : vector<128xi32>
    %reduce_sum3A_113 = vector.multi_reduction <add>, %convert_element_type3A_112, %reduce_sum3A [0] : vector<16x128xi32> to vector<128xi32>
    %broadcast_in_dim3A_114 = vector.shape_cast %reduce_sum3A_113 : vector<128xi32> to vector<1x128xi32>
    %min3A = arith.constant 15 : i32
    %min3A_115 = vector.broadcast %min3A : i32 to vector<1x128xi32>
    %min3A_116 = arith.minsi %broadcast_in_dim3A_114, %min3A_115 : vector<1x128xi32>
    %iota3A_117 = tpu.iota {dimensions = array<i32: 0>} : vector<16x128xi32>
    %eq3A = vector.broadcast %min3A_116 : vector<1x128xi32> to vector<16x128xi32>
    %eq3A_118 = arith.cmpi eq, %iota3A_117, %eq3A : vector<16x128xi32>
    %convert_element_type3A_119 = arith.extui %eq3A_118 : vector<16x128xi1> to vector<16x128xi32>
    %mul3A = vector.broadcast %select_n3A : vector<16x1xi32> to vector<16x128xi32>
    %mul3A_120 = arith.muli %convert_element_type3A_119, %mul3A : vector<16x128xi32>
    %reduce_sum3A_121 = arith.constant dense<0> : vector<128xi32>
    %reduce_sum3A_122 = vector.multi_reduction <add>, %mul3A_120, %reduce_sum3A_121 [0] : vector<16x128xi32> to vector<128xi32>
    %broadcast_in_dim3A_123 = vector.shape_cast %reduce_sum3A_122 : vector<128xi32> to vector<1x128xi32>
    %mul3A_124 = vector.broadcast %select_n3A_101 : vector<16x1xi32> to vector<16x128xi32>
    %mul3A_125 = arith.muli %convert_element_type3A_119, %mul3A_124 : vector<16x128xi32>
    %reduce_sum3A_126 = arith.constant dense<0> : vector<128xi32>
    %reduce_sum3A_127 = vector.multi_reduction <add>, %mul3A_125, %reduce_sum3A_126 [0] : vector<16x128xi32> to vector<128xi32>
    %broadcast_in_dim3A_128 = vector.shape_cast %reduce_sum3A_127 : vector<128xi32> to vector<1x128xi32>
    %mul3A_129 = vector.broadcast %convert_element_type3A_107 : vector<16x1xi32> to vector<16x128xi32>
    %mul3A_130 = arith.muli %convert_element_type3A_119, %mul3A_129 : vector<16x128xi32>
    %reduce_sum3A_131 = arith.constant dense<0> : vector<128xi32>
    %reduce_sum3A_132 = vector.multi_reduction <add>, %mul3A_130, %reduce_sum3A_131 [0] : vector<16x128xi32> to vector<128xi32>
    %broadcast_in_dim3A_133 = vector.shape_cast %reduce_sum3A_132 : vector<128xi32> to vector<1x128xi32>
    %mul3A_134 = vector.broadcast %convert_element_type3A_12 : vector<16x1xi32> to vector<16x128xi32>
    %mul3A_135 = arith.muli %convert_element_type3A_119, %mul3A_134 : vector<16x128xi32>
    %reduce_sum3A_136 = arith.constant dense<0> : vector<128xi32>
    %reduce_sum3A_137 = vector.multi_reduction <add>, %mul3A_135, %reduce_sum3A_136 [0] : vector<16x128xi32> to vector<128xi32>
    %broadcast_in_dim3A_138 = vector.shape_cast %reduce_sum3A_137 : vector<128xi32> to vector<1x128xi32>
    %mul3A_139 = vector.broadcast %add3A : vector<16x1xi32> to vector<16x128xi32>
    %mul3A_140 = arith.muli %convert_element_type3A_119, %mul3A_139 : vector<16x128xi32>
    %reduce_sum3A_141 = arith.constant dense<0> : vector<128xi32>
    %reduce_sum3A_142 = vector.multi_reduction <add>, %mul3A_140, %reduce_sum3A_141 [0] : vector<16x128xi32> to vector<128xi32>
    %broadcast_in_dim3A_143 = vector.shape_cast %reduce_sum3A_142 : vector<128xi32> to vector<1x128xi32>
    %sub3A_144 = arith.subi %broadcast_in_dim3A_133, %broadcast_in_dim3A_128 : vector<1x128xi32>
    %sub3A_145 = arith.subi %iota3A_108, %sub3A_144 : vector<1x128xi32>
    %add3A_146 = arith.addi %broadcast_in_dim3A_123, %sub3A_145 : vector<1x128xi32>
    %lt3A_147 = vector.broadcast %slice3A : vector<1x1xi32> to vector<1x128xi32>
    %lt3A_148 = arith.cmpi slt, %iota3A_108, %lt3A_147 : vector<1x128xi32>
    %jit3A_149 = arith.constant 31 : i32
    %broadcast_in_dim3A_150 = vector.broadcast %jit3A_149 : i32 to vector<1x128xi32>
    %select_n3A_151 = arith.select %lt3A_148, %add3A_146, %broadcast_in_dim3A_150 : vector<1x128xi1>, vector<1x128xi32>
    %jit3A_152 = arith.constant 15 : i32
    %broadcast_in_dim3A_153 = vector.broadcast %jit3A_152 : i32 to vector<1x128xi32>
    %select_n3A_154 = arith.select %lt3A_148, %min3A_116, %broadcast_in_dim3A_153 : vector<1x128xi1>, vector<1x128xi32>
    %mul3A_155 = arith.constant 256 : i32
    %mul3A_156 = vector.broadcast %mul3A_155 : i32 to vector<1x128xi32>
    %mul3A_157 = arith.muli %select_n3A_151, %mul3A_156 : vector<1x128xi32>
    %sub3A_158 = arith.subi %broadcast_in_dim3A_138, %mul3A_157 : vector<1x128xi32>
    %jit3A_159 = arith.constant 0 : i32
    %jit3A_160 = arith.constant 256 : i32
    %max3A = vector.broadcast %jit3A_159 : i32 to vector<1x128xi32>
    %max3A_161 = arith.maxsi %max3A, %sub3A_158 : vector<1x128xi32>
    %min3A_162 = vector.broadcast %jit3A_160 : i32 to vector<1x128xi32>
    %min3A_163 = arith.minsi %min3A_162, %max3A_161 : vector<1x128xi32>
    %jit3A_164 = arith.constant 0 : i32
    %broadcast_in_dim3A_165 = vector.broadcast %jit3A_164 : i32 to vector<1x128xi32>
    %select_n3A_166 = arith.select %lt3A_148, %min3A_163, %broadcast_in_dim3A_165 : vector<1x128xi1>, vector<1x128xi32>
    %mul3A_167 = arith.constant 256 : i32
    %mul3A_168 = vector.broadcast %mul3A_167 : i32 to vector<1x128xi32>
    %mul3A_169 = arith.muli %select_n3A_151, %mul3A_168 : vector<1x128xi32>
    %sub3A_170 = arith.subi %broadcast_in_dim3A_143, %mul3A_169 : vector<1x128xi32>
    %jit3A_171 = arith.constant 0 : i32
    %jit3A_172 = arith.constant 256 : i32
    %max3A_173 = vector.broadcast %jit3A_171 : i32 to vector<1x128xi32>
    %max3A_174 = arith.maxsi %max3A_173, %sub3A_170 : vector<1x128xi32>
    %min3A_175 = vector.broadcast %jit3A_172 : i32 to vector<1x128xi32>
    %min3A_176 = arith.minsi %min3A_175, %max3A_174 : vector<1x128xi32>
    %jit3A_177 = arith.constant 0 : i32
    %broadcast_in_dim3A_178 = vector.broadcast %jit3A_177 : i32 to vector<1x128xi32>
    %select_n3A_179 = arith.select %lt3A_148, %min3A_176, %broadcast_in_dim3A_178 : vector<1x128xi1>, vector<1x128xi32>
    %swap3A_180 = arith.constant 0 : index
    %swap3A_181 = arith.constant 0 : index
    %swap3A_182 = vector.load %arg7[%swap3A_180, %swap3A_181] : memref<8x128xi32, #tpu.memory_space<vmem>>, vector<1x128xi32>
    tpu.vector_store %arg7[%swap3A_180, %swap3A_181], %select_n3A_151 {strides = array<i32>} : memref<8x128xi32, #tpu.memory_space<vmem>>, vector<1x128xi32>,
    %swap3A_183 = arith.constant 1 : index
    %swap3A_184 = arith.constant 0 : index
    %swap3A_185 = vector.load %arg7[%swap3A_183, %swap3A_184] : memref<8x128xi32, #tpu.memory_space<vmem>>, vector<1x128xi32>
    tpu.vector_store %arg7[%swap3A_183, %swap3A_184], %select_n3A_154 {strides = array<i32>} : memref<8x128xi32, #tpu.memory_space<vmem>>, vector<1x128xi32>,
    %swap3A_186 = arith.constant 2 : index
    %swap3A_187 = arith.constant 0 : index
    %swap3A_188 = vector.load %arg7[%swap3A_186, %swap3A_187] : memref<8x128xi32, #tpu.memory_space<vmem>>, vector<1x128xi32>
    tpu.vector_store %arg7[%swap3A_186, %swap3A_187], %select_n3A_166 {strides = array<i32>} : memref<8x128xi32, #tpu.memory_space<vmem>>, vector<1x128xi32>,
    %swap3A_189 = arith.constant 3 : index
    %swap3A_190 = arith.constant 0 : index
    %swap3A_191 = vector.load %arg7[%swap3A_189, %swap3A_190] : memref<8x128xi32, #tpu.memory_space<vmem>>, vector<1x128xi32>
    tpu.vector_store %arg7[%swap3A_189, %swap3A_190], %select_n3A_179 {strides = array<i32>} : memref<8x128xi32, #tpu.memory_space<vmem>>, vector<1x128xi32>,
    %broadcast_in_dim3A_192 = arith.constant 0 : i32
    %broadcast_in_dim3A_193 = vector.broadcast %broadcast_in_dim3A_192 : i32 to vector<1x128xi32>
    %swap3A_194 = arith.constant 4 : index
    %swap3A_195 = arith.constant 0 : index
    %swap3A_196 = vector.load %arg7[%swap3A_194, %swap3A_195] : memref<8x128xi32, #tpu.memory_space<vmem>>, vector<1x128xi32>
    tpu.vector_store %arg7[%swap3A_194, %swap3A_195], %broadcast_in_dim3A_193 {strides = array<i32>} : memref<8x128xi32, #tpu.memory_space<vmem>>, vector<1x128xi32>,
    %broadcast_in_dim3A_197 = arith.constant 0 : i32
    %broadcast_in_dim3A_198 = vector.broadcast %broadcast_in_dim3A_197 : i32 to vector<1x128xi32>
    %swap3A_199 = arith.constant 5 : index
    %swap3A_200 = arith.constant 0 : index
    %swap3A_201 = vector.load %arg7[%swap3A_199, %swap3A_200] : memref<8x128xi32, #tpu.memory_space<vmem>>, vector<1x128xi32>
    tpu.vector_store %arg7[%swap3A_199, %swap3A_200], %broadcast_in_dim3A_198 {strides = array<i32>} : memref<8x128xi32, #tpu.memory_space<vmem>>, vector<1x128xi32>,
    %broadcast_in_dim3A_202 = arith.constant 0 : i32
    %broadcast_in_dim3A_203 = vector.broadcast %broadcast_in_dim3A_202 : i32 to vector<1x128xi32>
    %swap3A_204 = arith.constant 6 : index
    %swap3A_205 = arith.constant 0 : index
    %swap3A_206 = vector.load %arg7[%swap3A_204, %swap3A_205] : memref<8x128xi32, #tpu.memory_space<vmem>>, vector<1x128xi32>
    tpu.vector_store %arg7[%swap3A_204, %swap3A_205], %broadcast_in_dim3A_203 {strides = array<i32>} : memref<8x128xi32, #tpu.memory_space<vmem>>, vector<1x128xi32>,
    %broadcast_in_dim3A_207 = arith.constant 0 : i32
    %broadcast_in_dim3A_208 = vector.broadcast %broadcast_in_dim3A_207 : i32 to vector<1x128xi32>
    %swap3A_209 = arith.constant 7 : index
    %swap3A_210 = arith.constant 0 : index
    %swap3A_211 = vector.load %arg7[%swap3A_209, %swap3A_210] : memref<8x128xi32, #tpu.memory_space<vmem>>, vector<1x128xi32>
    tpu.vector_store %arg7[%swap3A_209, %swap3A_210], %broadcast_in_dim3A_208 {strides = array<i32>} : memref<8x128xi32, #tpu.memory_space<vmem>>, vector<1x128xi32>,
    return
  }
  func.func @transform_0(%arg0: i32) -> (i32, i32) {
    %c0_i32 = arith.constant 0 : i32
    %c0_i32_0 = arith.constant 0 : i32
    %c0_i32_1 = arith.constant 0 : i32
    return %c0_i32, %c0_i32_0 : i32, i32
  }
  func.func @transform_1(%arg0: i32) -> (i32, i32) {
    %c0_i32 = arith.constant 0 : i32
    %c0_i32_0 = arith.constant 0 : i32
    %c0_i32_1 = arith.constant 0 : i32
    return %c0_i32, %c0_i32_0 : i32, i32
  }
  func.func @transform_2(%arg0: i32) -> (i32, i32) {
    %c0_i32 = arith.constant 0 : i32
    %c0_i32_0 = arith.constant 0 : i32
    %c0_i32_1 = arith.constant 0 : i32
    return %c0_i32, %c0_i32_0 : i32, i32
  }
  func.func @transform_3(%arg0: i32) -> (i32, i32) {
    %c0_i32 = arith.constant 0 : i32
    %c0_i32_0 = arith.constant 0 : i32
    %c0_i32_1 = arith.constant 0 : i32
    return %c0_i32, %c0_i32_0 : i32, i32
  }
  func.func @transform_4(%arg0: i32) -> (i32, i32) {
    %c0_i32 = arith.constant 0 : i32
    %c0_i32_0 = arith.constant 0 : i32
    %c0_i32_1 = arith.constant 0 : i32
    return %c0_i32, %c0_i32_0 : i32, i32
  }
  func.func @transform_5(%arg0: i32) -> (i32, i32) {
    %c0_i32 = arith.constant 0 : i32
    %c0_i32_0 = arith.constant 0 : i32
    %c0_i32_1 = arith.constant 0 : i32
    return %c0_i32, %c0_i32_0 : i32, i32
  }
  func.func @transform_6(%arg0: i32) -> (i32, i32) {
    %c0_i32 = arith.constant 0 : i32
    %c0_i32_0 = arith.constant 0 : i32
    %c0_i32_1 = arith.constant 0 : i32
    return %c0_i32, %c0_i32_0 : i32, i32
  }
}

module attributes {stable_mosaic.version = 14 : i64} {
  func.func @_swiglu_body(%arg0: i32, %arg1: memref<8x128xi32, #tpu.memory_space<smem>>, %arg2: memref<256x1024xf32, #tpu.memory_space<vmem>>, %arg3: memref<256x1xf32, #tpu.memory_space<vmem>>, %arg4: memref<1x512x1024xf32, #tpu.memory_space<vmem>>, %arg5: memref<1x512x1024xf32, #tpu.memory_space<vmem>>, %arg6: memref<1x1024x512xf32, #tpu.memory_space<vmem>>, %arg7: memref<256x1024xf32, #tpu.memory_space<vmem>>) attributes {dimension_semantics = [#tpu.dimension_semantics<arbitrary>], iteration_bounds = array<i64: 47>, scalar_prefetch = 1 : i64, scratch_operands = 0 : i64, tpu.core_type = #tpu.core_type<tc>, window_params = [{transform_indices = @transform_0, window_bounds = array<i64: 256, 1024>}, {transform_indices = @transform_1, window_bounds = array<i64: 256, 1>}, {transform_indices = @transform_2, window_bounds = array<i64: 1, 512, 1024>}, {transform_indices = @transform_3, window_bounds = array<i64: 1, 512, 1024>}, {transform_indices = @transform_4, window_bounds = array<i64: 1, 1024, 512>}, {transform_indices = @transform_5, window_bounds = array<i64: 256, 1024>}]} {
    %get3A = arith.constant 0 : index
    %get3A_0 = arith.constant 0 : index
    %get3A_1 = vector.load %arg2[%get3A, %get3A_0] : memref<256x1024xf32, #tpu.memory_space<vmem>>, vector<256x1024xf32>
    %get3A_2 = arith.constant 0 : index
    %get3A_3 = arith.constant 0 : index
    %get3A_4 = arith.constant 0 : index
    %get3A_5 = vector.load %arg4[%get3A_2, %get3A_3, %get3A_4] : memref<1x512x1024xf32, #tpu.memory_space<vmem>>, vector<1x512x1024xf32>
    %get3A_6 = vector.shape_cast %get3A_5 : vector<1x512x1024xf32> to vector<512x1024xf32>
    %get3A_7 = arith.constant 0 : index
    %get3A_8 = arith.constant 0 : index
    %get3A_9 = arith.constant 0 : index
    %get3A_10 = vector.load %arg5[%get3A_7, %get3A_8, %get3A_9] : memref<1x512x1024xf32, #tpu.memory_space<vmem>>, vector<1x512x1024xf32>
    %get3A_11 = vector.shape_cast %get3A_10 : vector<1x512x1024xf32> to vector<512x1024xf32>
    %get3A_12 = arith.constant 0 : index
    %get3A_13 = arith.constant 0 : index
    %get3A_14 = arith.constant 0 : index
    %get3A_15 = vector.load %arg6[%get3A_12, %get3A_13, %get3A_14] : memref<1x1024x512xf32, #tpu.memory_space<vmem>>, vector<1x1024x512xf32>
    %get3A_16 = vector.shape_cast %get3A_15 : vector<1x1024x512xf32> to vector<1024x512xf32>
    %dot_general3A = arith.constant dense<0.000000e+00> : vector<256x512xf32>
    %dot_general3A_17 = tpu.matmul %get3A_1, %get3A_6, %dot_general3A {dimension_numbers = #tpu.dot_dimension_numbers<[1], [1], [0], [0], [0, 0, 1, 0], [], []>, transpose_lhs_hint = false} : vector<256x1024xf32>, vector<512x1024xf32>, vector<256x512xf32> -> vector<256x512xf32>
    %dot_general3A_18 = arith.constant dense<0.000000e+00> : vector<256x512xf32>
    %dot_general3A_19 = tpu.matmul %get3A_1, %get3A_11, %dot_general3A_18 {dimension_numbers = #tpu.dot_dimension_numbers<[1], [1], [0], [0], [0, 0, 1, 0], [], []>, transpose_lhs_hint = false} : vector<256x1024xf32>, vector<512x1024xf32>, vector<256x512xf32> -> vector<256x512xf32>
    %logistic3A = arith.negf %dot_general3A_17 : vector<256x512xf32>
    %logistic3A_20 = math.exp %logistic3A : vector<256x512xf32>
    %logistic3A_21 = arith.constant 1.000000e+00 : f32
    %logistic3A_22 = vector.broadcast %logistic3A_21 : f32 to vector<256x512xf32>
    %logistic3A_23 = arith.addf %logistic3A_22, %logistic3A_20 : vector<256x512xf32>
    %logistic3A_24 = arith.divf %logistic3A_22, %logistic3A_23 : vector<256x512xf32>
    %mul3A = arith.mulf %dot_general3A_17, %logistic3A_24 : vector<256x512xf32>
    %mul3A_25 = arith.mulf %mul3A, %dot_general3A_19 : vector<256x512xf32>
    %dot_general3A_26 = arith.constant dense<0.000000e+00> : vector<256x1024xf32>
    %dot_general3A_27 = tpu.matmul %mul3A_25, %get3A_16, %dot_general3A_26 {dimension_numbers = #tpu.dot_dimension_numbers<[1], [1], [0], [0], [0, 0, 1, 0], [], []>, transpose_lhs_hint = false} : vector<256x512xf32>, vector<1024x512xf32>, vector<256x1024xf32> -> vector<256x1024xf32>
    %get3A_28 = arith.constant 0 : index
    %get3A_29 = arith.constant 0 : index
    %get3A_30 = vector.load %arg3[%get3A_28, %get3A_29] : memref<256x1xf32, #tpu.memory_space<vmem>>, vector<256x1xf32>
    %mul3A_31 = vector.broadcast %get3A_30 : vector<256x1xf32> to vector<256x1024xf32>
    %mul3A_32 = arith.mulf %dot_general3A_27, %mul3A_31 : vector<256x1024xf32>
    %iota3A = tpu.iota {dimensions = array<i32: 0>} : vector<256x1xi32>
    %get3A_33 = arith.constant 2 : index
    %get3A_34 = arith.index_cast %arg0 : i32 to index
    %get3A_35 = memref.load %arg1[%get3A_33, %get3A_34] : memref<8x128xi32, #tpu.memory_space<smem>>
    %ge3A = vector.broadcast %get3A_35 : i32 to vector<256x1xi32>
    %ge3A_36 = arith.cmpi sge, %iota3A, %ge3A : vector<256x1xi32>
    %get3A_37 = arith.constant 3 : index
    %get3A_38 = arith.index_cast %arg0 : i32 to index
    %get3A_39 = memref.load %arg1[%get3A_37, %get3A_38] : memref<8x128xi32, #tpu.memory_space<smem>>
    %lt3A = vector.broadcast %get3A_39 : i32 to vector<256x1xi32>
    %lt3A_40 = arith.cmpi slt, %iota3A, %lt3A : vector<256x1xi32>
    %and3A = arith.andi %ge3A_36, %lt3A_40 : vector<256x1xi1>
    %get3A_41 = arith.constant 0 : index
    %get3A_42 = arith.constant 0 : index
    %get3A_43 = vector.load %arg7[%get3A_41, %get3A_42] : memref<256x1024xf32, #tpu.memory_space<vmem>>, vector<256x1024xf32>
    %broadcast_in_dim3A = vector.shape_cast %and3A : vector<256x1xi1> to vector<256x1xi1>
    %broadcast_in_dim3A_44 = vector.broadcast %broadcast_in_dim3A : vector<256x1xi1> to vector<256x1024xi1>
    %select_n3A = arith.select %broadcast_in_dim3A_44, %mul3A_32, %get3A_43 : vector<256x1024xi1>, vector<256x1024xf32>
    %swap3A = arith.constant 0 : index
    %swap3A_45 = arith.constant 0 : index
    %swap3A_46 = vector.load %arg7[%swap3A, %swap3A_45] : memref<256x1024xf32, #tpu.memory_space<vmem>>, vector<256x1024xf32>
    tpu.vector_store %arg7[%swap3A, %swap3A_45], %select_n3A {strides = array<i32>} : memref<256x1024xf32, #tpu.memory_space<vmem>>, vector<256x1024xf32>,
    return
  }
  func.func @transform_0(%arg0: i32, %arg1: memref<8x128xi32, #tpu.memory_space<smem>>) -> (i32, i32) {
    %get3A = arith.constant 0 : index
    %get3A_0 = arith.index_cast %arg0 : i32 to index
    %get3A_1 = memref.load %arg1[%get3A, %get3A_0] : memref<8x128xi32, #tpu.memory_space<smem>>
    %c0_i32 = arith.constant 0 : i32
    %c0_i32_2 = arith.constant 0 : i32
    return %get3A_1, %c0_i32 : i32, i32
  }
  func.func @transform_1(%arg0: i32, %arg1: memref<8x128xi32, #tpu.memory_space<smem>>) -> (i32, i32) {
    %get3A = arith.constant 0 : index
    %get3A_0 = arith.index_cast %arg0 : i32 to index
    %get3A_1 = memref.load %arg1[%get3A, %get3A_0] : memref<8x128xi32, #tpu.memory_space<smem>>
    %c0_i32 = arith.constant 0 : i32
    %c0_i32_2 = arith.constant 0 : i32
    return %get3A_1, %c0_i32 : i32, i32
  }
  func.func @transform_2(%arg0: i32, %arg1: memref<8x128xi32, #tpu.memory_space<smem>>) -> (i32, i32, i32) {
    %get3A = arith.constant 1 : index
    %get3A_0 = arith.index_cast %arg0 : i32 to index
    %get3A_1 = memref.load %arg1[%get3A, %get3A_0] : memref<8x128xi32, #tpu.memory_space<smem>>
    %c0_i32 = arith.constant 0 : i32
    %c0_i32_2 = arith.constant 0 : i32
    %c0_i32_3 = arith.constant 0 : i32
    return %get3A_1, %c0_i32, %c0_i32_2 : i32, i32, i32
  }
  func.func @transform_3(%arg0: i32, %arg1: memref<8x128xi32, #tpu.memory_space<smem>>) -> (i32, i32, i32) {
    %get3A = arith.constant 1 : index
    %get3A_0 = arith.index_cast %arg0 : i32 to index
    %get3A_1 = memref.load %arg1[%get3A, %get3A_0] : memref<8x128xi32, #tpu.memory_space<smem>>
    %c0_i32 = arith.constant 0 : i32
    %c0_i32_2 = arith.constant 0 : i32
    %c0_i32_3 = arith.constant 0 : i32
    return %get3A_1, %c0_i32, %c0_i32_2 : i32, i32, i32
  }
  func.func @transform_4(%arg0: i32, %arg1: memref<8x128xi32, #tpu.memory_space<smem>>) -> (i32, i32, i32) {
    %get3A = arith.constant 1 : index
    %get3A_0 = arith.index_cast %arg0 : i32 to index
    %get3A_1 = memref.load %arg1[%get3A, %get3A_0] : memref<8x128xi32, #tpu.memory_space<smem>>
    %c0_i32 = arith.constant 0 : i32
    %c0_i32_2 = arith.constant 0 : i32
    %c0_i32_3 = arith.constant 0 : i32
    return %get3A_1, %c0_i32, %c0_i32_2 : i32, i32, i32
  }
  func.func @transform_5(%arg0: i32, %arg1: memref<8x128xi32, #tpu.memory_space<smem>>) -> (i32, i32) {
    %get3A = arith.constant 0 : index
    %get3A_0 = arith.index_cast %arg0 : i32 to index
    %get3A_1 = memref.load %arg1[%get3A, %get3A_0] : memref<8x128xi32, #tpu.memory_space<smem>>
    %c0_i32 = arith.constant 0 : i32
    %c0_i32_2 = arith.constant 0 : i32
    return %get3A_1, %c0_i32 : i32, i32
  }
}

</mosaic_0001>

<sc_bundles>
// kernel: kernel.6.cloned.1.call-start
scs
__scs_entry_jumppad:
0x0: {  	(pc) =	sbr.rel $0x88, $3  }
0x1: {  	(tag) =	ssettag $0x0;
	lr =	simm.s32 $0x1  }
0x2: {  	[smem:$0x3F9B] =	sst lr;
	_ =	strace $0xD0000000  }
0x3: {  	_ = 	snop  }
0x4: {  	_ = 	snop  }
0x5: {  	_ = 	snop  }
0x6: {  	_ = 	snop  }
0x7: {  	_ = 	snop  }
__scs_overlays_trampoline_lowered:
0x8: {  	[smem:$0x3FAA] =	sst s0  }
0x9: {  	[smem:$0x3FAB] =	sst s1  }
0xa: {  	[smem:$0x3FAC] =	sst s2  }
0xb: {  	[smem:$0x3FAD] =	sst s3  }
0xc: {  	[smem:$0x3FAE] =	sst s4  }
0xd: {  	[smem:$0x3FAF] =	sst s5  }
0xe: {  	[smem:$0x3FB0] =	sst s6  }
0xf: {  	[smem:$0x3FB1] =	sst s7  }
0x10: {  	[smem:$0x3FB2] =	sst s8  }
0x11: {  	[smem:$0x3FB3] =	sst s9;
	s0 =	simm.s32 @!p0 $0x0  }
0x12: {  	s1 =	sld [smem:$0x3F99];
	s0 =	simm.s32 @p0 $0x1  }
0x13: {  	[smem:$0x3FB4] =	sst s0;
	s0 =	simm.s32 @!p1 $0x0  }
0x14: {  	s2 =	sld [smem:$0x3F98];
	s0 =	simm.s32 @p1 $0x1  }
0x15: {  	[smem:$0x3FB5] =	sst s0;
	s0 =	simm.s32 @!p2 $0x0  }
0x16: {  	s3 =	sld [smem:$0x3FDB];
	s0 =	simm.s32 @p2 $0x1  }
0x17: {  	s4 =	simm.s32 $0x1BF5;
	[smem:$0x3FB7] =	sst s0  }
0x18: {  	s0 =	sld [smem:$0x3F9A];
	_ =	swait.ge [sflag:s4], $0x0  }
0x19: {  	s7 =	sld [smem:$0x3F9B]  }
0x1a: {  	s8 =	sadd.s32 $0xFFFFE003, lr  }
0x1b: {  	s9 =	sadd.s32 $0xFFFFFEF7, lr;
	s5 =	simm.s32 $0xFFFFFFFF;
	p2 =	slt.u32 s8, $0xFFFFF086  }
0x1c: {  	p1 =	slt.u32 s9, $0xF7A;
	s5 =	simm.s32 @!p2 $0x0  }
0x1d: {  	s5 =	simm.s32 @p1 $0x1;
	p0 =	seq.s32 s7, s2  }
0x1e: {  	s7 =	smul.u32 @!p0 $0xF7A, s2;
	p2 =	seq.s32 @!p0 s5, $0x0  }
0x1f: {  	s9 =	smul.u32 $0xF7A, s1;
	s8 =	simm.s32 @!p0 $0x1BF5;
	p2 =	por !p2, p0  }
0x20: {  	[sflag:s8] =	ssyncset.s32 @!p0 $0xFFFFF086;
	s6 =	sadd.s32 @!p0 s3, s7;
	s7 =	simm.s32 @!p0 $0x108  }
0x21: {  	s3 =	sadd.s32 s3, s9;
	s6 =	sadd.s32 @!p0 $0x88, s6;
	s7 =	simm.s32 @p2 $0x1082  }
0x22: {  	[simem:s7], [sflag:s8] =	dma.local @!p0 [hbm:s6], $0xF7A  }
0x23: {  	s9 =	sor.u32 $0xD0000000, s2;
	s6 =	simm.s32 $0x108;
	_ =	swait.ge @!p0 [sflag:s8], $0x0  }
0x24: {  	s3 =	sadd.s32 $0x88, s3;
	s6 =	simm.s32 @!p1 $0x1082;
	[sflag:s4] =	ssyncset.s32 $0xFFFFF086  }
0x25: {  	[simem:s6], [sflag:s4] =	dma.local [hbm:s3], $0xF7A  }
0x26: {  	[smem:$0x3F9B] =	sst s1;
	(tag) =	ssettag s2;
	_ =	strace s9  }
0x27: {  	s1 =	sld [smem:$0x3FAB]  }
0x28: {  	s2 =	sld [smem:$0x3FAC]  }
0x29: {  	s4 =	sld [smem:$0x3FAE]  }
0x2a: {  	p0 =	seq.s32 s5, $0x0;
	s5 =	sld [smem:$0x3FAF]  }
0x2b: {  	s6 =	sld [smem:$0x3FB0]  }
0x2c: {  	s7 =	sld [smem:$0x3FB1]  }
0x2d: {  	s3 =	simm.s32 $0x108;
	s8 =	sld [smem:$0x3FB2]  }
0x2e: {  	s3 =	simm.s32 @!p0 $0x1082;
	s9 =	sld [smem:$0x3FB3]  }
0x2f: {  	lr =	sadd.s32 s0, s3;
	s0 =	sld [smem:$0x3FAA]  }
0x30: {  	s3 =	sld [smem:$0x3FAD]  }
0x31: {  	[smem:$0x3FB6] =	sst s10  }
0x32: {  	s10 =	sld [smem:$0x3FB4];
	_ =	sdelay $0x3  }
0x33: {  	p0 =	seq.s32 s10, $0x1;
	s10 =	sld [smem:$0x3FB6];
	_ =	sdelay $0x3  }
0x34: {  	[smem:$0x3FB6] =	sst s10  }
0x35: {  	s10 =	sld [smem:$0x3FB5];
	_ =	sdelay $0x3  }
0x36: {  	p1 =	seq.s32 s10, $0x1;
	s10 =	sld [smem:$0x3FB6];
	_ =	sdelay $0x3  }
0x37: {  	[smem:$0x3FB6] =	sst s10  }
0x38: {  	s10 =	sld [smem:$0x3FB7]  }
0x39: {  	_ = 	snop;
	(pc) =	sbr.ind lr, $3  }
0x3a: {  	_ = 	snop  }
0x3b: {  	_ = 	snop  }
0x3c: {  	p2 =	seq.s32 s10, $0x1;
	s10 =	sld [smem:$0x3FB6]  }
0x3d: {  	_ =	shalt  }
0x3e: {  	_ =	shalt  }
0x3f: {  	_ =	shalt  }
0x40: {  	_ =	shalt  }
0x41: {  	_ =	shalt  }
0x42: {  	_ =	shalt  }
0x43: {  	_ =	shalt  }
0x44: {  	_ =	shalt  }
0x45: {  	_ =	shalt  }
0x46: {  	_ =	shalt  }
0x47: {  	_ =	shalt  }
0x48: {  	_ =	shalt  }
0x49: {  	_ =	shalt  }
0x4a: {  	_ =	shalt  }
0x4b: {  	_ =	shalt  }
0x4c: {  	_ =	shalt  }
0x4d: {  	_ =	shalt  }
0x4e: {  	_ =	shalt  }
0x4f: {  	_ =	shalt  }
0x50: {  	_ =	shalt  }
0x51: {  	_ =	shalt  }
0x52: {  	_ =	shalt  }
0x53: {  	_ =	shalt  }
0x54: {  	_ =	shalt  }
0x55: {  	_ =	shalt  }
0x56: {  	_ =	shalt  }
0x57: {  	_ =	shalt  }
0x58: {  	_ =	shalt  }
0x59: {  	_ =	shalt  }
0x5a: {  	_ =	shalt  }
0x5b: {  	_ =	shalt  }
0x5c: {  	_ =	shalt  }
0x5d: {  	_ =	shalt  }
0x5e: {  	_ =	shalt  }
0x5f: {  	_ =	shalt  }
0x60: {  	_ =	shalt  }
0x61: {  	_ =	shalt  }
0x62: {  	_ =	shalt  }
0x63: {  	_ =	shalt  }
0x64: {  	_ =	shalt  }
0x65: {  	_ =	shalt  }
0x66: {  	_ =	shalt  }
0x67: {  	_ =	shalt  }
0x68: {  	_ =	shalt  }
0x69: {  	_ =	shalt  }
0x6a: {  	_ =	shalt  }
0x6b: {  	_ =	shalt  }
0x6c: {  	_ =	shalt  }
0x6d: {  	_ =	shalt  }
0x6e: {  	_ =	shalt  }
0x6f: {  	_ =	shalt  }
0x70: {  	_ =	shalt  }
0x71: {  	_ =	shalt  }
0x72: {  	_ =	shalt  }
0x73: {  	_ =	shalt  }
0x74: {  	_ =	shalt  }
0x75: {  	_ =	shalt  }
0x76: {  	_ =	shalt  }
0x77: {  	_ =	shalt  }
0x78: {  	_ =	shalt  }
0x79: {  	_ =	shalt  }
0x7a: {  	_ =	shalt  }
0x7b: {  	_ =	shalt  }
0x7c: {  	_ =	shalt  }
0x7d: {  	_ =	shalt  }
0x7e: {  	_ =	shalt  }
0x7f: {  	_ =	shalt  }
0x80: {  	_ =	shalt  }
0x81: {  	_ =	shalt  }
0x82: {  	_ =	shalt  }
0x83: {  	_ =	shalt  }
0x84: {  	_ =	shalt  }
0x85: {  	_ =	shalt  }
0x86: {  	_ =	shalt  }
0x87: {  	_ =	shalt  }
.Lfunc_end0:
.L_simem_size_0:
called_computation_lowered:
.L_overlay_start_0:
0x88: {  	s2 =	sld [smem:$0x3FD9]  }
0x89: {  	s3 =	sld [smem:$0x3FFE];
	_ =	sdelay $0x1  }
0x8a: {  	s1 =	srdreg.scid  }
0x8b: {  	s0 =	sand.u32 $0x1, s1  }
0x8c: {  	s17 =	sshll.u32 s0, $0xA;
	s2 =	sadd.s32 s3, s2  }
0x8d: {  	s2 =	sadd.s32 s2, s17  }
0x8e: {  	[smem:$0x3FC2] =	sst s2  }
0x8f: {  	_ = 	snop  }
0x90: {  	s2 =	sld [smem:$0x3FC9];
	(tm) =	ssettm $0x1  }
0x91: {  	s18 =	sld [smem:$0x3FFB];
	_ =	sdelay $0x3  }
0x92: {  	_ =	strace s18  }
0x93: {  	s3 =	sld [smem:$0x3FFC];
	_ =	sdelay $0x3  }
0x94: {  	_ =	strace s3  }
0x95: {  	s3 =	sld [smem:$0x3FFD];
	_ =	sdelay $0x3  }
0x96: {  	_ =	strace s3  }
0x97: {  	_ =	strace $0x8FFFFFFF  }
0x98: {  	s19 =	sld [smem:$0x3FDB];
	_ =	sdelay $0x1  }
0x99: {  	s4 =	simm.s32 $_scs_section_size  }
0x9a: {  	s5 =	simm.s32 $_size__tile_overlayer_lowered;
	s6 =	simm.s32 $_tile_overlayer_lowered  }
0x9b: {  	s22 =	simm.s32 $0x1BFF;
	s21 =	sshll.u32 s6, $0x1;
	s3 =	sadd.s32 s4, s19  }
0x9c: {  	s7 =	simm.s32 $0x0;
	s20 =	sshll.u32 s5, $0x1;
	s5 =	sadd.s32 s21, s3  }
0x9d: {  	[timem:s7], [sflag:s22] =	dma.local [hbm:s5], s20  }
0x9e: {  	_ =	swait.ge [sflag:s22], s20  }
0x9f: {  	s4 =	ssub.s32 $0x0, s20;
	[sflag:s22] =	ssyncset.done $0x0  }
0xa0: {  	[sflag:s22] =	ssyncadd.s32 s4;
	_ =	sdelay $0x1  }
0xa1: {  	s23 =	simm.s32 $0x1B8B  }
0xa2: {  	_ =	swait.ge [sflag:s23], $0x1  }
0xa3: {  	[sflag:s23] =	ssyncset.done $0x0  }
0xa4: {  	s25 =	simm.s32 $0x1B8E;
	s24 =	sld [smem:$0x3FFE];
	[sflag:s23] =	ssyncadd.s32 $0xFFFFFFFF  }
0xa5: {  	s26 =	simm.s32 $execute0_lowered;
	[smem:$0x3FD2] =	sst s25  }
0xa6: {  	s5 =	sshll.u32 s26, $0x1;
	_ =	strace $0x80000046;
	[dreg:$0x1] =	wrdreg $0xFFFFFFFF  }
0xa7: {  	s28 =	simm.s32 $_size_execute0_lowered;
	s3 =	sadd.s32 s3, s5;
	[dreg:$0x0] =	wrdreg $0x0  }
0xa8: {  	s5 =	sshll.u32 s28, $0x1;
	[dreg:$0x2] =	wrdreg s3  }
0xa9: {  	[dreg:$0x3] =	wrdreg s5  }
0xaa: {  	[dreg:$0x4] =	wrdreg $0xC0  }
0xab: {  	_ =	task [dreg:s7], $0x5FFFF  }
0xac: {  	[dreg:$0x1] =	wrdreg $0xFFFFFFFF  }
0xad: {  	[dreg:$0x0] =	wrdreg $0x60  }
0xae: {  	[dreg:$0x2] =	wrdreg s2  }
0xaf: {  	[dreg:$0x3] =	wrdreg s24  }
0xb0: {  	[dreg:$0x4] =	wrdreg $0x9  }
0xb1: {  	_ =	task.clear_ibuf [dreg:s7], $0x5FFFF;
	_ =	strace $0x90000046  }
0xb2: {  	s29 =	simm.s32 $0x9;
	_ =	strace $0x80000048  }
0xb3: {  	_ =	swait.ge [sflag:s29], $0x1  }
0xb4: {  	[sflag:s29] =	ssyncadd.s32 $0xFFFFFFFF  }
0xb5: {  	_ =	strace $0x90000048  }
0xb6: {  	_ =	sfence  }
0xb7: {  	s30 =	sld [smem:$0x0];
	_ =	sdelay $0x2  }
0xb8: {  	s31 =	sshll.u32 s1, $0xD;
	s1 =	sshrl.u32 s1, $0x2  }
0xb9: {  	s3 =	sand.u32 $0x4000, s31;
	s1 =	sadd.s32 s1, s30  }
0xba: {  	s0 =	sor.u32 s3, s0;
	s1 =	sshll.u32 s1, $0x11  }
0xbb: {  	s0 =	sor.u32 s1, s0  }
0xbc: {  	s0 =	sadd.s32 $0x8F2B, s0  }
0xbd: {  	[sflag:s0] =	ssyncadd.remote.s32 $0x1  }
0xbe: {  	_ =	sfence.sel $0xFFFF  }
0xbf: {  	[dreg:$0x0] =	wrdreg $0xFFFFFFFF;
	(pc) =	sbr.abs _section_cstart, $3  }
0xc0: {  	[dreg:$0x1] =	wrdreg $0xFFFFFFFF  }
0xc1: {  	_ =	task.clear_ibuf [dreg:s7], $0x2FFFF;
	_ =	strace $0x9FFFFFFF  }
0xc2: {  	(tm) =	ssettm $0x7FFFFFFF  }
0xc3: {  	_ =	shalt  }
tec
execute0_lowered:
.L_overlay_start_1:
0x0: {  	(tag) =	ssettag $0x1  }
0x1: {  	s0 =	rddreg [dreg:$0x0]  }
0x2: {  	s1 =	rddreg [dreg:$0x1]  }
0x3: {  	s2 =	srdreg.scid;
	s3 =	stileid.u32;
	s18 =	simm.s32 $0x200  }
0x4: {  	s20 =	simm.s32 $0x80;
	s28 =	simm.s32 $0x2;
	s31 =	simm.s32 $0xBC00  }
0x5: {  	s4 =	sand.u32 $0x1, s2;
	s2 =	simm.s32 $0x0;
	s3 =	sshll.u32 s3, $0x8  }
0x6: {  	s6 =	sadd.s32 $0x200, s1;
	s5 =	sshll.u32 s4, $0x7;
	[smem:$0x7FF] =	sst s2  }
0x7: {  	s3 =	sor.u32 s5, s3;
	_ =	strace $0x80000047;
	[dreg:$0xf] =	wrdreg s18  }
0x8: {  	[dreg:$0x10] =	wrdreg s20;
	s5 =	sshrl.u32 s3, $0x3;
	s8 =	sor.u32 $0x20, s3  }
0x9: {  	s9 =	sor.u32 $0x40, s3;
	s10 =	sor.u32 $0x60, s3;
	s7 =	sadd.s32 s1, s5  }
0xa: {  	s3 =	sshll.u32 s3, $0x7;
	s5 =	sadd.s32 s6, s5;
	[dreg:$0x3] =	wrdreg s7  }
0xb: {  	s22 =	sshrl.u32 s8, $0x3;
	s3 =	sadd.s32 s0, s3;
	[dreg:$0x4] =	wrdreg s5  }
0xc: {  	s30 =	simm.s32 $0xEC00;
	s23 =	sadd.s32 s1, s22;
	[dreg:$0xb] =	wrdreg s3  }
0xd: {  	s25 =	sshrl.u32 s9, $0x3;
	s24 =	sadd.s32 s6, s22;
	[dreg:$0x5] =	wrdreg s23  }
0xe: {  	s4 =	ssub.s32 $0x2, s4;
	s26 =	sadd.s32 s1, s25;
	[dreg:$0x6] =	wrdreg s24  }
0xf: {  	s11 =	sshrl.u32 s10, $0x3;
	s7 =	sadd.s32 s6, s25;
	[dreg:$0x7] =	wrdreg s26  }
0x10: {  	s19 =	sshrl.u32 s4, $0x1;
	s12 =	sadd.s32 s1, s11;
	[dreg:$0x8] =	wrdreg s7  }
0x11: {  	s14 =	sshll.u32 s8, $0x7;
	s13 =	sadd.s32 s6, s11;
	[dreg:$0x9] =	wrdreg s12  }
0x12: {  	s16 =	sshll.u32 s9, $0x7;
	s15 =	sadd.s32 s0, s14;
	[dreg:$0xa] =	wrdreg s13  }
0x13: {  	s17 =	sshll.u32 s10, $0x7;
	s5 =	sadd.s32 s0, s16;
	[dreg:$0xc] =	wrdreg s15  }
0x14: {  	s21 =	ssub.s32 s4, s19;
	s0 =	sadd.s32 s0, s17;
	[dreg:$0xd] =	wrdreg s5  }
0x15: {  	s4 =	sadd.s32 $0x500, s1;
	s22 =	simm.s32 $0x280;
	[dreg:$0xe] =	wrdreg s0  }
0x16: {  	s29 =	smax.u32 s21, $0x1;
	s25 =	simm.s32 $0x180;
	[dreg:$0x11] =	wrdreg s22  }
0x17: {  	s8 =	simm.s32 $0x3;
	s23 =	simm.s32 $0x100;
	[dreg:$0x14] =	wrdreg s25  }
0x18: {  	s3 =	sadd.s32 $0x400, s1;
	s24 =	simm.s32 $0x300;
	[dreg:$0x12] =	wrdreg s23  }
0x19: {  	v2 =	vlaneseq.u32;
	s6 =	sadd.s32 $0x700, s1;
	s26 =	simm.s32 $0x380;
	[dreg:$0x13] =	wrdreg s24  }
0x1a: {  	vm0 =	vmmov $0xffff;
	v1 =	vshrl.u32 v2, $0x3;
	s5 =	sadd.s32 $0x600, s1;
	s25 =	simm.s32 $0xB400;
	[dreg:$0x15] =	wrdreg s26  }
0x1b: {  	v0 =	vand.u32 $0x7, v2;
	v2 =	vor.u32 $0x8, v2;
	v1 =	vmul.u32 $0x8, v1;
	s26 =	simm.s32 $0xAC00;
	s23 =	simm.s32 $0xF400;
	s24 =	simm.s32 $0xFC00  }
.LBB2_1:
0x1c: {  	s21 =	rddreg [dreg:$0x3]  }
0x1d: {  	[tilespmem:s2], [sflag:$0x3] =	stream.linear.gather [hbm4b:s21+s2], $0x20, $0x38;
	[tilespmem:$0x10400] =	vst v63  }
0x1e: {  	_ =	swait.ge [sflag:s8], $0x20  }
0x1f: {  	s10 =	rddreg [dreg:$0x4];
	[sflag:s8] =	ssyncset.done $0x0  }
0x20: {  	s22 =	rddreg [dreg:$0xf];
	[sflag:s8] =	ssyncadd.s32 $0xFFFFFFE0  }
0x21: {  	[tilespmem:s22], [sflag:$0x3] =	stream.linear.gather [hbm4b:s10+s2], $0x20, $0x38;
	[tilespmem:$0x10400] =	vst v63  }
0x22: {  	_ =	swait.ge [sflag:s8], $0x20  }
0x23: {  	s11 =	rddreg [dreg:$0x5];
	[sflag:s8] =	ssyncset.done $0x0  }
0x24: {  	s12 =	rddreg [dreg:$0x10];
	[sflag:s8] =	ssyncadd.s32 $0xFFFFFFE0  }
0x25: {  	[tilespmem:s12], [sflag:$0x3] =	stream.linear.gather [hbm4b:s11+s2], $0x20, $0x38;
	[tilespmem:$0x10400] =	vst v63  }
0x26: {  	_ =	swait.ge [sflag:s8], $0x20  }
0x27: {  	s13 =	rddreg [dreg:$0x6];
	[sflag:s8] =	ssyncset.done $0x0  }
0x28: {  	s14 =	rddreg [dreg:$0x11];
	[sflag:s8] =	ssyncadd.s32 $0xFFFFFFE0  }
0x29: {  	[tilespmem:s14], [sflag:$0x3] =	stream.linear.gather [hbm4b:s13+s2], $0x20, $0x38;
	[tilespmem:$0x10400] =	vst v63  }
0x2a: {  	_ =	swait.ge [sflag:s8], $0x20  }
0x2b: {  	s15 =	rddreg [dreg:$0x7];
	[sflag:s8] =	ssyncset.done $0x0  }
0x2c: {  	s16 =	rddreg [dreg:$0x12];
	[sflag:s8] =	ssyncadd.s32 $0xFFFFFFE0  }
0x2d: {  	[tilespmem:s16], [sflag:$0x3] =	stream.linear.gather [hbm4b:s15+s2], $0x20, $0x38;
	[tilespmem:$0x10400] =	vst v63  }
0x2e: {  	_ =	swait.ge [sflag:s8], $0x20  }
0x2f: {  	s17 =	rddreg [dreg:$0x8];
	[sflag:s8] =	ssyncset.done $0x0  }
0x30: {  	s18 =	rddreg [dreg:$0x13];
	[sflag:s8] =	ssyncadd.s32 $0xFFFFFFE0  }
0x31: {  	[tilespmem:s18], [sflag:$0x3] =	stream.linear.gather [hbm4b:s17+s2], $0x20, $0x38;
	[tilespmem:$0x10400] =	vst v63  }
0x32: {  	_ =	swait.ge [sflag:s8], $0x20  }
0x33: {  	s19 =	rddreg [dreg:$0x9];
	[sflag:s8] =	ssyncset.done $0x0  }
0x34: {  	s20 =	rddreg [dreg:$0x14];
	[sflag:s8] =	ssyncadd.s32 $0xFFFFFFE0  }
0x35: {  	[tilespmem:s20], [sflag:$0x3] =	stream.linear.gather [hbm4b:s19+s2], $0x20, $0x38;
	[tilespmem:$0x10400] =	vst v63  }
0x36: {  	_ =	swait.ge [sflag:s8], $0x20  }
0x37: {  	s0 =	rddreg [dreg:$0xa];
	[sflag:s8] =	ssyncset.done $0x0  }
0x38: {  	s1 =	rddreg [dreg:$0x15];
	[sflag:s8] =	ssyncadd.s32 $0xFFFFFFE0  }
0x39: {  	[tilespmem:s1], [sflag:$0x3] =	stream.linear.gather [hbm4b:s0+s2], $0x20, $0x38;
	[tilespmem:$0x10400] =	vst v63  }
0x3a: {  	_ =	swait.ge [sflag:s8], $0x20  }
0x3b: {  	[sflag:s8] =	ssyncset.done $0x0  }
0x3c: {  	s22 =	simm.s32 $0x400;
	s7 =	rddreg [dreg:$0xb];
	[sflag:s8] =	ssyncadd.s32 $0xFFFFFFE0  }
0x3d: {  	[tilespmem:s22], [sflag:$0x3] =	stream.linear.gather [hbm4b:s7+s2], $0x8000, $0x38;
	[tilespmem:$0x10400] =	vst v63  }
0x3e: {  	_ =	swait.ge [sflag:s8], $0x8000  }
0x3f: {  	[sflag:s8] =	ssyncset.done $0x0  }
0x40: {  	s0 =	simm.s32 $0x8400;
	s9 =	rddreg [dreg:$0xc];
	[sflag:s8] =	ssyncadd.s32 $0xFFFF8000  }
0x41: {  	[tilespmem:s0], [sflag:$0x1] =	stream.linear.gather [hbm4b:s9+s2], $0x8000, $0x38;
	[tilespmem:$0x10400] =	vst v63  }
0x42: {  	v3 =	vld [tilespmem:$0x0];
	_ =	sdelay $0x4  }
0x43: {  	v4 =	vshll.u32 v3, $0x3  }
0x44: {  	v3 =	vand.u32 $0x7, v3;
	v4 =	vand.u32 $0xFFFFFFC0, v4  }
0x45: {  	v3 =	vor.u32 v3, v4  }
0x46: {  	v4 =	vperm.xlane v3, v0;
	_ =	sdelay $0x1  }
0x47: {  	v4 =	vadd.s32 v1, v4;
	_ =	sdelay $0x4  }
0x48: {  	[hbm4b:s3+s2] =	stream.indirect_vreg.scatter [tilespmem:s22], [sflag:$0x2], $0x80, v4, vm0, $0xb8;
	[tilespmem:$0x10400] =	vst v63  }
0x49: {  	s10 =	simm.s32 $0xC00;
	v3 =	vperm.xlane v3, v2  }
0x4a: {  	[hbm4b:s4+s2] =	stream.indirect_vreg.scatter [tilespmem:s10], [sflag:$0x2], $0x80, v4, vm0, $0xb8;
	[tilespmem:$0x10400] =	vst v63  }
0x4b: {  	s11 =	simm.s32 $0x1400;
	v3 =	vadd.s32 v1, v3  }
0x4c: {  	[hbm4b:s5+s2] =	stream.indirect_vreg.scatter [tilespmem:s11], [sflag:$0x2], $0x80, v4, vm0, $0xb8;
	[tilespmem:$0x10400] =	vst v63  }
0x4d: {  	s12 =	simm.s32 $0x1C00  }
0x4e: {  	[hbm4b:s6+s2] =	stream.indirect_vreg.scatter [tilespmem:s12], [sflag:$0x2], $0x80, v4, vm0, $0xb8;
	[tilespmem:$0x10400] =	vst v63  }
0x4f: {  	s13 =	simm.s32 $0x2400  }
0x50: {  	[hbm4b:s3+s2] =	stream.indirect_vreg.scatter [tilespmem:s13], [sflag:$0x2], $0x80, v3, vm0, $0xb8;
	[tilespmem:$0x10400] =	vst v63  }
0x51: {  	s14 =	simm.s32 $0x2C00  }
0x52: {  	[hbm4b:s4+s2] =	stream.indirect_vreg.scatter [tilespmem:s14], [sflag:$0x2], $0x80, v3, vm0, $0xb8;
	[tilespmem:$0x10400] =	vst v63  }
0x53: {  	s15 =	simm.s32 $0x3400  }
0x54: {  	[hbm4b:s5+s2] =	stream.indirect_vreg.scatter [tilespmem:s15], [sflag:$0x2], $0x80, v3, vm0, $0xb8;
	[tilespmem:$0x10400] =	vst v63  }
0x55: {  	s17 =	simm.s32 $0x3C00  }
0x56: {  	[hbm4b:s6+s2] =	stream.indirect_vreg.scatter [tilespmem:s17], [sflag:$0x2], $0x80, v3, vm0, $0xb8;
	[tilespmem:$0x10400] =	vst v63  }
0x57: {  	v3 =	vld [tilespmem:$0x10];
	_ =	sdelay $0x4  }
0x58: {  	v49 =	vshll.u32 v3, $0x3  }
0x59: {  	v3 =	vand.u32 $0x7, v3;
	v4 =	vand.u32 $0xFFFFFFC0, v49  }
0x5a: {  	v3 =	vor.u32 v3, v4  }
0x5b: {  	v4 =	vperm.xlane v3, v0;
	_ =	sdelay $0x1  }
0x5c: {  	v4 =	vadd.s32 v1, v4;
	_ =	sdelay $0x3  }
0x5d: {  	s18 =	simm.s32 $0x4400  }
0x5e: {  	[hbm4b:s3+s2] =	stream.indirect_vreg.scatter [tilespmem:s18], [sflag:$0x2], $0x80, v4, vm0, $0xb8;
	[tilespmem:$0x10400] =	vst v63  }
0x5f: {  	s21 =	simm.s32 $0x4C00;
	v3 =	vperm.xlane v3, v2  }
0x60: {  	[hbm4b:s4+s2] =	stream.indirect_vreg.scatter [tilespmem:s21], [sflag:$0x2], $0x80, v4, vm0, $0xb8;
	[tilespmem:$0x10400] =	vst v63  }
0x61: {  	s11 =	simm.s32 $0x5400;
	v3 =	vadd.s32 v1, v3  }
0x62: {  	[hbm4b:s5+s2] =	stream.indirect_vreg.scatter [tilespmem:s11], [sflag:$0x2], $0x80, v4, vm0, $0xb8;
	[tilespmem:$0x10400] =	vst v63  }
0x63: {  	s12 =	simm.s32 $0x5C00  }
0x64: {  	[hbm4b:s6+s2] =	stream.indirect_vreg.scatter [tilespmem:s12], [sflag:$0x2], $0x80, v4, vm0, $0xb8;
	[tilespmem:$0x10400] =	vst v63  }
0x65: {  	s13 =	simm.s32 $0x6400  }
0x66: {  	[hbm4b:s3+s2] =	stream.indirect_vreg.scatter [tilespmem:s13], [sflag:$0x2], $0x80, v3, vm0, $0xb8;
	[tilespmem:$0x10400] =	vst v63  }
0x67: {  	s14 =	simm.s32 $0x6C00  }
0x68: {  	[hbm4b:s4+s2] =	stream.indirect_vreg.scatter [tilespmem:s14], [sflag:$0x2], $0x80, v3, vm0, $0xb8;
	[tilespmem:$0x10400] =	vst v63  }
0x69: {  	s15 =	simm.s32 $0x7400  }
0x6a: {  	[hbm4b:s5+s2] =	stream.indirect_vreg.scatter [tilespmem:s15], [sflag:$0x2], $0x80, v3, vm0, $0xb8;
	[tilespmem:$0x10400] =	vst v63  }
0x6b: {  	s21 =	simm.s32 $0x7C00  }
0x6c: {  	[hbm4b:s6+s2] =	stream.indirect_vreg.scatter [tilespmem:s21], [sflag:$0x2], $0x80, v3, vm0, $0xb8;
	[tilespmem:$0x10400] =	vst v63  }
0x6d: {  	v3 =	vld [tilespmem:$0x200];
	_ =	sdelay $0x4  }
0x6e: {  	v50 =	vshll.u32 v3, $0x3  }
0x6f: {  	v3 =	vand.u32 $0x7, v3;
	v4 =	vand.u32 $0xFFFFFFC0, v50  }
0x70: {  	v3 =	vor.u32 v3, v4  }
0x71: {  	v4 =	vperm.xlane v3, v0;
	_ =	sdelay $0x1  }
0x72: {  	v4 =	vadd.s32 v1, v4;
	_ =	sdelay $0x4  }
0x73: {  	[hbm4b:s3+s2] =	stream.indirect_vreg.scatter [tilespmem:s22], [sflag:$0x2], $0x80, v4, vm0, $0xb8;
	[tilespmem:$0x10400] =	vst v63  }
0x74: {  	s16 =	simm.s32 $0xC00;
	v3 =	vperm.xlane v3, v2  }
0x75: {  	[hbm4b:s4+s2] =	stream.indirect_vreg.scatter [tilespmem:s16], [sflag:$0x2], $0x80, v4, vm0, $0xb8;
	[tilespmem:$0x10400] =	vst v63  }
0x76: {  	s1 =	simm.s32 $0x1400;
	v3 =	vadd.s32 v1, v3  }
0x77: {  	[hbm4b:s5+s2] =	stream.indirect_vreg.scatter [tilespmem:s1], [sflag:$0x2], $0x80, v4, vm0, $0xb8;
	[tilespmem:$0x10400] =	vst v63  }
0x78: {  	s9 =	simm.s32 $0x1C00  }
0x79: {  	[hbm4b:s6+s2] =	stream.indirect_vreg.scatter [tilespmem:s9], [sflag:$0x2], $0x80, v4, vm0, $0xb8;
	[tilespmem:$0x10400] =	vst v63  }
0x7a: {  	s19 =	simm.s32 $0x2400  }
0x7b: {  	[hbm4b:s3+s2] =	stream.indirect_vreg.scatter [tilespmem:s19], [sflag:$0x2], $0x80, v3, vm0, $0xb8;
	[tilespmem:$0x10400] =	vst v63  }
0x7c: {  	s7 =	simm.s32 $0x2C00  }
0x7d: {  	[hbm4b:s4+s2] =	stream.indirect_vreg.scatter [tilespmem:s7], [sflag:$0x2], $0x80, v3, vm0, $0xb8;
	[tilespmem:$0x10400] =	vst v63  }
0x7e: {  	s20 =	simm.s32 $0x3400  }
0x7f: {  	[hbm4b:s5+s2] =	stream.indirect_vreg.scatter [tilespmem:s20], [sflag:$0x2], $0x80, v3, vm0, $0xb8;
	[tilespmem:$0x10400] =	vst v63  }
0x80: {  	s10 =	simm.s32 $0x3C00  }
0x81: {  	[hbm4b:s6+s2] =	stream.indirect_vreg.scatter [tilespmem:s10], [sflag:$0x2], $0x80, v3, vm0, $0xb8;
	[tilespmem:$0x10400] =	vst v63  }
0x82: {  	v3 =	vld [tilespmem:$0x210];
	_ =	sdelay $0x4  }
0x83: {  	v51 =	vshll.u32 v3, $0x3  }
0x84: {  	v3 =	vand.u32 $0x7, v3;
	v4 =	vand.u32 $0xFFFFFFC0, v51  }
0x85: {  	v3 =	vor.u32 v3, v4  }
0x86: {  	v4 =	vperm.xlane v3, v0;
	_ =	sdelay $0x1  }
0x87: {  	v4 =	vadd.s32 v1, v4;
	_ =	sdelay $0x3  }
0x88: {  	s17 =	simm.s32 $0x4400  }
0x89: {  	[hbm4b:s3+s2] =	stream.indirect_vreg.scatter [tilespmem:s17], [sflag:$0x2], $0x80, v4, vm0, $0xb8;
	[tilespmem:$0x10400] =	vst v63  }
0x8a: {  	s18 =	simm.s32 $0x4C00;
	v3 =	vperm.xlane v3, v2  }
0x8b: {  	[hbm4b:s4+s2] =	stream.indirect_vreg.scatter [tilespmem:s18], [sflag:$0x2], $0x80, v4, vm0, $0xb8;
	[tilespmem:$0x10400] =	vst v63  }
0x8c: {  	s11 =	simm.s32 $0x5400;
	v3 =	vadd.s32 v1, v3  }
0x8d: {  	[hbm4b:s5+s2] =	stream.indirect_vreg.scatter [tilespmem:s11], [sflag:$0x2], $0x80, v4, vm0, $0xb8;
	[tilespmem:$0x10400] =	vst v63  }
0x8e: {  	s12 =	simm.s32 $0x5C00  }
0x8f: {  	[hbm4b:s6+s2] =	stream.indirect_vreg.scatter [tilespmem:s12], [sflag:$0x2], $0x80, v4, vm0, $0xb8;
	[tilespmem:$0x10400] =	vst v63  }
0x90: {  	s13 =	simm.s32 $0x6400  }
0x91: {  	[hbm4b:s3+s2] =	stream.indirect_vreg.scatter [tilespmem:s13], [sflag:$0x2], $0x80, v3, vm0, $0xb8;
	[tilespmem:$0x10400] =	vst v63  }
0x92: {  	s14 =	simm.s32 $0x6C00  }
0x93: {  	[hbm4b:s4+s2] =	stream.indirect_vreg.scatter [tilespmem:s14], [sflag:$0x2], $0x80, v3, vm0, $0xb8;
	[tilespmem:$0x10400] =	vst v63  }
0x94: {  	s15 =	simm.s32 $0x7400  }
0x95: {  	[hbm4b:s5+s2] =	stream.indirect_vreg.scatter [tilespmem:s15], [sflag:$0x2], $0x80, v3, vm0, $0xb8;
	[tilespmem:$0x10400] =	vst v63  }
0x96: {  	s0 =	simm.s32 $0x1;
	s21 =	simm.s32 $0x7C00  }
0x97: {  	[hbm4b:s6+s2] =	stream.indirect_vreg.scatter [tilespmem:s21], [sflag:$0x2], $0x80, v3, vm0, $0xb8;
	[tilespmem:$0x10400] =	vst v63  }
0x98: {  	_ =	swait.ge [sflag:s0], $0x8000  }
0x99: {  	[sflag:s0] =	ssyncset.done $0x0  }
0x9a: {  	[sflag:s0] =	ssyncadd.s32 $0xFFFF8000  }
0x9b: {  	_ =	swait.ge [sflag:s28], $0x8000  }
0x9c: {  	[sflag:s28] =	ssyncset.done $0x0  }
0x9d: {  	[sflag:s28] =	ssyncadd.s32 $0xFFFF8000  }
0x9e: {  	_ =	swait.ge [sflag:s28], $0x8000  }
0x9f: {  	[sflag:s28] =	ssyncset.done $0x0  }
0xa0: {  	s18 =	rddreg [dreg:$0xd];
	[sflag:s28] =	ssyncadd.s32 $0xFFFF8000  }
0xa1: {  	[tilespmem:s22], [sflag:$0x1] =	stream.linear.gather [hbm4b:s18+s2], $0x8000, $0x38;
	[tilespmem:$0x10400] =	vst v63  }
0xa2: {  	v3 =	vld [tilespmem:$0x80];
	_ =	sdelay $0x4  }
0xa3: {  	v52 =	vshll.u32 v3, $0x3  }
0xa4: {  	v3 =	vand.u32 $0x7, v3;
	v4 =	vand.u32 $0xFFFFFFC0, v52  }
0xa5: {  	v3 =	vor.u32 v3, v4  }
0xa6: {  	v4 =	vperm.xlane v3, v0;
	_ =	sdelay $0x1  }
0xa7: {  	v4 =	vadd.s32 v1, v4;
	_ =	sdelay $0x3  }
0xa8: {  	s1 =	simm.s32 $0x8400  }
0xa9: {  	[hbm4b:s3+s2] =	stream.indirect_vreg.scatter [tilespmem:s1], [sflag:$0x2], $0x80, v4, vm0, $0xb8;
	[tilespmem:$0x10400] =	vst v63  }
0xaa: {  	s19 =	simm.s32 $0x8C00;
	v3 =	vperm.xlane v3, v2  }
0xab: {  	[hbm4b:s4+s2] =	stream.indirect_vreg.scatter [tilespmem:s19], [sflag:$0x2], $0x80, v4, vm0, $0xb8;
	[tilespmem:$0x10400] =	vst v63  }
0xac: {  	s20 =	simm.s32 $0x9400;
	v3 =	vadd.s32 v1, v3  }
0xad: {  	[hbm4b:s5+s2] =	stream.indirect_vreg.scatter [tilespmem:s20], [sflag:$0x2], $0x80, v4, vm0, $0xb8;
	[tilespmem:$0x10400] =	vst v63  }
0xae: {  	s21 =	simm.s32 $0x9C00  }
0xaf: {  	[hbm4b:s6+s2] =	stream.indirect_vreg.scatter [tilespmem:s21], [sflag:$0x2], $0x80, v4, vm0, $0xb8;
	[tilespmem:$0x10400] =	vst v63  }
0xb0: {  	s9 =	simm.s32 $0xA400  }
0xb1: {  	[hbm4b:s3+s2] =	stream.indirect_vreg.scatter [tilespmem:s9], [sflag:$0x2], $0x80, v3, vm0, $0xb8;
	[tilespmem:$0x10400] =	vst v63  }
0xb2: {  	_ = 	snop  }
0xb3: {  	[hbm4b:s4+s2] =	stream.indirect_vreg.scatter [tilespmem:s26], [sflag:$0x2], $0x80, v3, vm0, $0xb8;
	[tilespmem:$0x10400] =	vst v63  }
0xb4: {  	_ = 	snop  }
0xb5: {  	[hbm4b:s5+s2] =	stream.indirect_vreg.scatter [tilespmem:s25], [sflag:$0x2], $0x80, v3, vm0, $0xb8;
	[tilespmem:$0x10400] =	vst v63  }
0xb6: {  	_ = 	snop  }
0xb7: {  	[hbm4b:s6+s2] =	stream.indirect_vreg.scatter [tilespmem:s31], [sflag:$0x2], $0x80, v3, vm0, $0xb8;
	[tilespmem:$0x10400] =	vst v63  }
0xb8: {  	v3 =	vld [tilespmem:$0x90];
	_ =	sdelay $0x4  }
0xb9: {  	v53 =	vshll.u32 v3, $0x3  }
0xba: {  	v3 =	vand.u32 $0x7, v3;
	v4 =	vand.u32 $0xFFFFFFC0, v53  }
0xbb: {  	v3 =	vor.u32 v3, v4  }
0xbc: {  	v4 =	vperm.xlane v3, v0;
	_ =	sdelay $0x1  }
0xbd: {  	v4 =	vadd.s32 v1, v4;
	_ =	sdelay $0x3  }
0xbe: {  	s10 =	simm.s32 $0xC400  }
0xbf: {  	[hbm4b:s3+s2] =	stream.indirect_vreg.scatter [tilespmem:s10], [sflag:$0x2], $0x80, v4, vm0, $0xb8;
	[tilespmem:$0x10400] =	vst v63  }
0xc0: {  	s11 =	simm.s32 $0xCC00;
	v3 =	vperm.xlane v3, v2  }
0xc1: {  	[hbm4b:s4+s2] =	stream.indirect_vreg.scatter [tilespmem:s11], [sflag:$0x2], $0x80, v4, vm0, $0xb8;
	[tilespmem:$0x10400] =	vst v63  }
0xc2: {  	s12 =	simm.s32 $0xD400;
	v3 =	vadd.s32 v1, v3  }
0xc3: {  	[hbm4b:s5+s2] =	stream.indirect_vreg.scatter [tilespmem:s12], [sflag:$0x2], $0x80, v4, vm0, $0xb8;
	[tilespmem:$0x10400] =	vst v63  }
0xc4: {  	s17 =	simm.s32 $0xDC00  }
0xc5: {  	[hbm4b:s6+s2] =	stream.indirect_vreg.scatter [tilespmem:s17], [sflag:$0x2], $0x80, v4, vm0, $0xb8;
	[tilespmem:$0x10400] =	vst v63  }
0xc6: {  	s19 =	simm.s32 $0xE400  }
0xc7: {  	[hbm4b:s3+s2] =	stream.indirect_vreg.scatter [tilespmem:s19], [sflag:$0x2], $0x80, v3, vm0, $0xb8;
	[tilespmem:$0x10400] =	vst v63  }
0xc8: {  	_ = 	snop  }
0xc9: {  	[hbm4b:s4+s2] =	stream.indirect_vreg.scatter [tilespmem:s30], [sflag:$0x2], $0x80, v3, vm0, $0xb8;
	[tilespmem:$0x10400] =	vst v63  }
0xca: {  	_ = 	snop  }
0xcb: {  	[hbm4b:s5+s2] =	stream.indirect_vreg.scatter [tilespmem:s23], [sflag:$0x2], $0x80, v3, vm0, $0xb8;
	[tilespmem:$0x10400] =	vst v63  }
0xcc: {  	_ = 	snop  }
0xcd: {  	[hbm4b:s6+s2] =	stream.indirect_vreg.scatter [tilespmem:s24], [sflag:$0x2], $0x80, v3, vm0, $0xb8;
	[tilespmem:$0x10400] =	vst v63  }
0xce: {  	v3 =	vld [tilespmem:$0x280];
	_ =	sdelay $0x4  }
0xcf: {  	v54 =	vshll.u32 v3, $0x3  }
0xd0: {  	v3 =	vand.u32 $0x7, v3;
	v4 =	vand.u32 $0xFFFFFFC0, v54  }
0xd1: {  	v3 =	vor.u32 v3, v4  }
0xd2: {  	v4 =	vperm.xlane v3, v0;
	_ =	sdelay $0x1  }
0xd3: {  	v4 =	vadd.s32 v1, v4;
	_ =	sdelay $0x4  }
0xd4: {  	[hbm4b:s3+s2] =	stream.indirect_vreg.scatter [tilespmem:s1], [sflag:$0x2], $0x80, v4, vm0, $0xb8;
	[tilespmem:$0x10400] =	vst v63  }
0xd5: {  	s13 =	simm.s32 $0x8C00;
	v3 =	vperm.xlane v3, v2  }
0xd6: {  	[hbm4b:s4+s2] =	stream.indirect_vreg.scatter [tilespmem:s13], [sflag:$0x2], $0x80, v4, vm0, $0xb8;
	[tilespmem:$0x10400] =	vst v63  }
0xd7: {  	s14 =	simm.s32 $0x9400;
	v3 =	vadd.s32 v1, v3  }
0xd8: {  	[hbm4b:s5+s2] =	stream.indirect_vreg.scatter [tilespmem:s14], [sflag:$0x2], $0x80, v4, vm0, $0xb8;
	[tilespmem:$0x10400] =	vst v63  }
0xd9: {  	s15 =	simm.s32 $0x9C00  }
0xda: {  	[hbm4b:s6+s2] =	stream.indirect_vreg.scatter [tilespmem:s15], [sflag:$0x2], $0x80, v4, vm0, $0xb8;
	[tilespmem:$0x10400] =	vst v63  }
0xdb: {  	s16 =	simm.s32 $0xA400  }
0xdc: {  	[hbm4b:s3+s2] =	stream.indirect_vreg.scatter [tilespmem:s16], [sflag:$0x2], $0x80, v3, vm0, $0xb8;
	[tilespmem:$0x10400] =	vst v63  }
0xdd: {  	_ = 	snop  }
0xde: {  	[hbm4b:s4+s2] =	stream.indirect_vreg.scatter [tilespmem:s26], [sflag:$0x2], $0x80, v3, vm0, $0xb8;
	[tilespmem:$0x10400] =	vst v63  }
0xdf: {  	_ = 	snop  }
0xe0: {  	[hbm4b:s5+s2] =	stream.indirect_vreg.scatter [tilespmem:s25], [sflag:$0x2], $0x80, v3, vm0, $0xb8;
	[tilespmem:$0x10400] =	vst v63  }
0xe1: {  	_ = 	snop  }
0xe2: {  	[hbm4b:s6+s2] =	stream.indirect_vreg.scatter [tilespmem:s31], [sflag:$0x2], $0x80, v3, vm0, $0xb8;
	[tilespmem:$0x10400] =	vst v63  }
0xe3: {  	v3 =	vld [tilespmem:$0x290];
	_ =	sdelay $0x4  }
0xe4: {  	v55 =	vshll.u32 v3, $0x3  }
0xe5: {  	v3 =	vand.u32 $0x7, v3;
	v4 =	vand.u32 $0xFFFFFFC0, v55  }
0xe6: {  	v3 =	vor.u32 v3, v4  }
0xe7: {  	v4 =	vperm.xlane v3, v0;
	_ =	sdelay $0x1  }
0xe8: {  	v4 =	vadd.s32 v1, v4;
	_ =	sdelay $0x3  }
0xe9: {  	s7 =	simm.s32 $0xC400  }
0xea: {  	[hbm4b:s3+s2] =	stream.indirect_vreg.scatter [tilespmem:s7], [sflag:$0x2], $0x80, v4, vm0, $0xb8;
	[tilespmem:$0x10400] =	vst v63  }
0xeb: {  	s9 =	simm.s32 $0xCC00;
	v3 =	vperm.xlane v3, v2  }
0xec: {  	[hbm4b:s4+s2] =	stream.indirect_vreg.scatter [tilespmem:s9], [sflag:$0x2], $0x80, v4, vm0, $0xb8;
	[tilespmem:$0x10400] =	vst v63  }
0xed: {  	s10 =	simm.s32 $0xD400;
	v3 =	vadd.s32 v1, v3  }
0xee: {  	[hbm4b:s5+s2] =	stream.indirect_vreg.scatter [tilespmem:s10], [sflag:$0x2], $0x80, v4, vm0, $0xb8;
	[tilespmem:$0x10400] =	vst v63  }
0xef: {  	s18 =	simm.s32 $0xDC00  }
0xf0: {  	[hbm4b:s6+s2] =	stream.indirect_vreg.scatter [tilespmem:s18], [sflag:$0x2], $0x80, v4, vm0, $0xb8;
	[tilespmem:$0x10400] =	vst v63  }
0xf1: {  	s20 =	simm.s32 $0xE400  }
0xf2: {  	[hbm4b:s3+s2] =	stream.indirect_vreg.scatter [tilespmem:s20], [sflag:$0x2], $0x80, v3, vm0, $0xb8;
	[tilespmem:$0x10400] =	vst v63  }
0xf3: {  	_ = 	snop  }
0xf4: {  	[hbm4b:s4+s2] =	stream.indirect_vreg.scatter [tilespmem:s30], [sflag:$0x2], $0x80, v3, vm0, $0xb8;
	[tilespmem:$0x10400] =	vst v63  }
0xf5: {  	_ = 	snop  }
0xf6: {  	[hbm4b:s5+s2] =	stream.indirect_vreg.scatter [tilespmem:s23], [sflag:$0x2], $0x80, v3, vm0, $0xb8;
	[tilespmem:$0x10400] =	vst v63  }
0xf7: {  	_ = 	snop  }
0xf8: {  	[hbm4b:s6+s2] =	stream.indirect_vreg.scatter [tilespmem:s24], [sflag:$0x2], $0x80, v3, vm0, $0xb8;
	[tilespmem:$0x10400] =	vst v63  }
0xf9: {  	_ =	swait.ge [sflag:s0], $0x8000  }
0xfa: {  	[sflag:s0] =	ssyncset.done $0x0  }
0xfb: {  	[sflag:s0] =	ssyncadd.s32 $0xFFFF8000  }
0xfc: {  	_ =	swait.ge [sflag:s28], $0x8000  }
0xfd: {  	[sflag:s28] =	ssyncset.done $0x0  }
0xfe: {  	[sflag:s28] =	ssyncadd.s32 $0xFFFF8000  }
0xff: {  	_ =	swait.ge [sflag:s28], $0x8000  }
0x100: {  	[sflag:s28] =	ssyncset.done $0x0  }
0x101: {  	s21 =	simm.s32 $0x8400;
	s11 =	rddreg [dreg:$0xe];
	[sflag:s28] =	ssyncadd.s32 $0xFFFF8000  }
0x102: {  	[tilespmem:s21], [sflag:$0x1] =	stream.linear.gather [hbm4b:s11+s2], $0x8000, $0x38;
	[tilespmem:$0x10400] =	vst v63  }
0x103: {  	v3 =	vld [tilespmem:$0x100];
	_ =	sdelay $0x4  }
0x104: {  	v56 =	vshll.u32 v3, $0x3  }
0x105: {  	v3 =	vand.u32 $0x7, v3;
	v4 =	vand.u32 $0xFFFFFFC0, v56  }
0x106: {  	v3 =	vor.u32 v3, v4  }
0x107: {  	v4 =	vperm.xlane v3, v0;
	_ =	sdelay $0x1  }
0x108: {  	v4 =	vadd.s32 v1, v4;
	_ =	sdelay $0x4  }
0x109: {  	[hbm4b:s3+s2] =	stream.indirect_vreg.scatter [tilespmem:s22], [sflag:$0x2], $0x80, v4, vm0, $0xb8;
	[tilespmem:$0x10400] =	vst v63  }
0x10a: {  	s14 =	simm.s32 $0xC00;
	v3 =	vperm.xlane v3, v2  }
0x10b: {  	[hbm4b:s4+s2] =	stream.indirect_vreg.scatter [tilespmem:s14], [sflag:$0x2], $0x80, v4, vm0, $0xb8;
	[tilespmem:$0x10400] =	vst v63  }
0x10c: {  	s1 =	simm.s32 $0x1400;
	v3 =	vadd.s32 v1, v3  }
0x10d: {  	[hbm4b:s5+s2] =	stream.indirect_vreg.scatter [tilespmem:s1], [sflag:$0x2], $0x80, v4, vm0, $0xb8;
	[tilespmem:$0x10400] =	vst v63  }
0x10e: {  	s7 =	simm.s32 $0x1C00  }
0x10f: {  	[hbm4b:s6+s2] =	stream.indirect_vreg.scatter [tilespmem:s7], [sflag:$0x2], $0x80, v4, vm0, $0xb8;
	[tilespmem:$0x10400] =	vst v63  }
0x110: {  	s17 =	simm.s32 $0x2400  }
0x111: {  	[hbm4b:s3+s2] =	stream.indirect_vreg.scatter [tilespmem:s17], [sflag:$0x2], $0x80, v3, vm0, $0xb8;
	[tilespmem:$0x10400] =	vst v63  }
0x112: {  	s18 =	simm.s32 $0x2C00  }
0x113: {  	[hbm4b:s4+s2] =	stream.indirect_vreg.scatter [tilespmem:s18], [sflag:$0x2], $0x80, v3, vm0, $0xb8;
	[tilespmem:$0x10400] =	vst v63  }
0x114: {  	s19 =	simm.s32 $0x3400  }
0x115: {  	[hbm4b:s5+s2] =	stream.indirect_vreg.scatter [tilespmem:s19], [sflag:$0x2], $0x80, v3, vm0, $0xb8;
	[tilespmem:$0x10400] =	vst v63  }
0x116: {  	s20 =	simm.s32 $0x3C00  }
0x117: {  	[hbm4b:s6+s2] =	stream.indirect_vreg.scatter [tilespmem:s20], [sflag:$0x2], $0x80, v3, vm0, $0xb8;
	[tilespmem:$0x10400] =	vst v63  }
0x118: {  	v3 =	vld [tilespmem:$0x110];
	_ =	sdelay $0x4  }
0x119: {  	v57 =	vshll.u32 v3, $0x3  }
0x11a: {  	v3 =	vand.u32 $0x7, v3;
	v4 =	vand.u32 $0xFFFFFFC0, v57  }
0x11b: {  	v3 =	vor.u32 v3, v4  }
0x11c: {  	v4 =	vperm.xlane v3, v0;
	_ =	sdelay $0x1  }
0x11d: {  	v4 =	vadd.s32 v1, v4;
	_ =	sdelay $0x3  }
0x11e: {  	s15 =	simm.s32 $0x4400  }
0x11f: {  	[hbm4b:s3+s2] =	stream.indirect_vreg.scatter [tilespmem:s15], [sflag:$0x2], $0x80, v4, vm0, $0xb8;
	[tilespmem:$0x10400] =	vst v63  }
0x120: {  	s16 =	simm.s32 $0x4C00;
	v3 =	vperm.xlane v3, v2  }
0x121: {  	[hbm4b:s4+s2] =	stream.indirect_vreg.scatter [tilespmem:s16], [sflag:$0x2], $0x80, v4, vm0, $0xb8;
	[tilespmem:$0x10400] =	vst v63  }
0x122: {  	s9 =	simm.s32 $0x5400;
	v3 =	vadd.s32 v1, v3  }
0x123: {  	[hbm4b:s5+s2] =	stream.indirect_vreg.scatter [tilespmem:s9], [sflag:$0x2], $0x80, v4, vm0, $0xb8;
	[tilespmem:$0x10400] =	vst v63  }
0x124: {  	s10 =	simm.s32 $0x5C00  }
0x125: {  	[hbm4b:s6+s2] =	stream.indirect_vreg.scatter [tilespmem:s10], [sflag:$0x2], $0x80, v4, vm0, $0xb8;
	[tilespmem:$0x10400] =	vst v63  }
0x126: {  	s11 =	simm.s32 $0x6400  }
0x127: {  	[hbm4b:s3+s2] =	stream.indirect_vreg.scatter [tilespmem:s11], [sflag:$0x2], $0x80, v3, vm0, $0xb8;
	[tilespmem:$0x10400] =	vst v63  }
0x128: {  	s12 =	simm.s32 $0x6C00  }
0x129: {  	[hbm4b:s4+s2] =	stream.indirect_vreg.scatter [tilespmem:s12], [sflag:$0x2], $0x80, v3, vm0, $0xb8;
	[tilespmem:$0x10400] =	vst v63  }
0x12a: {  	s13 =	simm.s32 $0x7400  }
0x12b: {  	[hbm4b:s5+s2] =	stream.indirect_vreg.scatter [tilespmem:s13], [sflag:$0x2], $0x80, v3, vm0, $0xb8;
	[tilespmem:$0x10400] =	vst v63  }
0x12c: {  	s21 =	simm.s32 $0x7C00  }
0x12d: {  	[hbm4b:s6+s2] =	stream.indirect_vreg.scatter [tilespmem:s21], [sflag:$0x2], $0x80, v3, vm0, $0xb8;
	[tilespmem:$0x10400] =	vst v63  }
0x12e: {  	v3 =	vld [tilespmem:$0x300];
	_ =	sdelay $0x4  }
0x12f: {  	v58 =	vshll.u32 v3, $0x3  }
0x130: {  	v3 =	vand.u32 $0x7, v3;
	v4 =	vand.u32 $0xFFFFFFC0, v58  }
0x131: {  	v3 =	vor.u32 v3, v4  }
0x132: {  	v4 =	vperm.xlane v3, v0;
	_ =	sdelay $0x1  }
0x133: {  	v4 =	vadd.s32 v1, v4;
	_ =	sdelay $0x4  }
0x134: {  	[hbm4b:s3+s2] =	stream.indirect_vreg.scatter [tilespmem:s22], [sflag:$0x2], $0x80, v4, vm0, $0xb8;
	[tilespmem:$0x10400] =	vst v63  }
0x135: {  	v3 =	vperm.xlane v3, v2  }
0x136: {  	[hbm4b:s4+s2] =	stream.indirect_vreg.scatter [tilespmem:s14], [sflag:$0x2], $0x80, v4, vm0, $0xb8;
	[tilespmem:$0x10400] =	vst v63  }
0x137: {  	v3 =	vadd.s32 v1, v3  }
0x138: {  	[hbm4b:s5+s2] =	stream.indirect_vreg.scatter [tilespmem:s1], [sflag:$0x2], $0x80, v4, vm0, $0xb8;
	[tilespmem:$0x10400] =	vst v63  }
0x139: {  	_ = 	snop  }
0x13a: {  	[hbm4b:s6+s2] =	stream.indirect_vreg.scatter [tilespmem:s7], [sflag:$0x2], $0x80, v4, vm0, $0xb8;
	[tilespmem:$0x10400] =	vst v63  }
0x13b: {  	_ = 	snop  }
0x13c: {  	[hbm4b:s3+s2] =	stream.indirect_vreg.scatter [tilespmem:s17], [sflag:$0x2], $0x80, v3, vm0, $0xb8;
	[tilespmem:$0x10400] =	vst v63  }
0x13d: {  	_ = 	snop  }
0x13e: {  	[hbm4b:s4+s2] =	stream.indirect_vreg.scatter [tilespmem:s18], [sflag:$0x2], $0x80, v3, vm0, $0xb8;
	[tilespmem:$0x10400] =	vst v63  }
0x13f: {  	_ = 	snop  }
0x140: {  	[hbm4b:s5+s2] =	stream.indirect_vreg.scatter [tilespmem:s19], [sflag:$0x2], $0x80, v3, vm0, $0xb8;
	[tilespmem:$0x10400] =	vst v63  }
0x141: {  	_ = 	snop  }
0x142: {  	[hbm4b:s6+s2] =	stream.indirect_vreg.scatter [tilespmem:s20], [sflag:$0x2], $0x80, v3, vm0, $0xb8;
	[tilespmem:$0x10400] =	vst v63  }
0x143: {  	v3 =	vld [tilespmem:$0x310];
	_ =	sdelay $0x4  }
0x144: {  	v59 =	vshll.u32 v3, $0x3  }
0x145: {  	v3 =	vand.u32 $0x7, v3;
	v4 =	vand.u32 $0xFFFFFFC0, v59  }
0x146: {  	v3 =	vor.u32 v3, v4  }
0x147: {  	v4 =	vperm.xlane v3, v0;
	_ =	sdelay $0x1  }
0x148: {  	v4 =	vadd.s32 v1, v4;
	_ =	sdelay $0x4  }
0x149: {  	[hbm4b:s3+s2] =	stream.indirect_vreg.scatter [tilespmem:s15], [sflag:$0x2], $0x80, v4, vm0, $0xb8;
	[tilespmem:$0x10400] =	vst v63  }
0x14a: {  	v3 =	vperm.xlane v3, v2  }
0x14b: {  	[hbm4b:s4+s2] =	stream.indirect_vreg.scatter [tilespmem:s16], [sflag:$0x2], $0x80, v4, vm0, $0xb8;
	[tilespmem:$0x10400] =	vst v63  }
0x14c: {  	v3 =	vadd.s32 v1, v3  }
0x14d: {  	[hbm4b:s5+s2] =	stream.indirect_vreg.scatter [tilespmem:s9], [sflag:$0x2], $0x80, v4, vm0, $0xb8;
	[tilespmem:$0x10400] =	vst v63  }
0x14e: {  	_ = 	snop  }
0x14f: {  	[hbm4b:s6+s2] =	stream.indirect_vreg.scatter [tilespmem:s10], [sflag:$0x2], $0x80, v4, vm0, $0xb8;
	[tilespmem:$0x10400] =	vst v63  }
0x150: {  	_ = 	snop  }
0x151: {  	[hbm4b:s3+s2] =	stream.indirect_vreg.scatter [tilespmem:s11], [sflag:$0x2], $0x80, v3, vm0, $0xb8;
	[tilespmem:$0x10400] =	vst v63  }
0x152: {  	_ = 	snop  }
0x153: {  	[hbm4b:s4+s2] =	stream.indirect_vreg.scatter [tilespmem:s12], [sflag:$0x2], $0x80, v3, vm0, $0xb8;
	[tilespmem:$0x10400] =	vst v63  }
0x154: {  	_ = 	snop  }
0x155: {  	[hbm4b:s5+s2] =	stream.indirect_vreg.scatter [tilespmem:s13], [sflag:$0x2], $0x80, v3, vm0, $0xb8;
	[tilespmem:$0x10400] =	vst v63  }
0x156: {  	_ = 	snop  }
0x157: {  	[hbm4b:s6+s2] =	stream.indirect_vreg.scatter [tilespmem:s21], [sflag:$0x2], $0x80, v3, vm0, $0xb8;
	[tilespmem:$0x10400] =	vst v63  }
0x158: {  	_ =	swait.ge [sflag:s0], $0x8000  }
0x159: {  	[sflag:s0] =	ssyncset.done $0x0  }
0x15a: {  	[sflag:s0] =	ssyncadd.s32 $0xFFFF8000  }
0x15b: {  	_ =	swait.ge [sflag:s28], $0x8000  }
0x15c: {  	[sflag:s28] =	ssyncset.done $0x0  }
0x15d: {  	[sflag:s28] =	ssyncadd.s32 $0xFFFF8000  }
0x15e: {  	_ =	swait.ge [sflag:s28], $0x8000  }
0x15f: {  	[sflag:s28] =	ssyncset.done $0x0  }
0x160: {  	[sflag:s28] =	ssyncadd.s32 $0xFFFF8000  }
0x161: {  	v3 =	vld [tilespmem:$0x180];
	_ =	sdelay $0x4  }
0x162: {  	v60 =	vshll.u32 v3, $0x3  }
0x163: {  	v3 =	vand.u32 $0x7, v3;
	v4 =	vand.u32 $0xFFFFFFC0, v60  }
0x164: {  	v3 =	vor.u32 v3, v4  }
0x165: {  	v4 =	vperm.xlane v3, v0;
	_ =	sdelay $0x1  }
0x166: {  	v4 =	vadd.s32 v1, v4;
	_ =	sdelay $0x3  }
0x167: {  	s12 =	simm.s32 $0x8400  }
0x168: {  	[hbm4b:s3+s2] =	stream.indirect_vreg.scatter [tilespmem:s12], [sflag:$0x2], $0x80, v4, vm0, $0xb8;
	[tilespmem:$0x10400] =	vst v63  }
0x169: {  	s13 =	simm.s32 $0x8C00;
	v3 =	vperm.xlane v3, v2  }
0x16a: {  	[hbm4b:s4+s2] =	stream.indirect_vreg.scatter [tilespmem:s13], [sflag:$0x2], $0x80, v4, vm0, $0xb8;
	[tilespmem:$0x10400] =	vst v63  }
0x16b: {  	s14 =	simm.s32 $0x9400;
	v3 =	vadd.s32 v1, v3  }
0x16c: {  	[hbm4b:s5+s2] =	stream.indirect_vreg.scatter [tilespmem:s14], [sflag:$0x2], $0x80, v4, vm0, $0xb8;
	[tilespmem:$0x10400] =	vst v63  }
0x16d: {  	s16 =	simm.s32 $0x9C00  }
0x16e: {  	[hbm4b:s6+s2] =	stream.indirect_vreg.scatter [tilespmem:s16], [sflag:$0x2], $0x80, v4, vm0, $0xb8;
	[tilespmem:$0x10400] =	vst v63  }
0x16f: {  	s17 =	simm.s32 $0xA400  }
0x170: {  	[hbm4b:s3+s2] =	stream.indirect_vreg.scatter [tilespmem:s17], [sflag:$0x2], $0x80, v3, vm0, $0xb8;
	[tilespmem:$0x10400] =	vst v63  }
0x171: {  	_ = 	snop  }
0x172: {  	[hbm4b:s4+s2] =	stream.indirect_vreg.scatter [tilespmem:s26], [sflag:$0x2], $0x80, v3, vm0, $0xb8;
	[tilespmem:$0x10400] =	vst v63  }
0x173: {  	_ = 	snop  }
0x174: {  	[hbm4b:s5+s2] =	stream.indirect_vreg.scatter [tilespmem:s25], [sflag:$0x2], $0x80, v3, vm0, $0xb8;
	[tilespmem:$0x10400] =	vst v63  }
0x175: {  	_ = 	snop  }
0x176: {  	[hbm4b:s6+s2] =	stream.indirect_vreg.scatter [tilespmem:s31], [sflag:$0x2], $0x80, v3, vm0, $0xb8;
	[tilespmem:$0x10400] =	vst v63  }
0x177: {  	v3 =	vld [tilespmem:$0x190];
	_ =	sdelay $0x4  }
0x178: {  	v61 =	vshll.u32 v3, $0x3  }
0x179: {  	v3 =	vand.u32 $0x7, v3;
	v4 =	vand.u32 $0xFFFFFFC0, v61  }
0x17a: {  	v3 =	vor.u32 v3, v4  }
0x17b: {  	v4 =	vperm.xlane v3, v0;
	_ =	sdelay $0x1  }
0x17c: {  	v4 =	vadd.s32 v1, v4;
	_ =	sdelay $0x3  }
0x17d: {  	s18 =	simm.s32 $0xC400  }
0x17e: {  	[hbm4b:s3+s2] =	stream.indirect_vreg.scatter [tilespmem:s18], [sflag:$0x2], $0x80, v4, vm0, $0xb8;
	[tilespmem:$0x10400] =	vst v63  }
0x17f: {  	s19 =	simm.s32 $0xCC00;
	v3 =	vperm.xlane v3, v2  }
0x180: {  	[hbm4b:s4+s2] =	stream.indirect_vreg.scatter [tilespmem:s19], [sflag:$0x2], $0x80, v4, vm0, $0xb8;
	[tilespmem:$0x10400] =	vst v63  }
0x181: {  	s20 =	simm.s32 $0xD400;
	v3 =	vadd.s32 v1, v3  }
0x182: {  	[hbm4b:s5+s2] =	stream.indirect_vreg.scatter [tilespmem:s20], [sflag:$0x2], $0x80, v4, vm0, $0xb8;
	[tilespmem:$0x10400] =	vst v63  }
0x183: {  	s21 =	simm.s32 $0xDC00  }
0x184: {  	[hbm4b:s6+s2] =	stream.indirect_vreg.scatter [tilespmem:s21], [sflag:$0x2], $0x80, v4, vm0, $0xb8;
	[tilespmem:$0x10400] =	vst v63  }
0x185: {  	s22 =	simm.s32 $0xE400  }
0x186: {  	[hbm4b:s3+s2] =	stream.indirect_vreg.scatter [tilespmem:s22], [sflag:$0x2], $0x80, v3, vm0, $0xb8;
	[tilespmem:$0x10400] =	vst v63  }
0x187: {  	_ = 	snop  }
0x188: {  	[hbm4b:s4+s2] =	stream.indirect_vreg.scatter [tilespmem:s30], [sflag:$0x2], $0x80, v3, vm0, $0xb8;
	[tilespmem:$0x10400] =	vst v63  }
0x189: {  	_ = 	snop  }
0x18a: {  	[hbm4b:s5+s2] =	stream.indirect_vreg.scatter [tilespmem:s23], [sflag:$0x2], $0x80, v3, vm0, $0xb8;
	[tilespmem:$0x10400] =	vst v63  }
0x18b: {  	_ = 	snop  }
0x18c: {  	[hbm4b:s6+s2] =	stream.indirect_vreg.scatter [tilespmem:s24], [sflag:$0x2], $0x80, v3, vm0, $0xb8;
	[tilespmem:$0x10400] =	vst v63  }
0x18d: {  	v3 =	vld [tilespmem:$0x380];
	_ =	sdelay $0x4  }
0x18e: {  	v62 =	vshll.u32 v3, $0x3  }
0x18f: {  	v3 =	vand.u32 $0x7, v3;
	v4 =	vand.u32 $0xFFFFFFC0, v62  }
0x190: {  	v3 =	vor.u32 v3, v4  }
0x191: {  	v4 =	vperm.xlane v3, v0;
	_ =	sdelay $0x1  }
0x192: {  	v4 =	vadd.s32 v1, v4;
	_ =	sdelay $0x4  }
0x193: {  	[hbm4b:s3+s2] =	stream.indirect_vreg.scatter [tilespmem:s12], [sflag:$0x2], $0x80, v4, vm0, $0xb8;
	[tilespmem:$0x10400] =	vst v63  }
0x194: {  	v3 =	vperm.xlane v3, v2  }
0x195: {  	[hbm4b:s4+s2] =	stream.indirect_vreg.scatter [tilespmem:s13], [sflag:$0x2], $0x80, v4, vm0, $0xb8;
	[tilespmem:$0x10400] =	vst v63  }
0x196: {  	v3 =	vadd.s32 v1, v3  }
0x197: {  	[hbm4b:s5+s2] =	stream.indirect_vreg.scatter [tilespmem:s14], [sflag:$0x2], $0x80, v4, vm0, $0xb8;
	[tilespmem:$0x10400] =	vst v63  }
0x198: {  	_ = 	snop  }
0x199: {  	[hbm4b:s6+s2] =	stream.indirect_vreg.scatter [tilespmem:s16], [sflag:$0x2], $0x80, v4, vm0, $0xb8;
	[tilespmem:$0x10400] =	vst v63  }
0x19a: {  	_ = 	snop  }
0x19b: {  	[hbm4b:s3+s2] =	stream.indirect_vreg.scatter [tilespmem:s17], [sflag:$0x2], $0x80, v3, vm0, $0xb8;
	[tilespmem:$0x10400] =	vst v63  }
0x19c: {  	_ = 	snop  }
0x19d: {  	[hbm4b:s4+s2] =	stream.indirect_vreg.scatter [tilespmem:s26], [sflag:$0x2], $0x80, v3, vm0, $0xb8;
	[tilespmem:$0x10400] =	vst v63  }
0x19e: {  	_ = 	snop  }
0x19f: {  	[hbm4b:s5+s2] =	stream.indirect_vreg.scatter [tilespmem:s25], [sflag:$0x2], $0x80, v3, vm0, $0xb8;
	[tilespmem:$0x10400] =	vst v63  }
0x1a0: {  	_ = 	snop  }
0x1a1: {  	[hbm4b:s6+s2] =	stream.indirect_vreg.scatter [tilespmem:s31], [sflag:$0x2], $0x80, v3, vm0, $0xb8;
	[tilespmem:$0x10400] =	vst v63  }
0x1a2: {  	v3 =	vld [tilespmem:$0x390];
	_ =	sdelay $0x4  }
0x1a3: {  	v63 =	vshll.u32 v3, $0x3  }
0x1a4: {  	v3 =	vand.u32 $0x7, v3;
	v4 =	vand.u32 $0xFFFFFFC0, v63  }
0x1a5: {  	v3 =	vor.u32 v3, v4  }
0x1a6: {  	v4 =	vperm.xlane v3, v0;
	_ =	sdelay $0x1  }
0x1a7: {  	v4 =	vadd.s32 v1, v4;
	_ =	sdelay $0x4  }
0x1a8: {  	[hbm4b:s3+s2] =	stream.indirect_vreg.scatter [tilespmem:s18], [sflag:$0x2], $0x80, v4, vm0, $0xb8;
	[tilespmem:$0x10400] =	vst v63  }
0x1a9: {  	v3 =	vperm.xlane v3, v2  }
0x1aa: {  	[hbm4b:s4+s2] =	stream.indirect_vreg.scatter [tilespmem:s19], [sflag:$0x2], $0x80, v4, vm0, $0xb8;
	[tilespmem:$0x10400] =	vst v63  }
0x1ab: {  	v3 =	vadd.s32 v1, v3  }
0x1ac: {  	[hbm4b:s5+s2] =	stream.indirect_vreg.scatter [tilespmem:s20], [sflag:$0x2], $0x80, v4, vm0, $0xb8;
	[tilespmem:$0x10400] =	vst v63  }
0x1ad: {  	_ = 	snop  }
0x1ae: {  	[hbm4b:s6+s2] =	stream.indirect_vreg.scatter [tilespmem:s21], [sflag:$0x2], $0x80, v4, vm0, $0xb8;
	[tilespmem:$0x10400] =	vst v63  }
0x1af: {  	_ = 	snop  }
0x1b0: {  	[hbm4b:s3+s2] =	stream.indirect_vreg.scatter [tilespmem:s22], [sflag:$0x2], $0x80, v3, vm0, $0xb8;
	[tilespmem:$0x10400] =	vst v63  }
0x1b1: {  	_ = 	snop  }
0x1b2: {  	[hbm4b:s4+s2] =	stream.indirect_vreg.scatter [tilespmem:s30], [sflag:$0x2], $0x80, v3, vm0, $0xb8;
	[tilespmem:$0x10400] =	vst v63  }
0x1b3: {  	_ = 	snop  }
0x1b4: {  	[hbm4b:s5+s2] =	stream.indirect_vreg.scatter [tilespmem:s23], [sflag:$0x2], $0x80, v3, vm0, $0xb8;
	[tilespmem:$0x10400] =	vst v63  }
0x1b5: {  	_ = 	snop  }
0x1b6: {  	[hbm4b:s6+s2] =	stream.indirect_vreg.scatter [tilespmem:s24], [sflag:$0x2], $0x80, v3, vm0, $0xb8;
	[tilespmem:$0x10400] =	vst v63  }
0x1b7: {  	p0 =	sne.s32 s29, $0x1;
	_ =	swait.ge [sflag:s28], $0x8000  }
.Ltmp0:
0x1b8: {  	[sflag:s28] =	ssyncset.done $0x0;
	(pc) =	sbr.rel @p0 .LBB2_1-.Ltmp0, $4  }
0x1b9: {  	[sflag:s28] =	ssyncadd.s32 $0xFFFF8000  }
0x1ba: {  	_ =	swait.ge [sflag:s28], $0x8000  }
0x1bb: {  	[sflag:s28] =	ssyncset.done $0x0  }
0x1bc: {  	s29 =	sadd.s32 $0xFFFFFFFF, s29;
	[sflag:s28] =	ssyncadd.s32 $0xFFFF8000  }
0x1bd: {  	_ =	sfence.sel $0x180000  }
0x1be: {  	[bflag:$0x0] =	sbarrier.arrive $0xFFFF  }
0x1bf: {  	_ =	strace $0x90000047  }
0x1c0: {  	s0 =	stileid.u32;
	[bflag:$0x2] =	sbarrier.arrive $0xFFFF  }
0x1c1: {  	p0 =	sne.s32 s0, $0x0;
	s0 =	rddreg [dreg:$0x2]  }
0x1c2: {  	s0 =	sadd.s32 @!p0 $0x100000, s0  }
0x1c3: {  	[sflag:s0] =	ssyncadd.tile.s32 @!p0 $0x1;
	_ =	shalt  }
.Lfunc_end2:
_tile_overlayer_lowered:
.L_overlay_start_2:
0x1c4: {  	(tag) =	ssettag $0x2  }
0x1c5: {  	s0 =	rddreg [dreg:$0x0];
	s2 =	stileid.u32  }
0x1c6: {  	s1 =	rddreg [dreg:$0x1];
	p0 =	sne.s32 s2, $0x0  }
0x1c7: {  	s3 =	rddreg [dreg:$0x2];
	[bflag:$0x3] =	sbarrier.arrive $0xFFFF;
	s2 =	simm.s32 @!p0 $0x1C03  }
0x1c8: {  	[timem:s3], [sflag:s2] =	dma.local @!p0 [hbm:s0], s1  }
0x1c9: {  	s0 =	simm.s32 @!p0 $0x3  }
0x1ca: {  	_ =	swait.ge @!p0 [sflag:s0], s1  }
0x1cb: {  	s1 =	ssub.s32 @!p0 $0x0, s1;
	[sflag:s0] =	ssyncset.done @!p0 $0x0  }
0x1cc: {  	[sflag:s0] =	ssyncadd.s32 @!p0 s1  }
0x1cd: {  	[bflag:$0x3] =	sbarrier.arrive $0xFFFF  }
0x1ce: {  	_ =	shalt  }

// kernel: kernel.9.cloned.1.call-start
scs
__scs_entry_jumppad:
0x0: {  	(pc) =	sbr.rel $0x88, $3  }
0x1: {  	(tag) =	ssettag $0x0;
	lr =	simm.s32 $0x1  }
0x2: {  	[smem:$0x3F9B] =	sst lr;
	_ =	strace $0xD0000000  }
0x3: {  	_ = 	snop  }
0x4: {  	_ = 	snop  }
0x5: {  	_ = 	snop  }
0x6: {  	_ = 	snop  }
0x7: {  	_ = 	snop  }
__scs_overlays_trampoline_lowered:
0x8: {  	[smem:$0x3FAA] =	sst s0  }
0x9: {  	[smem:$0x3FAB] =	sst s1  }
0xa: {  	[smem:$0x3FAC] =	sst s2  }
0xb: {  	[smem:$0x3FAD] =	sst s3  }
0xc: {  	[smem:$0x3FAE] =	sst s4  }
0xd: {  	[smem:$0x3FAF] =	sst s5  }
0xe: {  	[smem:$0x3FB0] =	sst s6  }
0xf: {  	[smem:$0x3FB1] =	sst s7  }
0x10: {  	[smem:$0x3FB2] =	sst s8  }
0x11: {  	[smem:$0x3FB3] =	sst s9;
	s0 =	simm.s32 @!p0 $0x0  }
0x12: {  	s1 =	sld [smem:$0x3F99];
	s0 =	simm.s32 @p0 $0x1  }
0x13: {  	[smem:$0x3FB4] =	sst s0;
	s0 =	simm.s32 @!p1 $0x0  }
0x14: {  	s2 =	sld [smem:$0x3F98];
	s0 =	simm.s32 @p1 $0x1  }
0x15: {  	[smem:$0x3FB5] =	sst s0;
	s0 =	simm.s32 @!p2 $0x0  }
0x16: {  	s3 =	sld [smem:$0x3FDB];
	s0 =	simm.s32 @p2 $0x1  }
0x17: {  	s4 =	simm.s32 $0x1BF5;
	[smem:$0x3FB7] =	sst s0  }
0x18: {  	s0 =	sld [smem:$0x3F9A];
	_ =	swait.ge [sflag:s4], $0x0  }
0x19: {  	s7 =	sld [smem:$0x3F9B]  }
0x1a: {  	s8 =	sadd.s32 $0xFFFFE003, lr  }
0x1b: {  	s9 =	sadd.s32 $0xFFFFFEF7, lr;
	s5 =	simm.s32 $0xFFFFFFFF;
	p2 =	slt.u32 s8, $0xFFFFF086  }
0x1c: {  	p1 =	slt.u32 s9, $0xF7A;
	s5 =	simm.s32 @!p2 $0x0  }
0x1d: {  	s5 =	simm.s32 @p1 $0x1;
	p0 =	seq.s32 s7, s2  }
0x1e: {  	s7 =	smul.u32 @!p0 $0xF7A, s2;
	p2 =	seq.s32 @!p0 s5, $0x0  }
0x1f: {  	s9 =	smul.u32 $0xF7A, s1;
	s8 =	simm.s32 @!p0 $0x1BF5;
	p2 =	por !p2, p0  }
0x20: {  	[sflag:s8] =	ssyncset.s32 @!p0 $0xFFFFF086;
	s6 =	sadd.s32 @!p0 s3, s7;
	s7 =	simm.s32 @!p0 $0x108  }
0x21: {  	s3 =	sadd.s32 s3, s9;
	s6 =	sadd.s32 @!p0 $0x88, s6;
	s7 =	simm.s32 @p2 $0x1082  }
0x22: {  	[simem:s7], [sflag:s8] =	dma.local @!p0 [hbm:s6], $0xF7A  }
0x23: {  	s9 =	sor.u32 $0xD0000000, s2;
	s6 =	simm.s32 $0x108;
	_ =	swait.ge @!p0 [sflag:s8], $0x0  }
0x24: {  	s3 =	sadd.s32 $0x88, s3;
	s6 =	simm.s32 @!p1 $0x1082;
	[sflag:s4] =	ssyncset.s32 $0xFFFFF086  }
0x25: {  	[simem:s6], [sflag:s4] =	dma.local [hbm:s3], $0xF7A  }
0x26: {  	[smem:$0x3F9B] =	sst s1;
	(tag) =	ssettag s2;
	_ =	strace s9  }
0x27: {  	s1 =	sld [smem:$0x3FAB]  }
0x28: {  	s2 =	sld [smem:$0x3FAC]  }
0x29: {  	s4 =	sld [smem:$0x3FAE]  }
0x2a: {  	p0 =	seq.s32 s5, $0x0;
	s5 =	sld [smem:$0x3FAF]  }
0x2b: {  	s6 =	sld [smem:$0x3FB0]  }
0x2c: {  	s7 =	sld [smem:$0x3FB1]  }
0x2d: {  	s3 =	simm.s32 $0x108;
	s8 =	sld [smem:$0x3FB2]  }
0x2e: {  	s3 =	simm.s32 @!p0 $0x1082;
	s9 =	sld [smem:$0x3FB3]  }
0x2f: {  	lr =	sadd.s32 s0, s3;
	s0 =	sld [smem:$0x3FAA]  }
0x30: {  	s3 =	sld [smem:$0x3FAD]  }
0x31: {  	[smem:$0x3FB6] =	sst s10  }
0x32: {  	s10 =	sld [smem:$0x3FB4];
	_ =	sdelay $0x3  }
0x33: {  	p0 =	seq.s32 s10, $0x1;
	s10 =	sld [smem:$0x3FB6];
	_ =	sdelay $0x3  }
0x34: {  	[smem:$0x3FB6] =	sst s10  }
0x35: {  	s10 =	sld [smem:$0x3FB5];
	_ =	sdelay $0x3  }
0x36: {  	p1 =	seq.s32 s10, $0x1;
	s10 =	sld [smem:$0x3FB6];
	_ =	sdelay $0x3  }
0x37: {  	[smem:$0x3FB6] =	sst s10  }
0x38: {  	s10 =	sld [smem:$0x3FB7]  }
0x39: {  	_ = 	snop;
	(pc) =	sbr.ind lr, $3  }
0x3a: {  	_ = 	snop  }
0x3b: {  	_ = 	snop  }
0x3c: {  	p2 =	seq.s32 s10, $0x1;
	s10 =	sld [smem:$0x3FB6]  }
0x3d: {  	_ =	shalt  }
0x3e: {  	_ =	shalt  }
0x3f: {  	_ =	shalt  }
0x40: {  	_ =	shalt  }
0x41: {  	_ =	shalt  }
0x42: {  	_ =	shalt  }
0x43: {  	_ =	shalt  }
0x44: {  	_ =	shalt  }
0x45: {  	_ =	shalt  }
0x46: {  	_ =	shalt  }
0x47: {  	_ =	shalt  }
0x48: {  	_ =	shalt  }
0x49: {  	_ =	shalt  }
0x4a: {  	_ =	shalt  }
0x4b: {  	_ =	shalt  }
0x4c: {  	_ =	shalt  }
0x4d: {  	_ =	shalt  }
0x4e: {  	_ =	shalt  }
0x4f: {  	_ =	shalt  }
0x50: {  	_ =	shalt  }
0x51: {  	_ =	shalt  }
0x52: {  	_ =	shalt  }
0x53: {  	_ =	shalt  }
0x54: {  	_ =	shalt  }
0x55: {  	_ =	shalt  }
0x56: {  	_ =	shalt  }
0x57: {  	_ =	shalt  }
0x58: {  	_ =	shalt  }
0x59: {  	_ =	shalt  }
0x5a: {  	_ =	shalt  }
0x5b: {  	_ =	shalt  }
0x5c: {  	_ =	shalt  }
0x5d: {  	_ =	shalt  }
0x5e: {  	_ =	shalt  }
0x5f: {  	_ =	shalt  }
0x60: {  	_ =	shalt  }
0x61: {  	_ =	shalt  }
0x62: {  	_ =	shalt  }
0x63: {  	_ =	shalt  }
0x64: {  	_ =	shalt  }
0x65: {  	_ =	shalt  }
0x66: {  	_ =	shalt  }
0x67: {  	_ =	shalt  }
0x68: {  	_ =	shalt  }
0x69: {  	_ =	shalt  }
0x6a: {  	_ =	shalt  }
0x6b: {  	_ =	shalt  }
0x6c: {  	_ =	shalt  }
0x6d: {  	_ =	shalt  }
0x6e: {  	_ =	shalt  }
0x6f: {  	_ =	shalt  }
0x70: {  	_ =	shalt  }
0x71: {  	_ =	shalt  }
0x72: {  	_ =	shalt  }
0x73: {  	_ =	shalt  }
0x74: {  	_ =	shalt  }
0x75: {  	_ =	shalt  }
0x76: {  	_ =	shalt  }
0x77: {  	_ =	shalt  }
0x78: {  	_ =	shalt  }
0x79: {  	_ =	shalt  }
0x7a: {  	_ =	shalt  }
0x7b: {  	_ =	shalt  }
0x7c: {  	_ =	shalt  }
0x7d: {  	_ =	shalt  }
0x7e: {  	_ =	shalt  }
0x7f: {  	_ =	shalt  }
0x80: {  	_ =	shalt  }
0x81: {  	_ =	shalt  }
0x82: {  	_ =	shalt  }
0x83: {  	_ =	shalt  }
0x84: {  	_ =	shalt  }
0x85: {  	_ =	shalt  }
0x86: {  	_ =	shalt  }
0x87: {  	_ =	shalt  }
.Lfunc_end0:
.L_simem_size_0:
called_computation.1_lowered:
.L_overlay_start_0:
0x88: {  	s2 =	sld [smem:$0x3FD9]  }
0x89: {  	s3 =	sld [smem:$0x3FFE];
	_ =	sdelay $0x1  }
0x8a: {  	s1 =	srdreg.scid  }
0x8b: {  	s0 =	sand.u32 $0x1, s1  }
0x8c: {  	s17 =	sshll.u32 s0, $0xA;
	s2 =	sadd.s32 s3, s2  }
0x8d: {  	s2 =	sadd.s32 s2, s17  }
0x8e: {  	[smem:$0x3FC2] =	sst s2  }
0x8f: {  	_ = 	snop  }
0x90: {  	s2 =	sld [smem:$0x3FD0];
	(tm) =	ssettm $0x1  }
0x91: {  	s18 =	sld [smem:$0x3FFB];
	_ =	sdelay $0x3  }
0x92: {  	_ =	strace s18  }
0x93: {  	s3 =	sld [smem:$0x3FFC];
	_ =	sdelay $0x3  }
0x94: {  	_ =	strace s3  }
0x95: {  	s3 =	sld [smem:$0x3FFD];
	_ =	sdelay $0x3  }
0x96: {  	_ =	strace s3  }
0x97: {  	_ =	strace $0x8FFFFFFF  }
0x98: {  	s19 =	sld [smem:$0x3FDB];
	_ =	sdelay $0x1  }
0x99: {  	s4 =	simm.s32 $_scs_section_size  }
0x9a: {  	s5 =	simm.s32 $_size__tile_overlayer_lowered;
	s6 =	simm.s32 $_tile_overlayer_lowered  }
0x9b: {  	s22 =	simm.s32 $0x1BFF;
	s21 =	sshll.u32 s6, $0x1;
	s3 =	sadd.s32 s4, s19  }
0x9c: {  	s7 =	simm.s32 $0x0;
	s20 =	sshll.u32 s5, $0x1;
	s5 =	sadd.s32 s21, s3  }
0x9d: {  	[timem:s7], [sflag:s22] =	dma.local [hbm:s5], s20  }
0x9e: {  	_ =	swait.ge [sflag:s22], s20  }
0x9f: {  	s4 =	ssub.s32 $0x0, s20;
	[sflag:s22] =	ssyncset.done $0x0  }
0xa0: {  	[sflag:s22] =	ssyncadd.s32 s4;
	_ =	sdelay $0x1  }
0xa1: {  	s23 =	simm.s32 $0x1B8B  }
0xa2: {  	_ =	swait.ge [sflag:s23], $0x1  }
0xa3: {  	[sflag:s23] =	ssyncset.done $0x0  }
0xa4: {  	s25 =	simm.s32 $0x1B8E;
	s24 =	sld [smem:$0x3FFE];
	[sflag:s23] =	ssyncadd.s32 $0xFFFFFFFF  }
0xa5: {  	s26 =	simm.s32 $execute0_lowered;
	[smem:$0x3FD2] =	sst s25  }
0xa6: {  	s5 =	sshll.u32 s26, $0x1;
	_ =	strace $0x80000049;
	[dreg:$0x1] =	wrdreg $0xFFFFFFFF  }
0xa7: {  	s28 =	simm.s32 $_size_execute0_lowered;
	s3 =	sadd.s32 s3, s5;
	[dreg:$0x0] =	wrdreg $0x0  }
0xa8: {  	s5 =	sshll.u32 s28, $0x1;
	[dreg:$0x2] =	wrdreg s3  }
0xa9: {  	[dreg:$0x3] =	wrdreg s5  }
0xaa: {  	[dreg:$0x4] =	wrdreg $0xC0  }
0xab: {  	_ =	task [dreg:s7], $0x5FFFF  }
0xac: {  	[dreg:$0x1] =	wrdreg $0xFFFFFFFF  }
0xad: {  	[dreg:$0x0] =	wrdreg $0x60  }
0xae: {  	[dreg:$0x2] =	wrdreg s24  }
0xaf: {  	[dreg:$0x3] =	wrdreg s2  }
0xb0: {  	[dreg:$0x4] =	wrdreg $0x9  }
0xb1: {  	_ =	task.clear_ibuf [dreg:s7], $0x5FFFF;
	_ =	strace $0x90000049  }
0xb2: {  	s29 =	simm.s32 $0x9;
	_ =	strace $0x8000004B  }
0xb3: {  	_ =	swait.ge [sflag:s29], $0x1  }
0xb4: {  	[sflag:s29] =	ssyncadd.s32 $0xFFFFFFFF  }
0xb5: {  	_ =	strace $0x9000004B  }
0xb6: {  	_ =	sfence  }
0xb7: {  	s30 =	sld [smem:$0x0];
	_ =	sdelay $0x2  }
0xb8: {  	s31 =	sshll.u32 s1, $0xD;
	s1 =	sshrl.u32 s1, $0x2  }
0xb9: {  	s3 =	sand.u32 $0x4000, s31;
	s1 =	sadd.s32 s1, s30  }
0xba: {  	s0 =	sor.u32 s3, s0;
	s1 =	sshll.u32 s1, $0x11  }
0xbb: {  	s0 =	sor.u32 s1, s0  }
0xbc: {  	s0 =	sadd.s32 $0x8F2B, s0  }
0xbd: {  	[sflag:s0] =	ssyncadd.remote.s32 $0x1  }
0xbe: {  	_ =	sfence.sel $0xFFFF  }
0xbf: {  	[dreg:$0x0] =	wrdreg $0xFFFFFFFF;
	(pc) =	sbr.abs _section_cstart, $3  }
0xc0: {  	[dreg:$0x1] =	wrdreg $0xFFFFFFFF  }
0xc1: {  	_ =	task.clear_ibuf [dreg:s7], $0x2FFFF;
	_ =	strace $0x9FFFFFFF  }
0xc2: {  	(tm) =	ssettm $0x7FFFFFFF  }
0xc3: {  	_ =	shalt  }
tec
execute0_lowered:
.L_overlay_start_1:
0x0: {  	(tag) =	ssettag $0x1  }
0x1: {  	s0 =	rddreg [dreg:$0x0]  }
0x2: {  	s1 =	rddreg [dreg:$0x1];
	s3 =	srdreg.scid;
	s2 =	simm.s32 $0x0  }
0x3: {  	s4 =	stileid.u32;
	s29 =	simm.s32 $0x8000;
	s3 =	sand.u32 $0x1, s3  }
0x4: {  	[smem:$0x7FF] =	sst s2;
	s4 =	sshll.u32 s4, $0x8;
	s28 =	sadd.s32 $0x100500, s0  }
0x5: {  	s30 =	sadd.s32 $0x100600, s0;
	s31 =	sadd.s32 $0x100700, s0;
	s5 =	sshll.u32 s3, $0x7  }
0x6: {  	_ =	strace $0x8000004A;
	s3 =	ssub.s32 $0x2, s3;
	s4 =	sor.u32 s5, s4  }
0x7: {  	s5 =	sadd.s32 $0x200, s0;
	s6 =	sshrl.u32 s3, $0x1;
	s7 =	sshrl.u32 s4, $0x3  }
0x8: {  	s3 =	ssub.s32 s3, s6;
	s18 =	sor.u32 $0x10, s4;
	s8 =	sor.u32 $0x20, s4  }
0x9: {  	s22 =	sor.u32 $0x30, s4;
	s10 =	sor.u32 $0x40, s4;
	s11 =	sor.u32 $0x50, s4  }
0xa: {  	s12 =	sor.u32 $0x60, s4;
	s13 =	sshll.u32 s4, $0x7;
	s4 =	sor.u32 $0x70, s4  }
0xb: {  	s17 =	sadd.s32 s0, s7;
	s7 =	sadd.s32 s5, s7;
	s19 =	sshrl.u32 s18, $0x3  }
0xc: {  	s20 =	sshrl.u32 s8, $0x3;
	s23 =	sshrl.u32 s22, $0x3;
	s6 =	sshll.u32 s18, $0x7  }
0xd: {  	s13 =	sadd.s32 s1, s13;
	s24 =	sshll.u32 s8, $0x7;
	[dreg:$0x3] =	wrdreg s17  }
0xe: {  	s25 =	sshll.u32 s10, $0x7;
	s8 =	sshll.u32 s11, $0x7;
	[dreg:$0x4] =	wrdreg s7  }
0xf: {  	s14 =	sshll.u32 s4, $0x7;
	s9 =	sadd.s32 s0, s19;
	[dreg:$0x9] =	wrdreg s13  }
0x10: {  	s18 =	sshrl.u32 s10, $0x3;
	s7 =	sadd.s32 s5, s19;
	[dreg:$0x5] =	wrdreg s9  }
0x11: {  	s10 =	simm.s32 $0x1;
	s21 =	sadd.s32 s0, s20;
	[dreg:$0x6] =	wrdreg s7  }
0x12: {  	s6 =	sadd.s32 s1, s6;
	s13 =	sshll.u32 s12, $0x7;
	[dreg:$0x7] =	wrdreg s21  }
0x13: {  	s16 =	sadd.s32 s0, s23;
	s17 =	sadd.s32 s5, s23;
	[dreg:$0xa] =	wrdreg s6  }
0x14: {  	s19 =	sadd.s32 s0, s18;
	s7 =	sadd.s32 s5, s20;
	[dreg:$0x11] =	wrdreg s16  }
0x15: {  	s6 =	sadd.s32 s1, s24;
	s15 =	sadd.s32 s1, s13;
	[dreg:$0x12] =	wrdreg s17  }
0x16: {  	[dreg:$0x13] =	wrdreg s19;
	s20 =	sshrl.u32 s11, $0x3;
	s24 =	sshrl.u32 s4, $0x3  }
0x17: {  	s9 =	simm.s32 $0x10000;
	s11 =	simm.s32 $0x10800;
	[dreg:$0x8] =	wrdreg s7  }
0x18: {  	s13 =	simm.s32 $0x2;
	s7 =	sshll.u32 s22, $0x7;
	[dreg:$0xb] =	wrdreg s6  }
0x19: {  	s6 =	sadd.s32 s1, s8;
	[dreg:$0xf] =	wrdreg s15;
	s21 =	sadd.s32 s0, s20  }
0x1a: {  	s22 =	sshrl.u32 s12, $0x3;
	s4 =	sadd.s32 s5, s24;
	[dreg:$0xe] =	wrdreg s6  }
0x1b: {  	s8 =	simm.s32 $0xF800;
	s12 =	simm.s32 $0x14800;
	[dreg:$0x15] =	wrdreg s21  }
0x1c: {  	s26 =	sadd.s32 s1, s7;
	s7 =	sadd.s32 s1, s25;
	[dreg:$0x19] =	wrdreg s4  }
0x1d: {  	s1 =	sadd.s32 s1, s14;
	s23 =	sadd.s32 s0, s22;
	[dreg:$0xc] =	wrdreg s26  }
0x1e: {  	s25 =	smax.u32 s3, $0x1;
	s21 =	simm.s32 $0x5800;
	[dreg:$0xd] =	wrdreg s7  }
0x1f: {  	s3 =	simm.s32 $0xD000;
	s4 =	simm.s32 $0xD800;
	[dreg:$0x10] =	wrdreg s1  }
0x20: {  	s6 =	simm.s32 $0xE800;
	s14 =	simm.s32 $0x0;
	[dreg:$0x17] =	wrdreg s23  }
0x21: {  	s1 =	sadd.s32 s5, s18;
	s26 =	sadd.s32 $0x100400, s0;
	[dreg:$0x1b] =	wrdreg s25  }
0x22: {  	s23 =	simm.s32 $0x6800;
	[dreg:$0x14] =	wrdreg s1;
	s1 =	sadd.s32 s5, s20  }
0x23: {  	s25 =	simm.s32 $0x7800;
	s7 =	simm.s32 $0xF000;
	[dreg:$0x16] =	wrdreg s1  }
0x24: {  	v2 =	vlaneseq.u32;
	s1 =	sadd.s32 s5, s22;
	s22 =	simm.s32 $0x6000;
	s5 =	simm.s32 $0xE000  }
0x25: {  	vm0 =	vmmov $0xffff;
	v1 =	vshrl.u32 v2, $0x3;
	[dreg:$0x18] =	wrdreg s1;
	s1 =	sadd.s32 s0, s24;
	s24 =	simm.s32 $0x7000  }
0x26: {  	v0 =	vand.u32 $0x7, v2;
	v2 =	vor.u32 $0x8, v2;
	v1 =	vmul.u32 $0x8, v1;
	s0 =	simm.s32 $0xC800;
	[dreg:$0x1a] =	wrdreg s1;
	s1 =	simm.s32 $0x3  }
.LBB2_1:
0x27: {  	s15 =	rddreg [dreg:$0x3]  }
0x28: {  	[tilespmem:s2], [sflag:$0x3] =	stream.linear.gather [hbm4b:s15+s2], $0x10, $0x38;
	[tilespmem:$0x18800] =	vst v63  }
0x29: {  	_ =	swait.ge [sflag:s1], $0x10  }
0x2a: {  	[sflag:s1] =	ssyncset.done $0x0  }
0x2b: {  	s16 =	simm.s32 $0x400;
	s20 =	rddreg [dreg:$0x4];
	[sflag:s1] =	ssyncadd.s32 $0xFFFFFFF0  }
0x2c: {  	[tilespmem:s16], [sflag:$0x3] =	stream.linear.gather [hbm4b:s20+s2], $0x10, $0x38;
	[tilespmem:$0x18800] =	vst v63  }
0x2d: {  	_ =	swait.ge [sflag:s1], $0x10  }
0x2e: {  	[sflag:s1] =	ssyncset.done $0x0  }
0x2f: {  	s18 =	simm.s32 $0x80;
	s17 =	rddreg [dreg:$0x5];
	[sflag:s1] =	ssyncadd.s32 $0xFFFFFFF0  }
0x30: {  	[tilespmem:s18], [sflag:$0x3] =	stream.linear.gather [hbm4b:s17+s2], $0x10, $0x38;
	[tilespmem:$0x18800] =	vst v63  }
0x31: {  	_ =	swait.ge [sflag:s1], $0x10  }
0x32: {  	[sflag:s1] =	ssyncset.done $0x0  }
0x33: {  	s20 =	simm.s32 $0x480;
	s19 =	rddreg [dreg:$0x6];
	[sflag:s1] =	ssyncadd.s32 $0xFFFFFFF0  }
0x34: {  	[tilespmem:s20], [sflag:$0x3] =	stream.linear.gather [hbm4b:s19+s2], $0x10, $0x38;
	[tilespmem:$0x18800] =	vst v63  }
0x35: {  	_ =	swait.ge [sflag:s1], $0x10  }
0x36: {  	[sflag:s1] =	ssyncset.done $0x0  }
0x37: {  	s18 =	simm.s32 $0x100;
	s17 =	rddreg [dreg:$0x7];
	[sflag:s1] =	ssyncadd.s32 $0xFFFFFFF0  }
0x38: {  	[tilespmem:s18], [sflag:$0x3] =	stream.linear.gather [hbm4b:s17+s2], $0x10, $0x38;
	[tilespmem:$0x18800] =	vst v63  }
0x39: {  	_ =	swait.ge [sflag:s1], $0x10  }
0x3a: {  	[sflag:s1] =	ssyncset.done $0x0  }
0x3b: {  	s20 =	simm.s32 $0x500;
	s19 =	rddreg [dreg:$0x8];
	[sflag:s1] =	ssyncadd.s32 $0xFFFFFFF0  }
0x3c: {  	[tilespmem:s20], [sflag:$0x3] =	stream.linear.gather [hbm4b:s19+s2], $0x10, $0x38;
	[tilespmem:$0x18800] =	vst v63  }
0x3d: {  	_ =	swait.ge [sflag:s1], $0x10  }
0x3e: {  	[sflag:s1] =	ssyncset.done $0x0  }
0x3f: {  	s18 =	simm.s32 $0x180;
	s17 =	rddreg [dreg:$0x11];
	[sflag:s1] =	ssyncadd.s32 $0xFFFFFFF0  }
0x40: {  	[tilespmem:s18], [sflag:$0x3] =	stream.linear.gather [hbm4b:s17+s2], $0x10, $0x38;
	[tilespmem:$0x18800] =	vst v63  }
0x41: {  	_ =	swait.ge [sflag:s1], $0x10  }
0x42: {  	[sflag:s1] =	ssyncset.done $0x0  }
0x43: {  	s20 =	simm.s32 $0x580;
	s19 =	rddreg [dreg:$0x12];
	[sflag:s1] =	ssyncadd.s32 $0xFFFFFFF0  }
0x44: {  	[tilespmem:s20], [sflag:$0x3] =	stream.linear.gather [hbm4b:s19+s2], $0x10, $0x38;
	[tilespmem:$0x18800] =	vst v63  }
0x45: {  	_ =	swait.ge [sflag:s1], $0x10  }
0x46: {  	[sflag:s1] =	ssyncset.done $0x0  }
0x47: {  	s18 =	simm.s32 $0x200;
	s17 =	rddreg [dreg:$0x13];
	[sflag:s1] =	ssyncadd.s32 $0xFFFFFFF0  }
0x48: {  	[tilespmem:s18], [sflag:$0x3] =	stream.linear.gather [hbm4b:s17+s2], $0x10, $0x38;
	[tilespmem:$0x18800] =	vst v63  }
0x49: {  	_ =	swait.ge [sflag:s1], $0x10  }
0x4a: {  	[sflag:s1] =	ssyncset.done $0x0  }
0x4b: {  	s20 =	simm.s32 $0x600;
	s19 =	rddreg [dreg:$0x14];
	[sflag:s1] =	ssyncadd.s32 $0xFFFFFFF0  }
0x4c: {  	[tilespmem:s20], [sflag:$0x3] =	stream.linear.gather [hbm4b:s19+s2], $0x10, $0x38;
	[tilespmem:$0x18800] =	vst v63  }
0x4d: {  	_ =	swait.ge [sflag:s1], $0x10  }
0x4e: {  	[sflag:s1] =	ssyncset.done $0x0  }
0x4f: {  	s18 =	simm.s32 $0x280;
	s17 =	rddreg [dreg:$0x15];
	[sflag:s1] =	ssyncadd.s32 $0xFFFFFFF0  }
0x50: {  	[tilespmem:s18], [sflag:$0x3] =	stream.linear.gather [hbm4b:s17+s2], $0x10, $0x38;
	[tilespmem:$0x18800] =	vst v63  }
0x51: {  	_ =	swait.ge [sflag:s1], $0x10  }
0x52: {  	[sflag:s1] =	ssyncset.done $0x0  }
0x53: {  	s20 =	simm.s32 $0x680;
	s19 =	rddreg [dreg:$0x16];
	[sflag:s1] =	ssyncadd.s32 $0xFFFFFFF0  }
0x54: {  	[tilespmem:s20], [sflag:$0x3] =	stream.linear.gather [hbm4b:s19+s2], $0x10, $0x38;
	[tilespmem:$0x18800] =	vst v63  }
0x55: {  	_ =	swait.ge [sflag:s1], $0x10  }
0x56: {  	[sflag:s1] =	ssyncset.done $0x0  }
0x57: {  	s18 =	simm.s32 $0x300;
	s17 =	rddreg [dreg:$0x17];
	[sflag:s1] =	ssyncadd.s32 $0xFFFFFFF0  }
0x58: {  	[tilespmem:s18], [sflag:$0x3] =	stream.linear.gather [hbm4b:s17+s2], $0x10, $0x38;
	[tilespmem:$0x18800] =	vst v63  }
0x59: {  	_ =	swait.ge [sflag:s1], $0x10  }
0x5a: {  	[sflag:s1] =	ssyncset.done $0x0  }
0x5b: {  	s20 =	simm.s32 $0x700;
	s19 =	rddreg [dreg:$0x18];
	[sflag:s1] =	ssyncadd.s32 $0xFFFFFFF0  }
0x5c: {  	[tilespmem:s20], [sflag:$0x3] =	stream.linear.gather [hbm4b:s19+s2], $0x10, $0x38;
	[tilespmem:$0x18800] =	vst v63  }
0x5d: {  	_ =	swait.ge [sflag:s1], $0x10  }
0x5e: {  	[sflag:s1] =	ssyncset.done $0x0  }
0x5f: {  	s17 =	simm.s32 $0x380;
	s16 =	rddreg [dreg:$0x1a];
	[sflag:s1] =	ssyncadd.s32 $0xFFFFFFF0  }
0x60: {  	[tilespmem:s17], [sflag:$0x3] =	stream.linear.gather [hbm4b:s16+s2], $0x10, $0x38;
	[tilespmem:$0x18800] =	vst v63  }
0x61: {  	_ =	swait.ge [sflag:s1], $0x10  }
0x62: {  	[sflag:s1] =	ssyncset.done $0x0  }
0x63: {  	s19 =	simm.s32 $0x780;
	s18 =	rddreg [dreg:$0x19];
	[sflag:s1] =	ssyncadd.s32 $0xFFFFFFF0  }
0x64: {  	[tilespmem:s19], [sflag:$0x3] =	stream.linear.gather [hbm4b:s18+s2], $0x10, $0x38;
	[tilespmem:$0x18800] =	vst v63  }
0x65: {  	_ =	swait.ge [sflag:s1], $0x10  }
0x66: {  	[sflag:s1] =	ssyncset.done $0x0  }
0x67: {  	[sflag:s1] =	ssyncadd.s32 $0xFFFFFFF0  }
0x68: {  	v3 =	vld [tilespmem:$0x0];
	_ =	sdelay $0x4  }
0x69: {  	v4 =	vshll.u32 v3, $0x3  }
0x6a: {  	v3 =	vand.u32 $0x7, v3;
	v4 =	vand.u32 $0xFFFFFFC0, v4  }
0x6b: {  	v3 =	vor.u32 v3, v4  }
0x6c: {  	v4 =	vperm.xlane v3, v0;
	_ =	sdelay $0x1  }
0x6d: {  	v4 =	vadd.s32 v1, v4;
	_ =	sdelay $0x3  }
0x6e: {  	s20 =	simm.s32 $0x800  }
0x6f: {  	[tilespmem:s20], [sflag:$0x1] =	stream.indirect_vreg.gather [hbm4b:s26+s2], $0x80, v4, vm0, $0xb8;
	[tilespmem:$0x18800] =	vst v63  }
0x70: {  	s16 =	simm.s32 $0x1000;
	v3 =	vperm.xlane v3, v2  }
0x71: {  	[tilespmem:s16], [sflag:$0x1] =	stream.indirect_vreg.gather [hbm4b:s28+s2], $0x80, v4, vm0, $0xb8;
	[tilespmem:$0x18800] =	vst v63  }
0x72: {  	s17 =	simm.s32 $0x1800;
	v3 =	vadd.s32 v1, v3  }
0x73: {  	[tilespmem:s17], [sflag:$0x1] =	stream.indirect_vreg.gather [hbm4b:s30+s2], $0x80, v4, vm0, $0xb8;
	[tilespmem:$0x18800] =	vst v63  }
0x74: {  	s18 =	simm.s32 $0x2000  }
0x75: {  	[tilespmem:s18], [sflag:$0x1] =	stream.indirect_vreg.gather [hbm4b:s31+s2], $0x80, v4, vm0, $0xb8;
	[tilespmem:$0x18800] =	vst v63  }
0x76: {  	s19 =	simm.s32 $0x2800  }
0x77: {  	[tilespmem:s19], [sflag:$0x1] =	stream.indirect_vreg.gather [hbm4b:s26+s2], $0x80, v3, vm0, $0xb8;
	[tilespmem:$0x18800] =	vst v63  }
0x78: {  	s20 =	simm.s32 $0x3000  }
0x79: {  	[tilespmem:s20], [sflag:$0x1] =	stream.indirect_vreg.gather [hbm4b:s28+s2], $0x80, v3, vm0, $0xb8;
	[tilespmem:$0x18800] =	vst v63  }
0x7a: {  	s16 =	simm.s32 $0x3800  }
0x7b: {  	[tilespmem:s16], [sflag:$0x1] =	stream.indirect_vreg.gather [hbm4b:s30+s2], $0x80, v3, vm0, $0xb8;
	[tilespmem:$0x18800] =	vst v63  }
0x7c: {  	s17 =	simm.s32 $0x4000  }
0x7d: {  	[tilespmem:s17], [sflag:$0x1] =	stream.indirect_vreg.gather [hbm4b:s31+s2], $0x80, v3, vm0, $0xb8;
	[tilespmem:$0x18800] =	vst v63  }
0x7e: {  	v3 =	vld [tilespmem:$0x400];
	_ =	sdelay $0x4  }
0x7f: {  	v4 =	vshll.u32 v3, $0x3  }
0x80: {  	v3 =	vand.u32 $0x7, v3;
	v4 =	vand.u32 $0xFFFFFFC0, v4  }
0x81: {  	v3 =	vor.u32 v3, v4  }
0x82: {  	v4 =	vperm.xlane v3, v0;
	_ =	sdelay $0x1  }
0x83: {  	v4 =	vadd.s32 v1, v4;
	_ =	sdelay $0x3  }
0x84: {  	s18 =	simm.s32 $0x8800  }
0x85: {  	[tilespmem:s18], [sflag:$0x1] =	stream.indirect_vreg.gather [hbm4b:s26+s2], $0x80, v4, vm0, $0xb8;
	[tilespmem:$0x18800] =	vst v63  }
0x86: {  	s19 =	simm.s32 $0x9000;
	v3 =	vperm.xlane v3, v2  }
0x87: {  	[tilespmem:s19], [sflag:$0x1] =	stream.indirect_vreg.gather [hbm4b:s28+s2], $0x80, v4, vm0, $0xb8;
	[tilespmem:$0x18800] =	vst v63  }
0x88: {  	s20 =	simm.s32 $0x9800;
	v3 =	vadd.s32 v1, v3  }
0x89: {  	[tilespmem:s20], [sflag:$0x1] =	stream.indirect_vreg.gather [hbm4b:s30+s2], $0x80, v4, vm0, $0xb8;
	[tilespmem:$0x18800] =	vst v63  }
0x8a: {  	s16 =	simm.s32 $0xA000  }
0x8b: {  	[tilespmem:s16], [sflag:$0x1] =	stream.indirect_vreg.gather [hbm4b:s31+s2], $0x80, v4, vm0, $0xb8;
	[tilespmem:$0x18800] =	vst v63  }
0x8c: {  	s17 =	simm.s32 $0xA800  }
0x8d: {  	[tilespmem:s17], [sflag:$0x1] =	stream.indirect_vreg.gather [hbm4b:s26+s2], $0x80, v3, vm0, $0xb8;
	[tilespmem:$0x18800] =	vst v63  }
0x8e: {  	s18 =	simm.s32 $0xB000  }
0x8f: {  	[tilespmem:s18], [sflag:$0x1] =	stream.indirect_vreg.gather [hbm4b:s28+s2], $0x80, v3, vm0, $0xb8;
	[tilespmem:$0x18800] =	vst v63  }
0x90: {  	s19 =	simm.s32 $0xB800  }
0x91: {  	[tilespmem:s19], [sflag:$0x1] =	stream.indirect_vreg.gather [hbm4b:s30+s2], $0x80, v3, vm0, $0xb8;
	[tilespmem:$0x18800] =	vst v63  }
0x92: {  	s20 =	simm.s32 $0xC000  }
0x93: {  	[tilespmem:s20], [sflag:$0x1] =	stream.indirect_vreg.gather [hbm4b:s31+s2], $0x80, v3, vm0, $0xb8;
	[tilespmem:$0x18800] =	vst v63  }
0x94: {  	v3 =	vld [tilespmem:$0x80];
	_ =	sdelay $0x4  }
0x95: {  	v4 =	vshll.u32 v3, $0x3  }
0x96: {  	v3 =	vand.u32 $0x7, v3;
	v4 =	vand.u32 $0xFFFFFFC0, v4  }
0x97: {  	v3 =	vor.u32 v3, v4  }
0x98: {  	v4 =	vperm.xlane v3, v0;
	_ =	sdelay $0x1  }
0x99: {  	v4 =	vadd.s32 v1, v4;
	_ =	sdelay $0x3  }
0x9a: {  	s16 =	simm.s32 $0x4800  }
0x9b: {  	[tilespmem:s16], [sflag:$0x1] =	stream.indirect_vreg.gather [hbm4b:s26+s2], $0x80, v4, vm0, $0xb8;
	[tilespmem:$0x18800] =	vst v63  }
0x9c: {  	s17 =	simm.s32 $0x5000;
	v3 =	vperm.xlane v3, v2  }
0x9d: {  	[tilespmem:s17], [sflag:$0x1] =	stream.indirect_vreg.gather [hbm4b:s28+s2], $0x80, v4, vm0, $0xb8;
	[tilespmem:$0x18800] =	vst v63  }
0x9e: {  	v3 =	vadd.s32 v1, v3  }
0x9f: {  	[tilespmem:s21], [sflag:$0x1] =	stream.indirect_vreg.gather [hbm4b:s30+s2], $0x80, v4, vm0, $0xb8;
	[tilespmem:$0x18800] =	vst v63  }
0xa0: {  	_ = 	snop  }
0xa1: {  	[tilespmem:s22], [sflag:$0x1] =	stream.indirect_vreg.gather [hbm4b:s31+s2], $0x80, v4, vm0, $0xb8;
	[tilespmem:$0x18800] =	vst v63  }
0xa2: {  	_ = 	snop  }
0xa3: {  	[tilespmem:s23], [sflag:$0x1] =	stream.indirect_vreg.gather [hbm4b:s26+s2], $0x80, v3, vm0, $0xb8;
	[tilespmem:$0x18800] =	vst v63  }
0xa4: {  	_ = 	snop  }
0xa5: {  	[tilespmem:s24], [sflag:$0x1] =	stream.indirect_vreg.gather [hbm4b:s28+s2], $0x80, v3, vm0, $0xb8;
	[tilespmem:$0x18800] =	vst v63  }
0xa6: {  	_ = 	snop  }
0xa7: {  	[tilespmem:s25], [sflag:$0x1] =	stream.indirect_vreg.gather [hbm4b:s30+s2], $0x80, v3, vm0, $0xb8;
	[tilespmem:$0x18800] =	vst v63  }
0xa8: {  	_ = 	snop  }
0xa9: {  	[tilespmem:s29], [sflag:$0x1] =	stream.indirect_vreg.gather [hbm4b:s31+s2], $0x80, v3, vm0, $0xb8;
	[tilespmem:$0x18800] =	vst v63  }
0xaa: {  	v3 =	vld [tilespmem:$0x480];
	_ =	sdelay $0x4  }
0xab: {  	v4 =	vshll.u32 v3, $0x3  }
0xac: {  	v3 =	vand.u32 $0x7, v3;
	v4 =	vand.u32 $0xFFFFFFC0, v4  }
0xad: {  	v3 =	vor.u32 v3, v4  }
0xae: {  	v4 =	vperm.xlane v3, v0;
	_ =	sdelay $0x1  }
0xaf: {  	v4 =	vadd.s32 v1, v4;
	_ =	sdelay $0x4  }
0xb0: {  	[tilespmem:s0], [sflag:$0x1] =	stream.indirect_vreg.gather [hbm4b:s26+s2], $0x80, v4, vm0, $0xb8;
	[tilespmem:$0x18800] =	vst v63  }
0xb1: {  	v3 =	vperm.xlane v3, v2  }
0xb2: {  	[tilespmem:s3], [sflag:$0x1] =	stream.indirect_vreg.gather [hbm4b:s28+s2], $0x80, v4, vm0, $0xb8;
	[tilespmem:$0x18800] =	vst v63  }
0xb3: {  	v3 =	vadd.s32 v1, v3  }
0xb4: {  	[tilespmem:s4], [sflag:$0x1] =	stream.indirect_vreg.gather [hbm4b:s30+s2], $0x80, v4, vm0, $0xb8;
	[tilespmem:$0x18800] =	vst v63  }
0xb5: {  	_ = 	snop  }
0xb6: {  	[tilespmem:s5], [sflag:$0x1] =	stream.indirect_vreg.gather [hbm4b:s31+s2], $0x80, v4, vm0, $0xb8;
	[tilespmem:$0x18800] =	vst v63  }
0xb7: {  	_ = 	snop  }
0xb8: {  	[tilespmem:s6], [sflag:$0x1] =	stream.indirect_vreg.gather [hbm4b:s26+s2], $0x80, v3, vm0, $0xb8;
	[tilespmem:$0x18800] =	vst v63  }
0xb9: {  	_ = 	snop  }
0xba: {  	[tilespmem:s7], [sflag:$0x1] =	stream.indirect_vreg.gather [hbm4b:s28+s2], $0x80, v3, vm0, $0xb8;
	[tilespmem:$0x18800] =	vst v63  }
0xbb: {  	_ = 	snop  }
0xbc: {  	[tilespmem:s8], [sflag:$0x1] =	stream.indirect_vreg.gather [hbm4b:s30+s2], $0x80, v3, vm0, $0xb8;
	[tilespmem:$0x18800] =	vst v63  }
0xbd: {  	_ = 	snop  }
0xbe: {  	[tilespmem:s9], [sflag:$0x1] =	stream.indirect_vreg.gather [hbm4b:s31+s2], $0x80, v3, vm0, $0xb8;
	[tilespmem:$0x18800] =	vst v63  }
0xbf: {  	_ =	swait.ge [sflag:s10], $0x4000  }
0xc0: {  	s18 =	simm.s32 $0x0;
	[sflag:s10] =	ssyncset.done $0x0  }
0xc1: {  	s15 =	sand.u32 $0x2000, s18;
	[sflag:s10] =	ssyncadd.s32 $0xFFFFC000  }
0xc2: {  	s19 =	sand.u32 $0x1C00, s2;
	s17 =	simm.s32 $0x0;
	_ =	swait.ge [sflag:s10], $0x4000  }
0xc3: {  	s15 =	sor.u32 s19, s15;
	s20 =	sand.u32 $0x380, s17;
	[sflag:s10] =	ssyncset.done $0x0  }
0xc4: {  	s15 =	sor.u32 s20, s15;
	[sflag:s10] =	ssyncadd.s32 $0xFFFFC000  }
0xc5: {  	v3 =	vld [tilespmem:s15+$0x870]  }
0xc6: {  	v5 =	vld [tilespmem:s15+$0x8870]  }
0xc7: {  	v6 =	vld [tilespmem:s15+$0x800]  }
0xc8: {  	v8 =	vld [tilespmem:s15+$0x8800]  }
0xc9: {  	v9 =	vld [tilespmem:s15+$0x810]  }
0xca: {  	v10 =	vld [tilespmem:s15+$0x8810]  }
0xcb: {  	v4 =	vld [tilespmem:s15+$0x820]  }
0xcc: {  	v7 =	vld [tilespmem:s15+$0x8820];
	v5 =	vadd.f32 v5, v3  }
0xcd: {  	v8 =	vadd.f32 v8, v6;
	v3 =	vld [tilespmem:s15+$0x830]  }
0xce: {  	v6 =	vld [tilespmem:s15+$0x8830];
	[tilespmem:s15+$0x10870] =	vst v5  }
0xcf: {  	s16 =	simm.s32 $0x0;
	s17 =	simm.s32 $0x0;
	[tilespmem:s15+$0x10800] =	vst v8;
	v8 =	vadd.f32 v10, v9;
	v5 =	vld [tilespmem:s15+$0x840]  }
.LBB2_2:
0xd0: {  	s16 =	sadd.s32 $0x8, s16;
	v9 =	vld [tilespmem:s15+$0x8840]  }
0xd1: {  	s17 =	sadd.s32 $0x400, s17;
	s18 =	sshll.u32 s16, $0x4;
	p0 =	slt.u32 s16, $0x3F8;
	[tilespmem:s15+$0x10810] =	vst v8;
	v4 =	vadd.f32 v7, v4;
	v7 =	vld [tilespmem:s15+$0x850]  }
0xd2: {  	s19 =	sand.u32 $0x1C00, s17;
	s20 =	sshll.u32 s16, $0x1;
	s18 =	sand.u32 $0x2000, s18;
	v8 =	vld [tilespmem:s15+$0x8850]  }
0xd3: {  	s18 =	sor.u32 s19, s18;
	s19 =	sand.u32 $0x380, s20;
	[tilespmem:s15+$0x10820] =	vst v4;
	v3 =	vadd.f32 v6, v3;
	v4 =	vld [tilespmem:s15+$0x860]  }
0xd4: {  	s18 =	sor.u32 s19, s18;
	v6 =	vld [tilespmem:s15+$0x8860]  }
0xd5: {  	v10 =	vld [tilespmem:s18+$0x870];
	[tilespmem:s15+$0x10830] =	vst v3;
	v3 =	vadd.f32 v9, v5  }
0xd6: {  	v5 =	vld [tilespmem:s18+$0x8870]  }
0xd7: {  	v9 =	vld [tilespmem:s18+$0x800];
	[tilespmem:s15+$0x10840] =	vst v3;
	v3 =	vadd.f32 v8, v7  }
0xd8: {  	v8 =	vld [tilespmem:s18+$0x8800]  }
0xd9: {  	v11 =	vld [tilespmem:s18+$0x810];
	[tilespmem:s15+$0x10850] =	vst v3;
	v3 =	vadd.f32 v6, v4  }
0xda: {  	v12 =	vld [tilespmem:s18+$0x8810]  }
.Ltmp0:
0xdb: {  	v4 =	vld [tilespmem:s18+$0x820];
	v5 =	vadd.f32 v5, v10;
	[tilespmem:s15+$0x10860] =	vst v3;
	s15 =	smov.u32 s18;
	(pc) =	sbr.rel @p0 .LBB2_2-.Ltmp0, $4  }
0xdc: {  	v7 =	vld [tilespmem:s15+$0x8820]  }
0xdd: {  	v8 =	vadd.f32 v8, v9;
	v3 =	vld [tilespmem:s15+$0x830];
	[tilespmem:s15+$0x10870] =	vst v5  }
0xde: {  	v6 =	vld [tilespmem:s15+$0x8830]  }
0xdf: {  	[tilespmem:s15+$0x10800] =	vst v8;
	v8 =	vadd.f32 v12, v11;
	v5 =	vld [tilespmem:s15+$0x840]  }
0xe0: {  	v9 =	vld [tilespmem:s15+$0x8840]  }
0xe1: {  	v10 =	vld [tilespmem:s15+$0x850]  }
0xe2: {  	v11 =	vld [tilespmem:s15+$0x8850]  }
0xe3: {  	v12 =	vld [tilespmem:s15+$0x860]  }
0xe4: {  	v13 =	vld [tilespmem:s15+$0x8860]  }
0xe5: {  	v4 =	vadd.f32 v7, v4  }
0xe6: {  	[tilespmem:s15+$0x10810] =	vst v8;
	v3 =	vadd.f32 v6, v3  }
0xe7: {  	[tilespmem:s15+$0x10820] =	vst v4;
	v4 =	vadd.f32 v9, v5  }
0xe8: {  	[tilespmem:s15+$0x10830] =	vst v3;
	v3 =	vadd.f32 v11, v10  }
0xe9: {  	[tilespmem:s15+$0x10840] =	vst v4;
	v4 =	vadd.f32 v13, v12  }
0xea: {  	[tilespmem:s15+$0x10850] =	vst v3  }
0xeb: {  	[tilespmem:s15+$0x10860] =	vst v4  }
0xec: {  	s15 =	simm.s32 $0x0;
	s16 =	rddreg [dreg:$0x9]  }
0xed: {  	[hbm4b:s16+s15] =	stream.linear.scatter [tilespmem:s11], [sflag:$0x2], $0x4000, $0x38;
	[tilespmem:$0x18800] =	vst v63  }
0xee: {  	v3 =	vld [tilespmem:$0x100];
	_ =	sdelay $0x4  }
0xef: {  	v4 =	vshll.u32 v3, $0x3  }
0xf0: {  	v3 =	vand.u32 $0x7, v3;
	v4 =	vand.u32 $0xFFFFFFC0, v4  }
0xf1: {  	v3 =	vor.u32 v3, v4  }
0xf2: {  	v4 =	vperm.xlane v3, v0;
	_ =	sdelay $0x1  }
0xf3: {  	v4 =	vadd.s32 v1, v4;
	_ =	sdelay $0x3  }
0xf4: {  	s19 =	simm.s32 $0x800  }
0xf5: {  	[tilespmem:s19], [sflag:$0x1] =	stream.indirect_vreg.gather [hbm4b:s26+s15], $0x80, v4, vm0, $0xb8;
	[tilespmem:$0x18800] =	vst v63  }
0xf6: {  	s20 =	simm.s32 $0x1000;
	v3 =	vperm.xlane v3, v2  }
0xf7: {  	[tilespmem:s20], [sflag:$0x1] =	stream.indirect_vreg.gather [hbm4b:s28+s15], $0x80, v4, vm0, $0xb8;
	[tilespmem:$0x18800] =	vst v63  }
0xf8: {  	s17 =	simm.s32 $0x1800;
	v3 =	vadd.s32 v1, v3  }
0xf9: {  	[tilespmem:s17], [sflag:$0x1] =	stream.indirect_vreg.gather [hbm4b:s30+s15], $0x80, v4, vm0, $0xb8;
	[tilespmem:$0x18800] =	vst v63  }
0xfa: {  	s18 =	simm.s32 $0x2000  }
0xfb: {  	[tilespmem:s18], [sflag:$0x1] =	stream.indirect_vreg.gather [hbm4b:s31+s15], $0x80, v4, vm0, $0xb8;
	[tilespmem:$0x18800] =	vst v63  }
0xfc: {  	s19 =	simm.s32 $0x2800  }
0xfd: {  	[tilespmem:s19], [sflag:$0x1] =	stream.indirect_vreg.gather [hbm4b:s26+s15], $0x80, v3, vm0, $0xb8;
	[tilespmem:$0x18800] =	vst v63  }
0xfe: {  	s20 =	simm.s32 $0x3000  }
0xff: {  	[tilespmem:s20], [sflag:$0x1] =	stream.indirect_vreg.gather [hbm4b:s28+s15], $0x80, v3, vm0, $0xb8;
	[tilespmem:$0x18800] =	vst v63  }
0x100: {  	s17 =	simm.s32 $0x3800  }
0x101: {  	[tilespmem:s17], [sflag:$0x1] =	stream.indirect_vreg.gather [hbm4b:s30+s15], $0x80, v3, vm0, $0xb8;
	[tilespmem:$0x18800] =	vst v63  }
0x102: {  	s18 =	simm.s32 $0x4000  }
0x103: {  	[tilespmem:s18], [sflag:$0x1] =	stream.indirect_vreg.gather [hbm4b:s31+s15], $0x80, v3, vm0, $0xb8;
	[tilespmem:$0x18800] =	vst v63  }
0x104: {  	v3 =	vld [tilespmem:$0x500];
	_ =	sdelay $0x4  }
0x105: {  	v4 =	vshll.u32 v3, $0x3  }
0x106: {  	v3 =	vand.u32 $0x7, v3;
	v4 =	vand.u32 $0xFFFFFFC0, v4  }
0x107: {  	v3 =	vor.u32 v3, v4  }
0x108: {  	v4 =	vperm.xlane v3, v0;
	_ =	sdelay $0x1  }
0x109: {  	v4 =	vadd.s32 v1, v4;
	_ =	sdelay $0x3  }
0x10a: {  	s19 =	simm.s32 $0x8800  }
0x10b: {  	[tilespmem:s19], [sflag:$0x1] =	stream.indirect_vreg.gather [hbm4b:s26+s15], $0x80, v4, vm0, $0xb8;
	[tilespmem:$0x18800] =	vst v63  }
0x10c: {  	s20 =	simm.s32 $0x9000;
	v3 =	vperm.xlane v3, v2  }
0x10d: {  	[tilespmem:s20], [sflag:$0x1] =	stream.indirect_vreg.gather [hbm4b:s28+s15], $0x80, v4, vm0, $0xb8;
	[tilespmem:$0x18800] =	vst v63  }
0x10e: {  	s17 =	simm.s32 $0x9800;
	v3 =	vadd.s32 v1, v3  }
0x10f: {  	[tilespmem:s17], [sflag:$0x1] =	stream.indirect_vreg.gather [hbm4b:s30+s15], $0x80, v4, vm0, $0xb8;
	[tilespmem:$0x18800] =	vst v63  }
0x110: {  	s18 =	simm.s32 $0xA000  }
0x111: {  	[tilespmem:s18], [sflag:$0x1] =	stream.indirect_vreg.gather [hbm4b:s31+s15], $0x80, v4, vm0, $0xb8;
	[tilespmem:$0x18800] =	vst v63  }
0x112: {  	s19 =	simm.s32 $0xA800  }
0x113: {  	[tilespmem:s19], [sflag:$0x1] =	stream.indirect_vreg.gather [hbm4b:s26+s15], $0x80, v3, vm0, $0xb8;
	[tilespmem:$0x18800] =	vst v63  }
0x114: {  	s20 =	simm.s32 $0xB000  }
0x115: {  	[tilespmem:s20], [sflag:$0x1] =	stream.indirect_vreg.gather [hbm4b:s28+s15], $0x80, v3, vm0, $0xb8;
	[tilespmem:$0x18800] =	vst v63  }
0x116: {  	s17 =	simm.s32 $0xB800  }
0x117: {  	[tilespmem:s17], [sflag:$0x1] =	stream.indirect_vreg.gather [hbm4b:s30+s15], $0x80, v3, vm0, $0xb8;
	[tilespmem:$0x18800] =	vst v63  }
0x118: {  	s18 =	simm.s32 $0xC000  }
0x119: {  	[tilespmem:s18], [sflag:$0x1] =	stream.indirect_vreg.gather [hbm4b:s31+s15], $0x80, v3, vm0, $0xb8;
	[tilespmem:$0x18800] =	vst v63  }
0x11a: {  	_ =	swait.ge [sflag:s10], $0x4000  }
0x11b: {  	s19 =	simm.s32 $0x0;
	[sflag:s10] =	ssyncset.done $0x0  }
0x11c: {  	s16 =	sand.u32 $0x2000, s19;
	[sflag:s10] =	ssyncadd.s32 $0xFFFFC000  }
0x11d: {  	s17 =	sand.u32 $0x1C00, s15;
	s18 =	simm.s32 $0x0;
	_ =	swait.ge [sflag:s10], $0x4000  }
0x11e: {  	s16 =	sor.u32 s17, s16;
	s20 =	sand.u32 $0x380, s18;
	[sflag:s10] =	ssyncset.done $0x0  }
0x11f: {  	s16 =	sor.u32 s20, s16;
	[sflag:s10] =	ssyncadd.s32 $0xFFFFC000  }
0x120: {  	v3 =	vld [tilespmem:s16+$0x4870]  }
0x121: {  	v5 =	vld [tilespmem:s16+$0xC870]  }
0x122: {  	v6 =	vld [tilespmem:s16+$0x4800]  }
0x123: {  	v8 =	vld [tilespmem:s16+$0xC800]  }
0x124: {  	v9 =	vld [tilespmem:s16+$0x4810]  }
0x125: {  	v10 =	vld [tilespmem:s16+$0xC810]  }
0x126: {  	v4 =	vld [tilespmem:s16+$0x4820]  }
0x127: {  	v7 =	vld [tilespmem:s16+$0xC820];
	v5 =	vadd.f32 v5, v3  }
0x128: {  	v8 =	vadd.f32 v8, v6;
	v3 =	vld [tilespmem:s16+$0x4830]  }
0x129: {  	v6 =	vld [tilespmem:s16+$0xC830];
	[tilespmem:s16+$0x14870] =	vst v5  }
0x12a: {  	s17 =	simm.s32 $0x0;
	[tilespmem:s16+$0x14800] =	vst v8;
	v8 =	vadd.f32 v10, v9;
	v5 =	vld [tilespmem:s16+$0x4840]  }
.LBB2_4:
0x12b: {  	s17 =	sadd.s32 $0x8, s17;
	v9 =	vld [tilespmem:s16+$0xC840]  }
0x12c: {  	s15 =	sadd.s32 $0x400, s15;
	s18 =	sshll.u32 s17, $0x4;
	p0 =	slt.u32 s17, $0x3F8;
	[tilespmem:s16+$0x14810] =	vst v8;
	v4 =	vadd.f32 v7, v4;
	v7 =	vld [tilespmem:s16+$0x4850]  }
0x12d: {  	s19 =	sand.u32 $0x1C00, s15;
	s20 =	sshll.u32 s17, $0x1;
	s18 =	sand.u32 $0x2000, s18;
	v8 =	vld [tilespmem:s16+$0xC850]  }
0x12e: {  	s18 =	sor.u32 s19, s18;
	s19 =	sand.u32 $0x380, s20;
	[tilespmem:s16+$0x14820] =	vst v4;
	v3 =	vadd.f32 v6, v3;
	v4 =	vld [tilespmem:s16+$0x4860]  }
0x12f: {  	s18 =	sor.u32 s19, s18;
	v6 =	vld [tilespmem:s16+$0xC860]  }
0x130: {  	v10 =	vld [tilespmem:s18+$0x4870];
	[tilespmem:s16+$0x14830] =	vst v3;
	v3 =	vadd.f32 v9, v5  }
0x131: {  	v5 =	vld [tilespmem:s18+$0xC870]  }
0x132: {  	v9 =	vld [tilespmem:s18+$0x4800];
	[tilespmem:s16+$0x14840] =	vst v3;
	v3 =	vadd.f32 v8, v7  }
0x133: {  	v8 =	vld [tilespmem:s18+$0xC800]  }
0x134: {  	v11 =	vld [tilespmem:s18+$0x4810];
	[tilespmem:s16+$0x14850] =	vst v3;
	v3 =	vadd.f32 v6, v4  }
0x135: {  	v12 =	vld [tilespmem:s18+$0xC810]  }
.Ltmp1:
0x136: {  	v4 =	vld [tilespmem:s18+$0x4820];
	v5 =	vadd.f32 v5, v10;
	[tilespmem:s16+$0x14860] =	vst v3;
	s16 =	smov.u32 s18;
	(pc) =	sbr.rel @p0 .LBB2_4-.Ltmp1, $4  }
0x137: {  	v7 =	vld [tilespmem:s16+$0xC820]  }
0x138: {  	v8 =	vadd.f32 v8, v9;
	v3 =	vld [tilespmem:s16+$0x4830];
	[tilespmem:s16+$0x14870] =	vst v5  }
0x139: {  	v6 =	vld [tilespmem:s16+$0xC830]  }
0x13a: {  	[tilespmem:s16+$0x14800] =	vst v8;
	v8 =	vadd.f32 v12, v11;
	v5 =	vld [tilespmem:s16+$0x4840]  }
0x13b: {  	v9 =	vld [tilespmem:s16+$0xC840]  }
0x13c: {  	v10 =	vld [tilespmem:s16+$0x4850]  }
0x13d: {  	v11 =	vld [tilespmem:s16+$0xC850]  }
0x13e: {  	v12 =	vld [tilespmem:s16+$0x4860]  }
0x13f: {  	v13 =	vld [tilespmem:s16+$0xC860]  }
0x140: {  	v4 =	vadd.f32 v7, v4  }
0x141: {  	[tilespmem:s16+$0x14810] =	vst v8;
	v3 =	vadd.f32 v6, v3  }
0x142: {  	[tilespmem:s16+$0x14820] =	vst v4;
	v4 =	vadd.f32 v9, v5  }
0x143: {  	[tilespmem:s16+$0x14830] =	vst v3;
	v3 =	vadd.f32 v11, v10  }
0x144: {  	[tilespmem:s16+$0x14840] =	vst v4;
	v4 =	vadd.f32 v13, v12  }
0x145: {  	[tilespmem:s16+$0x14850] =	vst v3  }
0x146: {  	[tilespmem:s16+$0x14860] =	vst v4  }
0x147: {  	s15 =	simm.s32 $0x0;
	s16 =	rddreg [dreg:$0xa]  }
0x148: {  	[hbm4b:s16+s15] =	stream.linear.scatter [tilespmem:s12], [sflag:$0x2], $0x4000, $0x38;
	[tilespmem:$0x18800] =	vst v63  }
0x149: {  	v3 =	vld [tilespmem:$0x180];
	_ =	sdelay $0x4  }
0x14a: {  	v4 =	vshll.u32 v3, $0x3  }
0x14b: {  	v3 =	vand.u32 $0x7, v3;
	v4 =	vand.u32 $0xFFFFFFC0, v4  }
0x14c: {  	v3 =	vor.u32 v3, v4  }
0x14d: {  	v4 =	vperm.xlane v3, v0;
	_ =	sdelay $0x1  }
0x14e: {  	v4 =	vadd.s32 v1, v4;
	_ =	sdelay $0x3  }
0x14f: {  	s17 =	simm.s32 $0x4800  }
0x150: {  	[tilespmem:s17], [sflag:$0x1] =	stream.indirect_vreg.gather [hbm4b:s26+s15], $0x80, v4, vm0, $0xb8;
	[tilespmem:$0x18800] =	vst v63  }
0x151: {  	s18 =	simm.s32 $0x5000;
	v3 =	vperm.xlane v3, v2  }
0x152: {  	[tilespmem:s18], [sflag:$0x1] =	stream.indirect_vreg.gather [hbm4b:s28+s15], $0x80, v4, vm0, $0xb8;
	[tilespmem:$0x18800] =	vst v63  }
0x153: {  	v3 =	vadd.s32 v1, v3  }
0x154: {  	[tilespmem:s21], [sflag:$0x1] =	stream.indirect_vreg.gather [hbm4b:s30+s15], $0x80, v4, vm0, $0xb8;
	[tilespmem:$0x18800] =	vst v63  }
0x155: {  	_ = 	snop  }
0x156: {  	[tilespmem:s22], [sflag:$0x1] =	stream.indirect_vreg.gather [hbm4b:s31+s15], $0x80, v4, vm0, $0xb8;
	[tilespmem:$0x18800] =	vst v63  }
0x157: {  	_ = 	snop  }
0x158: {  	[tilespmem:s23], [sflag:$0x1] =	stream.indirect_vreg.gather [hbm4b:s26+s15], $0x80, v3, vm0, $0xb8;
	[tilespmem:$0x18800] =	vst v63  }
0x159: {  	_ = 	snop  }
0x15a: {  	[tilespmem:s24], [sflag:$0x1] =	stream.indirect_vreg.gather [hbm4b:s28+s15], $0x80, v3, vm0, $0xb8;
	[tilespmem:$0x18800] =	vst v63  }
0x15b: {  	_ = 	snop  }
0x15c: {  	[tilespmem:s25], [sflag:$0x1] =	stream.indirect_vreg.gather [hbm4b:s30+s15], $0x80, v3, vm0, $0xb8;
	[tilespmem:$0x18800] =	vst v63  }
0x15d: {  	_ = 	snop  }
0x15e: {  	[tilespmem:s29], [sflag:$0x1] =	stream.indirect_vreg.gather [hbm4b:s31+s15], $0x80, v3, vm0, $0xb8;
	[tilespmem:$0x18800] =	vst v63  }
0x15f: {  	v3 =	vld [tilespmem:$0x580];
	_ =	sdelay $0x4  }
0x160: {  	v4 =	vshll.u32 v3, $0x3  }
0x161: {  	v3 =	vand.u32 $0x7, v3;
	v4 =	vand.u32 $0xFFFFFFC0, v4  }
0x162: {  	v3 =	vor.u32 v3, v4  }
0x163: {  	v4 =	vperm.xlane v3, v0;
	_ =	sdelay $0x1  }
0x164: {  	v4 =	vadd.s32 v1, v4;
	_ =	sdelay $0x4  }
0x165: {  	[tilespmem:s0], [sflag:$0x1] =	stream.indirect_vreg.gather [hbm4b:s26+s15], $0x80, v4, vm0, $0xb8;
	[tilespmem:$0x18800] =	vst v63  }
0x166: {  	v3 =	vperm.xlane v3, v2  }
0x167: {  	[tilespmem:s3], [sflag:$0x1] =	stream.indirect_vreg.gather [hbm4b:s28+s15], $0x80, v4, vm0, $0xb8;
	[tilespmem:$0x18800] =	vst v63  }
0x168: {  	v3 =	vadd.s32 v1, v3  }
0x169: {  	[tilespmem:s4], [sflag:$0x1] =	stream.indirect_vreg.gather [hbm4b:s30+s15], $0x80, v4, vm0, $0xb8;
	[tilespmem:$0x18800] =	vst v63  }
0x16a: {  	_ = 	snop  }
0x16b: {  	[tilespmem:s5], [sflag:$0x1] =	stream.indirect_vreg.gather [hbm4b:s31+s15], $0x80, v4, vm0, $0xb8;
	[tilespmem:$0x18800] =	vst v63  }
0x16c: {  	_ = 	snop  }
0x16d: {  	[tilespmem:s6], [sflag:$0x1] =	stream.indirect_vreg.gather [hbm4b:s26+s15], $0x80, v3, vm0, $0xb8;
	[tilespmem:$0x18800] =	vst v63  }
0x16e: {  	_ = 	snop  }
0x16f: {  	[tilespmem:s7], [sflag:$0x1] =	stream.indirect_vreg.gather [hbm4b:s28+s15], $0x80, v3, vm0, $0xb8;
	[tilespmem:$0x18800] =	vst v63  }
0x170: {  	_ = 	snop  }
0x171: {  	[tilespmem:s8], [sflag:$0x1] =	stream.indirect_vreg.gather [hbm4b:s30+s15], $0x80, v3, vm0, $0xb8;
	[tilespmem:$0x18800] =	vst v63  }
0x172: {  	_ = 	snop  }
0x173: {  	[tilespmem:s9], [sflag:$0x1] =	stream.indirect_vreg.gather [hbm4b:s31+s15], $0x80, v3, vm0, $0xb8;
	[tilespmem:$0x18800] =	vst v63  }
0x174: {  	_ =	swait.ge [sflag:s10], $0x4000  }
0x175: {  	[sflag:s10] =	ssyncset.done $0x0  }
0x176: {  	[sflag:s10] =	ssyncadd.s32 $0xFFFFC000  }
0x177: {  	_ =	swait.ge [sflag:s10], $0x4000  }
0x178: {  	s19 =	simm.s32 $0x0;
	[sflag:s10] =	ssyncset.done $0x0  }
0x179: {  	s16 =	sand.u32 $0x2000, s19;
	[sflag:s10] =	ssyncadd.s32 $0xFFFFC000  }
0x17a: {  	s17 =	sand.u32 $0x1C00, s15;
	s18 =	simm.s32 $0x0;
	_ =	swait.ge [sflag:s13], $0x4000  }
0x17b: {  	s16 =	sor.u32 s17, s16;
	s20 =	sand.u32 $0x380, s18;
	[sflag:s13] =	ssyncset.done $0x0  }
0x17c: {  	s16 =	sor.u32 s20, s16;
	[sflag:s13] =	ssyncadd.s32 $0xFFFFC000  }
0x17d: {  	v3 =	vld [tilespmem:s16+$0x870]  }
0x17e: {  	v5 =	vld [tilespmem:s16+$0x8870]  }
0x17f: {  	v6 =	vld [tilespmem:s16+$0x800]  }
0x180: {  	v8 =	vld [tilespmem:s16+$0x8800]  }
0x181: {  	v9 =	vld [tilespmem:s16+$0x810]  }
0x182: {  	v10 =	vld [tilespmem:s16+$0x8810]  }
0x183: {  	v4 =	vld [tilespmem:s16+$0x820]  }
0x184: {  	v7 =	vld [tilespmem:s16+$0x8820];
	v5 =	vadd.f32 v5, v3  }
0x185: {  	v8 =	vadd.f32 v8, v6;
	v3 =	vld [tilespmem:s16+$0x830]  }
0x186: {  	v6 =	vld [tilespmem:s16+$0x8830];
	[tilespmem:s16+$0x10870] =	vst v5  }
0x187: {  	s17 =	simm.s32 $0x0;
	[tilespmem:s16+$0x10800] =	vst v8;
	v8 =	vadd.f32 v10, v9;
	v5 =	vld [tilespmem:s16+$0x840]  }
.LBB2_6:
0x188: {  	s17 =	sadd.s32 $0x8, s17;
	v9 =	vld [tilespmem:s16+$0x8840]  }
0x189: {  	s15 =	sadd.s32 $0x400, s15;
	s18 =	sshll.u32 s17, $0x4;
	p0 =	slt.u32 s17, $0x3F8;
	[tilespmem:s16+$0x10810] =	vst v8;
	v4 =	vadd.f32 v7, v4;
	v7 =	vld [tilespmem:s16+$0x850]  }
0x18a: {  	s19 =	sand.u32 $0x1C00, s15;
	s20 =	sshll.u32 s17, $0x1;
	s18 =	sand.u32 $0x2000, s18;
	v8 =	vld [tilespmem:s16+$0x8850]  }
0x18b: {  	s18 =	sor.u32 s19, s18;
	s19 =	sand.u32 $0x380, s20;
	[tilespmem:s16+$0x10820] =	vst v4;
	v3 =	vadd.f32 v6, v3;
	v4 =	vld [tilespmem:s16+$0x860]  }
0x18c: {  	s18 =	sor.u32 s19, s18;
	v6 =	vld [tilespmem:s16+$0x8860]  }
0x18d: {  	v10 =	vld [tilespmem:s18+$0x870];
	[tilespmem:s16+$0x10830] =	vst v3;
	v3 =	vadd.f32 v9, v5  }
0x18e: {  	v5 =	vld [tilespmem:s18+$0x8870]  }
0x18f: {  	v9 =	vld [tilespmem:s18+$0x800];
	[tilespmem:s16+$0x10840] =	vst v3;
	v3 =	vadd.f32 v8, v7  }
0x190: {  	v8 =	vld [tilespmem:s18+$0x8800]  }
0x191: {  	v11 =	vld [tilespmem:s18+$0x810];
	[tilespmem:s16+$0x10850] =	vst v3;
	v3 =	vadd.f32 v6, v4  }
0x192: {  	v12 =	vld [tilespmem:s18+$0x8810]  }
.Ltmp2:
0x193: {  	v4 =	vld [tilespmem:s18+$0x820];
	v5 =	vadd.f32 v5, v10;
	[tilespmem:s16+$0x10860] =	vst v3;
	s16 =	smov.u32 s18;
	(pc) =	sbr.rel @p0 .LBB2_6-.Ltmp2, $4  }
0x194: {  	v7 =	vld [tilespmem:s16+$0x8820]  }
0x195: {  	v8 =	vadd.f32 v8, v9;
	v3 =	vld [tilespmem:s16+$0x830];
	[tilespmem:s16+$0x10870] =	vst v5  }
0x196: {  	v6 =	vld [tilespmem:s16+$0x8830]  }
0x197: {  	[tilespmem:s16+$0x10800] =	vst v8;
	v8 =	vadd.f32 v12, v11;
	v5 =	vld [tilespmem:s16+$0x840]  }
0x198: {  	v9 =	vld [tilespmem:s16+$0x8840]  }
0x199: {  	v10 =	vld [tilespmem:s16+$0x850]  }
0x19a: {  	v11 =	vld [tilespmem:s16+$0x8850]  }
0x19b: {  	v12 =	vld [tilespmem:s16+$0x860]  }
0x19c: {  	v13 =	vld [tilespmem:s16+$0x8860]  }
0x19d: {  	v4 =	vadd.f32 v7, v4  }
0x19e: {  	[tilespmem:s16+$0x10810] =	vst v8;
	v3 =	vadd.f32 v6, v3  }
0x19f: {  	[tilespmem:s16+$0x10820] =	vst v4;
	v4 =	vadd.f32 v9, v5  }
0x1a0: {  	[tilespmem:s16+$0x10830] =	vst v3;
	v3 =	vadd.f32 v11, v10  }
0x1a1: {  	[tilespmem:s16+$0x10840] =	vst v4;
	v4 =	vadd.f32 v13, v12  }
0x1a2: {  	[tilespmem:s16+$0x10850] =	vst v3  }
0x1a3: {  	[tilespmem:s16+$0x10860] =	vst v4  }
0x1a4: {  	s15 =	simm.s32 $0x0;
	s16 =	rddreg [dreg:$0xb]  }
0x1a5: {  	[hbm4b:s16+s15] =	stream.linear.scatter [tilespmem:s11], [sflag:$0x2], $0x4000, $0x38;
	[tilespmem:$0x18800] =	vst v63  }
0x1a6: {  	v3 =	vld [tilespmem:$0x200];
	_ =	sdelay $0x4  }
0x1a7: {  	v4 =	vshll.u32 v3, $0x3  }
0x1a8: {  	v3 =	vand.u32 $0x7, v3;
	v4 =	vand.u32 $0xFFFFFFC0, v4  }
0x1a9: {  	v3 =	vor.u32 v3, v4  }
0x1aa: {  	v4 =	vperm.xlane v3, v0;
	_ =	sdelay $0x1  }
0x1ab: {  	v4 =	vadd.s32 v1, v4;
	_ =	sdelay $0x3  }
0x1ac: {  	s19 =	simm.s32 $0x800  }
0x1ad: {  	[tilespmem:s19], [sflag:$0x1] =	stream.indirect_vreg.gather [hbm4b:s26+s15], $0x80, v4, vm0, $0xb8;
	[tilespmem:$0x18800] =	vst v63  }
0x1ae: {  	s20 =	simm.s32 $0x1000;
	v3 =	vperm.xlane v3, v2  }
0x1af: {  	[tilespmem:s20], [sflag:$0x1] =	stream.indirect_vreg.gather [hbm4b:s28+s15], $0x80, v4, vm0, $0xb8;
	[tilespmem:$0x18800] =	vst v63  }
0x1b0: {  	s17 =	simm.s32 $0x1800;
	v3 =	vadd.s32 v1, v3  }
0x1b1: {  	[tilespmem:s17], [sflag:$0x1] =	stream.indirect_vreg.gather [hbm4b:s30+s15], $0x80, v4, vm0, $0xb8;
	[tilespmem:$0x18800] =	vst v63  }
0x1b2: {  	s18 =	simm.s32 $0x2000  }
0x1b3: {  	[tilespmem:s18], [sflag:$0x1] =	stream.indirect_vreg.gather [hbm4b:s31+s15], $0x80, v4, vm0, $0xb8;
	[tilespmem:$0x18800] =	vst v63  }
0x1b4: {  	s19 =	simm.s32 $0x2800  }
0x1b5: {  	[tilespmem:s19], [sflag:$0x1] =	stream.indirect_vreg.gather [hbm4b:s26+s15], $0x80, v3, vm0, $0xb8;
	[tilespmem:$0x18800] =	vst v63  }
0x1b6: {  	s20 =	simm.s32 $0x3000  }
0x1b7: {  	[tilespmem:s20], [sflag:$0x1] =	stream.indirect_vreg.gather [hbm4b:s28+s15], $0x80, v3, vm0, $0xb8;
	[tilespmem:$0x18800] =	vst v63  }
0x1b8: {  	s17 =	simm.s32 $0x3800  }
0x1b9: {  	[tilespmem:s17], [sflag:$0x1] =	stream.indirect_vreg.gather [hbm4b:s30+s15], $0x80, v3, vm0, $0xb8;
	[tilespmem:$0x18800] =	vst v63  }
0x1ba: {  	s18 =	simm.s32 $0x4000  }
0x1bb: {  	[tilespmem:s18], [sflag:$0x1] =	stream.indirect_vreg.gather [hbm4b:s31+s15], $0x80, v3, vm0, $0xb8;
	[tilespmem:$0x18800] =	vst v63  }
0x1bc: {  	v3 =	vld [tilespmem:$0x600];
	_ =	sdelay $0x4  }
0x1bd: {  	v4 =	vshll.u32 v3, $0x3  }
0x1be: {  	v3 =	vand.u32 $0x7, v3;
	v4 =	vand.u32 $0xFFFFFFC0, v4  }
0x1bf: {  	v3 =	vor.u32 v3, v4  }
0x1c0: {  	v4 =	vperm.xlane v3, v0;
	_ =	sdelay $0x1  }
0x1c1: {  	v4 =	vadd.s32 v1, v4;
	_ =	sdelay $0x3  }
0x1c2: {  	s19 =	simm.s32 $0x8800  }
0x1c3: {  	[tilespmem:s19], [sflag:$0x1] =	stream.indirect_vreg.gather [hbm4b:s26+s15], $0x80, v4, vm0, $0xb8;
	[tilespmem:$0x18800] =	vst v63  }
0x1c4: {  	s20 =	simm.s32 $0x9000;
	v3 =	vperm.xlane v3, v2  }
0x1c5: {  	[tilespmem:s20], [sflag:$0x1] =	stream.indirect_vreg.gather [hbm4b:s28+s15], $0x80, v4, vm0, $0xb8;
	[tilespmem:$0x18800] =	vst v63  }
0x1c6: {  	s17 =	simm.s32 $0x9800;
	v3 =	vadd.s32 v1, v3  }
0x1c7: {  	[tilespmem:s17], [sflag:$0x1] =	stream.indirect_vreg.gather [hbm4b:s30+s15], $0x80, v4, vm0, $0xb8;
	[tilespmem:$0x18800] =	vst v63  }
0x1c8: {  	s18 =	simm.s32 $0xA000  }
0x1c9: {  	[tilespmem:s18], [sflag:$0x1] =	stream.indirect_vreg.gather [hbm4b:s31+s15], $0x80, v4, vm0, $0xb8;
	[tilespmem:$0x18800] =	vst v63  }
0x1ca: {  	s19 =	simm.s32 $0xA800  }
0x1cb: {  	[tilespmem:s19], [sflag:$0x1] =	stream.indirect_vreg.gather [hbm4b:s26+s15], $0x80, v3, vm0, $0xb8;
	[tilespmem:$0x18800] =	vst v63  }
0x1cc: {  	s20 =	simm.s32 $0xB000  }
0x1cd: {  	[tilespmem:s20], [sflag:$0x1] =	stream.indirect_vreg.gather [hbm4b:s28+s15], $0x80, v3, vm0, $0xb8;
	[tilespmem:$0x18800] =	vst v63  }
0x1ce: {  	s17 =	simm.s32 $0xB800  }
0x1cf: {  	[tilespmem:s17], [sflag:$0x1] =	stream.indirect_vreg.gather [hbm4b:s30+s15], $0x80, v3, vm0, $0xb8;
	[tilespmem:$0x18800] =	vst v63  }
0x1d0: {  	s18 =	simm.s32 $0xC000  }
0x1d1: {  	[tilespmem:s18], [sflag:$0x1] =	stream.indirect_vreg.gather [hbm4b:s31+s15], $0x80, v3, vm0, $0xb8;
	[tilespmem:$0x18800] =	vst v63  }
0x1d2: {  	_ =	swait.ge [sflag:s10], $0x4000  }
0x1d3: {  	[sflag:s10] =	ssyncset.done $0x0  }
0x1d4: {  	[sflag:s10] =	ssyncadd.s32 $0xFFFFC000  }
0x1d5: {  	_ =	swait.ge [sflag:s10], $0x4000  }
0x1d6: {  	s19 =	simm.s32 $0x0;
	[sflag:s10] =	ssyncset.done $0x0  }
0x1d7: {  	s16 =	sand.u32 $0x2000, s19;
	[sflag:s10] =	ssyncadd.s32 $0xFFFFC000  }
0x1d8: {  	s17 =	sand.u32 $0x1C00, s15;
	s18 =	simm.s32 $0x0;
	_ =	swait.ge [sflag:s13], $0x4000  }
0x1d9: {  	s16 =	sor.u32 s17, s16;
	s20 =	sand.u32 $0x380, s18;
	[sflag:s13] =	ssyncset.done $0x0  }
0x1da: {  	s16 =	sor.u32 s20, s16;
	[sflag:s13] =	ssyncadd.s32 $0xFFFFC000  }
0x1db: {  	v3 =	vld [tilespmem:s16+$0x4870]  }
0x1dc: {  	v5 =	vld [tilespmem:s16+$0xC870]  }
0x1dd: {  	v6 =	vld [tilespmem:s16+$0x4800]  }
0x1de: {  	v8 =	vld [tilespmem:s16+$0xC800]  }
0x1df: {  	v9 =	vld [tilespmem:s16+$0x4810]  }
0x1e0: {  	v10 =	vld [tilespmem:s16+$0xC810]  }
0x1e1: {  	v4 =	vld [tilespmem:s16+$0x4820]  }
0x1e2: {  	v7 =	vld [tilespmem:s16+$0xC820];
	v5 =	vadd.f32 v5, v3  }
0x1e3: {  	v8 =	vadd.f32 v8, v6;
	v3 =	vld [tilespmem:s16+$0x4830]  }
0x1e4: {  	v6 =	vld [tilespmem:s16+$0xC830];
	[tilespmem:s16+$0x14870] =	vst v5  }
0x1e5: {  	s17 =	simm.s32 $0x0;
	[tilespmem:s16+$0x14800] =	vst v8;
	v8 =	vadd.f32 v10, v9;
	v5 =	vld [tilespmem:s16+$0x4840]  }
.LBB2_8:
0x1e6: {  	s17 =	sadd.s32 $0x8, s17;
	v9 =	vld [tilespmem:s16+$0xC840]  }
0x1e7: {  	s15 =	sadd.s32 $0x400, s15;
	s18 =	sshll.u32 s17, $0x4;
	p0 =	slt.u32 s17, $0x3F8;
	[tilespmem:s16+$0x14810] =	vst v8;
	v4 =	vadd.f32 v7, v4;
	v7 =	vld [tilespmem:s16+$0x4850]  }
0x1e8: {  	s19 =	sand.u32 $0x1C00, s15;
	s20 =	sshll.u32 s17, $0x1;
	s18 =	sand.u32 $0x2000, s18;
	v8 =	vld [tilespmem:s16+$0xC850]  }
0x1e9: {  	s18 =	sor.u32 s19, s18;
	s19 =	sand.u32 $0x380, s20;
	[tilespmem:s16+$0x14820] =	vst v4;
	v3 =	vadd.f32 v6, v3;
	v4 =	vld [tilespmem:s16+$0x4860]  }
0x1ea: {  	s18 =	sor.u32 s19, s18;
	v6 =	vld [tilespmem:s16+$0xC860]  }
0x1eb: {  	v10 =	vld [tilespmem:s18+$0x4870];
	[tilespmem:s16+$0x14830] =	vst v3;
	v3 =	vadd.f32 v9, v5  }
0x1ec: {  	v5 =	vld [tilespmem:s18+$0xC870]  }
0x1ed: {  	v9 =	vld [tilespmem:s18+$0x4800];
	[tilespmem:s16+$0x14840] =	vst v3;
	v3 =	vadd.f32 v8, v7  }
0x1ee: {  	v8 =	vld [tilespmem:s18+$0xC800]  }
0x1ef: {  	v11 =	vld [tilespmem:s18+$0x4810];
	[tilespmem:s16+$0x14850] =	vst v3;
	v3 =	vadd.f32 v6, v4  }
0x1f0: {  	v12 =	vld [tilespmem:s18+$0xC810]  }
.Ltmp3:
0x1f1: {  	v4 =	vld [tilespmem:s18+$0x4820];
	v5 =	vadd.f32 v5, v10;
	[tilespmem:s16+$0x14860] =	vst v3;
	s16 =	smov.u32 s18;
	(pc) =	sbr.rel @p0 .LBB2_8-.Ltmp3, $4  }
0x1f2: {  	v7 =	vld [tilespmem:s16+$0xC820]  }
0x1f3: {  	v8 =	vadd.f32 v8, v9;
	v3 =	vld [tilespmem:s16+$0x4830];
	[tilespmem:s16+$0x14870] =	vst v5  }
0x1f4: {  	v6 =	vld [tilespmem:s16+$0xC830]  }
0x1f5: {  	[tilespmem:s16+$0x14800] =	vst v8;
	v8 =	vadd.f32 v12, v11;
	v5 =	vld [tilespmem:s16+$0x4840]  }
0x1f6: {  	v9 =	vld [tilespmem:s16+$0xC840]  }
0x1f7: {  	v10 =	vld [tilespmem:s16+$0x4850]  }
0x1f8: {  	v11 =	vld [tilespmem:s16+$0xC850]  }
0x1f9: {  	v12 =	vld [tilespmem:s16+$0x4860]  }
0x1fa: {  	v13 =	vld [tilespmem:s16+$0xC860]  }
0x1fb: {  	v4 =	vadd.f32 v7, v4  }
0x1fc: {  	[tilespmem:s16+$0x14810] =	vst v8;
	v3 =	vadd.f32 v6, v3  }
0x1fd: {  	[tilespmem:s16+$0x14820] =	vst v4;
	v4 =	vadd.f32 v9, v5  }
0x1fe: {  	[tilespmem:s16+$0x14830] =	vst v3;
	v3 =	vadd.f32 v11, v10  }
0x1ff: {  	[tilespmem:s16+$0x14840] =	vst v4;
	v4 =	vadd.f32 v13, v12  }
0x200: {  	[tilespmem:s16+$0x14850] =	vst v3  }
0x201: {  	[tilespmem:s16+$0x14860] =	vst v4  }
0x202: {  	s15 =	simm.s32 $0x0;
	s16 =	rddreg [dreg:$0xc]  }
0x203: {  	[hbm4b:s16+s15] =	stream.linear.scatter [tilespmem:s12], [sflag:$0x2], $0x4000, $0x38;
	[tilespmem:$0x18800] =	vst v63  }
0x204: {  	v3 =	vld [tilespmem:$0x280];
	_ =	sdelay $0x4  }
0x205: {  	v4 =	vshll.u32 v3, $0x3  }
0x206: {  	v3 =	vand.u32 $0x7, v3;
	v4 =	vand.u32 $0xFFFFFFC0, v4  }
0x207: {  	v3 =	vor.u32 v3, v4  }
0x208: {  	v4 =	vperm.xlane v3, v0;
	_ =	sdelay $0x1  }
0x209: {  	v4 =	vadd.s32 v1, v4;
	_ =	sdelay $0x3  }
0x20a: {  	s17 =	simm.s32 $0x4800  }
0x20b: {  	[tilespmem:s17], [sflag:$0x1] =	stream.indirect_vreg.gather [hbm4b:s26+s15], $0x80, v4, vm0, $0xb8;
	[tilespmem:$0x18800] =	vst v63  }
0x20c: {  	s18 =	simm.s32 $0x5000;
	v3 =	vperm.xlane v3, v2  }
0x20d: {  	[tilespmem:s18], [sflag:$0x1] =	stream.indirect_vreg.gather [hbm4b:s28+s15], $0x80, v4, vm0, $0xb8;
	[tilespmem:$0x18800] =	vst v63  }
0x20e: {  	v3 =	vadd.s32 v1, v3  }
0x20f: {  	[tilespmem:s21], [sflag:$0x1] =	stream.indirect_vreg.gather [hbm4b:s30+s15], $0x80, v4, vm0, $0xb8;
	[tilespmem:$0x18800] =	vst v63  }
0x210: {  	_ = 	snop  }
0x211: {  	[tilespmem:s22], [sflag:$0x1] =	stream.indirect_vreg.gather [hbm4b:s31+s15], $0x80, v4, vm0, $0xb8;
	[tilespmem:$0x18800] =	vst v63  }
0x212: {  	_ = 	snop  }
0x213: {  	[tilespmem:s23], [sflag:$0x1] =	stream.indirect_vreg.gather [hbm4b:s26+s15], $0x80, v3, vm0, $0xb8;
	[tilespmem:$0x18800] =	vst v63  }
0x214: {  	_ = 	snop  }
0x215: {  	[tilespmem:s24], [sflag:$0x1] =	stream.indirect_vreg.gather [hbm4b:s28+s15], $0x80, v3, vm0, $0xb8;
	[tilespmem:$0x18800] =	vst v63  }
0x216: {  	_ = 	snop  }
0x217: {  	[tilespmem:s25], [sflag:$0x1] =	stream.indirect_vreg.gather [hbm4b:s30+s15], $0x80, v3, vm0, $0xb8;
	[tilespmem:$0x18800] =	vst v63  }
0x218: {  	_ = 	snop  }
0x219: {  	[tilespmem:s29], [sflag:$0x1] =	stream.indirect_vreg.gather [hbm4b:s31+s15], $0x80, v3, vm0, $0xb8;
	[tilespmem:$0x18800] =	vst v63  }
0x21a: {  	v3 =	vld [tilespmem:$0x680];
	_ =	sdelay $0x4  }
0x21b: {  	v4 =	vshll.u32 v3, $0x3  }
0x21c: {  	v3 =	vand.u32 $0x7, v3;
	v4 =	vand.u32 $0xFFFFFFC0, v4  }
0x21d: {  	v3 =	vor.u32 v3, v4  }
0x21e: {  	v4 =	vperm.xlane v3, v0;
	_ =	sdelay $0x1  }
0x21f: {  	v4 =	vadd.s32 v1, v4;
	_ =	sdelay $0x4  }
0x220: {  	[tilespmem:s0], [sflag:$0x1] =	stream.indirect_vreg.gather [hbm4b:s26+s15], $0x80, v4, vm0, $0xb8;
	[tilespmem:$0x18800] =	vst v63  }
0x221: {  	v3 =	vperm.xlane v3, v2  }
0x222: {  	[tilespmem:s3], [sflag:$0x1] =	stream.indirect_vreg.gather [hbm4b:s28+s15], $0x80, v4, vm0, $0xb8;
	[tilespmem:$0x18800] =	vst v63  }
0x223: {  	v3 =	vadd.s32 v1, v3  }
0x224: {  	[tilespmem:s4], [sflag:$0x1] =	stream.indirect_vreg.gather [hbm4b:s30+s15], $0x80, v4, vm0, $0xb8;
	[tilespmem:$0x18800] =	vst v63  }
0x225: {  	_ = 	snop  }
0x226: {  	[tilespmem:s5], [sflag:$0x1] =	stream.indirect_vreg.gather [hbm4b:s31+s15], $0x80, v4, vm0, $0xb8;
	[tilespmem:$0x18800] =	vst v63  }
0x227: {  	_ = 	snop  }
0x228: {  	[tilespmem:s6], [sflag:$0x1] =	stream.indirect_vreg.gather [hbm4b:s26+s15], $0x80, v3, vm0, $0xb8;
	[tilespmem:$0x18800] =	vst v63  }
0x229: {  	_ = 	snop  }
0x22a: {  	[tilespmem:s7], [sflag:$0x1] =	stream.indirect_vreg.gather [hbm4b:s28+s15], $0x80, v3, vm0, $0xb8;
	[tilespmem:$0x18800] =	vst v63  }
0x22b: {  	_ = 	snop  }
0x22c: {  	[tilespmem:s8], [sflag:$0x1] =	stream.indirect_vreg.gather [hbm4b:s30+s15], $0x80, v3, vm0, $0xb8;
	[tilespmem:$0x18800] =	vst v63  }
0x22d: {  	_ = 	snop  }
0x22e: {  	[tilespmem:s9], [sflag:$0x1] =	stream.indirect_vreg.gather [hbm4b:s31+s15], $0x80, v3, vm0, $0xb8;
	[tilespmem:$0x18800] =	vst v63  }
0x22f: {  	_ =	swait.ge [sflag:s10], $0x4000  }
0x230: {  	[sflag:s10] =	ssyncset.done $0x0  }
0x231: {  	[sflag:s10] =	ssyncadd.s32 $0xFFFFC000  }
0x232: {  	_ =	swait.ge [sflag:s10], $0x4000  }
0x233: {  	s19 =	simm.s32 $0x0;
	[sflag:s10] =	ssyncset.done $0x0  }
0x234: {  	s16 =	sand.u32 $0x2000, s19;
	[sflag:s10] =	ssyncadd.s32 $0xFFFFC000  }
0x235: {  	s17 =	sand.u32 $0x1C00, s15;
	s18 =	simm.s32 $0x0;
	_ =	swait.ge [sflag:s13], $0x4000  }
0x236: {  	s16 =	sor.u32 s17, s16;
	s20 =	sand.u32 $0x380, s18;
	[sflag:s13] =	ssyncset.done $0x0  }
0x237: {  	s16 =	sor.u32 s20, s16;
	[sflag:s13] =	ssyncadd.s32 $0xFFFFC000  }
0x238: {  	v3 =	vld [tilespmem:s16+$0x870]  }
0x239: {  	v5 =	vld [tilespmem:s16+$0x8870]  }
0x23a: {  	v6 =	vld [tilespmem:s16+$0x800]  }
0x23b: {  	v8 =	vld [tilespmem:s16+$0x8800]  }
0x23c: {  	v9 =	vld [tilespmem:s16+$0x810]  }
0x23d: {  	v10 =	vld [tilespmem:s16+$0x8810]  }
0x23e: {  	v4 =	vld [tilespmem:s16+$0x820]  }
0x23f: {  	v7 =	vld [tilespmem:s16+$0x8820];
	v5 =	vadd.f32 v5, v3  }
0x240: {  	v8 =	vadd.f32 v8, v6;
	v3 =	vld [tilespmem:s16+$0x830]  }
0x241: {  	v6 =	vld [tilespmem:s16+$0x8830];
	[tilespmem:s16+$0x10870] =	vst v5  }
0x242: {  	s17 =	simm.s32 $0x0;
	[tilespmem:s16+$0x10800] =	vst v8;
	v8 =	vadd.f32 v10, v9;
	v5 =	vld [tilespmem:s16+$0x840]  }
.LBB2_10:
0x243: {  	s17 =	sadd.s32 $0x8, s17;
	v9 =	vld [tilespmem:s16+$0x8840]  }
0x244: {  	s15 =	sadd.s32 $0x400, s15;
	s18 =	sshll.u32 s17, $0x4;
	p0 =	slt.u32 s17, $0x3F8;
	[tilespmem:s16+$0x10810] =	vst v8;
	v4 =	vadd.f32 v7, v4;
	v7 =	vld [tilespmem:s16+$0x850]  }
0x245: {  	s19 =	sand.u32 $0x1C00, s15;
	s20 =	sshll.u32 s17, $0x1;
	s18 =	sand.u32 $0x2000, s18;
	v8 =	vld [tilespmem:s16+$0x8850]  }
0x246: {  	s18 =	sor.u32 s19, s18;
	s19 =	sand.u32 $0x380, s20;
	[tilespmem:s16+$0x10820] =	vst v4;
	v3 =	vadd.f32 v6, v3;
	v4 =	vld [tilespmem:s16+$0x860]  }
0x247: {  	s18 =	sor.u32 s19, s18;
	v6 =	vld [tilespmem:s16+$0x8860]  }
0x248: {  	v10 =	vld [tilespmem:s18+$0x870];
	[tilespmem:s16+$0x10830] =	vst v3;
	v3 =	vadd.f32 v9, v5  }
0x249: {  	v5 =	vld [tilespmem:s18+$0x8870]  }
0x24a: {  	v9 =	vld [tilespmem:s18+$0x800];
	[tilespmem:s16+$0x10840] =	vst v3;
	v3 =	vadd.f32 v8, v7  }
0x24b: {  	v8 =	vld [tilespmem:s18+$0x8800]  }
0x24c: {  	v11 =	vld [tilespmem:s18+$0x810];
	[tilespmem:s16+$0x10850] =	vst v3;
	v3 =	vadd.f32 v6, v4  }
0x24d: {  	v12 =	vld [tilespmem:s18+$0x8810]  }
.Ltmp4:
0x24e: {  	v4 =	vld [tilespmem:s18+$0x820];
	v5 =	vadd.f32 v5, v10;
	[tilespmem:s16+$0x10860] =	vst v3;
	s16 =	smov.u32 s18;
	(pc) =	sbr.rel @p0 .LBB2_10-.Ltmp4, $4  }
0x24f: {  	v7 =	vld [tilespmem:s16+$0x8820]  }
0x250: {  	v8 =	vadd.f32 v8, v9;
	v3 =	vld [tilespmem:s16+$0x830];
	[tilespmem:s16+$0x10870] =	vst v5  }
0x251: {  	v6 =	vld [tilespmem:s16+$0x8830]  }
0x252: {  	[tilespmem:s16+$0x10800] =	vst v8;
	v8 =	vadd.f32 v12, v11;
	v5 =	vld [tilespmem:s16+$0x840]  }
0x253: {  	v9 =	vld [tilespmem:s16+$0x8840]  }
0x254: {  	v10 =	vld [tilespmem:s16+$0x850]  }
0x255: {  	v11 =	vld [tilespmem:s16+$0x8850]  }
0x256: {  	v12 =	vld [tilespmem:s16+$0x860]  }
0x257: {  	v13 =	vld [tilespmem:s16+$0x8860]  }
0x258: {  	v4 =	vadd.f32 v7, v4  }
0x259: {  	[tilespmem:s16+$0x10810] =	vst v8;
	v3 =	vadd.f32 v6, v3  }
0x25a: {  	[tilespmem:s16+$0x10820] =	vst v4;
	v4 =	vadd.f32 v9, v5  }
0x25b: {  	[tilespmem:s16+$0x10830] =	vst v3;
	v3 =	vadd.f32 v11, v10  }
0x25c: {  	[tilespmem:s16+$0x10840] =	vst v4;
	v4 =	vadd.f32 v13, v12  }
0x25d: {  	[tilespmem:s16+$0x10850] =	vst v3  }
0x25e: {  	[tilespmem:s16+$0x10860] =	vst v4  }
0x25f: {  	s15 =	simm.s32 $0x0;
	s16 =	rddreg [dreg:$0xd]  }
0x260: {  	[hbm4b:s16+s15] =	stream.linear.scatter [tilespmem:s11], [sflag:$0x2], $0x4000, $0x38;
	[tilespmem:$0x18800] =	vst v63  }
0x261: {  	v3 =	vld [tilespmem:$0x300];
	_ =	sdelay $0x4  }
0x262: {  	v4 =	vshll.u32 v3, $0x3  }
0x263: {  	v3 =	vand.u32 $0x7, v3;
	v4 =	vand.u32 $0xFFFFFFC0, v4  }
0x264: {  	v3 =	vor.u32 v3, v4  }
0x265: {  	v4 =	vperm.xlane v3, v0;
	_ =	sdelay $0x1  }
0x266: {  	v4 =	vadd.s32 v1, v4;
	_ =	sdelay $0x3  }
0x267: {  	s19 =	simm.s32 $0x800  }
0x268: {  	[tilespmem:s19], [sflag:$0x1] =	stream.indirect_vreg.gather [hbm4b:s26+s15], $0x80, v4, vm0, $0xb8;
	[tilespmem:$0x18800] =	vst v63  }
0x269: {  	s20 =	simm.s32 $0x1000;
	v3 =	vperm.xlane v3, v2  }
0x26a: {  	[tilespmem:s20], [sflag:$0x1] =	stream.indirect_vreg.gather [hbm4b:s28+s15], $0x80, v4, vm0, $0xb8;
	[tilespmem:$0x18800] =	vst v63  }
0x26b: {  	s17 =	simm.s32 $0x1800;
	v3 =	vadd.s32 v1, v3  }
0x26c: {  	[tilespmem:s17], [sflag:$0x1] =	stream.indirect_vreg.gather [hbm4b:s30+s15], $0x80, v4, vm0, $0xb8;
	[tilespmem:$0x18800] =	vst v63  }
0x26d: {  	s18 =	simm.s32 $0x2000  }
0x26e: {  	[tilespmem:s18], [sflag:$0x1] =	stream.indirect_vreg.gather [hbm4b:s31+s15], $0x80, v4, vm0, $0xb8;
	[tilespmem:$0x18800] =	vst v63  }
0x26f: {  	s19 =	simm.s32 $0x2800  }
0x270: {  	[tilespmem:s19], [sflag:$0x1] =	stream.indirect_vreg.gather [hbm4b:s26+s15], $0x80, v3, vm0, $0xb8;
	[tilespmem:$0x18800] =	vst v63  }
0x271: {  	s20 =	simm.s32 $0x3000  }
0x272: {  	[tilespmem:s20], [sflag:$0x1] =	stream.indirect_vreg.gather [hbm4b:s28+s15], $0x80, v3, vm0, $0xb8;
	[tilespmem:$0x18800] =	vst v63  }
0x273: {  	s17 =	simm.s32 $0x3800  }
0x274: {  	[tilespmem:s17], [sflag:$0x1] =	stream.indirect_vreg.gather [hbm4b:s30+s15], $0x80, v3, vm0, $0xb8;
	[tilespmem:$0x18800] =	vst v63  }
0x275: {  	s18 =	simm.s32 $0x4000  }
0x276: {  	[tilespmem:s18], [sflag:$0x1] =	stream.indirect_vreg.gather [hbm4b:s31+s15], $0x80, v3, vm0, $0xb8;
	[tilespmem:$0x18800] =	vst v63  }
0x277: {  	v3 =	vld [tilespmem:$0x700];
	_ =	sdelay $0x4  }
0x278: {  	v4 =	vshll.u32 v3, $0x3  }
0x279: {  	v3 =	vand.u32 $0x7, v3;
	v4 =	vand.u32 $0xFFFFFFC0, v4  }
0x27a: {  	v3 =	vor.u32 v3, v4  }
0x27b: {  	v4 =	vperm.xlane v3, v0;
	_ =	sdelay $0x1  }
0x27c: {  	v4 =	vadd.s32 v1, v4;
	_ =	sdelay $0x3  }
0x27d: {  	s19 =	simm.s32 $0x8800  }
0x27e: {  	[tilespmem:s19], [sflag:$0x1] =	stream.indirect_vreg.gather [hbm4b:s26+s15], $0x80, v4, vm0, $0xb8;
	[tilespmem:$0x18800] =	vst v63  }
0x27f: {  	s20 =	simm.s32 $0x9000;
	v3 =	vperm.xlane v3, v2  }
0x280: {  	[tilespmem:s20], [sflag:$0x1] =	stream.indirect_vreg.gather [hbm4b:s28+s15], $0x80, v4, vm0, $0xb8;
	[tilespmem:$0x18800] =	vst v63  }
0x281: {  	s17 =	simm.s32 $0x9800;
	v3 =	vadd.s32 v1, v3  }
0x282: {  	[tilespmem:s17], [sflag:$0x1] =	stream.indirect_vreg.gather [hbm4b:s30+s15], $0x80, v4, vm0, $0xb8;
	[tilespmem:$0x18800] =	vst v63  }
0x283: {  	s18 =	simm.s32 $0xA000  }
0x284: {  	[tilespmem:s18], [sflag:$0x1] =	stream.indirect_vreg.gather [hbm4b:s31+s15], $0x80, v4, vm0, $0xb8;
	[tilespmem:$0x18800] =	vst v63  }
0x285: {  	s19 =	simm.s32 $0xA800  }
0x286: {  	[tilespmem:s19], [sflag:$0x1] =	stream.indirect_vreg.gather [hbm4b:s26+s15], $0x80, v3, vm0, $0xb8;
	[tilespmem:$0x18800] =	vst v63  }
0x287: {  	s20 =	simm.s32 $0xB000  }
0x288: {  	[tilespmem:s20], [sflag:$0x1] =	stream.indirect_vreg.gather [hbm4b:s28+s15], $0x80, v3, vm0, $0xb8;
	[tilespmem:$0x18800] =	vst v63  }
0x289: {  	s17 =	simm.s32 $0xB800  }
0x28a: {  	[tilespmem:s17], [sflag:$0x1] =	stream.indirect_vreg.gather [hbm4b:s30+s15], $0x80, v3, vm0, $0xb8;
	[tilespmem:$0x18800] =	vst v63  }
0x28b: {  	s18 =	simm.s32 $0xC000  }
0x28c: {  	[tilespmem:s18], [sflag:$0x1] =	stream.indirect_vreg.gather [hbm4b:s31+s15], $0x80, v3, vm0, $0xb8;
	[tilespmem:$0x18800] =	vst v63  }
0x28d: {  	_ =	swait.ge [sflag:s10], $0x4000  }
0x28e: {  	[sflag:s10] =	ssyncset.done $0x0  }
0x28f: {  	[sflag:s10] =	ssyncadd.s32 $0xFFFFC000  }
0x290: {  	_ =	swait.ge [sflag:s10], $0x4000  }
0x291: {  	s19 =	simm.s32 $0x0;
	[sflag:s10] =	ssyncset.done $0x0  }
0x292: {  	s16 =	sand.u32 $0x2000, s19;
	[sflag:s10] =	ssyncadd.s32 $0xFFFFC000  }
0x293: {  	s17 =	sand.u32 $0x1C00, s15;
	s18 =	simm.s32 $0x0;
	_ =	swait.ge [sflag:s13], $0x4000  }
0x294: {  	s16 =	sor.u32 s17, s16;
	s20 =	sand.u32 $0x380, s18;
	[sflag:s13] =	ssyncset.done $0x0  }
0x295: {  	s16 =	sor.u32 s20, s16;
	[sflag:s13] =	ssyncadd.s32 $0xFFFFC000  }
0x296: {  	v3 =	vld [tilespmem:s16+$0x4870]  }
0x297: {  	v5 =	vld [tilespmem:s16+$0xC870]  }
0x298: {  	v6 =	vld [tilespmem:s16+$0x4800]  }
0x299: {  	v8 =	vld [tilespmem:s16+$0xC800]  }
0x29a: {  	v9 =	vld [tilespmem:s16+$0x4810]  }
0x29b: {  	v10 =	vld [tilespmem:s16+$0xC810]  }
0x29c: {  	v4 =	vld [tilespmem:s16+$0x4820]  }
0x29d: {  	v7 =	vld [tilespmem:s16+$0xC820];
	v5 =	vadd.f32 v5, v3  }
0x29e: {  	v8 =	vadd.f32 v8, v6;
	v3 =	vld [tilespmem:s16+$0x4830]  }
0x29f: {  	v6 =	vld [tilespmem:s16+$0xC830];
	[tilespmem:s16+$0x14870] =	vst v5  }
0x2a0: {  	s17 =	simm.s32 $0x0;
	[tilespmem:s16+$0x14800] =	vst v8;
	v8 =	vadd.f32 v10, v9;
	v5 =	vld [tilespmem:s16+$0x4840]  }
.LBB2_12:
0x2a1: {  	s17 =	sadd.s32 $0x8, s17;
	v9 =	vld [tilespmem:s16+$0xC840]  }
0x2a2: {  	s15 =	sadd.s32 $0x400, s15;
	s18 =	sshll.u32 s17, $0x4;
	p0 =	slt.u32 s17, $0x3F8;
	[tilespmem:s16+$0x14810] =	vst v8;
	v4 =	vadd.f32 v7, v4;
	v7 =	vld [tilespmem:s16+$0x4850]  }
0x2a3: {  	s19 =	sand.u32 $0x1C00, s15;
	s20 =	sshll.u32 s17, $0x1;
	s18 =	sand.u32 $0x2000, s18;
	v8 =	vld [tilespmem:s16+$0xC850]  }
0x2a4: {  	s18 =	sor.u32 s19, s18;
	s19 =	sand.u32 $0x380, s20;
	[tilespmem:s16+$0x14820] =	vst v4;
	v3 =	vadd.f32 v6, v3;
	v4 =	vld [tilespmem:s16+$0x4860]  }
0x2a5: {  	s18 =	sor.u32 s19, s18;
	v6 =	vld [tilespmem:s16+$0xC860]  }
0x2a6: {  	v10 =	vld [tilespmem:s18+$0x4870];
	[tilespmem:s16+$0x14830] =	vst v3;
	v3 =	vadd.f32 v9, v5  }
0x2a7: {  	v5 =	vld [tilespmem:s18+$0xC870]  }
0x2a8: {  	v9 =	vld [tilespmem:s18+$0x4800];
	[tilespmem:s16+$0x14840] =	vst v3;
	v3 =	vadd.f32 v8, v7  }
0x2a9: {  	v8 =	vld [tilespmem:s18+$0xC800]  }
0x2aa: {  	v11 =	vld [tilespmem:s18+$0x4810];
	[tilespmem:s16+$0x14850] =	vst v3;
	v3 =	vadd.f32 v6, v4  }
0x2ab: {  	v12 =	vld [tilespmem:s18+$0xC810]  }
.Ltmp5:
0x2ac: {  	v4 =	vld [tilespmem:s18+$0x4820];
	v5 =	vadd.f32 v5, v10;
	[tilespmem:s16+$0x14860] =	vst v3;
	s16 =	smov.u32 s18;
	(pc) =	sbr.rel @p0 .LBB2_12-.Ltmp5, $4  }
0x2ad: {  	v7 =	vld [tilespmem:s16+$0xC820]  }
0x2ae: {  	v8 =	vadd.f32 v8, v9;
	v3 =	vld [tilespmem:s16+$0x4830];
	[tilespmem:s16+$0x14870] =	vst v5  }
0x2af: {  	v6 =	vld [tilespmem:s16+$0xC830]  }
0x2b0: {  	[tilespmem:s16+$0x14800] =	vst v8;
	v8 =	vadd.f32 v12, v11;
	v5 =	vld [tilespmem:s16+$0x4840]  }
0x2b1: {  	v9 =	vld [tilespmem:s16+$0xC840]  }
0x2b2: {  	v10 =	vld [tilespmem:s16+$0x4850]  }
0x2b3: {  	v11 =	vld [tilespmem:s16+$0xC850]  }
0x2b4: {  	v12 =	vld [tilespmem:s16+$0x4860]  }
0x2b5: {  	v13 =	vld [tilespmem:s16+$0xC860]  }
0x2b6: {  	v4 =	vadd.f32 v7, v4  }
0x2b7: {  	[tilespmem:s16+$0x14810] =	vst v8;
	v3 =	vadd.f32 v6, v3  }
0x2b8: {  	[tilespmem:s16+$0x14820] =	vst v4;
	v4 =	vadd.f32 v9, v5  }
0x2b9: {  	[tilespmem:s16+$0x14830] =	vst v3;
	v3 =	vadd.f32 v11, v10  }
0x2ba: {  	[tilespmem:s16+$0x14840] =	vst v4;
	v4 =	vadd.f32 v13, v12  }
0x2bb: {  	[tilespmem:s16+$0x14850] =	vst v3  }
0x2bc: {  	[tilespmem:s16+$0x14860] =	vst v4  }
0x2bd: {  	s15 =	simm.s32 $0x0;
	s16 =	rddreg [dreg:$0xe]  }
0x2be: {  	[hbm4b:s16+s15] =	stream.linear.scatter [tilespmem:s12], [sflag:$0x2], $0x4000, $0x38;
	[tilespmem:$0x18800] =	vst v63  }
0x2bf: {  	v3 =	vld [tilespmem:$0x380];
	_ =	sdelay $0x4  }
0x2c0: {  	v4 =	vshll.u32 v3, $0x3  }
0x2c1: {  	v3 =	vand.u32 $0x7, v3;
	v4 =	vand.u32 $0xFFFFFFC0, v4  }
0x2c2: {  	v3 =	vor.u32 v3, v4  }
0x2c3: {  	v4 =	vperm.xlane v3, v0;
	_ =	sdelay $0x1  }
0x2c4: {  	v4 =	vadd.s32 v1, v4;
	_ =	sdelay $0x3  }
0x2c5: {  	s17 =	simm.s32 $0x4800  }
0x2c6: {  	[tilespmem:s17], [sflag:$0x1] =	stream.indirect_vreg.gather [hbm4b:s26+s15], $0x80, v4, vm0, $0xb8;
	[tilespmem:$0x18800] =	vst v63  }
0x2c7: {  	s18 =	simm.s32 $0x5000;
	v3 =	vperm.xlane v3, v2  }
0x2c8: {  	[tilespmem:s18], [sflag:$0x1] =	stream.indirect_vreg.gather [hbm4b:s28+s15], $0x80, v4, vm0, $0xb8;
	[tilespmem:$0x18800] =	vst v63  }
0x2c9: {  	v3 =	vadd.s32 v1, v3  }
0x2ca: {  	[tilespmem:s21], [sflag:$0x1] =	stream.indirect_vreg.gather [hbm4b:s30+s15], $0x80, v4, vm0, $0xb8;
	[tilespmem:$0x18800] =	vst v63  }
0x2cb: {  	_ = 	snop  }
0x2cc: {  	[tilespmem:s22], [sflag:$0x1] =	stream.indirect_vreg.gather [hbm4b:s31+s15], $0x80, v4, vm0, $0xb8;
	[tilespmem:$0x18800] =	vst v63  }
0x2cd: {  	_ = 	snop  }
0x2ce: {  	[tilespmem:s23], [sflag:$0x1] =	stream.indirect_vreg.gather [hbm4b:s26+s15], $0x80, v3, vm0, $0xb8;
	[tilespmem:$0x18800] =	vst v63  }
0x2cf: {  	_ = 	snop  }
0x2d0: {  	[tilespmem:s24], [sflag:$0x1] =	stream.indirect_vreg.gather [hbm4b:s28+s15], $0x80, v3, vm0, $0xb8;
	[tilespmem:$0x18800] =	vst v63  }
0x2d1: {  	_ = 	snop  }
0x2d2: {  	[tilespmem:s25], [sflag:$0x1] =	stream.indirect_vreg.gather [hbm4b:s30+s15], $0x80, v3, vm0, $0xb8;
	[tilespmem:$0x18800] =	vst v63  }
0x2d3: {  	_ = 	snop  }
0x2d4: {  	[tilespmem:s29], [sflag:$0x1] =	stream.indirect_vreg.gather [hbm4b:s31+s15], $0x80, v3, vm0, $0xb8;
	[tilespmem:$0x18800] =	vst v63  }
0x2d5: {  	v3 =	vld [tilespmem:$0x780];
	_ =	sdelay $0x4  }
0x2d6: {  	v4 =	vshll.u32 v3, $0x3  }
0x2d7: {  	v3 =	vand.u32 $0x7, v3;
	v4 =	vand.u32 $0xFFFFFFC0, v4  }
0x2d8: {  	v3 =	vor.u32 v3, v4  }
0x2d9: {  	v4 =	vperm.xlane v3, v0;
	_ =	sdelay $0x1  }
0x2da: {  	v4 =	vadd.s32 v1, v4;
	_ =	sdelay $0x4  }
0x2db: {  	[tilespmem:s0], [sflag:$0x1] =	stream.indirect_vreg.gather [hbm4b:s26+s15], $0x80, v4, vm0, $0xb8;
	[tilespmem:$0x18800] =	vst v63  }
0x2dc: {  	v3 =	vperm.xlane v3, v2  }
0x2dd: {  	[tilespmem:s3], [sflag:$0x1] =	stream.indirect_vreg.gather [hbm4b:s28+s15], $0x80, v4, vm0, $0xb8;
	[tilespmem:$0x18800] =	vst v63  }
0x2de: {  	v3 =	vadd.s32 v1, v3  }
0x2df: {  	[tilespmem:s4], [sflag:$0x1] =	stream.indirect_vreg.gather [hbm4b:s30+s15], $0x80, v4, vm0, $0xb8;
	[tilespmem:$0x18800] =	vst v63  }
0x2e0: {  	_ = 	snop  }
0x2e1: {  	[tilespmem:s5], [sflag:$0x1] =	stream.indirect_vreg.gather [hbm4b:s31+s15], $0x80, v4, vm0, $0xb8;
	[tilespmem:$0x18800] =	vst v63  }
0x2e2: {  	_ = 	snop  }
0x2e3: {  	[tilespmem:s6], [sflag:$0x1] =	stream.indirect_vreg.gather [hbm4b:s26+s15], $0x80, v3, vm0, $0xb8;
	[tilespmem:$0x18800] =	vst v63  }
0x2e4: {  	_ = 	snop  }
0x2e5: {  	[tilespmem:s7], [sflag:$0x1] =	stream.indirect_vreg.gather [hbm4b:s28+s15], $0x80, v3, vm0, $0xb8;
	[tilespmem:$0x18800] =	vst v63  }
0x2e6: {  	_ = 	snop  }
0x2e7: {  	[tilespmem:s8], [sflag:$0x1] =	stream.indirect_vreg.gather [hbm4b:s30+s15], $0x80, v3, vm0, $0xb8;
	[tilespmem:$0x18800] =	vst v63  }
0x2e8: {  	_ = 	snop  }
0x2e9: {  	[tilespmem:s9], [sflag:$0x1] =	stream.indirect_vreg.gather [hbm4b:s31+s15], $0x80, v3, vm0, $0xb8;
	[tilespmem:$0x18800] =	vst v63  }
0x2ea: {  	_ =	swait.ge [sflag:s10], $0x4000  }
0x2eb: {  	[sflag:s10] =	ssyncset.done $0x0  }
0x2ec: {  	[sflag:s10] =	ssyncadd.s32 $0xFFFFC000  }
0x2ed: {  	_ =	swait.ge [sflag:s10], $0x4000  }
0x2ee: {  	s19 =	simm.s32 $0x0;
	[sflag:s10] =	ssyncset.done $0x0  }
0x2ef: {  	s16 =	sand.u32 $0x2000, s19;
	[sflag:s10] =	ssyncadd.s32 $0xFFFFC000  }
0x2f0: {  	s17 =	sand.u32 $0x1C00, s15;
	s18 =	simm.s32 $0x0;
	_ =	swait.ge [sflag:s13], $0x4000  }
0x2f1: {  	s16 =	sor.u32 s17, s16;
	s20 =	sand.u32 $0x380, s18;
	[sflag:s13] =	ssyncset.done $0x0  }
0x2f2: {  	s16 =	sor.u32 s20, s16;
	[sflag:s13] =	ssyncadd.s32 $0xFFFFC000  }
0x2f3: {  	v3 =	vld [tilespmem:s16+$0x870]  }
0x2f4: {  	v5 =	vld [tilespmem:s16+$0x8870]  }
0x2f5: {  	v6 =	vld [tilespmem:s16+$0x800]  }
0x2f6: {  	v8 =	vld [tilespmem:s16+$0x8800]  }
0x2f7: {  	v9 =	vld [tilespmem:s16+$0x810]  }
0x2f8: {  	v10 =	vld [tilespmem:s16+$0x8810]  }
0x2f9: {  	v4 =	vld [tilespmem:s16+$0x820]  }
0x2fa: {  	v7 =	vld [tilespmem:s16+$0x8820];
	v5 =	vadd.f32 v5, v3  }
0x2fb: {  	v8 =	vadd.f32 v8, v6;
	v3 =	vld [tilespmem:s16+$0x830]  }
0x2fc: {  	v6 =	vld [tilespmem:s16+$0x8830];
	[tilespmem:s16+$0x10870] =	vst v5  }
0x2fd: {  	s17 =	simm.s32 $0x0;
	[tilespmem:s16+$0x10800] =	vst v8;
	v8 =	vadd.f32 v10, v9;
	v5 =	vld [tilespmem:s16+$0x840]  }
.LBB2_14:
0x2fe: {  	s17 =	sadd.s32 $0x8, s17;
	v9 =	vld [tilespmem:s16+$0x8840]  }
0x2ff: {  	s15 =	sadd.s32 $0x400, s15;
	s18 =	sshll.u32 s17, $0x4;
	p0 =	slt.u32 s17, $0x3F8;
	[tilespmem:s16+$0x10810] =	vst v8;
	v4 =	vadd.f32 v7, v4;
	v7 =	vld [tilespmem:s16+$0x850]  }
0x300: {  	s19 =	sand.u32 $0x1C00, s15;
	s20 =	sshll.u32 s17, $0x1;
	s18 =	sand.u32 $0x2000, s18;
	v8 =	vld [tilespmem:s16+$0x8850]  }
0x301: {  	s18 =	sor.u32 s19, s18;
	s19 =	sand.u32 $0x380, s20;
	[tilespmem:s16+$0x10820] =	vst v4;
	v3 =	vadd.f32 v6, v3;
	v4 =	vld [tilespmem:s16+$0x860]  }
0x302: {  	s18 =	sor.u32 s19, s18;
	v6 =	vld [tilespmem:s16+$0x8860]  }
0x303: {  	v10 =	vld [tilespmem:s18+$0x870];
	[tilespmem:s16+$0x10830] =	vst v3;
	v3 =	vadd.f32 v9, v5  }
0x304: {  	v5 =	vld [tilespmem:s18+$0x8870]  }
0x305: {  	v9 =	vld [tilespmem:s18+$0x800];
	[tilespmem:s16+$0x10840] =	vst v3;
	v3 =	vadd.f32 v8, v7  }
0x306: {  	v8 =	vld [tilespmem:s18+$0x8800]  }
0x307: {  	v11 =	vld [tilespmem:s18+$0x810];
	[tilespmem:s16+$0x10850] =	vst v3;
	v3 =	vadd.f32 v6, v4  }
0x308: {  	v12 =	vld [tilespmem:s18+$0x8810]  }
.Ltmp6:
0x309: {  	v4 =	vld [tilespmem:s18+$0x820];
	v5 =	vadd.f32 v5, v10;
	[tilespmem:s16+$0x10860] =	vst v3;
	s16 =	smov.u32 s18;
	(pc) =	sbr.rel @p0 .LBB2_14-.Ltmp6, $4  }
0x30a: {  	v7 =	vld [tilespmem:s16+$0x8820]  }
0x30b: {  	v8 =	vadd.f32 v8, v9;
	v3 =	vld [tilespmem:s16+$0x830];
	[tilespmem:s16+$0x10870] =	vst v5  }
0x30c: {  	v6 =	vld [tilespmem:s16+$0x8830]  }
0x30d: {  	[tilespmem:s16+$0x10800] =	vst v8;
	v8 =	vadd.f32 v12, v11;
	v5 =	vld [tilespmem:s16+$0x840]  }
0x30e: {  	v9 =	vld [tilespmem:s16+$0x8840]  }
0x30f: {  	v10 =	vld [tilespmem:s16+$0x850]  }
0x310: {  	v11 =	vld [tilespmem:s16+$0x8850]  }
0x311: {  	v12 =	vld [tilespmem:s16+$0x860]  }
0x312: {  	v13 =	vld [tilespmem:s16+$0x8860]  }
0x313: {  	v4 =	vadd.f32 v7, v4  }
0x314: {  	[tilespmem:s16+$0x10810] =	vst v8;
	v3 =	vadd.f32 v6, v3  }
0x315: {  	[tilespmem:s16+$0x10820] =	vst v4;
	v4 =	vadd.f32 v9, v5  }
0x316: {  	[tilespmem:s16+$0x10830] =	vst v3;
	v3 =	vadd.f32 v11, v10  }
0x317: {  	[tilespmem:s16+$0x10840] =	vst v4;
	v4 =	vadd.f32 v13, v12  }
0x318: {  	[tilespmem:s16+$0x10850] =	vst v3  }
0x319: {  	[tilespmem:s16+$0x10860] =	vst v4  }
0x31a: {  	s15 =	simm.s32 $0x0;
	s16 =	rddreg [dreg:$0xf]  }
0x31b: {  	[hbm4b:s16+s15] =	stream.linear.scatter [tilespmem:s11], [sflag:$0x2], $0x4000, $0x38;
	[tilespmem:$0x18800] =	vst v63  }
0x31c: {  	_ =	swait.ge [sflag:s10], $0x4000  }
0x31d: {  	[sflag:s10] =	ssyncset.done $0x0  }
0x31e: {  	[sflag:s10] =	ssyncadd.s32 $0xFFFFC000  }
0x31f: {  	_ =	swait.ge [sflag:s10], $0x4000  }
0x320: {  	[sflag:s10] =	ssyncset.done $0x0  }
0x321: {  	s19 =	simm.s32 $0x0;
	s18 =	simm.s32 $0x0;
	[sflag:s10] =	ssyncadd.s32 $0xFFFFC000  }
0x322: {  	s17 =	sand.u32 $0x1C00, s15;
	s16 =	sand.u32 $0x2000, s19;
	_ =	swait.ge [sflag:s13], $0x4000  }
0x323: {  	s20 =	sand.u32 $0x380, s18;
	s16 =	sor.u32 s17, s16;
	[sflag:s13] =	ssyncset.done $0x0  }
0x324: {  	s16 =	sor.u32 s20, s16;
	[sflag:s13] =	ssyncadd.s32 $0xFFFFC000  }
0x325: {  	v3 =	vld [tilespmem:s16+$0x4870]  }
0x326: {  	v5 =	vld [tilespmem:s16+$0xC870]  }
0x327: {  	v6 =	vld [tilespmem:s16+$0x4800]  }
0x328: {  	v8 =	vld [tilespmem:s16+$0xC800]  }
0x329: {  	v9 =	vld [tilespmem:s16+$0x4810]  }
0x32a: {  	v10 =	vld [tilespmem:s16+$0xC810]  }
0x32b: {  	v4 =	vld [tilespmem:s16+$0x4820]  }
0x32c: {  	v7 =	vld [tilespmem:s16+$0xC820];
	v5 =	vadd.f32 v5, v3  }
0x32d: {  	v8 =	vadd.f32 v8, v6;
	v3 =	vld [tilespmem:s16+$0x4830]  }
0x32e: {  	v6 =	vld [tilespmem:s16+$0xC830];
	[tilespmem:s16+$0x14870] =	vst v5  }
0x32f: {  	s17 =	simm.s32 $0x0;
	[tilespmem:s16+$0x14800] =	vst v8;
	v8 =	vadd.f32 v10, v9;
	v5 =	vld [tilespmem:s16+$0x4840]  }
.LBB2_16:
0x330: {  	s17 =	sadd.s32 $0x8, s17;
	v9 =	vld [tilespmem:s16+$0xC840]  }
0x331: {  	s15 =	sadd.s32 $0x400, s15;
	s18 =	sshll.u32 s17, $0x4;
	p0 =	slt.u32 s17, $0x3F8;
	[tilespmem:s16+$0x14810] =	vst v8;
	v4 =	vadd.f32 v7, v4;
	v7 =	vld [tilespmem:s16+$0x4850]  }
0x332: {  	s19 =	sand.u32 $0x1C00, s15;
	s20 =	sshll.u32 s17, $0x1;
	s18 =	sand.u32 $0x2000, s18;
	v8 =	vld [tilespmem:s16+$0xC850]  }
0x333: {  	s18 =	sor.u32 s19, s18;
	s19 =	sand.u32 $0x380, s20;
	[tilespmem:s16+$0x14820] =	vst v4;
	v3 =	vadd.f32 v6, v3;
	v4 =	vld [tilespmem:s16+$0x4860]  }
0x334: {  	s18 =	sor.u32 s19, s18;
	v6 =	vld [tilespmem:s16+$0xC860]  }
0x335: {  	v10 =	vld [tilespmem:s18+$0x4870];
	[tilespmem:s16+$0x14830] =	vst v3;
	v3 =	vadd.f32 v9, v5  }
0x336: {  	v5 =	vld [tilespmem:s18+$0xC870]  }
0x337: {  	v9 =	vld [tilespmem:s18+$0x4800];
	[tilespmem:s16+$0x14840] =	vst v3;
	v3 =	vadd.f32 v8, v7  }
0x338: {  	v8 =	vld [tilespmem:s18+$0xC800]  }
0x339: {  	v11 =	vld [tilespmem:s18+$0x4810];
	[tilespmem:s16+$0x14850] =	vst v3;
	v3 =	vadd.f32 v6, v4  }
0x33a: {  	v12 =	vld [tilespmem:s18+$0xC810]  }
.Ltmp7:
0x33b: {  	v4 =	vld [tilespmem:s18+$0x4820];
	v5 =	vadd.f32 v5, v10;
	[tilespmem:s16+$0x14860] =	vst v3;
	s16 =	smov.u32 s18;
	(pc) =	sbr.rel @p0 .LBB2_16-.Ltmp7, $4  }
0x33c: {  	v7 =	vld [tilespmem:s16+$0xC820]  }
0x33d: {  	v8 =	vadd.f32 v8, v9;
	v3 =	vld [tilespmem:s16+$0x4830];
	[tilespmem:s16+$0x14870] =	vst v5  }
0x33e: {  	v6 =	vld [tilespmem:s16+$0xC830]  }
0x33f: {  	[tilespmem:s16+$0x14800] =	vst v8;
	v8 =	vadd.f32 v12, v11;
	v5 =	vld [tilespmem:s16+$0x4840]  }
0x340: {  	v9 =	vld [tilespmem:s16+$0xC840]  }
0x341: {  	v10 =	vld [tilespmem:s16+$0x4850]  }
0x342: {  	v11 =	vld [tilespmem:s16+$0xC850]  }
0x343: {  	v12 =	vld [tilespmem:s16+$0x4860]  }
0x344: {  	v13 =	vld [tilespmem:s16+$0xC860]  }
0x345: {  	v4 =	vadd.f32 v7, v4  }
0x346: {  	[tilespmem:s16+$0x14810] =	vst v8;
	v3 =	vadd.f32 v6, v3  }
0x347: {  	[tilespmem:s16+$0x14820] =	vst v4;
	v62 =	vadd.f32 v9, v5  }
0x348: {  	[tilespmem:s16+$0x14830] =	vst v3;
	v3 =	vadd.f32 v11, v10  }
0x349: {  	v63 =	vadd.f32 v13, v12;
	[tilespmem:s16+$0x14840] =	vst v62  }
0x34a: {  	[tilespmem:s16+$0x14850] =	vst v3  }
0x34b: {  	[tilespmem:s16+$0x14860] =	vst v63  }
0x34c: {  	s15 =	rddreg [dreg:$0x10]  }
0x34d: {  	[hbm4b:s15+s2] =	stream.linear.scatter [tilespmem:s12], [sflag:$0x2], $0x4000, $0x38;
	[tilespmem:$0x18800] =	vst v63  }
0x34e: {  	_ =	swait.ge [sflag:s13], $0x4000  }
0x34f: {  	[sflag:s13] =	ssyncset.done $0x0  }
0x350: {  	[sflag:s13] =	ssyncadd.s32 $0xFFFFC000  }
0x351: {  	_ =	swait.ge [sflag:s13], $0x4000  }
0x352: {  	s14 =	sadd.s32 $0x1, s14;
	s20 =	rddreg [dreg:$0x1b]  }
0x353: {  	p0 =	sne.s32 s14, s20  }
.Ltmp8:
0x354: {  	_ = 	snop;
	(pc) =	sbr.rel @p0 .LBB2_1-.Ltmp8, $3  }
0x355: {  	_ =	sdelay $0x1  }
0x356: {  	[sflag:s13] =	ssyncset.done $0x0  }
0x357: {  	[sflag:s13] =	ssyncadd.s32 $0xFFFFC000  }
0x358: {  	_ =	sfence.sel $0x180000  }
0x359: {  	[bflag:$0x0] =	sbarrier.arrive $0xFFFF  }
0x35a: {  	_ =	strace $0x9000004A  }
0x35b: {  	s0 =	stileid.u32;
	[bflag:$0x2] =	sbarrier.arrive $0xFFFF  }
0x35c: {  	p0 =	sne.s32 s0, $0x0;
	s0 =	rddreg [dreg:$0x2]  }
0x35d: {  	s0 =	sadd.s32 @!p0 $0x100000, s0  }
0x35e: {  	[sflag:s0] =	ssyncadd.tile.s32 @!p0 $0x1;
	_ =	shalt  }
.Lfunc_end2:
_tile_overlayer_lowered:
.L_overlay_start_2:
0x35f: {  	(tag) =	ssettag $0x2  }
0x360: {  	s0 =	rddreg [dreg:$0x0];
	s2 =	stileid.u32  }
0x361: {  	s1 =	rddreg [dreg:$0x1];
	p0 =	sne.s32 s2, $0x0  }
0x362: {  	s3 =	rddreg [dreg:$0x2];
	[bflag:$0x3] =	sbarrier.arrive $0xFFFF;
	s2 =	simm.s32 @!p0 $0x1C03  }
0x363: {  	[timem:s3], [sflag:s2] =	dma.local @!p0 [hbm:s0], s1  }
0x364: {  	s0 =	simm.s32 @!p0 $0x3  }
0x365: {  	_ =	swait.ge @!p0 [sflag:s0], s1  }
0x366: {  	s1 =	ssub.s32 @!p0 $0x0, s1;
	[sflag:s0] =	ssyncset.done @!p0 $0x0  }
0x367: {  	[sflag:s0] =	ssyncadd.s32 @!p0 s1  }
0x368: {  	[bflag:$0x3] =	sbarrier.arrive $0xFFFF  }
0x369: {  	_ =	shalt  }

</sc_bundles>
